<compile_context>
chip_gen: v7x
topology: tpu7x:2x2x1
jax: 0.10.2.dev20260603
libtpu: 0.0.44.dev20260713+nightly
codegen_flags: <defaults>
</compile_context>

<pallas_src>
import functools

import jax
import jax.numpy as jnp
from jax import lax
from jax.experimental import pallas as pl
from jax.experimental.pallas import tpu as pltpu
from jax.experimental.pallas import tpu_sc as plsc

N = 100000
D = 128
C = 40
NCHUNK = N // C
NW = 32
NT = -(-NCHUNK // NW)
NB = 8
NGROUP = -(-NT // NB)
CR = 200
NCOPY = N // CR


def _pool_body(inputs_hbm, half_hbm, idx_hbm, out_hbm, idx_all, obuf, cbuf, *sems):
    sem_g1 = sems[0:NB]
    sem_g2 = sems[NB:2 * NB]
    sem_s = sems[2 * NB:3 * NB]
    sem_ci = sems[3 * NB:3 * NB + 2]
    sem_co = sems[3 * NB + 2:3 * NB + 4]
    wid = lax.axis_index("s") * 2 + lax.axis_index("c")
    sid = lax.axis_index("s")

    pltpu.sync_copy(idx_hbm.at[wid], idx_all)

    nt = jnp.minimum(NT, NCHUNK - wid * NT)

    def g1(t, b, start):
        cp = pltpu.make_async_copy(half_hbm.at[idx_all.at[t, 0]], obuf.at[b], sem_g1[b])
        cp.start() if start else cp.wait()

    def g2(t, b, start):
        if start:
            pltpu.async_copy(half_hbm.at[idx_all.at[t, 1]], obuf.at[b],
                             sem_g2[b], add=True)
        else:
            pltpu.make_async_copy(half_hbm.at[idx_all.at[t, 1]], obuf.at[b],
                                  sem_g2[b]).wait()

    def st(t, b, start):
        base = (wid * NT + t) * C
        cp = pltpu.make_async_copy(obuf.at[b], out_hbm.at[pl.ds(N + base, C)], sem_s[b])
        cp.start() if start else cp.wait()

    def cin_copy(u, p, start):
        base = (wid + NW * u) * CR
        cp = pltpu.make_async_copy(inputs_hbm.at[pl.ds(base, CR)], cbuf.at[sid, p],
                                   sem_ci[p])
        cp.start() if start else cp.wait()

    def cout_copy(u, p, start):
        base = (wid + NW * u) * CR
        cp = pltpu.make_async_copy(cbuf.at[sid, p], out_hbm.at[pl.ds(base, CR)],
                                   sem_co[p])
        cp.start() if start else cp.wait()

    def copy_step(u, p):
        @pl.when(jnp.logical_and(u >= 2, wid + NW * (u - 2) < NCOPY))
        def _():
            cout_copy(u - 2, p, start=False)

        @pl.when(wid + NW * u < NCOPY)
        def _():
            cin_copy(u, p, start=True)

        @pl.when(jnp.logical_and(u >= 1, wid + NW * (u - 1) < NCOPY))
        def _():
            cin_copy(u - 1, 1 - p, start=False)
            cout_copy(u - 1, 1 - p, start=True)

    for u in range(NB - 2):
        @pl.when(u < nt)
        def _(u=u):
            g1(u, u % NB, True)

    g1(0, 0, False)
    g2(0, 0, True)

    def pair_body(h, carry):
        for gg in range(2):
            g = 2 * h + gg
            copy_step(2 * g, 0)
            copy_step(2 * g + 1, 1)
            for b in range(NB):
                t = g * NB + b

                @pl.when(jnp.logical_and(t >= 2, t < nt))
                def _(t=t, b=b):
                    st(t - 2, (b - 2) % NB, False)

                @pl.when(t + NB - 2 < nt)
                def _(t=t, b=b):
                    g1(t + NB - 2, (b - 2) % NB, True)

                @pl.when(t + 1 < nt)
                def _(t=t, b=b):
                    g1(t + 1, (b + 1) % NB, False)
                    g2(t + 1, (b + 1) % NB, True)

                @pl.when(t < nt)
                def _(t=t, b=b):
                    g2(t, b, False)
                    st(t, b, True)
        return carry

    lax.fori_loop(0, NGROUP // 2, pair_body, 0)

    r2 = lax.rem(nt - 2, NB)
    r1 = lax.rem(nt - 1, NB)
    for b in range(NB):
        @pl.when(b == r2)
        def _(b=b):
            st(nt - 2, b, False)
    for b in range(NB):
        @pl.when(b == r1)
        def _(b=b):
            st(nt - 1, b, False)

    for u, p in ((2 * NGROUP, 0), (2 * NGROUP + 1, 1)):
        @pl.when(jnp.logical_and(u >= 2, wid + NW * (u - 2) < NCOPY))
        def _(u=u, p=p):
            cout_copy(u - 2, p, start=False)

        @pl.when(jnp.logical_and(u >= 1, wid + NW * (u - 1) < NCOPY))
        def _(u=u, p=p):
            cin_copy(u - 1, 1 - p, start=False)
            cout_copy(u - 1, 1 - p, start=True)


@functools.partial(
    pl.kernel,
    mesh=plsc.VectorSubcoreMesh(core_axis_name="c", subcore_axis_name="s"),
    out_type=jax.ShapeDtypeStruct((2 * N, D), jnp.float32),
    scratch_types=[
        pltpu.VMEM((NT, 2, C), jnp.int32),
        pltpu.VMEM((NB, C, D), jnp.float32),
        pltpu.VMEM_SHARED((16, 2, CR, D), jnp.float32),
    ] + [pltpu.SemaphoreType.DMA] * (3 * NB + 4),
)
def _pooled(inputs_hbm, half_hbm, idx_hbm, out_hbm, idx_all, obuf, cbuf, *sems):
    _pool_body(inputs_hbm, half_hbm, idx_hbm, out_hbm, idx_all, obuf, cbuf, *sems)


def kernel(inputs, pool_idx):
    idx = pool_idx.astype(jnp.int32)
    idx = jnp.pad(idx, ((0, NW * NT * C - N), (0, 0)))
    idx4 = idx.reshape(NW, NT, C, 2).transpose(0, 1, 3, 2)
    return _pooled(inputs, inputs * 0.5, idx4)

# --- scband reference (transcript-rebuilt; emitter-appended) ---
"""Pipeline reference for scband-graph-pooling-38852274160229 (READ-ONLY COPY).

The authoritative reference and input builder live on the scoring server;
editing this copy changes nothing except your own understanding.
"""

import jax, jax.numpy as jnp
import numpy as np

N_NODES = 100000
D_FEAT = 128
N_POOL = 100000

def setup_inputs(seed: int = 0) -> dict:
    key = jax.random.key(seed)
    k1, k2 = jax.random.split(key)
    inputs = jax.random.normal(k1, (N_NODES, D_FEAT), dtype=jnp.float32)
    pool_idx = jax.random.randint(k2, (N_POOL, 2), 0, N_NODES, dtype=jnp.int64 if jax.config.jax_enable_x64 else jnp.int32)
    return {"inputs": inputs, "pool_idx": pool_idx}

def reference(inputs, pool_idx):
    # tf.gather(inputs, pool_idx) -> [N_POOL, 2, D_FEAT]
    gathered = jnp.take(inputs, pool_idx, axis=0)
    # 1/2 * reduce_sum over axis 1 -> midpoint feature of each node pair
    add_feat = 0.5 * jnp.sum(gathered, axis=1)
    # concat new pooled nodes onto original node set along axis 0
    outputs = jnp.concatenate([inputs, add_feat], axis=0)
    return outputs

if __name__ == "__main__":
    import jax
    _d = setup_inputs()
    print(jax.jit(kernel)(*tuple(_d.values())))

</pallas_src>

<mosaic_0001>
#map = affine_map<(d0, d1) -> (0, 0)>
#map1 = affine_map<(d0, d1) -> (0, 0, 0, 0)>
module attributes {stable_mosaic.version = 14 : i64} {
  func.func @_pooled(%arg0: i32, %arg1: i32, %arg2: memref<100000x128xf32, #tpu.memory_space<hbm>>, %arg3: memref<100000x128xf32, #tpu.memory_space<hbm>>, %arg4: memref<32x79x2x40xi32, #tpu.memory_space<hbm>>, %arg5: memref<200000x128xf32, #tpu.memory_space<hbm>>, %arg6: memref<79x2x40xi32, #tpu.memory_space<vmem>>, %arg7: memref<8x40x128xf32, #tpu.memory_space<vmem>>, %arg8: memref<16x2x200x128xf32, #tpu.memory_space<vmem_shared>>, %arg9: memref<!tpu.dma_semaphore, #tpu.memory_space<semaphore_mem>>, %arg10: memref<!tpu.dma_semaphore, #tpu.memory_space<semaphore_mem>>, %arg11: memref<!tpu.dma_semaphore, #tpu.memory_space<semaphore_mem>>, %arg12: memref<!tpu.dma_semaphore, #tpu.memory_space<semaphore_mem>>, %arg13: memref<!tpu.dma_semaphore, #tpu.memory_space<semaphore_mem>>, %arg14: memref<!tpu.dma_semaphore, #tpu.memory_space<semaphore_mem>>, %arg15: memref<!tpu.dma_semaphore, #tpu.memory_space<semaphore_mem>>, %arg16: memref<!tpu.dma_semaphore, #tpu.memory_space<semaphore_mem>>, %arg17: memref<!tpu.dma_semaphore, #tpu.memory_space<semaphore_mem>>, %arg18: memref<!tpu.dma_semaphore, #tpu.memory_space<semaphore_mem>>, %arg19: memref<!tpu.dma_semaphore, #tpu.memory_space<semaphore_mem>>, %arg20: memref<!tpu.dma_semaphore, #tpu.memory_space<semaphore_mem>>, %arg21: memref<!tpu.dma_semaphore, #tpu.memory_space<semaphore_mem>>, %arg22: memref<!tpu.dma_semaphore, #tpu.memory_space<semaphore_mem>>, %arg23: memref<!tpu.dma_semaphore, #tpu.memory_space<semaphore_mem>>, %arg24: memref<!tpu.dma_semaphore, #tpu.memory_space<semaphore_mem>>, %arg25: memref<!tpu.dma_semaphore, #tpu.memory_space<semaphore_mem>>, %arg26: memref<!tpu.dma_semaphore, #tpu.memory_space<semaphore_mem>>, %arg27: memref<!tpu.dma_semaphore, #tpu.memory_space<semaphore_mem>>, %arg28: memref<!tpu.dma_semaphore, #tpu.memory_space<semaphore_mem>>, %arg29: memref<!tpu.dma_semaphore, #tpu.memory_space<semaphore_mem>>, %arg30: memref<!tpu.dma_semaphore, #tpu.memory_space<semaphore_mem>>, %arg31: memref<!tpu.dma_semaphore, #tpu.memory_space<semaphore_mem>>, %arg32: memref<!tpu.dma_semaphore, #tpu.memory_space<semaphore_mem>>, %arg33: memref<!tpu.dma_semaphore, #tpu.memory_space<semaphore_mem>>, %arg34: memref<!tpu.dma_semaphore, #tpu.memory_space<semaphore_mem>>, %arg35: memref<!tpu.dma_semaphore, #tpu.memory_space<semaphore_mem>>, %arg36: memref<!tpu.dma_semaphore, #tpu.memory_space<semaphore_mem>>) attributes {dimension_semantics = [#tpu.dimension_semantics<core_parallel>, #tpu.dimension_semantics<subcore_parallel>], iteration_bounds = array<i64: 2, 16>, scalar_prefetch = 0 : i64, scratch_operands = 31 : i64, tpu.core_type = #tpu.core_type<sc_vector_subcore>, window_params = [{transform_indices = #map}, {transform_indices = #map}, {transform_indices = #map1}, {transform_indices = #map}]} {
    %mul3A = arith.constant 2 : i32
    %mul3A_0 = arith.muli %arg1, %mul3A : i32
    %add3A = arith.addi %mul3A_0, %arg0 : i32
    "tpu.region"() ({
      %run_scoped3A = tpu.sem_alloc : memref<!tpu.dma_semaphore, #tpu.memory_space<semaphore_mem>>
      %dma_start3A_181 = arith.constant 0 : i32
      %dma_start3A_182 = arith.constant 0 : i32
      %dma_start3A_183 = arith.constant 0 : i32
      %dma_start3A_184 = tpu.memref_slice %arg4[%add3A, %dma_start3A_181, %dma_start3A_182, %dma_start3A_183] : memref<32x79x2x40xi32, #tpu.memory_space<hbm>> -> memref<1x79x2x40xi32, #tpu.memory_space<hbm>>
      %dma_start3A_185 = tpu.memref_squeeze %dma_start3A_184 : memref<1x79x2x40xi32, #tpu.memory_space<hbm>> -> memref<79x2x40xi32, #tpu.memory_space<hbm>>
      %dma_start3A_186 = arith.constant 0 : i32
      %dma_start3A_187 = arith.constant 0 : i32
      %dma_start3A_188 = arith.constant 0 : i32
      %dma_start3A_189 = tpu.memref_slice %arg4[%add3A, %dma_start3A_186, %dma_start3A_187, %dma_start3A_188] : memref<32x79x2x40xi32, #tpu.memory_space<hbm>> -> memref<1x79x2x40xi32, #tpu.memory_space<hbm>>
      %dma_start3A_190 = tpu.memref_squeeze %dma_start3A_189 : memref<1x79x2x40xi32, #tpu.memory_space<hbm>> -> memref<79x2x40xi32, #tpu.memory_space<hbm>>
      tpu.enqueue_dma source(%dma_start3A_190 : memref<79x2x40xi32, #tpu.memory_space<hbm>>) target(%arg6 : memref<79x2x40xi32, #tpu.memory_space<vmem>>) target_semaphore(%run_scoped3A : memref<!tpu.dma_semaphore, #tpu.memory_space<semaphore_mem>>)
      %dma_wait3A_191 = arith.constant 0 : i32
      %dma_wait3A_192 = arith.constant 0 : i32
      %dma_wait3A_193 = arith.constant 0 : i32
      %dma_wait3A_194 = tpu.memref_slice %arg4[%add3A, %dma_wait3A_191, %dma_wait3A_192, %dma_wait3A_193] : memref<32x79x2x40xi32, #tpu.memory_space<hbm>> -> memref<1x79x2x40xi32, #tpu.memory_space<hbm>>
      %dma_wait3A_195 = tpu.memref_squeeze %dma_wait3A_194 : memref<1x79x2x40xi32, #tpu.memory_space<hbm>> -> memref<79x2x40xi32, #tpu.memory_space<hbm>>
      %dma_wait3A_196 = arith.constant 0 : i32
      %dma_wait3A_197 = arith.constant 0 : i32
      %dma_wait3A_198 = arith.constant 0 : i32
      %dma_wait3A_199 = tpu.memref_slice %arg4[%add3A, %dma_wait3A_196, %dma_wait3A_197, %dma_wait3A_198] : memref<32x79x2x40xi32, #tpu.memory_space<hbm>> -> memref<1x79x2x40xi32, #tpu.memory_space<hbm>>
      %dma_wait3A_200 = tpu.memref_squeeze %dma_wait3A_199 : memref<1x79x2x40xi32, #tpu.memory_space<hbm>> -> memref<79x2x40xi32, #tpu.memory_space<hbm>>
      tpu.wait_dma2 semaphore(%run_scoped3A : memref<!tpu.dma_semaphore, #tpu.memory_space<semaphore_mem>>) src(%dma_wait3A_200 : memref<79x2x40xi32, #tpu.memory_space<hbm>>) dst(%arg6 : memref<79x2x40xi32, #tpu.memory_space<vmem>>)
      tpu.yield
    }) : () -> ()
    %mul3A_1 = arith.constant 79 : i32
    %mul3A_2 = arith.muli %add3A, %mul3A_1 : i32
    %sub3A = arith.constant 2500 : i32
    %sub3A_3 = arith.subi %sub3A, %mul3A_2 : i32
    %min3A = arith.constant 79 : i32
    %min3A_4 = arith.minsi %min3A, %sub3A_3 : i32
    %gt3A = arith.constant 0 : i32
    %gt3A_5 = arith.cmpi sgt, %min3A_4, %gt3A : i32
    %convert_element_type3A = arith.extui %gt3A_5 : i1 to i32
    %cond3A = arith.constant 0 : i32
    %cond3A_6 = arith.cmpi ne, %convert_element_type3A, %cond3A : i32
    scf.if %cond3A_6 {
      %dma_start3A_181 = arith.constant 0 : i32
      %dma_start3A_182 = arith.constant 0 : i32
      %dma_start3A_183 = arith.constant 0 : i32
      %dma_start3A_184 = arith.constant 0 : i32
      %dma_start3A_185 = arith.constant 0 : i32
      %dma_start3A_186 = tpu.memref_slice %arg7[%dma_start3A_183, %dma_start3A_184, %dma_start3A_185] : memref<8x40x128xf32, #tpu.memory_space<vmem>> -> memref<1x40x128xf32, #tpu.memory_space<vmem>>
      %dma_start3A_187 = tpu.memref_squeeze %dma_start3A_186 : memref<1x40x128xf32, #tpu.memory_space<vmem>> -> memref<40x128xf32, #tpu.memory_space<vmem>>
      %dma_start3A_188 = arith.constant 0 : i32
      %dma_start3A_189 = tpu.memref_slice %arg6[%dma_start3A_181, %dma_start3A_182, %dma_start3A_188] : memref<79x2x40xi32, #tpu.memory_space<vmem>> -> memref<1x1x40xi32, #tpu.memory_space<vmem>>
      %dma_start3A_190 = tpu.memref_squeeze %dma_start3A_189 : memref<1x1x40xi32, #tpu.memory_space<vmem>> -> memref<40xi32, #tpu.memory_space<vmem>>
      %dma_start3A_191 = arith.constant 0 : i32
      %dma_start3A_192 = arith.constant 0 : i32
      %dma_start3A_193 = tpu.memref_slice %arg3[%dma_start3A_191, %dma_start3A_192] : memref<100000x128xf32, #tpu.memory_space<hbm>> -> memref<100000x128xf32, #tpu.memory_space<hbm>>
      tpu.enqueue_indirect_dma source(%dma_start3A_193 : memref<100000x128xf32, #tpu.memory_space<hbm>>) target(%dma_start3A_187 : memref<40x128xf32, #tpu.memory_space<vmem>>) offsets(%dma_start3A_190 : memref<40xi32, #tpu.memory_space<vmem>>) semaphore(%arg9 : memref<!tpu.dma_semaphore, #tpu.memory_space<semaphore_mem>>)
    } else {
    }
    %gt3A_7 = arith.constant 1 : i32
    %gt3A_8 = arith.cmpi sgt, %min3A_4, %gt3A_7 : i32
    %convert_element_type3A_9 = arith.extui %gt3A_8 : i1 to i32
    %cond3A_10 = arith.constant 0 : i32
    %cond3A_11 = arith.cmpi ne, %convert_element_type3A_9, %cond3A_10 : i32
    scf.if %cond3A_11 {
      %dma_start3A_181 = arith.constant 1 : i32
      %dma_start3A_182 = arith.constant 0 : i32
      %dma_start3A_183 = arith.constant 1 : i32
      %dma_start3A_184 = arith.constant 0 : i32
      %dma_start3A_185 = arith.constant 0 : i32
      %dma_start3A_186 = tpu.memref_slice %arg7[%dma_start3A_183, %dma_start3A_184, %dma_start3A_185] : memref<8x40x128xf32, #tpu.memory_space<vmem>> -> memref<1x40x128xf32, #tpu.memory_space<vmem>>
      %dma_start3A_187 = tpu.memref_squeeze %dma_start3A_186 : memref<1x40x128xf32, #tpu.memory_space<vmem>> -> memref<40x128xf32, #tpu.memory_space<vmem>>
      %dma_start3A_188 = arith.constant 0 : i32
      %dma_start3A_189 = tpu.memref_slice %arg6[%dma_start3A_181, %dma_start3A_182, %dma_start3A_188] : memref<79x2x40xi32, #tpu.memory_space<vmem>> -> memref<1x1x40xi32, #tpu.memory_space<vmem>>
      %dma_start3A_190 = tpu.memref_squeeze %dma_start3A_189 : memref<1x1x40xi32, #tpu.memory_space<vmem>> -> memref<40xi32, #tpu.memory_space<vmem>>
      %dma_start3A_191 = arith.constant 0 : i32
      %dma_start3A_192 = arith.constant 0 : i32
      %dma_start3A_193 = tpu.memref_slice %arg3[%dma_start3A_191, %dma_start3A_192] : memref<100000x128xf32, #tpu.memory_space<hbm>> -> memref<100000x128xf32, #tpu.memory_space<hbm>>
      tpu.enqueue_indirect_dma source(%dma_start3A_193 : memref<100000x128xf32, #tpu.memory_space<hbm>>) target(%dma_start3A_187 : memref<40x128xf32, #tpu.memory_space<vmem>>) offsets(%dma_start3A_190 : memref<40xi32, #tpu.memory_space<vmem>>) semaphore(%arg10 : memref<!tpu.dma_semaphore, #tpu.memory_space<semaphore_mem>>)
    } else {
    }
    %gt3A_12 = arith.constant 2 : i32
    %gt3A_13 = arith.cmpi sgt, %min3A_4, %gt3A_12 : i32
    %convert_element_type3A_14 = arith.extui %gt3A_13 : i1 to i32
    %cond3A_15 = arith.constant 0 : i32
    %cond3A_16 = arith.cmpi ne, %convert_element_type3A_14, %cond3A_15 : i32
    scf.if %cond3A_16 {
      %dma_start3A_181 = arith.constant 2 : i32
      %dma_start3A_182 = arith.constant 0 : i32
      %dma_start3A_183 = arith.constant 2 : i32
      %dma_start3A_184 = arith.constant 0 : i32
      %dma_start3A_185 = arith.constant 0 : i32
      %dma_start3A_186 = tpu.memref_slice %arg7[%dma_start3A_183, %dma_start3A_184, %dma_start3A_185] : memref<8x40x128xf32, #tpu.memory_space<vmem>> -> memref<1x40x128xf32, #tpu.memory_space<vmem>>
      %dma_start3A_187 = tpu.memref_squeeze %dma_start3A_186 : memref<1x40x128xf32, #tpu.memory_space<vmem>> -> memref<40x128xf32, #tpu.memory_space<vmem>>
      %dma_start3A_188 = arith.constant 0 : i32
      %dma_start3A_189 = tpu.memref_slice %arg6[%dma_start3A_181, %dma_start3A_182, %dma_start3A_188] : memref<79x2x40xi32, #tpu.memory_space<vmem>> -> memref<1x1x40xi32, #tpu.memory_space<vmem>>
      %dma_start3A_190 = tpu.memref_squeeze %dma_start3A_189 : memref<1x1x40xi32, #tpu.memory_space<vmem>> -> memref<40xi32, #tpu.memory_space<vmem>>
      %dma_start3A_191 = arith.constant 0 : i32
      %dma_start3A_192 = arith.constant 0 : i32
      %dma_start3A_193 = tpu.memref_slice %arg3[%dma_start3A_191, %dma_start3A_192] : memref<100000x128xf32, #tpu.memory_space<hbm>> -> memref<100000x128xf32, #tpu.memory_space<hbm>>
      tpu.enqueue_indirect_dma source(%dma_start3A_193 : memref<100000x128xf32, #tpu.memory_space<hbm>>) target(%dma_start3A_187 : memref<40x128xf32, #tpu.memory_space<vmem>>) offsets(%dma_start3A_190 : memref<40xi32, #tpu.memory_space<vmem>>) semaphore(%arg11 : memref<!tpu.dma_semaphore, #tpu.memory_space<semaphore_mem>>)
    } else {
    }
    %gt3A_17 = arith.constant 3 : i32
    %gt3A_18 = arith.cmpi sgt, %min3A_4, %gt3A_17 : i32
    %convert_element_type3A_19 = arith.extui %gt3A_18 : i1 to i32
    %cond3A_20 = arith.constant 0 : i32
    %cond3A_21 = arith.cmpi ne, %convert_element_type3A_19, %cond3A_20 : i32
    scf.if %cond3A_21 {
      %dma_start3A_181 = arith.constant 3 : i32
      %dma_start3A_182 = arith.constant 0 : i32
      %dma_start3A_183 = arith.constant 3 : i32
      %dma_start3A_184 = arith.constant 0 : i32
      %dma_start3A_185 = arith.constant 0 : i32
      %dma_start3A_186 = tpu.memref_slice %arg7[%dma_start3A_183, %dma_start3A_184, %dma_start3A_185] : memref<8x40x128xf32, #tpu.memory_space<vmem>> -> memref<1x40x128xf32, #tpu.memory_space<vmem>>
      %dma_start3A_187 = tpu.memref_squeeze %dma_start3A_186 : memref<1x40x128xf32, #tpu.memory_space<vmem>> -> memref<40x128xf32, #tpu.memory_space<vmem>>
      %dma_start3A_188 = arith.constant 0 : i32
      %dma_start3A_189 = tpu.memref_slice %arg6[%dma_start3A_181, %dma_start3A_182, %dma_start3A_188] : memref<79x2x40xi32, #tpu.memory_space<vmem>> -> memref<1x1x40xi32, #tpu.memory_space<vmem>>
      %dma_start3A_190 = tpu.memref_squeeze %dma_start3A_189 : memref<1x1x40xi32, #tpu.memory_space<vmem>> -> memref<40xi32, #tpu.memory_space<vmem>>
      %dma_start3A_191 = arith.constant 0 : i32
      %dma_start3A_192 = arith.constant 0 : i32
      %dma_start3A_193 = tpu.memref_slice %arg3[%dma_start3A_191, %dma_start3A_192] : memref<100000x128xf32, #tpu.memory_space<hbm>> -> memref<100000x128xf32, #tpu.memory_space<hbm>>
      tpu.enqueue_indirect_dma source(%dma_start3A_193 : memref<100000x128xf32, #tpu.memory_space<hbm>>) target(%dma_start3A_187 : memref<40x128xf32, #tpu.memory_space<vmem>>) offsets(%dma_start3A_190 : memref<40xi32, #tpu.memory_space<vmem>>) semaphore(%arg12 : memref<!tpu.dma_semaphore, #tpu.memory_space<semaphore_mem>>)
    } else {
    }
    %gt3A_22 = arith.constant 4 : i32
    %gt3A_23 = arith.cmpi sgt, %min3A_4, %gt3A_22 : i32
    %convert_element_type3A_24 = arith.extui %gt3A_23 : i1 to i32
    %cond3A_25 = arith.constant 0 : i32
    %cond3A_26 = arith.cmpi ne, %convert_element_type3A_24, %cond3A_25 : i32
    scf.if %cond3A_26 {
      %dma_start3A_181 = arith.constant 4 : i32
      %dma_start3A_182 = arith.constant 0 : i32
      %dma_start3A_183 = arith.constant 4 : i32
      %dma_start3A_184 = arith.constant 0 : i32
      %dma_start3A_185 = arith.constant 0 : i32
      %dma_start3A_186 = tpu.memref_slice %arg7[%dma_start3A_183, %dma_start3A_184, %dma_start3A_185] : memref<8x40x128xf32, #tpu.memory_space<vmem>> -> memref<1x40x128xf32, #tpu.memory_space<vmem>>
      %dma_start3A_187 = tpu.memref_squeeze %dma_start3A_186 : memref<1x40x128xf32, #tpu.memory_space<vmem>> -> memref<40x128xf32, #tpu.memory_space<vmem>>
      %dma_start3A_188 = arith.constant 0 : i32
      %dma_start3A_189 = tpu.memref_slice %arg6[%dma_start3A_181, %dma_start3A_182, %dma_start3A_188] : memref<79x2x40xi32, #tpu.memory_space<vmem>> -> memref<1x1x40xi32, #tpu.memory_space<vmem>>
      %dma_start3A_190 = tpu.memref_squeeze %dma_start3A_189 : memref<1x1x40xi32, #tpu.memory_space<vmem>> -> memref<40xi32, #tpu.memory_space<vmem>>
      %dma_start3A_191 = arith.constant 0 : i32
      %dma_start3A_192 = arith.constant 0 : i32
      %dma_start3A_193 = tpu.memref_slice %arg3[%dma_start3A_191, %dma_start3A_192] : memref<100000x128xf32, #tpu.memory_space<hbm>> -> memref<100000x128xf32, #tpu.memory_space<hbm>>
      tpu.enqueue_indirect_dma source(%dma_start3A_193 : memref<100000x128xf32, #tpu.memory_space<hbm>>) target(%dma_start3A_187 : memref<40x128xf32, #tpu.memory_space<vmem>>) offsets(%dma_start3A_190 : memref<40xi32, #tpu.memory_space<vmem>>) semaphore(%arg13 : memref<!tpu.dma_semaphore, #tpu.memory_space<semaphore_mem>>)
    } else {
    }
    %gt3A_27 = arith.constant 5 : i32
    %gt3A_28 = arith.cmpi sgt, %min3A_4, %gt3A_27 : i32
    %convert_element_type3A_29 = arith.extui %gt3A_28 : i1 to i32
    %cond3A_30 = arith.constant 0 : i32
    %cond3A_31 = arith.cmpi ne, %convert_element_type3A_29, %cond3A_30 : i32
    scf.if %cond3A_31 {
      %dma_start3A_181 = arith.constant 5 : i32
      %dma_start3A_182 = arith.constant 0 : i32
      %dma_start3A_183 = arith.constant 5 : i32
      %dma_start3A_184 = arith.constant 0 : i32
      %dma_start3A_185 = arith.constant 0 : i32
      %dma_start3A_186 = tpu.memref_slice %arg7[%dma_start3A_183, %dma_start3A_184, %dma_start3A_185] : memref<8x40x128xf32, #tpu.memory_space<vmem>> -> memref<1x40x128xf32, #tpu.memory_space<vmem>>
      %dma_start3A_187 = tpu.memref_squeeze %dma_start3A_186 : memref<1x40x128xf32, #tpu.memory_space<vmem>> -> memref<40x128xf32, #tpu.memory_space<vmem>>
      %dma_start3A_188 = arith.constant 0 : i32
      %dma_start3A_189 = tpu.memref_slice %arg6[%dma_start3A_181, %dma_start3A_182, %dma_start3A_188] : memref<79x2x40xi32, #tpu.memory_space<vmem>> -> memref<1x1x40xi32, #tpu.memory_space<vmem>>
      %dma_start3A_190 = tpu.memref_squeeze %dma_start3A_189 : memref<1x1x40xi32, #tpu.memory_space<vmem>> -> memref<40xi32, #tpu.memory_space<vmem>>
      %dma_start3A_191 = arith.constant 0 : i32
      %dma_start3A_192 = arith.constant 0 : i32
      %dma_start3A_193 = tpu.memref_slice %arg3[%dma_start3A_191, %dma_start3A_192] : memref<100000x128xf32, #tpu.memory_space<hbm>> -> memref<100000x128xf32, #tpu.memory_space<hbm>>
      tpu.enqueue_indirect_dma source(%dma_start3A_193 : memref<100000x128xf32, #tpu.memory_space<hbm>>) target(%dma_start3A_187 : memref<40x128xf32, #tpu.memory_space<vmem>>) offsets(%dma_start3A_190 : memref<40xi32, #tpu.memory_space<vmem>>) semaphore(%arg14 : memref<!tpu.dma_semaphore, #tpu.memory_space<semaphore_mem>>)
    } else {
    }
    %dma_wait3A = arith.constant 0 : i32
    %dma_wait3A_32 = arith.constant 0 : i32
    %dma_wait3A_33 = arith.constant 0 : i32
    %dma_wait3A_34 = arith.constant 0 : i32
    %dma_wait3A_35 = arith.constant 0 : i32
    %dma_wait3A_36 = tpu.memref_slice %arg7[%dma_wait3A_33, %dma_wait3A_34, %dma_wait3A_35] : memref<8x40x128xf32, #tpu.memory_space<vmem>> -> memref<1x40x128xf32, #tpu.memory_space<vmem>>
    %dma_wait3A_37 = tpu.memref_squeeze %dma_wait3A_36 : memref<1x40x128xf32, #tpu.memory_space<vmem>> -> memref<40x128xf32, #tpu.memory_space<vmem>>
    %dma_wait3A_38 = arith.constant 0 : i32
    %dma_wait3A_39 = tpu.memref_slice %arg6[%dma_wait3A, %dma_wait3A_32, %dma_wait3A_38] : memref<79x2x40xi32, #tpu.memory_space<vmem>> -> memref<1x1x40xi32, #tpu.memory_space<vmem>>
    %dma_wait3A_40 = tpu.memref_squeeze %dma_wait3A_39 : memref<1x1x40xi32, #tpu.memory_space<vmem>> -> memref<40xi32, #tpu.memory_space<vmem>>
    %dma_wait3A_41 = arith.constant 0 : i32
    %dma_wait3A_42 = arith.constant 0 : i32
    %dma_wait3A_43 = tpu.memref_slice %arg3[%dma_wait3A_41, %dma_wait3A_42] : memref<100000x128xf32, #tpu.memory_space<hbm>> -> memref<100000x128xf32, #tpu.memory_space<hbm>>
    tpu.wait_indirect_dma semaphore(%arg9 : memref<!tpu.dma_semaphore, #tpu.memory_space<semaphore_mem>>) src(%dma_wait3A_43 : memref<100000x128xf32, #tpu.memory_space<hbm>>) dst(%dma_wait3A_37 : memref<40x128xf32, #tpu.memory_space<vmem>>)
    %dma_start3A = arith.constant 0 : i32
    %dma_start3A_44 = arith.constant 1 : i32
    %dma_start3A_45 = arith.constant 0 : i32
    %dma_start3A_46 = arith.constant 0 : i32
    %dma_start3A_47 = arith.constant 0 : i32
    %dma_start3A_48 = tpu.memref_slice %arg7[%dma_start3A_45, %dma_start3A_46, %dma_start3A_47] : memref<8x40x128xf32, #tpu.memory_space<vmem>> -> memref<1x40x128xf32, #tpu.memory_space<vmem>>
    %dma_start3A_49 = tpu.memref_squeeze %dma_start3A_48 : memref<1x40x128xf32, #tpu.memory_space<vmem>> -> memref<40x128xf32, #tpu.memory_space<vmem>>
    %dma_start3A_50 = arith.constant 0 : i32
    %dma_start3A_51 = tpu.memref_slice %arg6[%dma_start3A, %dma_start3A_44, %dma_start3A_50] : memref<79x2x40xi32, #tpu.memory_space<vmem>> -> memref<1x1x40xi32, #tpu.memory_space<vmem>>
    %dma_start3A_52 = tpu.memref_squeeze %dma_start3A_51 : memref<1x1x40xi32, #tpu.memory_space<vmem>> -> memref<40xi32, #tpu.memory_space<vmem>>
    %dma_start3A_53 = arith.constant 0 : i32
    %dma_start3A_54 = arith.constant 0 : i32
    %dma_start3A_55 = tpu.memref_slice %arg3[%dma_start3A_53, %dma_start3A_54] : memref<100000x128xf32, #tpu.memory_space<hbm>> -> memref<100000x128xf32, #tpu.memory_space<hbm>>
    tpu.enqueue_indirect_dma source(%dma_start3A_55 : memref<100000x128xf32, #tpu.memory_space<hbm>>) target(%dma_start3A_49 : memref<40x128xf32, #tpu.memory_space<vmem>>) offsets(%dma_start3A_52 : memref<40xi32, #tpu.memory_space<vmem>>) semaphore(%arg17 : memref<!tpu.dma_semaphore, #tpu.memory_space<semaphore_mem>>) {add = true}
    %scan3A = arith.constant 0 : i32
    %scan3A_56 = arith.constant 0 : i32
    %scan3A_57 = arith.constant 5 : i32
    %scan3A_58 = arith.addi %scan3A_56, %scan3A_57 : i32
    %scan3A_59 = arith.constant 1 : i32
    scf.for %scan3A_181 = %scan3A_56 to %scan3A_58 step %scan3A_59  : i32 {
      %mul3A_182 = arith.constant 2 : i32
      %mul3A_183 = arith.muli %mul3A_182, %scan3A_181 : i32
      %add3A_184 = arith.constant 0 : i32
      %add3A_185 = arith.addi %mul3A_183, %add3A_184 : i32
      %mul3A_186 = arith.constant 2 : i32
      %mul3A_187 = arith.muli %mul3A_186, %add3A_185 : i32
      %ge3A = arith.constant 2 : i32
      %ge3A_188 = arith.cmpi sge, %mul3A_187, %ge3A : i32
      %sub3A_189 = arith.constant 2 : i32
      %sub3A_190 = arith.subi %mul3A_187, %sub3A_189 : i32
      %mul3A_191 = arith.constant 32 : i32
      %mul3A_192 = arith.muli %mul3A_191, %sub3A_190 : i32
      %add3A_193 = arith.addi %add3A, %mul3A_192 : i32
      %lt3A_194 = arith.constant 500 : i32
      %lt3A_195 = arith.cmpi slt, %add3A_193, %lt3A_194 : i32
      %and3A_196 = arith.andi %ge3A_188, %lt3A_195 : i1
      %convert_element_type3A_197 = arith.extui %and3A_196 : i1 to i32
      %cond3A_198 = arith.constant 0 : i32
      %cond3A_199 = arith.cmpi ne, %convert_element_type3A_197, %cond3A_198 : i32
      scf.if %cond3A_199 {
        %sub3A_801 = arith.constant 2 : i32
        %sub3A_802 = arith.subi %mul3A_187, %sub3A_801 : i32
        %mul3A_803 = arith.constant 32 : i32
        %mul3A_804 = arith.muli %mul3A_803, %sub3A_802 : i32
        %add3A_805 = arith.addi %add3A, %mul3A_804 : i32
        %mul3A_806 = arith.constant 200 : i32
        %mul3A_807 = arith.muli %add3A_805, %mul3A_806 : i32
        %dma_wait3A_808 = arith.constant 0 : i32
        %dma_wait3A_809 = arith.constant 0 : i32
        %dma_wait3A_810 = tpu.memref_slice %arg5[%mul3A_807, %dma_wait3A_809] : memref<200000x128xf32, #tpu.memory_space<hbm>> -> memref<200x128xf32, #tpu.memory_space<hbm>>
        %dma_wait3A_811 = arith.constant 0 : i32
        %dma_wait3A_812 = arith.constant 0 : i32
        %dma_wait3A_813 = tpu.memref_slice %arg8[%arg1, %dma_wait3A_808, %dma_wait3A_811, %dma_wait3A_812] : memref<16x2x200x128xf32, #tpu.memory_space<vmem_shared>> -> memref<1x1x200x128xf32, #tpu.memory_space<vmem_shared>>
        %dma_wait3A_814 = tpu.memref_squeeze %dma_wait3A_813 : memref<1x1x200x128xf32, #tpu.memory_space<vmem_shared>> -> memref<200x128xf32, #tpu.memory_space<vmem_shared>>
        tpu.wait_dma2 semaphore(%arg35 : memref<!tpu.dma_semaphore, #tpu.memory_space<semaphore_mem>>) src(%dma_wait3A_814 : memref<200x128xf32, #tpu.memory_space<vmem_shared>>) dst(%dma_wait3A_810 : memref<200x128xf32, #tpu.memory_space<hbm>>)
      } else {
      }
      %mul3A_200 = arith.constant 32 : i32
      %mul3A_201 = arith.muli %mul3A_200, %mul3A_187 : i32
      %add3A_202 = arith.addi %add3A, %mul3A_201 : i32
      %lt3A_203 = arith.constant 500 : i32
      %lt3A_204 = arith.cmpi slt, %add3A_202, %lt3A_203 : i32
      %convert_element_type3A_205 = arith.extui %lt3A_204 : i1 to i32
      %cond3A_206 = arith.constant 0 : i32
      %cond3A_207 = arith.cmpi ne, %convert_element_type3A_205, %cond3A_206 : i32
      scf.if %cond3A_207 {
        %mul3A_801 = arith.constant 32 : i32
        %mul3A_802 = arith.muli %mul3A_801, %mul3A_187 : i32
        %add3A_803 = arith.addi %add3A, %mul3A_802 : i32
        %mul3A_804 = arith.constant 200 : i32
        %mul3A_805 = arith.muli %add3A_803, %mul3A_804 : i32
        %dma_start3A_806 = arith.constant 0 : i32
        %dma_start3A_807 = arith.constant 0 : i32
        %dma_start3A_808 = arith.constant 0 : i32
        %dma_start3A_809 = tpu.memref_slice %arg8[%arg1, %dma_start3A_806, %dma_start3A_807, %dma_start3A_808] : memref<16x2x200x128xf32, #tpu.memory_space<vmem_shared>> -> memref<1x1x200x128xf32, #tpu.memory_space<vmem_shared>>
        %dma_start3A_810 = tpu.memref_squeeze %dma_start3A_809 : memref<1x1x200x128xf32, #tpu.memory_space<vmem_shared>> -> memref<200x128xf32, #tpu.memory_space<vmem_shared>>
        %dma_start3A_811 = arith.constant 0 : i32
        %dma_start3A_812 = tpu.memref_slice %arg2[%mul3A_805, %dma_start3A_811] : memref<100000x128xf32, #tpu.memory_space<hbm>> -> memref<200x128xf32, #tpu.memory_space<hbm>>
        tpu.enqueue_dma source(%dma_start3A_812 : memref<200x128xf32, #tpu.memory_space<hbm>>) target(%dma_start3A_810 : memref<200x128xf32, #tpu.memory_space<vmem_shared>>) target_semaphore(%arg33 : memref<!tpu.dma_semaphore, #tpu.memory_space<semaphore_mem>>)
      } else {
      }
      %ge3A_208 = arith.constant 1 : i32
      %ge3A_209 = arith.cmpi sge, %mul3A_187, %ge3A_208 : i32
      %sub3A_210 = arith.constant 1 : i32
      %sub3A_211 = arith.subi %mul3A_187, %sub3A_210 : i32
      %mul3A_212 = arith.constant 32 : i32
      %mul3A_213 = arith.muli %mul3A_212, %sub3A_211 : i32
      %add3A_214 = arith.addi %add3A, %mul3A_213 : i32
      %lt3A_215 = arith.constant 500 : i32
      %lt3A_216 = arith.cmpi slt, %add3A_214, %lt3A_215 : i32
      %and3A_217 = arith.andi %ge3A_209, %lt3A_216 : i1
      %convert_element_type3A_218 = arith.extui %and3A_217 : i1 to i32
      %cond3A_219 = arith.constant 0 : i32
      %cond3A_220 = arith.cmpi ne, %convert_element_type3A_218, %cond3A_219 : i32
      scf.if %cond3A_220 {
        %sub3A_801 = arith.constant 1 : i32
        %sub3A_802 = arith.subi %mul3A_187, %sub3A_801 : i32
        %mul3A_803 = arith.constant 32 : i32
        %mul3A_804 = arith.muli %mul3A_803, %sub3A_802 : i32
        %add3A_805 = arith.addi %add3A, %mul3A_804 : i32
        %mul3A_806 = arith.constant 200 : i32
        %mul3A_807 = arith.muli %add3A_805, %mul3A_806 : i32
        %dma_wait3A_808 = arith.constant 1 : i32
        %dma_wait3A_809 = arith.constant 0 : i32
        %dma_wait3A_810 = arith.constant 0 : i32
        %dma_wait3A_811 = tpu.memref_slice %arg8[%arg1, %dma_wait3A_808, %dma_wait3A_809, %dma_wait3A_810] : memref<16x2x200x128xf32, #tpu.memory_space<vmem_shared>> -> memref<1x1x200x128xf32, #tpu.memory_space<vmem_shared>>
        %dma_wait3A_812 = tpu.memref_squeeze %dma_wait3A_811 : memref<1x1x200x128xf32, #tpu.memory_space<vmem_shared>> -> memref<200x128xf32, #tpu.memory_space<vmem_shared>>
        %dma_wait3A_813 = arith.constant 0 : i32
        %dma_wait3A_814 = tpu.memref_slice %arg2[%mul3A_807, %dma_wait3A_813] : memref<100000x128xf32, #tpu.memory_space<hbm>> -> memref<200x128xf32, #tpu.memory_space<hbm>>
        tpu.wait_dma2 semaphore(%arg34 : memref<!tpu.dma_semaphore, #tpu.memory_space<semaphore_mem>>) src(%dma_wait3A_814 : memref<200x128xf32, #tpu.memory_space<hbm>>) dst(%dma_wait3A_812 : memref<200x128xf32, #tpu.memory_space<vmem_shared>>)
        %sub3A_815 = arith.constant 1 : i32
        %sub3A_816 = arith.subi %mul3A_187, %sub3A_815 : i32
        %mul3A_817 = arith.constant 32 : i32
        %mul3A_818 = arith.muli %mul3A_817, %sub3A_816 : i32
        %add3A_819 = arith.addi %add3A, %mul3A_818 : i32
        %mul3A_820 = arith.constant 200 : i32
        %mul3A_821 = arith.muli %add3A_819, %mul3A_820 : i32
        %dma_start3A_822 = arith.constant 1 : i32
        %dma_start3A_823 = arith.constant 0 : i32
        %dma_start3A_824 = tpu.memref_slice %arg5[%mul3A_821, %dma_start3A_823] : memref<200000x128xf32, #tpu.memory_space<hbm>> -> memref<200x128xf32, #tpu.memory_space<hbm>>
        %dma_start3A_825 = arith.constant 0 : i32
        %dma_start3A_826 = arith.constant 0 : i32
        %dma_start3A_827 = tpu.memref_slice %arg8[%arg1, %dma_start3A_822, %dma_start3A_825, %dma_start3A_826] : memref<16x2x200x128xf32, #tpu.memory_space<vmem_shared>> -> memref<1x1x200x128xf32, #tpu.memory_space<vmem_shared>>
        %dma_start3A_828 = tpu.memref_squeeze %dma_start3A_827 : memref<1x1x200x128xf32, #tpu.memory_space<vmem_shared>> -> memref<200x128xf32, #tpu.memory_space<vmem_shared>>
        tpu.enqueue_dma source(%dma_start3A_828 : memref<200x128xf32, #tpu.memory_space<vmem_shared>>) target(%dma_start3A_824 : memref<200x128xf32, #tpu.memory_space<hbm>>) target_semaphore(%arg36 : memref<!tpu.dma_semaphore, #tpu.memory_space<semaphore_mem>>)
      } else {
      }
      %mul3A_221 = arith.constant 2 : i32
      %mul3A_222 = arith.muli %mul3A_221, %add3A_185 : i32
      %add3A_223 = arith.constant 1 : i32
      %add3A_224 = arith.addi %mul3A_222, %add3A_223 : i32
      %ge3A_225 = arith.constant 2 : i32
      %ge3A_226 = arith.cmpi sge, %add3A_224, %ge3A_225 : i32
      %sub3A_227 = arith.constant 2 : i32
      %sub3A_228 = arith.subi %add3A_224, %sub3A_227 : i32
      %mul3A_229 = arith.constant 32 : i32
      %mul3A_230 = arith.muli %mul3A_229, %sub3A_228 : i32
      %add3A_231 = arith.addi %add3A, %mul3A_230 : i32
      %lt3A_232 = arith.constant 500 : i32
      %lt3A_233 = arith.cmpi slt, %add3A_231, %lt3A_232 : i32
      %and3A_234 = arith.andi %ge3A_226, %lt3A_233 : i1
      %convert_element_type3A_235 = arith.extui %and3A_234 : i1 to i32
      %cond3A_236 = arith.constant 0 : i32
      %cond3A_237 = arith.cmpi ne, %convert_element_type3A_235, %cond3A_236 : i32
      scf.if %cond3A_237 {
        %sub3A_801 = arith.constant 2 : i32
        %sub3A_802 = arith.subi %add3A_224, %sub3A_801 : i32
        %mul3A_803 = arith.constant 32 : i32
        %mul3A_804 = arith.muli %mul3A_803, %sub3A_802 : i32
        %add3A_805 = arith.addi %add3A, %mul3A_804 : i32
        %mul3A_806 = arith.constant 200 : i32
        %mul3A_807 = arith.muli %add3A_805, %mul3A_806 : i32
        %dma_wait3A_808 = arith.constant 1 : i32
        %dma_wait3A_809 = arith.constant 0 : i32
        %dma_wait3A_810 = tpu.memref_slice %arg5[%mul3A_807, %dma_wait3A_809] : memref<200000x128xf32, #tpu.memory_space<hbm>> -> memref<200x128xf32, #tpu.memory_space<hbm>>
        %dma_wait3A_811 = arith.constant 0 : i32
        %dma_wait3A_812 = arith.constant 0 : i32
        %dma_wait3A_813 = tpu.memref_slice %arg8[%arg1, %dma_wait3A_808, %dma_wait3A_811, %dma_wait3A_812] : memref<16x2x200x128xf32, #tpu.memory_space<vmem_shared>> -> memref<1x1x200x128xf32, #tpu.memory_space<vmem_shared>>
        %dma_wait3A_814 = tpu.memref_squeeze %dma_wait3A_813 : memref<1x1x200x128xf32, #tpu.memory_space<vmem_shared>> -> memref<200x128xf32, #tpu.memory_space<vmem_shared>>
        tpu.wait_dma2 semaphore(%arg36 : memref<!tpu.dma_semaphore, #tpu.memory_space<semaphore_mem>>) src(%dma_wait3A_814 : memref<200x128xf32, #tpu.memory_space<vmem_shared>>) dst(%dma_wait3A_810 : memref<200x128xf32, #tpu.memory_space<hbm>>)
      } else {
      }
      %mul3A_238 = arith.constant 32 : i32
      %mul3A_239 = arith.muli %mul3A_238, %add3A_224 : i32
      %add3A_240 = arith.addi %add3A, %mul3A_239 : i32
      %lt3A_241 = arith.constant 500 : i32
      %lt3A_242 = arith.cmpi slt, %add3A_240, %lt3A_241 : i32
      %convert_element_type3A_243 = arith.extui %lt3A_242 : i1 to i32
      %cond3A_244 = arith.constant 0 : i32
      %cond3A_245 = arith.cmpi ne, %convert_element_type3A_243, %cond3A_244 : i32
      scf.if %cond3A_245 {
        %mul3A_801 = arith.constant 32 : i32
        %mul3A_802 = arith.muli %mul3A_801, %add3A_224 : i32
        %add3A_803 = arith.addi %add3A, %mul3A_802 : i32
        %mul3A_804 = arith.constant 200 : i32
        %mul3A_805 = arith.muli %add3A_803, %mul3A_804 : i32
        %dma_start3A_806 = arith.constant 1 : i32
        %dma_start3A_807 = arith.constant 0 : i32
        %dma_start3A_808 = arith.constant 0 : i32
        %dma_start3A_809 = tpu.memref_slice %arg8[%arg1, %dma_start3A_806, %dma_start3A_807, %dma_start3A_808] : memref<16x2x200x128xf32, #tpu.memory_space<vmem_shared>> -> memref<1x1x200x128xf32, #tpu.memory_space<vmem_shared>>
        %dma_start3A_810 = tpu.memref_squeeze %dma_start3A_809 : memref<1x1x200x128xf32, #tpu.memory_space<vmem_shared>> -> memref<200x128xf32, #tpu.memory_space<vmem_shared>>
        %dma_start3A_811 = arith.constant 0 : i32
        %dma_start3A_812 = tpu.memref_slice %arg2[%mul3A_805, %dma_start3A_811] : memref<100000x128xf32, #tpu.memory_space<hbm>> -> memref<200x128xf32, #tpu.memory_space<hbm>>
        tpu.enqueue_dma source(%dma_start3A_812 : memref<200x128xf32, #tpu.memory_space<hbm>>) target(%dma_start3A_810 : memref<200x128xf32, #tpu.memory_space<vmem_shared>>) target_semaphore(%arg34 : memref<!tpu.dma_semaphore, #tpu.memory_space<semaphore_mem>>)
      } else {
      }
      %ge3A_246 = arith.constant 1 : i32
      %ge3A_247 = arith.cmpi sge, %add3A_224, %ge3A_246 : i32
      %sub3A_248 = arith.constant 1 : i32
      %sub3A_249 = arith.subi %add3A_224, %sub3A_248 : i32
      %mul3A_250 = arith.constant 32 : i32
      %mul3A_251 = arith.muli %mul3A_250, %sub3A_249 : i32
      %add3A_252 = arith.addi %add3A, %mul3A_251 : i32
      %lt3A_253 = arith.constant 500 : i32
      %lt3A_254 = arith.cmpi slt, %add3A_252, %lt3A_253 : i32
      %and3A_255 = arith.andi %ge3A_247, %lt3A_254 : i1
      %convert_element_type3A_256 = arith.extui %and3A_255 : i1 to i32
      %cond3A_257 = arith.constant 0 : i32
      %cond3A_258 = arith.cmpi ne, %convert_element_type3A_256, %cond3A_257 : i32
      scf.if %cond3A_258 {
        %sub3A_801 = arith.constant 1 : i32
        %sub3A_802 = arith.subi %add3A_224, %sub3A_801 : i32
        %mul3A_803 = arith.constant 32 : i32
        %mul3A_804 = arith.muli %mul3A_803, %sub3A_802 : i32
        %add3A_805 = arith.addi %add3A, %mul3A_804 : i32
        %mul3A_806 = arith.constant 200 : i32
        %mul3A_807 = arith.muli %add3A_805, %mul3A_806 : i32
        %dma_wait3A_808 = arith.constant 0 : i32
        %dma_wait3A_809 = arith.constant 0 : i32
        %dma_wait3A_810 = arith.constant 0 : i32
        %dma_wait3A_811 = tpu.memref_slice %arg8[%arg1, %dma_wait3A_808, %dma_wait3A_809, %dma_wait3A_810] : memref<16x2x200x128xf32, #tpu.memory_space<vmem_shared>> -> memref<1x1x200x128xf32, #tpu.memory_space<vmem_shared>>
        %dma_wait3A_812 = tpu.memref_squeeze %dma_wait3A_811 : memref<1x1x200x128xf32, #tpu.memory_space<vmem_shared>> -> memref<200x128xf32, #tpu.memory_space<vmem_shared>>
        %dma_wait3A_813 = arith.constant 0 : i32
        %dma_wait3A_814 = tpu.memref_slice %arg2[%mul3A_807, %dma_wait3A_813] : memref<100000x128xf32, #tpu.memory_space<hbm>> -> memref<200x128xf32, #tpu.memory_space<hbm>>
        tpu.wait_dma2 semaphore(%arg33 : memref<!tpu.dma_semaphore, #tpu.memory_space<semaphore_mem>>) src(%dma_wait3A_814 : memref<200x128xf32, #tpu.memory_space<hbm>>) dst(%dma_wait3A_812 : memref<200x128xf32, #tpu.memory_space<vmem_shared>>)
        %sub3A_815 = arith.constant 1 : i32
        %sub3A_816 = arith.subi %add3A_224, %sub3A_815 : i32
        %mul3A_817 = arith.constant 32 : i32
        %mul3A_818 = arith.muli %mul3A_817, %sub3A_816 : i32
        %add3A_819 = arith.addi %add3A, %mul3A_818 : i32
        %mul3A_820 = arith.constant 200 : i32
        %mul3A_821 = arith.muli %add3A_819, %mul3A_820 : i32
        %dma_start3A_822 = arith.constant 0 : i32
        %dma_start3A_823 = arith.constant 0 : i32
        %dma_start3A_824 = tpu.memref_slice %arg5[%mul3A_821, %dma_start3A_823] : memref<200000x128xf32, #tpu.memory_space<hbm>> -> memref<200x128xf32, #tpu.memory_space<hbm>>
        %dma_start3A_825 = arith.constant 0 : i32
        %dma_start3A_826 = arith.constant 0 : i32
        %dma_start3A_827 = tpu.memref_slice %arg8[%arg1, %dma_start3A_822, %dma_start3A_825, %dma_start3A_826] : memref<16x2x200x128xf32, #tpu.memory_space<vmem_shared>> -> memref<1x1x200x128xf32, #tpu.memory_space<vmem_shared>>
        %dma_start3A_828 = tpu.memref_squeeze %dma_start3A_827 : memref<1x1x200x128xf32, #tpu.memory_space<vmem_shared>> -> memref<200x128xf32, #tpu.memory_space<vmem_shared>>
        tpu.enqueue_dma source(%dma_start3A_828 : memref<200x128xf32, #tpu.memory_space<vmem_shared>>) target(%dma_start3A_824 : memref<200x128xf32, #tpu.memory_space<hbm>>) target_semaphore(%arg35 : memref<!tpu.dma_semaphore, #tpu.memory_space<semaphore_mem>>)
      } else {
      }
      %mul3A_259 = arith.constant 8 : i32
      %mul3A_260 = arith.muli %add3A_185, %mul3A_259 : i32
      %add3A_261 = arith.constant 0 : i32
      %add3A_262 = arith.addi %mul3A_260, %add3A_261 : i32
      %ge3A_263 = arith.constant 2 : i32
      %ge3A_264 = arith.cmpi sge, %add3A_262, %ge3A_263 : i32
      %lt3A_265 = arith.cmpi slt, %add3A_262, %min3A_4 : i32
      %and3A_266 = arith.andi %ge3A_264, %lt3A_265 : i1
      %convert_element_type3A_267 = arith.extui %and3A_266 : i1 to i32
      %cond3A_268 = arith.constant 0 : i32
      %cond3A_269 = arith.cmpi ne, %convert_element_type3A_267, %cond3A_268 : i32
      scf.if %cond3A_269 {
        %sub3A_801 = arith.constant 2 : i32
        %sub3A_802 = arith.subi %add3A_262, %sub3A_801 : i32
        %mul3A_803 = arith.constant 79 : i32
        %mul3A_804 = arith.muli %add3A, %mul3A_803 : i32
        %add3A_805 = arith.addi %mul3A_804, %sub3A_802 : i32
        %mul3A_806 = arith.constant 40 : i32
        %mul3A_807 = arith.muli %add3A_805, %mul3A_806 : i32
        %add3A_808 = arith.constant 100000 : i32
        %add3A_809 = arith.addi %add3A_808, %mul3A_807 : i32
        %dma_wait3A_810 = arith.constant 6 : i32
        %dma_wait3A_811 = arith.constant 0 : i32
        %dma_wait3A_812 = arith.constant 0 : i32
        %dma_wait3A_813 = tpu.memref_slice %arg7[%dma_wait3A_810, %dma_wait3A_811, %dma_wait3A_812] : memref<8x40x128xf32, #tpu.memory_space<vmem>> -> memref<1x40x128xf32, #tpu.memory_space<vmem>>
        %dma_wait3A_814 = tpu.memref_squeeze %dma_wait3A_813 : memref<1x40x128xf32, #tpu.memory_space<vmem>> -> memref<40x128xf32, #tpu.memory_space<vmem>>
        %dma_wait3A_815 = arith.constant 0 : i32
        %dma_wait3A_816 = tpu.memref_slice %arg5[%add3A_809, %dma_wait3A_815] : memref<200000x128xf32, #tpu.memory_space<hbm>> -> memref<40x128xf32, #tpu.memory_space<hbm>>
        %dma_wait3A_817 = arith.constant 0 : i32
        %dma_wait3A_818 = tpu.memref_slice %arg5[%add3A_809, %dma_wait3A_817] : memref<200000x128xf32, #tpu.memory_space<hbm>> -> memref<40x128xf32, #tpu.memory_space<hbm>>
        %dma_wait3A_819 = arith.constant 0 : i32
        %dma_wait3A_820 = arith.constant 0 : i32
        %dma_wait3A_821 = tpu.memref_slice %arg7[%dma_wait3A_810, %dma_wait3A_819, %dma_wait3A_820] : memref<8x40x128xf32, #tpu.memory_space<vmem>> -> memref<1x40x128xf32, #tpu.memory_space<vmem>>
        %dma_wait3A_822 = tpu.memref_squeeze %dma_wait3A_821 : memref<1x40x128xf32, #tpu.memory_space<vmem>> -> memref<40x128xf32, #tpu.memory_space<vmem>>
        tpu.wait_dma2 semaphore(%arg31 : memref<!tpu.dma_semaphore, #tpu.memory_space<semaphore_mem>>) src(%dma_wait3A_822 : memref<40x128xf32, #tpu.memory_space<vmem>>) dst(%dma_wait3A_818 : memref<40x128xf32, #tpu.memory_space<hbm>>)
      } else {
      }
      %add3A_270 = arith.constant 8 : i32
      %add3A_271 = arith.addi %add3A_262, %add3A_270 : i32
      %sub3A_272 = arith.constant 2 : i32
      %sub3A_273 = arith.subi %add3A_271, %sub3A_272 : i32
      %lt3A_274 = arith.cmpi slt, %sub3A_273, %min3A_4 : i32
      %convert_element_type3A_275 = arith.extui %lt3A_274 : i1 to i32
      %cond3A_276 = arith.constant 0 : i32
      %cond3A_277 = arith.cmpi ne, %convert_element_type3A_275, %cond3A_276 : i32
      scf.if %cond3A_277 {
        %add3A_801 = arith.constant 8 : i32
        %add3A_802 = arith.addi %add3A_262, %add3A_801 : i32
        %sub3A_803 = arith.constant 2 : i32
        %sub3A_804 = arith.subi %add3A_802, %sub3A_803 : i32
        %dma_start3A_805 = arith.constant 0 : i32
        %dma_start3A_806 = arith.constant 6 : i32
        %dma_start3A_807 = arith.constant 0 : i32
        %dma_start3A_808 = arith.constant 0 : i32
        %dma_start3A_809 = tpu.memref_slice %arg7[%dma_start3A_806, %dma_start3A_807, %dma_start3A_808] : memref<8x40x128xf32, #tpu.memory_space<vmem>> -> memref<1x40x128xf32, #tpu.memory_space<vmem>>
        %dma_start3A_810 = tpu.memref_squeeze %dma_start3A_809 : memref<1x40x128xf32, #tpu.memory_space<vmem>> -> memref<40x128xf32, #tpu.memory_space<vmem>>
        %dma_start3A_811 = arith.constant 0 : i32
        %dma_start3A_812 = tpu.memref_slice %arg6[%sub3A_804, %dma_start3A_805, %dma_start3A_811] : memref<79x2x40xi32, #tpu.memory_space<vmem>> -> memref<1x1x40xi32, #tpu.memory_space<vmem>>
        %dma_start3A_813 = tpu.memref_squeeze %dma_start3A_812 : memref<1x1x40xi32, #tpu.memory_space<vmem>> -> memref<40xi32, #tpu.memory_space<vmem>>
        %dma_start3A_814 = arith.constant 0 : i32
        %dma_start3A_815 = arith.constant 0 : i32
        %dma_start3A_816 = tpu.memref_slice %arg3[%dma_start3A_814, %dma_start3A_815] : memref<100000x128xf32, #tpu.memory_space<hbm>> -> memref<100000x128xf32, #tpu.memory_space<hbm>>
        tpu.enqueue_indirect_dma source(%dma_start3A_816 : memref<100000x128xf32, #tpu.memory_space<hbm>>) target(%dma_start3A_810 : memref<40x128xf32, #tpu.memory_space<vmem>>) offsets(%dma_start3A_813 : memref<40xi32, #tpu.memory_space<vmem>>) semaphore(%arg15 : memref<!tpu.dma_semaphore, #tpu.memory_space<semaphore_mem>>)
      } else {
      }
      %add3A_278 = arith.constant 1 : i32
      %add3A_279 = arith.addi %add3A_262, %add3A_278 : i32
      %lt3A_280 = arith.cmpi slt, %add3A_279, %min3A_4 : i32
      %convert_element_type3A_281 = arith.extui %lt3A_280 : i1 to i32
      %cond3A_282 = arith.constant 0 : i32
      %cond3A_283 = arith.cmpi ne, %convert_element_type3A_281, %cond3A_282 : i32
      scf.if %cond3A_283 {
        %add3A_801 = arith.constant 1 : i32
        %add3A_802 = arith.addi %add3A_262, %add3A_801 : i32
        %dma_wait3A_803 = arith.constant 0 : i32
        %dma_wait3A_804 = arith.constant 1 : i32
        %dma_wait3A_805 = arith.constant 0 : i32
        %dma_wait3A_806 = arith.constant 0 : i32
        %dma_wait3A_807 = tpu.memref_slice %arg7[%dma_wait3A_804, %dma_wait3A_805, %dma_wait3A_806] : memref<8x40x128xf32, #tpu.memory_space<vmem>> -> memref<1x40x128xf32, #tpu.memory_space<vmem>>
        %dma_wait3A_808 = tpu.memref_squeeze %dma_wait3A_807 : memref<1x40x128xf32, #tpu.memory_space<vmem>> -> memref<40x128xf32, #tpu.memory_space<vmem>>
        %dma_wait3A_809 = arith.constant 0 : i32
        %dma_wait3A_810 = tpu.memref_slice %arg6[%add3A_802, %dma_wait3A_803, %dma_wait3A_809] : memref<79x2x40xi32, #tpu.memory_space<vmem>> -> memref<1x1x40xi32, #tpu.memory_space<vmem>>
        %dma_wait3A_811 = tpu.memref_squeeze %dma_wait3A_810 : memref<1x1x40xi32, #tpu.memory_space<vmem>> -> memref<40xi32, #tpu.memory_space<vmem>>
        %dma_wait3A_812 = arith.constant 0 : i32
        %dma_wait3A_813 = arith.constant 0 : i32
        %dma_wait3A_814 = tpu.memref_slice %arg3[%dma_wait3A_812, %dma_wait3A_813] : memref<100000x128xf32, #tpu.memory_space<hbm>> -> memref<100000x128xf32, #tpu.memory_space<hbm>>
        tpu.wait_indirect_dma semaphore(%arg10 : memref<!tpu.dma_semaphore, #tpu.memory_space<semaphore_mem>>) src(%dma_wait3A_814 : memref<100000x128xf32, #tpu.memory_space<hbm>>) dst(%dma_wait3A_808 : memref<40x128xf32, #tpu.memory_space<vmem>>)
        %add3A_815 = arith.constant 1 : i32
        %add3A_816 = arith.addi %add3A_262, %add3A_815 : i32
        %dma_start3A_817 = arith.constant 1 : i32
        %dma_start3A_818 = arith.constant 1 : i32
        %dma_start3A_819 = arith.constant 0 : i32
        %dma_start3A_820 = arith.constant 0 : i32
        %dma_start3A_821 = tpu.memref_slice %arg7[%dma_start3A_818, %dma_start3A_819, %dma_start3A_820] : memref<8x40x128xf32, #tpu.memory_space<vmem>> -> memref<1x40x128xf32, #tpu.memory_space<vmem>>
        %dma_start3A_822 = tpu.memref_squeeze %dma_start3A_821 : memref<1x40x128xf32, #tpu.memory_space<vmem>> -> memref<40x128xf32, #tpu.memory_space<vmem>>
        %dma_start3A_823 = arith.constant 0 : i32
        %dma_start3A_824 = tpu.memref_slice %arg6[%add3A_816, %dma_start3A_817, %dma_start3A_823] : memref<79x2x40xi32, #tpu.memory_space<vmem>> -> memref<1x1x40xi32, #tpu.memory_space<vmem>>
        %dma_start3A_825 = tpu.memref_squeeze %dma_start3A_824 : memref<1x1x40xi32, #tpu.memory_space<vmem>> -> memref<40xi32, #tpu.memory_space<vmem>>
        %dma_start3A_826 = arith.constant 0 : i32
        %dma_start3A_827 = arith.constant 0 : i32
        %dma_start3A_828 = tpu.memref_slice %arg3[%dma_start3A_826, %dma_start3A_827] : memref<100000x128xf32, #tpu.memory_space<hbm>> -> memref<100000x128xf32, #tpu.memory_space<hbm>>
        tpu.enqueue_indirect_dma source(%dma_start3A_828 : memref<100000x128xf32, #tpu.memory_space<hbm>>) target(%dma_start3A_822 : memref<40x128xf32, #tpu.memory_space<vmem>>) offsets(%dma_start3A_825 : memref<40xi32, #tpu.memory_space<vmem>>) semaphore(%arg18 : memref<!tpu.dma_semaphore, #tpu.memory_space<semaphore_mem>>) {add = true}
      } else {
      }
      %lt3A_284 = arith.cmpi slt, %add3A_262, %min3A_4 : i32
      %convert_element_type3A_285 = arith.extui %lt3A_284 : i1 to i32
      %cond3A_286 = arith.constant 0 : i32
      %cond3A_287 = arith.cmpi ne, %convert_element_type3A_285, %cond3A_286 : i32
      scf.if %cond3A_287 {
        %dma_wait3A_801 = arith.constant 1 : i32
        %dma_wait3A_802 = arith.constant 0 : i32
        %dma_wait3A_803 = arith.constant 0 : i32
        %dma_wait3A_804 = arith.constant 0 : i32
        %dma_wait3A_805 = tpu.memref_slice %arg7[%dma_wait3A_802, %dma_wait3A_803, %dma_wait3A_804] : memref<8x40x128xf32, #tpu.memory_space<vmem>> -> memref<1x40x128xf32, #tpu.memory_space<vmem>>
        %dma_wait3A_806 = tpu.memref_squeeze %dma_wait3A_805 : memref<1x40x128xf32, #tpu.memory_space<vmem>> -> memref<40x128xf32, #tpu.memory_space<vmem>>
        %dma_wait3A_807 = arith.constant 0 : i32
        %dma_wait3A_808 = tpu.memref_slice %arg6[%add3A_262, %dma_wait3A_801, %dma_wait3A_807] : memref<79x2x40xi32, #tpu.memory_space<vmem>> -> memref<1x1x40xi32, #tpu.memory_space<vmem>>
        %dma_wait3A_809 = tpu.memref_squeeze %dma_wait3A_808 : memref<1x1x40xi32, #tpu.memory_space<vmem>> -> memref<40xi32, #tpu.memory_space<vmem>>
        %dma_wait3A_810 = arith.constant 0 : i32
        %dma_wait3A_811 = arith.constant 0 : i32
        %dma_wait3A_812 = tpu.memref_slice %arg3[%dma_wait3A_810, %dma_wait3A_811] : memref<100000x128xf32, #tpu.memory_space<hbm>> -> memref<100000x128xf32, #tpu.memory_space<hbm>>
        tpu.wait_indirect_dma semaphore(%arg17 : memref<!tpu.dma_semaphore, #tpu.memory_space<semaphore_mem>>) src(%dma_wait3A_812 : memref<100000x128xf32, #tpu.memory_space<hbm>>) dst(%dma_wait3A_806 : memref<40x128xf32, #tpu.memory_space<vmem>>)
        %mul3A_813 = arith.constant 79 : i32
        %mul3A_814 = arith.muli %add3A, %mul3A_813 : i32
        %add3A_815 = arith.addi %mul3A_814, %add3A_262 : i32
        %mul3A_816 = arith.constant 40 : i32
        %mul3A_817 = arith.muli %add3A_815, %mul3A_816 : i32
        %add3A_818 = arith.constant 100000 : i32
        %add3A_819 = arith.addi %add3A_818, %mul3A_817 : i32
        %dma_start3A_820 = arith.constant 0 : i32
        %dma_start3A_821 = arith.constant 0 : i32
        %dma_start3A_822 = arith.constant 0 : i32
        %dma_start3A_823 = tpu.memref_slice %arg7[%dma_start3A_820, %dma_start3A_821, %dma_start3A_822] : memref<8x40x128xf32, #tpu.memory_space<vmem>> -> memref<1x40x128xf32, #tpu.memory_space<vmem>>
        %dma_start3A_824 = tpu.memref_squeeze %dma_start3A_823 : memref<1x40x128xf32, #tpu.memory_space<vmem>> -> memref<40x128xf32, #tpu.memory_space<vmem>>
        %dma_start3A_825 = arith.constant 0 : i32
        %dma_start3A_826 = tpu.memref_slice %arg5[%add3A_819, %dma_start3A_825] : memref<200000x128xf32, #tpu.memory_space<hbm>> -> memref<40x128xf32, #tpu.memory_space<hbm>>
        %dma_start3A_827 = arith.constant 0 : i32
        %dma_start3A_828 = tpu.memref_slice %arg5[%add3A_819, %dma_start3A_827] : memref<200000x128xf32, #tpu.memory_space<hbm>> -> memref<40x128xf32, #tpu.memory_space<hbm>>
        %dma_start3A_829 = arith.constant 0 : i32
        %dma_start3A_830 = arith.constant 0 : i32
        %dma_start3A_831 = tpu.memref_slice %arg7[%dma_start3A_820, %dma_start3A_829, %dma_start3A_830] : memref<8x40x128xf32, #tpu.memory_space<vmem>> -> memref<1x40x128xf32, #tpu.memory_space<vmem>>
        %dma_start3A_832 = tpu.memref_squeeze %dma_start3A_831 : memref<1x40x128xf32, #tpu.memory_space<vmem>> -> memref<40x128xf32, #tpu.memory_space<vmem>>
        tpu.enqueue_dma source(%dma_start3A_832 : memref<40x128xf32, #tpu.memory_space<vmem>>) target(%dma_start3A_828 : memref<40x128xf32, #tpu.memory_space<hbm>>) target_semaphore(%arg25 : memref<!tpu.dma_semaphore, #tpu.memory_space<semaphore_mem>>)
      } else {
      }
      %mul3A_288 = arith.constant 8 : i32
      %mul3A_289 = arith.muli %add3A_185, %mul3A_288 : i32
      %add3A_290 = arith.constant 1 : i32
      %add3A_291 = arith.addi %mul3A_289, %add3A_290 : i32
      %ge3A_292 = arith.constant 2 : i32
      %ge3A_293 = arith.cmpi sge, %add3A_291, %ge3A_292 : i32
      %lt3A_294 = arith.cmpi slt, %add3A_291, %min3A_4 : i32
      %and3A_295 = arith.andi %ge3A_293, %lt3A_294 : i1
      %convert_element_type3A_296 = arith.extui %and3A_295 : i1 to i32
      %cond3A_297 = arith.constant 0 : i32
      %cond3A_298 = arith.cmpi ne, %convert_element_type3A_296, %cond3A_297 : i32
      scf.if %cond3A_298 {
        %sub3A_801 = arith.constant 2 : i32
        %sub3A_802 = arith.subi %add3A_291, %sub3A_801 : i32
        %mul3A_803 = arith.constant 79 : i32
        %mul3A_804 = arith.muli %add3A, %mul3A_803 : i32
        %add3A_805 = arith.addi %mul3A_804, %sub3A_802 : i32
        %mul3A_806 = arith.constant 40 : i32
        %mul3A_807 = arith.muli %add3A_805, %mul3A_806 : i32
        %add3A_808 = arith.constant 100000 : i32
        %add3A_809 = arith.addi %add3A_808, %mul3A_807 : i32
        %dma_wait3A_810 = arith.constant 7 : i32
        %dma_wait3A_811 = arith.constant 0 : i32
        %dma_wait3A_812 = arith.constant 0 : i32
        %dma_wait3A_813 = tpu.memref_slice %arg7[%dma_wait3A_810, %dma_wait3A_811, %dma_wait3A_812] : memref<8x40x128xf32, #tpu.memory_space<vmem>> -> memref<1x40x128xf32, #tpu.memory_space<vmem>>
        %dma_wait3A_814 = tpu.memref_squeeze %dma_wait3A_813 : memref<1x40x128xf32, #tpu.memory_space<vmem>> -> memref<40x128xf32, #tpu.memory_space<vmem>>
        %dma_wait3A_815 = arith.constant 0 : i32
        %dma_wait3A_816 = tpu.memref_slice %arg5[%add3A_809, %dma_wait3A_815] : memref<200000x128xf32, #tpu.memory_space<hbm>> -> memref<40x128xf32, #tpu.memory_space<hbm>>
        %dma_wait3A_817 = arith.constant 0 : i32
        %dma_wait3A_818 = tpu.memref_slice %arg5[%add3A_809, %dma_wait3A_817] : memref<200000x128xf32, #tpu.memory_space<hbm>> -> memref<40x128xf32, #tpu.memory_space<hbm>>
        %dma_wait3A_819 = arith.constant 0 : i32
        %dma_wait3A_820 = arith.constant 0 : i32
        %dma_wait3A_821 = tpu.memref_slice %arg7[%dma_wait3A_810, %dma_wait3A_819, %dma_wait3A_820] : memref<8x40x128xf32, #tpu.memory_space<vmem>> -> memref<1x40x128xf32, #tpu.memory_space<vmem>>
        %dma_wait3A_822 = tpu.memref_squeeze %dma_wait3A_821 : memref<1x40x128xf32, #tpu.memory_space<vmem>> -> memref<40x128xf32, #tpu.memory_space<vmem>>
        tpu.wait_dma2 semaphore(%arg32 : memref<!tpu.dma_semaphore, #tpu.memory_space<semaphore_mem>>) src(%dma_wait3A_822 : memref<40x128xf32, #tpu.memory_space<vmem>>) dst(%dma_wait3A_818 : memref<40x128xf32, #tpu.memory_space<hbm>>)
      } else {
      }
      %add3A_299 = arith.constant 8 : i32
      %add3A_300 = arith.addi %add3A_291, %add3A_299 : i32
      %sub3A_301 = arith.constant 2 : i32
      %sub3A_302 = arith.subi %add3A_300, %sub3A_301 : i32
      %lt3A_303 = arith.cmpi slt, %sub3A_302, %min3A_4 : i32
      %convert_element_type3A_304 = arith.extui %lt3A_303 : i1 to i32
      %cond3A_305 = arith.constant 0 : i32
      %cond3A_306 = arith.cmpi ne, %convert_element_type3A_304, %cond3A_305 : i32
      scf.if %cond3A_306 {
        %add3A_801 = arith.constant 8 : i32
        %add3A_802 = arith.addi %add3A_291, %add3A_801 : i32
        %sub3A_803 = arith.constant 2 : i32
        %sub3A_804 = arith.subi %add3A_802, %sub3A_803 : i32
        %dma_start3A_805 = arith.constant 0 : i32
        %dma_start3A_806 = arith.constant 7 : i32
        %dma_start3A_807 = arith.constant 0 : i32
        %dma_start3A_808 = arith.constant 0 : i32
        %dma_start3A_809 = tpu.memref_slice %arg7[%dma_start3A_806, %dma_start3A_807, %dma_start3A_808] : memref<8x40x128xf32, #tpu.memory_space<vmem>> -> memref<1x40x128xf32, #tpu.memory_space<vmem>>
        %dma_start3A_810 = tpu.memref_squeeze %dma_start3A_809 : memref<1x40x128xf32, #tpu.memory_space<vmem>> -> memref<40x128xf32, #tpu.memory_space<vmem>>
        %dma_start3A_811 = arith.constant 0 : i32
        %dma_start3A_812 = tpu.memref_slice %arg6[%sub3A_804, %dma_start3A_805, %dma_start3A_811] : memref<79x2x40xi32, #tpu.memory_space<vmem>> -> memref<1x1x40xi32, #tpu.memory_space<vmem>>
        %dma_start3A_813 = tpu.memref_squeeze %dma_start3A_812 : memref<1x1x40xi32, #tpu.memory_space<vmem>> -> memref<40xi32, #tpu.memory_space<vmem>>
        %dma_start3A_814 = arith.constant 0 : i32
        %dma_start3A_815 = arith.constant 0 : i32
        %dma_start3A_816 = tpu.memref_slice %arg3[%dma_start3A_814, %dma_start3A_815] : memref<100000x128xf32, #tpu.memory_space<hbm>> -> memref<100000x128xf32, #tpu.memory_space<hbm>>
        tpu.enqueue_indirect_dma source(%dma_start3A_816 : memref<100000x128xf32, #tpu.memory_space<hbm>>) target(%dma_start3A_810 : memref<40x128xf32, #tpu.memory_space<vmem>>) offsets(%dma_start3A_813 : memref<40xi32, #tpu.memory_space<vmem>>) semaphore(%arg16 : memref<!tpu.dma_semaphore, #tpu.memory_space<semaphore_mem>>)
      } else {
      }
      %add3A_307 = arith.constant 1 : i32
      %add3A_308 = arith.addi %add3A_291, %add3A_307 : i32
      %lt3A_309 = arith.cmpi slt, %add3A_308, %min3A_4 : i32
      %convert_element_type3A_310 = arith.extui %lt3A_309 : i1 to i32
      %cond3A_311 = arith.constant 0 : i32
      %cond3A_312 = arith.cmpi ne, %convert_element_type3A_310, %cond3A_311 : i32
      scf.if %cond3A_312 {
        %add3A_801 = arith.constant 1 : i32
        %add3A_802 = arith.addi %add3A_291, %add3A_801 : i32
        %dma_wait3A_803 = arith.constant 0 : i32
        %dma_wait3A_804 = arith.constant 2 : i32
        %dma_wait3A_805 = arith.constant 0 : i32
        %dma_wait3A_806 = arith.constant 0 : i32
        %dma_wait3A_807 = tpu.memref_slice %arg7[%dma_wait3A_804, %dma_wait3A_805, %dma_wait3A_806] : memref<8x40x128xf32, #tpu.memory_space<vmem>> -> memref<1x40x128xf32, #tpu.memory_space<vmem>>
        %dma_wait3A_808 = tpu.memref_squeeze %dma_wait3A_807 : memref<1x40x128xf32, #tpu.memory_space<vmem>> -> memref<40x128xf32, #tpu.memory_space<vmem>>
        %dma_wait3A_809 = arith.constant 0 : i32
        %dma_wait3A_810 = tpu.memref_slice %arg6[%add3A_802, %dma_wait3A_803, %dma_wait3A_809] : memref<79x2x40xi32, #tpu.memory_space<vmem>> -> memref<1x1x40xi32, #tpu.memory_space<vmem>>
        %dma_wait3A_811 = tpu.memref_squeeze %dma_wait3A_810 : memref<1x1x40xi32, #tpu.memory_space<vmem>> -> memref<40xi32, #tpu.memory_space<vmem>>
        %dma_wait3A_812 = arith.constant 0 : i32
        %dma_wait3A_813 = arith.constant 0 : i32
        %dma_wait3A_814 = tpu.memref_slice %arg3[%dma_wait3A_812, %dma_wait3A_813] : memref<100000x128xf32, #tpu.memory_space<hbm>> -> memref<100000x128xf32, #tpu.memory_space<hbm>>
        tpu.wait_indirect_dma semaphore(%arg11 : memref<!tpu.dma_semaphore, #tpu.memory_space<semaphore_mem>>) src(%dma_wait3A_814 : memref<100000x128xf32, #tpu.memory_space<hbm>>) dst(%dma_wait3A_808 : memref<40x128xf32, #tpu.memory_space<vmem>>)
        %add3A_815 = arith.constant 1 : i32
        %add3A_816 = arith.addi %add3A_291, %add3A_815 : i32
        %dma_start3A_817 = arith.constant 1 : i32
        %dma_start3A_818 = arith.constant 2 : i32
        %dma_start3A_819 = arith.constant 0 : i32
        %dma_start3A_820 = arith.constant 0 : i32
        %dma_start3A_821 = tpu.memref_slice %arg7[%dma_start3A_818, %dma_start3A_819, %dma_start3A_820] : memref<8x40x128xf32, #tpu.memory_space<vmem>> -> memref<1x40x128xf32, #tpu.memory_space<vmem>>
        %dma_start3A_822 = tpu.memref_squeeze %dma_start3A_821 : memref<1x40x128xf32, #tpu.memory_space<vmem>> -> memref<40x128xf32, #tpu.memory_space<vmem>>
        %dma_start3A_823 = arith.constant 0 : i32
        %dma_start3A_824 = tpu.memref_slice %arg6[%add3A_816, %dma_start3A_817, %dma_start3A_823] : memref<79x2x40xi32, #tpu.memory_space<vmem>> -> memref<1x1x40xi32, #tpu.memory_space<vmem>>
        %dma_start3A_825 = tpu.memref_squeeze %dma_start3A_824 : memref<1x1x40xi32, #tpu.memory_space<vmem>> -> memref<40xi32, #tpu.memory_space<vmem>>
        %dma_start3A_826 = arith.constant 0 : i32
        %dma_start3A_827 = arith.constant 0 : i32
        %dma_start3A_828 = tpu.memref_slice %arg3[%dma_start3A_826, %dma_start3A_827] : memref<100000x128xf32, #tpu.memory_space<hbm>> -> memref<100000x128xf32, #tpu.memory_space<hbm>>
        tpu.enqueue_indirect_dma source(%dma_start3A_828 : memref<100000x128xf32, #tpu.memory_space<hbm>>) target(%dma_start3A_822 : memref<40x128xf32, #tpu.memory_space<vmem>>) offsets(%dma_start3A_825 : memref<40xi32, #tpu.memory_space<vmem>>) semaphore(%arg19 : memref<!tpu.dma_semaphore, #tpu.memory_space<semaphore_mem>>) {add = true}
      } else {
      }
      %lt3A_313 = arith.cmpi slt, %add3A_291, %min3A_4 : i32
      %convert_element_type3A_314 = arith.extui %lt3A_313 : i1 to i32
      %cond3A_315 = arith.constant 0 : i32
      %cond3A_316 = arith.cmpi ne, %convert_element_type3A_314, %cond3A_315 : i32
      scf.if %cond3A_316 {
        %dma_wait3A_801 = arith.constant 1 : i32
        %dma_wait3A_802 = arith.constant 1 : i32
        %dma_wait3A_803 = arith.constant 0 : i32
        %dma_wait3A_804 = arith.constant 0 : i32
        %dma_wait3A_805 = tpu.memref_slice %arg7[%dma_wait3A_802, %dma_wait3A_803, %dma_wait3A_804] : memref<8x40x128xf32, #tpu.memory_space<vmem>> -> memref<1x40x128xf32, #tpu.memory_space<vmem>>
        %dma_wait3A_806 = tpu.memref_squeeze %dma_wait3A_805 : memref<1x40x128xf32, #tpu.memory_space<vmem>> -> memref<40x128xf32, #tpu.memory_space<vmem>>
        %dma_wait3A_807 = arith.constant 0 : i32
        %dma_wait3A_808 = tpu.memref_slice %arg6[%add3A_291, %dma_wait3A_801, %dma_wait3A_807] : memref<79x2x40xi32, #tpu.memory_space<vmem>> -> memref<1x1x40xi32, #tpu.memory_space<vmem>>
        %dma_wait3A_809 = tpu.memref_squeeze %dma_wait3A_808 : memref<1x1x40xi32, #tpu.memory_space<vmem>> -> memref<40xi32, #tpu.memory_space<vmem>>
        %dma_wait3A_810 = arith.constant 0 : i32
        %dma_wait3A_811 = arith.constant 0 : i32
        %dma_wait3A_812 = tpu.memref_slice %arg3[%dma_wait3A_810, %dma_wait3A_811] : memref<100000x128xf32, #tpu.memory_space<hbm>> -> memref<100000x128xf32, #tpu.memory_space<hbm>>
        tpu.wait_indirect_dma semaphore(%arg18 : memref<!tpu.dma_semaphore, #tpu.memory_space<semaphore_mem>>) src(%dma_wait3A_812 : memref<100000x128xf32, #tpu.memory_space<hbm>>) dst(%dma_wait3A_806 : memref<40x128xf32, #tpu.memory_space<vmem>>)
        %mul3A_813 = arith.constant 79 : i32
        %mul3A_814 = arith.muli %add3A, %mul3A_813 : i32
        %add3A_815 = arith.addi %mul3A_814, %add3A_291 : i32
        %mul3A_816 = arith.constant 40 : i32
        %mul3A_817 = arith.muli %add3A_815, %mul3A_816 : i32
        %add3A_818 = arith.constant 100000 : i32
        %add3A_819 = arith.addi %add3A_818, %mul3A_817 : i32
        %dma_start3A_820 = arith.constant 1 : i32
        %dma_start3A_821 = arith.constant 0 : i32
        %dma_start3A_822 = arith.constant 0 : i32
        %dma_start3A_823 = tpu.memref_slice %arg7[%dma_start3A_820, %dma_start3A_821, %dma_start3A_822] : memref<8x40x128xf32, #tpu.memory_space<vmem>> -> memref<1x40x128xf32, #tpu.memory_space<vmem>>
        %dma_start3A_824 = tpu.memref_squeeze %dma_start3A_823 : memref<1x40x128xf32, #tpu.memory_space<vmem>> -> memref<40x128xf32, #tpu.memory_space<vmem>>
        %dma_start3A_825 = arith.constant 0 : i32
        %dma_start3A_826 = tpu.memref_slice %arg5[%add3A_819, %dma_start3A_825] : memref<200000x128xf32, #tpu.memory_space<hbm>> -> memref<40x128xf32, #tpu.memory_space<hbm>>
        %dma_start3A_827 = arith.constant 0 : i32
        %dma_start3A_828 = tpu.memref_slice %arg5[%add3A_819, %dma_start3A_827] : memref<200000x128xf32, #tpu.memory_space<hbm>> -> memref<40x128xf32, #tpu.memory_space<hbm>>
        %dma_start3A_829 = arith.constant 0 : i32
        %dma_start3A_830 = arith.constant 0 : i32
        %dma_start3A_831 = tpu.memref_slice %arg7[%dma_start3A_820, %dma_start3A_829, %dma_start3A_830] : memref<8x40x128xf32, #tpu.memory_space<vmem>> -> memref<1x40x128xf32, #tpu.memory_space<vmem>>
        %dma_start3A_832 = tpu.memref_squeeze %dma_start3A_831 : memref<1x40x128xf32, #tpu.memory_space<vmem>> -> memref<40x128xf32, #tpu.memory_space<vmem>>
        tpu.enqueue_dma source(%dma_start3A_832 : memref<40x128xf32, #tpu.memory_space<vmem>>) target(%dma_start3A_828 : memref<40x128xf32, #tpu.memory_space<hbm>>) target_semaphore(%arg26 : memref<!tpu.dma_semaphore, #tpu.memory_space<semaphore_mem>>)
      } else {
      }
      %mul3A_317 = arith.constant 8 : i32
      %mul3A_318 = arith.muli %add3A_185, %mul3A_317 : i32
      %add3A_319 = arith.constant 2 : i32
      %add3A_320 = arith.addi %mul3A_318, %add3A_319 : i32
      %ge3A_321 = arith.constant 2 : i32
      %ge3A_322 = arith.cmpi sge, %add3A_320, %ge3A_321 : i32
      %lt3A_323 = arith.cmpi slt, %add3A_320, %min3A_4 : i32
      %and3A_324 = arith.andi %ge3A_322, %lt3A_323 : i1
      %convert_element_type3A_325 = arith.extui %and3A_324 : i1 to i32
      %cond3A_326 = arith.constant 0 : i32
      %cond3A_327 = arith.cmpi ne, %convert_element_type3A_325, %cond3A_326 : i32
      scf.if %cond3A_327 {
        %sub3A_801 = arith.constant 2 : i32
        %sub3A_802 = arith.subi %add3A_320, %sub3A_801 : i32
        %mul3A_803 = arith.constant 79 : i32
        %mul3A_804 = arith.muli %add3A, %mul3A_803 : i32
        %add3A_805 = arith.addi %mul3A_804, %sub3A_802 : i32
        %mul3A_806 = arith.constant 40 : i32
        %mul3A_807 = arith.muli %add3A_805, %mul3A_806 : i32
        %add3A_808 = arith.constant 100000 : i32
        %add3A_809 = arith.addi %add3A_808, %mul3A_807 : i32
        %dma_wait3A_810 = arith.constant 0 : i32
        %dma_wait3A_811 = arith.constant 0 : i32
        %dma_wait3A_812 = arith.constant 0 : i32
        %dma_wait3A_813 = tpu.memref_slice %arg7[%dma_wait3A_810, %dma_wait3A_811, %dma_wait3A_812] : memref<8x40x128xf32, #tpu.memory_space<vmem>> -> memref<1x40x128xf32, #tpu.memory_space<vmem>>
        %dma_wait3A_814 = tpu.memref_squeeze %dma_wait3A_813 : memref<1x40x128xf32, #tpu.memory_space<vmem>> -> memref<40x128xf32, #tpu.memory_space<vmem>>
        %dma_wait3A_815 = arith.constant 0 : i32
        %dma_wait3A_816 = tpu.memref_slice %arg5[%add3A_809, %dma_wait3A_815] : memref<200000x128xf32, #tpu.memory_space<hbm>> -> memref<40x128xf32, #tpu.memory_space<hbm>>
        %dma_wait3A_817 = arith.constant 0 : i32
        %dma_wait3A_818 = tpu.memref_slice %arg5[%add3A_809, %dma_wait3A_817] : memref<200000x128xf32, #tpu.memory_space<hbm>> -> memref<40x128xf32, #tpu.memory_space<hbm>>
        %dma_wait3A_819 = arith.constant 0 : i32
        %dma_wait3A_820 = arith.constant 0 : i32
        %dma_wait3A_821 = tpu.memref_slice %arg7[%dma_wait3A_810, %dma_wait3A_819, %dma_wait3A_820] : memref<8x40x128xf32, #tpu.memory_space<vmem>> -> memref<1x40x128xf32, #tpu.memory_space<vmem>>
        %dma_wait3A_822 = tpu.memref_squeeze %dma_wait3A_821 : memref<1x40x128xf32, #tpu.memory_space<vmem>> -> memref<40x128xf32, #tpu.memory_space<vmem>>
        tpu.wait_dma2 semaphore(%arg25 : memref<!tpu.dma_semaphore, #tpu.memory_space<semaphore_mem>>) src(%dma_wait3A_822 : memref<40x128xf32, #tpu.memory_space<vmem>>) dst(%dma_wait3A_818 : memref<40x128xf32, #tpu.memory_space<hbm>>)
      } else {
      }
      %add3A_328 = arith.constant 8 : i32
      %add3A_329 = arith.addi %add3A_320, %add3A_328 : i32
      %sub3A_330 = arith.constant 2 : i32
      %sub3A_331 = arith.subi %add3A_329, %sub3A_330 : i32
      %lt3A_332 = arith.cmpi slt, %sub3A_331, %min3A_4 : i32
      %convert_element_type3A_333 = arith.extui %lt3A_332 : i1 to i32
      %cond3A_334 = arith.constant 0 : i32
      %cond3A_335 = arith.cmpi ne, %convert_element_type3A_333, %cond3A_334 : i32
      scf.if %cond3A_335 {
        %add3A_801 = arith.constant 8 : i32
        %add3A_802 = arith.addi %add3A_320, %add3A_801 : i32
        %sub3A_803 = arith.constant 2 : i32
        %sub3A_804 = arith.subi %add3A_802, %sub3A_803 : i32
        %dma_start3A_805 = arith.constant 0 : i32
        %dma_start3A_806 = arith.constant 0 : i32
        %dma_start3A_807 = arith.constant 0 : i32
        %dma_start3A_808 = arith.constant 0 : i32
        %dma_start3A_809 = tpu.memref_slice %arg7[%dma_start3A_806, %dma_start3A_807, %dma_start3A_808] : memref<8x40x128xf32, #tpu.memory_space<vmem>> -> memref<1x40x128xf32, #tpu.memory_space<vmem>>
        %dma_start3A_810 = tpu.memref_squeeze %dma_start3A_809 : memref<1x40x128xf32, #tpu.memory_space<vmem>> -> memref<40x128xf32, #tpu.memory_space<vmem>>
        %dma_start3A_811 = arith.constant 0 : i32
        %dma_start3A_812 = tpu.memref_slice %arg6[%sub3A_804, %dma_start3A_805, %dma_start3A_811] : memref<79x2x40xi32, #tpu.memory_space<vmem>> -> memref<1x1x40xi32, #tpu.memory_space<vmem>>
        %dma_start3A_813 = tpu.memref_squeeze %dma_start3A_812 : memref<1x1x40xi32, #tpu.memory_space<vmem>> -> memref<40xi32, #tpu.memory_space<vmem>>
        %dma_start3A_814 = arith.constant 0 : i32
        %dma_start3A_815 = arith.constant 0 : i32
        %dma_start3A_816 = tpu.memref_slice %arg3[%dma_start3A_814, %dma_start3A_815] : memref<100000x128xf32, #tpu.memory_space<hbm>> -> memref<100000x128xf32, #tpu.memory_space<hbm>>
        tpu.enqueue_indirect_dma source(%dma_start3A_816 : memref<100000x128xf32, #tpu.memory_space<hbm>>) target(%dma_start3A_810 : memref<40x128xf32, #tpu.memory_space<vmem>>) offsets(%dma_start3A_813 : memref<40xi32, #tpu.memory_space<vmem>>) semaphore(%arg9 : memref<!tpu.dma_semaphore, #tpu.memory_space<semaphore_mem>>)
      } else {
      }
      %add3A_336 = arith.constant 1 : i32
      %add3A_337 = arith.addi %add3A_320, %add3A_336 : i32
      %lt3A_338 = arith.cmpi slt, %add3A_337, %min3A_4 : i32
      %convert_element_type3A_339 = arith.extui %lt3A_338 : i1 to i32
      %cond3A_340 = arith.constant 0 : i32
      %cond3A_341 = arith.cmpi ne, %convert_element_type3A_339, %cond3A_340 : i32
      scf.if %cond3A_341 {
        %add3A_801 = arith.constant 1 : i32
        %add3A_802 = arith.addi %add3A_320, %add3A_801 : i32
        %dma_wait3A_803 = arith.constant 0 : i32
        %dma_wait3A_804 = arith.constant 3 : i32
        %dma_wait3A_805 = arith.constant 0 : i32
        %dma_wait3A_806 = arith.constant 0 : i32
        %dma_wait3A_807 = tpu.memref_slice %arg7[%dma_wait3A_804, %dma_wait3A_805, %dma_wait3A_806] : memref<8x40x128xf32, #tpu.memory_space<vmem>> -> memref<1x40x128xf32, #tpu.memory_space<vmem>>
        %dma_wait3A_808 = tpu.memref_squeeze %dma_wait3A_807 : memref<1x40x128xf32, #tpu.memory_space<vmem>> -> memref<40x128xf32, #tpu.memory_space<vmem>>
        %dma_wait3A_809 = arith.constant 0 : i32
        %dma_wait3A_810 = tpu.memref_slice %arg6[%add3A_802, %dma_wait3A_803, %dma_wait3A_809] : memref<79x2x40xi32, #tpu.memory_space<vmem>> -> memref<1x1x40xi32, #tpu.memory_space<vmem>>
        %dma_wait3A_811 = tpu.memref_squeeze %dma_wait3A_810 : memref<1x1x40xi32, #tpu.memory_space<vmem>> -> memref<40xi32, #tpu.memory_space<vmem>>
        %dma_wait3A_812 = arith.constant 0 : i32
        %dma_wait3A_813 = arith.constant 0 : i32
        %dma_wait3A_814 = tpu.memref_slice %arg3[%dma_wait3A_812, %dma_wait3A_813] : memref<100000x128xf32, #tpu.memory_space<hbm>> -> memref<100000x128xf32, #tpu.memory_space<hbm>>
        tpu.wait_indirect_dma semaphore(%arg12 : memref<!tpu.dma_semaphore, #tpu.memory_space<semaphore_mem>>) src(%dma_wait3A_814 : memref<100000x128xf32, #tpu.memory_space<hbm>>) dst(%dma_wait3A_808 : memref<40x128xf32, #tpu.memory_space<vmem>>)
        %add3A_815 = arith.constant 1 : i32
        %add3A_816 = arith.addi %add3A_320, %add3A_815 : i32
        %dma_start3A_817 = arith.constant 1 : i32
        %dma_start3A_818 = arith.constant 3 : i32
        %dma_start3A_819 = arith.constant 0 : i32
        %dma_start3A_820 = arith.constant 0 : i32
        %dma_start3A_821 = tpu.memref_slice %arg7[%dma_start3A_818, %dma_start3A_819, %dma_start3A_820] : memref<8x40x128xf32, #tpu.memory_space<vmem>> -> memref<1x40x128xf32, #tpu.memory_space<vmem>>
        %dma_start3A_822 = tpu.memref_squeeze %dma_start3A_821 : memref<1x40x128xf32, #tpu.memory_space<vmem>> -> memref<40x128xf32, #tpu.memory_space<vmem>>
        %dma_start3A_823 = arith.constant 0 : i32
        %dma_start3A_824 = tpu.memref_slice %arg6[%add3A_816, %dma_start3A_817, %dma_start3A_823] : memref<79x2x40xi32, #tpu.memory_space<vmem>> -> memref<1x1x40xi32, #tpu.memory_space<vmem>>
        %dma_start3A_825 = tpu.memref_squeeze %dma_start3A_824 : memref<1x1x40xi32, #tpu.memory_space<vmem>> -> memref<40xi32, #tpu.memory_space<vmem>>
        %dma_start3A_826 = arith.constant 0 : i32
        %dma_start3A_827 = arith.constant 0 : i32
        %dma_start3A_828 = tpu.memref_slice %arg3[%dma_start3A_826, %dma_start3A_827] : memref<100000x128xf32, #tpu.memory_space<hbm>> -> memref<100000x128xf32, #tpu.memory_space<hbm>>
        tpu.enqueue_indirect_dma source(%dma_start3A_828 : memref<100000x128xf32, #tpu.memory_space<hbm>>) target(%dma_start3A_822 : memref<40x128xf32, #tpu.memory_space<vmem>>) offsets(%dma_start3A_825 : memref<40xi32, #tpu.memory_space<vmem>>) semaphore(%arg20 : memref<!tpu.dma_semaphore, #tpu.memory_space<semaphore_mem>>) {add = true}
      } else {
      }
      %lt3A_342 = arith.cmpi slt, %add3A_320, %min3A_4 : i32
      %convert_element_type3A_343 = arith.extui %lt3A_342 : i1 to i32
      %cond3A_344 = arith.constant 0 : i32
      %cond3A_345 = arith.cmpi ne, %convert_element_type3A_343, %cond3A_344 : i32
      scf.if %cond3A_345 {
        %dma_wait3A_801 = arith.constant 1 : i32
        %dma_wait3A_802 = arith.constant 2 : i32
        %dma_wait3A_803 = arith.constant 0 : i32
        %dma_wait3A_804 = arith.constant 0 : i32
        %dma_wait3A_805 = tpu.memref_slice %arg7[%dma_wait3A_802, %dma_wait3A_803, %dma_wait3A_804] : memref<8x40x128xf32, #tpu.memory_space<vmem>> -> memref<1x40x128xf32, #tpu.memory_space<vmem>>
        %dma_wait3A_806 = tpu.memref_squeeze %dma_wait3A_805 : memref<1x40x128xf32, #tpu.memory_space<vmem>> -> memref<40x128xf32, #tpu.memory_space<vmem>>
        %dma_wait3A_807 = arith.constant 0 : i32
        %dma_wait3A_808 = tpu.memref_slice %arg6[%add3A_320, %dma_wait3A_801, %dma_wait3A_807] : memref<79x2x40xi32, #tpu.memory_space<vmem>> -> memref<1x1x40xi32, #tpu.memory_space<vmem>>
        %dma_wait3A_809 = tpu.memref_squeeze %dma_wait3A_808 : memref<1x1x40xi32, #tpu.memory_space<vmem>> -> memref<40xi32, #tpu.memory_space<vmem>>
        %dma_wait3A_810 = arith.constant 0 : i32
        %dma_wait3A_811 = arith.constant 0 : i32
        %dma_wait3A_812 = tpu.memref_slice %arg3[%dma_wait3A_810, %dma_wait3A_811] : memref<100000x128xf32, #tpu.memory_space<hbm>> -> memref<100000x128xf32, #tpu.memory_space<hbm>>
        tpu.wait_indirect_dma semaphore(%arg19 : memref<!tpu.dma_semaphore, #tpu.memory_space<semaphore_mem>>) src(%dma_wait3A_812 : memref<100000x128xf32, #tpu.memory_space<hbm>>) dst(%dma_wait3A_806 : memref<40x128xf32, #tpu.memory_space<vmem>>)
        %mul3A_813 = arith.constant 79 : i32
        %mul3A_814 = arith.muli %add3A, %mul3A_813 : i32
        %add3A_815 = arith.addi %mul3A_814, %add3A_320 : i32
        %mul3A_816 = arith.constant 40 : i32
        %mul3A_817 = arith.muli %add3A_815, %mul3A_816 : i32
        %add3A_818 = arith.constant 100000 : i32
        %add3A_819 = arith.addi %add3A_818, %mul3A_817 : i32
        %dma_start3A_820 = arith.constant 2 : i32
        %dma_start3A_821 = arith.constant 0 : i32
        %dma_start3A_822 = arith.constant 0 : i32
        %dma_start3A_823 = tpu.memref_slice %arg7[%dma_start3A_820, %dma_start3A_821, %dma_start3A_822] : memref<8x40x128xf32, #tpu.memory_space<vmem>> -> memref<1x40x128xf32, #tpu.memory_space<vmem>>
        %dma_start3A_824 = tpu.memref_squeeze %dma_start3A_823 : memref<1x40x128xf32, #tpu.memory_space<vmem>> -> memref<40x128xf32, #tpu.memory_space<vmem>>
        %dma_start3A_825 = arith.constant 0 : i32
        %dma_start3A_826 = tpu.memref_slice %arg5[%add3A_819, %dma_start3A_825] : memref<200000x128xf32, #tpu.memory_space<hbm>> -> memref<40x128xf32, #tpu.memory_space<hbm>>
        %dma_start3A_827 = arith.constant 0 : i32
        %dma_start3A_828 = tpu.memref_slice %arg5[%add3A_819, %dma_start3A_827] : memref<200000x128xf32, #tpu.memory_space<hbm>> -> memref<40x128xf32, #tpu.memory_space<hbm>>
        %dma_start3A_829 = arith.constant 0 : i32
        %dma_start3A_830 = arith.constant 0 : i32
        %dma_start3A_831 = tpu.memref_slice %arg7[%dma_start3A_820, %dma_start3A_829, %dma_start3A_830] : memref<8x40x128xf32, #tpu.memory_space<vmem>> -> memref<1x40x128xf32, #tpu.memory_space<vmem>>
        %dma_start3A_832 = tpu.memref_squeeze %dma_start3A_831 : memref<1x40x128xf32, #tpu.memory_space<vmem>> -> memref<40x128xf32, #tpu.memory_space<vmem>>
        tpu.enqueue_dma source(%dma_start3A_832 : memref<40x128xf32, #tpu.memory_space<vmem>>) target(%dma_start3A_828 : memref<40x128xf32, #tpu.memory_space<hbm>>) target_semaphore(%arg27 : memref<!tpu.dma_semaphore, #tpu.memory_space<semaphore_mem>>)
      } else {
      }
      %mul3A_346 = arith.constant 8 : i32
      %mul3A_347 = arith.muli %add3A_185, %mul3A_346 : i32
      %add3A_348 = arith.constant 3 : i32
      %add3A_349 = arith.addi %mul3A_347, %add3A_348 : i32
      %ge3A_350 = arith.constant 2 : i32
      %ge3A_351 = arith.cmpi sge, %add3A_349, %ge3A_350 : i32
      %lt3A_352 = arith.cmpi slt, %add3A_349, %min3A_4 : i32
      %and3A_353 = arith.andi %ge3A_351, %lt3A_352 : i1
      %convert_element_type3A_354 = arith.extui %and3A_353 : i1 to i32
      %cond3A_355 = arith.constant 0 : i32
      %cond3A_356 = arith.cmpi ne, %convert_element_type3A_354, %cond3A_355 : i32
      scf.if %cond3A_356 {
        %sub3A_801 = arith.constant 2 : i32
        %sub3A_802 = arith.subi %add3A_349, %sub3A_801 : i32
        %mul3A_803 = arith.constant 79 : i32
        %mul3A_804 = arith.muli %add3A, %mul3A_803 : i32
        %add3A_805 = arith.addi %mul3A_804, %sub3A_802 : i32
        %mul3A_806 = arith.constant 40 : i32
        %mul3A_807 = arith.muli %add3A_805, %mul3A_806 : i32
        %add3A_808 = arith.constant 100000 : i32
        %add3A_809 = arith.addi %add3A_808, %mul3A_807 : i32
        %dma_wait3A_810 = arith.constant 1 : i32
        %dma_wait3A_811 = arith.constant 0 : i32
        %dma_wait3A_812 = arith.constant 0 : i32
        %dma_wait3A_813 = tpu.memref_slice %arg7[%dma_wait3A_810, %dma_wait3A_811, %dma_wait3A_812] : memref<8x40x128xf32, #tpu.memory_space<vmem>> -> memref<1x40x128xf32, #tpu.memory_space<vmem>>
        %dma_wait3A_814 = tpu.memref_squeeze %dma_wait3A_813 : memref<1x40x128xf32, #tpu.memory_space<vmem>> -> memref<40x128xf32, #tpu.memory_space<vmem>>
        %dma_wait3A_815 = arith.constant 0 : i32
        %dma_wait3A_816 = tpu.memref_slice %arg5[%add3A_809, %dma_wait3A_815] : memref<200000x128xf32, #tpu.memory_space<hbm>> -> memref<40x128xf32, #tpu.memory_space<hbm>>
        %dma_wait3A_817 = arith.constant 0 : i32
        %dma_wait3A_818 = tpu.memref_slice %arg5[%add3A_809, %dma_wait3A_817] : memref<200000x128xf32, #tpu.memory_space<hbm>> -> memref<40x128xf32, #tpu.memory_space<hbm>>
        %dma_wait3A_819 = arith.constant 0 : i32
        %dma_wait3A_820 = arith.constant 0 : i32
        %dma_wait3A_821 = tpu.memref_slice %arg7[%dma_wait3A_810, %dma_wait3A_819, %dma_wait3A_820] : memref<8x40x128xf32, #tpu.memory_space<vmem>> -> memref<1x40x128xf32, #tpu.memory_space<vmem>>
        %dma_wait3A_822 = tpu.memref_squeeze %dma_wait3A_821 : memref<1x40x128xf32, #tpu.memory_space<vmem>> -> memref<40x128xf32, #tpu.memory_space<vmem>>
        tpu.wait_dma2 semaphore(%arg26 : memref<!tpu.dma_semaphore, #tpu.memory_space<semaphore_mem>>) src(%dma_wait3A_822 : memref<40x128xf32, #tpu.memory_space<vmem>>) dst(%dma_wait3A_818 : memref<40x128xf32, #tpu.memory_space<hbm>>)
      } else {
      }
      %add3A_357 = arith.constant 8 : i32
      %add3A_358 = arith.addi %add3A_349, %add3A_357 : i32
      %sub3A_359 = arith.constant 2 : i32
      %sub3A_360 = arith.subi %add3A_358, %sub3A_359 : i32
      %lt3A_361 = arith.cmpi slt, %sub3A_360, %min3A_4 : i32
      %convert_element_type3A_362 = arith.extui %lt3A_361 : i1 to i32
      %cond3A_363 = arith.constant 0 : i32
      %cond3A_364 = arith.cmpi ne, %convert_element_type3A_362, %cond3A_363 : i32
      scf.if %cond3A_364 {
        %add3A_801 = arith.constant 8 : i32
        %add3A_802 = arith.addi %add3A_349, %add3A_801 : i32
        %sub3A_803 = arith.constant 2 : i32
        %sub3A_804 = arith.subi %add3A_802, %sub3A_803 : i32
        %dma_start3A_805 = arith.constant 0 : i32
        %dma_start3A_806 = arith.constant 1 : i32
        %dma_start3A_807 = arith.constant 0 : i32
        %dma_start3A_808 = arith.constant 0 : i32
        %dma_start3A_809 = tpu.memref_slice %arg7[%dma_start3A_806, %dma_start3A_807, %dma_start3A_808] : memref<8x40x128xf32, #tpu.memory_space<vmem>> -> memref<1x40x128xf32, #tpu.memory_space<vmem>>
        %dma_start3A_810 = tpu.memref_squeeze %dma_start3A_809 : memref<1x40x128xf32, #tpu.memory_space<vmem>> -> memref<40x128xf32, #tpu.memory_space<vmem>>
        %dma_start3A_811 = arith.constant 0 : i32
        %dma_start3A_812 = tpu.memref_slice %arg6[%sub3A_804, %dma_start3A_805, %dma_start3A_811] : memref<79x2x40xi32, #tpu.memory_space<vmem>> -> memref<1x1x40xi32, #tpu.memory_space<vmem>>
        %dma_start3A_813 = tpu.memref_squeeze %dma_start3A_812 : memref<1x1x40xi32, #tpu.memory_space<vmem>> -> memref<40xi32, #tpu.memory_space<vmem>>
        %dma_start3A_814 = arith.constant 0 : i32
        %dma_start3A_815 = arith.constant 0 : i32
        %dma_start3A_816 = tpu.memref_slice %arg3[%dma_start3A_814, %dma_start3A_815] : memref<100000x128xf32, #tpu.memory_space<hbm>> -> memref<100000x128xf32, #tpu.memory_space<hbm>>
        tpu.enqueue_indirect_dma source(%dma_start3A_816 : memref<100000x128xf32, #tpu.memory_space<hbm>>) target(%dma_start3A_810 : memref<40x128xf32, #tpu.memory_space<vmem>>) offsets(%dma_start3A_813 : memref<40xi32, #tpu.memory_space<vmem>>) semaphore(%arg10 : memref<!tpu.dma_semaphore, #tpu.memory_space<semaphore_mem>>)
      } else {
      }
      %add3A_365 = arith.constant 1 : i32
      %add3A_366 = arith.addi %add3A_349, %add3A_365 : i32
      %lt3A_367 = arith.cmpi slt, %add3A_366, %min3A_4 : i32
      %convert_element_type3A_368 = arith.extui %lt3A_367 : i1 to i32
      %cond3A_369 = arith.constant 0 : i32
      %cond3A_370 = arith.cmpi ne, %convert_element_type3A_368, %cond3A_369 : i32
      scf.if %cond3A_370 {
        %add3A_801 = arith.constant 1 : i32
        %add3A_802 = arith.addi %add3A_349, %add3A_801 : i32
        %dma_wait3A_803 = arith.constant 0 : i32
        %dma_wait3A_804 = arith.constant 4 : i32
        %dma_wait3A_805 = arith.constant 0 : i32
        %dma_wait3A_806 = arith.constant 0 : i32
        %dma_wait3A_807 = tpu.memref_slice %arg7[%dma_wait3A_804, %dma_wait3A_805, %dma_wait3A_806] : memref<8x40x128xf32, #tpu.memory_space<vmem>> -> memref<1x40x128xf32, #tpu.memory_space<vmem>>
        %dma_wait3A_808 = tpu.memref_squeeze %dma_wait3A_807 : memref<1x40x128xf32, #tpu.memory_space<vmem>> -> memref<40x128xf32, #tpu.memory_space<vmem>>
        %dma_wait3A_809 = arith.constant 0 : i32
        %dma_wait3A_810 = tpu.memref_slice %arg6[%add3A_802, %dma_wait3A_803, %dma_wait3A_809] : memref<79x2x40xi32, #tpu.memory_space<vmem>> -> memref<1x1x40xi32, #tpu.memory_space<vmem>>
        %dma_wait3A_811 = tpu.memref_squeeze %dma_wait3A_810 : memref<1x1x40xi32, #tpu.memory_space<vmem>> -> memref<40xi32, #tpu.memory_space<vmem>>
        %dma_wait3A_812 = arith.constant 0 : i32
        %dma_wait3A_813 = arith.constant 0 : i32
        %dma_wait3A_814 = tpu.memref_slice %arg3[%dma_wait3A_812, %dma_wait3A_813] : memref<100000x128xf32, #tpu.memory_space<hbm>> -> memref<100000x128xf32, #tpu.memory_space<hbm>>
        tpu.wait_indirect_dma semaphore(%arg13 : memref<!tpu.dma_semaphore, #tpu.memory_space<semaphore_mem>>) src(%dma_wait3A_814 : memref<100000x128xf32, #tpu.memory_space<hbm>>) dst(%dma_wait3A_808 : memref<40x128xf32, #tpu.memory_space<vmem>>)
        %add3A_815 = arith.constant 1 : i32
        %add3A_816 = arith.addi %add3A_349, %add3A_815 : i32
        %dma_start3A_817 = arith.constant 1 : i32
        %dma_start3A_818 = arith.constant 4 : i32
        %dma_start3A_819 = arith.constant 0 : i32
        %dma_start3A_820 = arith.constant 0 : i32
        %dma_start3A_821 = tpu.memref_slice %arg7[%dma_start3A_818, %dma_start3A_819, %dma_start3A_820] : memref<8x40x128xf32, #tpu.memory_space<vmem>> -> memref<1x40x128xf32, #tpu.memory_space<vmem>>
        %dma_start3A_822 = tpu.memref_squeeze %dma_start3A_821 : memref<1x40x128xf32, #tpu.memory_space<vmem>> -> memref<40x128xf32, #tpu.memory_space<vmem>>
        %dma_start3A_823 = arith.constant 0 : i32
        %dma_start3A_824 = tpu.memref_slice %arg6[%add3A_816, %dma_start3A_817, %dma_start3A_823] : memref<79x2x40xi32, #tpu.memory_space<vmem>> -> memref<1x1x40xi32, #tpu.memory_space<vmem>>
        %dma_start3A_825 = tpu.memref_squeeze %dma_start3A_824 : memref<1x1x40xi32, #tpu.memory_space<vmem>> -> memref<40xi32, #tpu.memory_space<vmem>>
        %dma_start3A_826 = arith.constant 0 : i32
        %dma_start3A_827 = arith.constant 0 : i32
        %dma_start3A_828 = tpu.memref_slice %arg3[%dma_start3A_826, %dma_start3A_827] : memref<100000x128xf32, #tpu.memory_space<hbm>> -> memref<100000x128xf32, #tpu.memory_space<hbm>>
        tpu.enqueue_indirect_dma source(%dma_start3A_828 : memref<100000x128xf32, #tpu.memory_space<hbm>>) target(%dma_start3A_822 : memref<40x128xf32, #tpu.memory_space<vmem>>) offsets(%dma_start3A_825 : memref<40xi32, #tpu.memory_space<vmem>>) semaphore(%arg21 : memref<!tpu.dma_semaphore, #tpu.memory_space<semaphore_mem>>) {add = true}
      } else {
      }
      %lt3A_371 = arith.cmpi slt, %add3A_349, %min3A_4 : i32
      %convert_element_type3A_372 = arith.extui %lt3A_371 : i1 to i32
      %cond3A_373 = arith.constant 0 : i32
      %cond3A_374 = arith.cmpi ne, %convert_element_type3A_372, %cond3A_373 : i32
      scf.if %cond3A_374 {
        %dma_wait3A_801 = arith.constant 1 : i32
        %dma_wait3A_802 = arith.constant 3 : i32
        %dma_wait3A_803 = arith.constant 0 : i32
        %dma_wait3A_804 = arith.constant 0 : i32
        %dma_wait3A_805 = tpu.memref_slice %arg7[%dma_wait3A_802, %dma_wait3A_803, %dma_wait3A_804] : memref<8x40x128xf32, #tpu.memory_space<vmem>> -> memref<1x40x128xf32, #tpu.memory_space<vmem>>
        %dma_wait3A_806 = tpu.memref_squeeze %dma_wait3A_805 : memref<1x40x128xf32, #tpu.memory_space<vmem>> -> memref<40x128xf32, #tpu.memory_space<vmem>>
        %dma_wait3A_807 = arith.constant 0 : i32
        %dma_wait3A_808 = tpu.memref_slice %arg6[%add3A_349, %dma_wait3A_801, %dma_wait3A_807] : memref<79x2x40xi32, #tpu.memory_space<vmem>> -> memref<1x1x40xi32, #tpu.memory_space<vmem>>
        %dma_wait3A_809 = tpu.memref_squeeze %dma_wait3A_808 : memref<1x1x40xi32, #tpu.memory_space<vmem>> -> memref<40xi32, #tpu.memory_space<vmem>>
        %dma_wait3A_810 = arith.constant 0 : i32
        %dma_wait3A_811 = arith.constant 0 : i32
        %dma_wait3A_812 = tpu.memref_slice %arg3[%dma_wait3A_810, %dma_wait3A_811] : memref<100000x128xf32, #tpu.memory_space<hbm>> -> memref<100000x128xf32, #tpu.memory_space<hbm>>
        tpu.wait_indirect_dma semaphore(%arg20 : memref<!tpu.dma_semaphore, #tpu.memory_space<semaphore_mem>>) src(%dma_wait3A_812 : memref<100000x128xf32, #tpu.memory_space<hbm>>) dst(%dma_wait3A_806 : memref<40x128xf32, #tpu.memory_space<vmem>>)
        %mul3A_813 = arith.constant 79 : i32
        %mul3A_814 = arith.muli %add3A, %mul3A_813 : i32
        %add3A_815 = arith.addi %mul3A_814, %add3A_349 : i32
        %mul3A_816 = arith.constant 40 : i32
        %mul3A_817 = arith.muli %add3A_815, %mul3A_816 : i32
        %add3A_818 = arith.constant 100000 : i32
        %add3A_819 = arith.addi %add3A_818, %mul3A_817 : i32
        %dma_start3A_820 = arith.constant 3 : i32
        %dma_start3A_821 = arith.constant 0 : i32
        %dma_start3A_822 = arith.constant 0 : i32
        %dma_start3A_823 = tpu.memref_slice %arg7[%dma_start3A_820, %dma_start3A_821, %dma_start3A_822] : memref<8x40x128xf32, #tpu.memory_space<vmem>> -> memref<1x40x128xf32, #tpu.memory_space<vmem>>
        %dma_start3A_824 = tpu.memref_squeeze %dma_start3A_823 : memref<1x40x128xf32, #tpu.memory_space<vmem>> -> memref<40x128xf32, #tpu.memory_space<vmem>>
        %dma_start3A_825 = arith.constant 0 : i32
        %dma_start3A_826 = tpu.memref_slice %arg5[%add3A_819, %dma_start3A_825] : memref<200000x128xf32, #tpu.memory_space<hbm>> -> memref<40x128xf32, #tpu.memory_space<hbm>>
        %dma_start3A_827 = arith.constant 0 : i32
        %dma_start3A_828 = tpu.memref_slice %arg5[%add3A_819, %dma_start3A_827] : memref<200000x128xf32, #tpu.memory_space<hbm>> -> memref<40x128xf32, #tpu.memory_space<hbm>>
        %dma_start3A_829 = arith.constant 0 : i32
        %dma_start3A_830 = arith.constant 0 : i32
        %dma_start3A_831 = tpu.memref_slice %arg7[%dma_start3A_820, %dma_start3A_829, %dma_start3A_830] : memref<8x40x128xf32, #tpu.memory_space<vmem>> -> memref<1x40x128xf32, #tpu.memory_space<vmem>>
        %dma_start3A_832 = tpu.memref_squeeze %dma_start3A_831 : memref<1x40x128xf32, #tpu.memory_space<vmem>> -> memref<40x128xf32, #tpu.memory_space<vmem>>
        tpu.enqueue_dma source(%dma_start3A_832 : memref<40x128xf32, #tpu.memory_space<vmem>>) target(%dma_start3A_828 : memref<40x128xf32, #tpu.memory_space<hbm>>) target_semaphore(%arg28 : memref<!tpu.dma_semaphore, #tpu.memory_space<semaphore_mem>>)
      } else {
      }
      %mul3A_375 = arith.constant 8 : i32
      %mul3A_376 = arith.muli %add3A_185, %mul3A_375 : i32
      %add3A_377 = arith.constant 4 : i32
      %add3A_378 = arith.addi %mul3A_376, %add3A_377 : i32
      %ge3A_379 = arith.constant 2 : i32
      %ge3A_380 = arith.cmpi sge, %add3A_378, %ge3A_379 : i32
      %lt3A_381 = arith.cmpi slt, %add3A_378, %min3A_4 : i32
      %and3A_382 = arith.andi %ge3A_380, %lt3A_381 : i1
      %convert_element_type3A_383 = arith.extui %and3A_382 : i1 to i32
      %cond3A_384 = arith.constant 0 : i32
      %cond3A_385 = arith.cmpi ne, %convert_element_type3A_383, %cond3A_384 : i32
      scf.if %cond3A_385 {
        %sub3A_801 = arith.constant 2 : i32
        %sub3A_802 = arith.subi %add3A_378, %sub3A_801 : i32
        %mul3A_803 = arith.constant 79 : i32
        %mul3A_804 = arith.muli %add3A, %mul3A_803 : i32
        %add3A_805 = arith.addi %mul3A_804, %sub3A_802 : i32
        %mul3A_806 = arith.constant 40 : i32
        %mul3A_807 = arith.muli %add3A_805, %mul3A_806 : i32
        %add3A_808 = arith.constant 100000 : i32
        %add3A_809 = arith.addi %add3A_808, %mul3A_807 : i32
        %dma_wait3A_810 = arith.constant 2 : i32
        %dma_wait3A_811 = arith.constant 0 : i32
        %dma_wait3A_812 = arith.constant 0 : i32
        %dma_wait3A_813 = tpu.memref_slice %arg7[%dma_wait3A_810, %dma_wait3A_811, %dma_wait3A_812] : memref<8x40x128xf32, #tpu.memory_space<vmem>> -> memref<1x40x128xf32, #tpu.memory_space<vmem>>
        %dma_wait3A_814 = tpu.memref_squeeze %dma_wait3A_813 : memref<1x40x128xf32, #tpu.memory_space<vmem>> -> memref<40x128xf32, #tpu.memory_space<vmem>>
        %dma_wait3A_815 = arith.constant 0 : i32
        %dma_wait3A_816 = tpu.memref_slice %arg5[%add3A_809, %dma_wait3A_815] : memref<200000x128xf32, #tpu.memory_space<hbm>> -> memref<40x128xf32, #tpu.memory_space<hbm>>
        %dma_wait3A_817 = arith.constant 0 : i32
        %dma_wait3A_818 = tpu.memref_slice %arg5[%add3A_809, %dma_wait3A_817] : memref<200000x128xf32, #tpu.memory_space<hbm>> -> memref<40x128xf32, #tpu.memory_space<hbm>>
        %dma_wait3A_819 = arith.constant 0 : i32
        %dma_wait3A_820 = arith.constant 0 : i32
        %dma_wait3A_821 = tpu.memref_slice %arg7[%dma_wait3A_810, %dma_wait3A_819, %dma_wait3A_820] : memref<8x40x128xf32, #tpu.memory_space<vmem>> -> memref<1x40x128xf32, #tpu.memory_space<vmem>>
        %dma_wait3A_822 = tpu.memref_squeeze %dma_wait3A_821 : memref<1x40x128xf32, #tpu.memory_space<vmem>> -> memref<40x128xf32, #tpu.memory_space<vmem>>
        tpu.wait_dma2 semaphore(%arg27 : memref<!tpu.dma_semaphore, #tpu.memory_space<semaphore_mem>>) src(%dma_wait3A_822 : memref<40x128xf32, #tpu.memory_space<vmem>>) dst(%dma_wait3A_818 : memref<40x128xf32, #tpu.memory_space<hbm>>)
      } else {
      }
      %add3A_386 = arith.constant 8 : i32
      %add3A_387 = arith.addi %add3A_378, %add3A_386 : i32
      %sub3A_388 = arith.constant 2 : i32
      %sub3A_389 = arith.subi %add3A_387, %sub3A_388 : i32
      %lt3A_390 = arith.cmpi slt, %sub3A_389, %min3A_4 : i32
      %convert_element_type3A_391 = arith.extui %lt3A_390 : i1 to i32
      %cond3A_392 = arith.constant 0 : i32
      %cond3A_393 = arith.cmpi ne, %convert_element_type3A_391, %cond3A_392 : i32
      scf.if %cond3A_393 {
        %add3A_801 = arith.constant 8 : i32
        %add3A_802 = arith.addi %add3A_378, %add3A_801 : i32
        %sub3A_803 = arith.constant 2 : i32
        %sub3A_804 = arith.subi %add3A_802, %sub3A_803 : i32
        %dma_start3A_805 = arith.constant 0 : i32
        %dma_start3A_806 = arith.constant 2 : i32
        %dma_start3A_807 = arith.constant 0 : i32
        %dma_start3A_808 = arith.constant 0 : i32
        %dma_start3A_809 = tpu.memref_slice %arg7[%dma_start3A_806, %dma_start3A_807, %dma_start3A_808] : memref<8x40x128xf32, #tpu.memory_space<vmem>> -> memref<1x40x128xf32, #tpu.memory_space<vmem>>
        %dma_start3A_810 = tpu.memref_squeeze %dma_start3A_809 : memref<1x40x128xf32, #tpu.memory_space<vmem>> -> memref<40x128xf32, #tpu.memory_space<vmem>>
        %dma_start3A_811 = arith.constant 0 : i32
        %dma_start3A_812 = tpu.memref_slice %arg6[%sub3A_804, %dma_start3A_805, %dma_start3A_811] : memref<79x2x40xi32, #tpu.memory_space<vmem>> -> memref<1x1x40xi32, #tpu.memory_space<vmem>>
        %dma_start3A_813 = tpu.memref_squeeze %dma_start3A_812 : memref<1x1x40xi32, #tpu.memory_space<vmem>> -> memref<40xi32, #tpu.memory_space<vmem>>
        %dma_start3A_814 = arith.constant 0 : i32
        %dma_start3A_815 = arith.constant 0 : i32
        %dma_start3A_816 = tpu.memref_slice %arg3[%dma_start3A_814, %dma_start3A_815] : memref<100000x128xf32, #tpu.memory_space<hbm>> -> memref<100000x128xf32, #tpu.memory_space<hbm>>
        tpu.enqueue_indirect_dma source(%dma_start3A_816 : memref<100000x128xf32, #tpu.memory_space<hbm>>) target(%dma_start3A_810 : memref<40x128xf32, #tpu.memory_space<vmem>>) offsets(%dma_start3A_813 : memref<40xi32, #tpu.memory_space<vmem>>) semaphore(%arg11 : memref<!tpu.dma_semaphore, #tpu.memory_space<semaphore_mem>>)
      } else {
      }
      %add3A_394 = arith.constant 1 : i32
      %add3A_395 = arith.addi %add3A_378, %add3A_394 : i32
      %lt3A_396 = arith.cmpi slt, %add3A_395, %min3A_4 : i32
      %convert_element_type3A_397 = arith.extui %lt3A_396 : i1 to i32
      %cond3A_398 = arith.constant 0 : i32
      %cond3A_399 = arith.cmpi ne, %convert_element_type3A_397, %cond3A_398 : i32
      scf.if %cond3A_399 {
        %add3A_801 = arith.constant 1 : i32
        %add3A_802 = arith.addi %add3A_378, %add3A_801 : i32
        %dma_wait3A_803 = arith.constant 0 : i32
        %dma_wait3A_804 = arith.constant 5 : i32
        %dma_wait3A_805 = arith.constant 0 : i32
        %dma_wait3A_806 = arith.constant 0 : i32
        %dma_wait3A_807 = tpu.memref_slice %arg7[%dma_wait3A_804, %dma_wait3A_805, %dma_wait3A_806] : memref<8x40x128xf32, #tpu.memory_space<vmem>> -> memref<1x40x128xf32, #tpu.memory_space<vmem>>
        %dma_wait3A_808 = tpu.memref_squeeze %dma_wait3A_807 : memref<1x40x128xf32, #tpu.memory_space<vmem>> -> memref<40x128xf32, #tpu.memory_space<vmem>>
        %dma_wait3A_809 = arith.constant 0 : i32
        %dma_wait3A_810 = tpu.memref_slice %arg6[%add3A_802, %dma_wait3A_803, %dma_wait3A_809] : memref<79x2x40xi32, #tpu.memory_space<vmem>> -> memref<1x1x40xi32, #tpu.memory_space<vmem>>
        %dma_wait3A_811 = tpu.memref_squeeze %dma_wait3A_810 : memref<1x1x40xi32, #tpu.memory_space<vmem>> -> memref<40xi32, #tpu.memory_space<vmem>>
        %dma_wait3A_812 = arith.constant 0 : i32
        %dma_wait3A_813 = arith.constant 0 : i32
        %dma_wait3A_814 = tpu.memref_slice %arg3[%dma_wait3A_812, %dma_wait3A_813] : memref<100000x128xf32, #tpu.memory_space<hbm>> -> memref<100000x128xf32, #tpu.memory_space<hbm>>
        tpu.wait_indirect_dma semaphore(%arg14 : memref<!tpu.dma_semaphore, #tpu.memory_space<semaphore_mem>>) src(%dma_wait3A_814 : memref<100000x128xf32, #tpu.memory_space<hbm>>) dst(%dma_wait3A_808 : memref<40x128xf32, #tpu.memory_space<vmem>>)
        %add3A_815 = arith.constant 1 : i32
        %add3A_816 = arith.addi %add3A_378, %add3A_815 : i32
        %dma_start3A_817 = arith.constant 1 : i32
        %dma_start3A_818 = arith.constant 5 : i32
        %dma_start3A_819 = arith.constant 0 : i32
        %dma_start3A_820 = arith.constant 0 : i32
        %dma_start3A_821 = tpu.memref_slice %arg7[%dma_start3A_818, %dma_start3A_819, %dma_start3A_820] : memref<8x40x128xf32, #tpu.memory_space<vmem>> -> memref<1x40x128xf32, #tpu.memory_space<vmem>>
        %dma_start3A_822 = tpu.memref_squeeze %dma_start3A_821 : memref<1x40x128xf32, #tpu.memory_space<vmem>> -> memref<40x128xf32, #tpu.memory_space<vmem>>
        %dma_start3A_823 = arith.constant 0 : i32
        %dma_start3A_824 = tpu.memref_slice %arg6[%add3A_816, %dma_start3A_817, %dma_start3A_823] : memref<79x2x40xi32, #tpu.memory_space<vmem>> -> memref<1x1x40xi32, #tpu.memory_space<vmem>>
        %dma_start3A_825 = tpu.memref_squeeze %dma_start3A_824 : memref<1x1x40xi32, #tpu.memory_space<vmem>> -> memref<40xi32, #tpu.memory_space<vmem>>
        %dma_start3A_826 = arith.constant 0 : i32
        %dma_start3A_827 = arith.constant 0 : i32
        %dma_start3A_828 = tpu.memref_slice %arg3[%dma_start3A_826, %dma_start3A_827] : memref<100000x128xf32, #tpu.memory_space<hbm>> -> memref<100000x128xf32, #tpu.memory_space<hbm>>
        tpu.enqueue_indirect_dma source(%dma_start3A_828 : memref<100000x128xf32, #tpu.memory_space<hbm>>) target(%dma_start3A_822 : memref<40x128xf32, #tpu.memory_space<vmem>>) offsets(%dma_start3A_825 : memref<40xi32, #tpu.memory_space<vmem>>) semaphore(%arg22 : memref<!tpu.dma_semaphore, #tpu.memory_space<semaphore_mem>>) {add = true}
      } else {
      }
      %lt3A_400 = arith.cmpi slt, %add3A_378, %min3A_4 : i32
      %convert_element_type3A_401 = arith.extui %lt3A_400 : i1 to i32
      %cond3A_402 = arith.constant 0 : i32
      %cond3A_403 = arith.cmpi ne, %convert_element_type3A_401, %cond3A_402 : i32
      scf.if %cond3A_403 {
        %dma_wait3A_801 = arith.constant 1 : i32
        %dma_wait3A_802 = arith.constant 4 : i32
        %dma_wait3A_803 = arith.constant 0 : i32
        %dma_wait3A_804 = arith.constant 0 : i32
        %dma_wait3A_805 = tpu.memref_slice %arg7[%dma_wait3A_802, %dma_wait3A_803, %dma_wait3A_804] : memref<8x40x128xf32, #tpu.memory_space<vmem>> -> memref<1x40x128xf32, #tpu.memory_space<vmem>>
        %dma_wait3A_806 = tpu.memref_squeeze %dma_wait3A_805 : memref<1x40x128xf32, #tpu.memory_space<vmem>> -> memref<40x128xf32, #tpu.memory_space<vmem>>
        %dma_wait3A_807 = arith.constant 0 : i32
        %dma_wait3A_808 = tpu.memref_slice %arg6[%add3A_378, %dma_wait3A_801, %dma_wait3A_807] : memref<79x2x40xi32, #tpu.memory_space<vmem>> -> memref<1x1x40xi32, #tpu.memory_space<vmem>>
        %dma_wait3A_809 = tpu.memref_squeeze %dma_wait3A_808 : memref<1x1x40xi32, #tpu.memory_space<vmem>> -> memref<40xi32, #tpu.memory_space<vmem>>
        %dma_wait3A_810 = arith.constant 0 : i32
        %dma_wait3A_811 = arith.constant 0 : i32
        %dma_wait3A_812 = tpu.memref_slice %arg3[%dma_wait3A_810, %dma_wait3A_811] : memref<100000x128xf32, #tpu.memory_space<hbm>> -> memref<100000x128xf32, #tpu.memory_space<hbm>>
        tpu.wait_indirect_dma semaphore(%arg21 : memref<!tpu.dma_semaphore, #tpu.memory_space<semaphore_mem>>) src(%dma_wait3A_812 : memref<100000x128xf32, #tpu.memory_space<hbm>>) dst(%dma_wait3A_806 : memref<40x128xf32, #tpu.memory_space<vmem>>)
        %mul3A_813 = arith.constant 79 : i32
        %mul3A_814 = arith.muli %add3A, %mul3A_813 : i32
        %add3A_815 = arith.addi %mul3A_814, %add3A_378 : i32
        %mul3A_816 = arith.constant 40 : i32
        %mul3A_817 = arith.muli %add3A_815, %mul3A_816 : i32
        %add3A_818 = arith.constant 100000 : i32
        %add3A_819 = arith.addi %add3A_818, %mul3A_817 : i32
        %dma_start3A_820 = arith.constant 4 : i32
        %dma_start3A_821 = arith.constant 0 : i32
        %dma_start3A_822 = arith.constant 0 : i32
        %dma_start3A_823 = tpu.memref_slice %arg7[%dma_start3A_820, %dma_start3A_821, %dma_start3A_822] : memref<8x40x128xf32, #tpu.memory_space<vmem>> -> memref<1x40x128xf32, #tpu.memory_space<vmem>>
        %dma_start3A_824 = tpu.memref_squeeze %dma_start3A_823 : memref<1x40x128xf32, #tpu.memory_space<vmem>> -> memref<40x128xf32, #tpu.memory_space<vmem>>
        %dma_start3A_825 = arith.constant 0 : i32
        %dma_start3A_826 = tpu.memref_slice %arg5[%add3A_819, %dma_start3A_825] : memref<200000x128xf32, #tpu.memory_space<hbm>> -> memref<40x128xf32, #tpu.memory_space<hbm>>
        %dma_start3A_827 = arith.constant 0 : i32
        %dma_start3A_828 = tpu.memref_slice %arg5[%add3A_819, %dma_start3A_827] : memref<200000x128xf32, #tpu.memory_space<hbm>> -> memref<40x128xf32, #tpu.memory_space<hbm>>
        %dma_start3A_829 = arith.constant 0 : i32
        %dma_start3A_830 = arith.constant 0 : i32
        %dma_start3A_831 = tpu.memref_slice %arg7[%dma_start3A_820, %dma_start3A_829, %dma_start3A_830] : memref<8x40x128xf32, #tpu.memory_space<vmem>> -> memref<1x40x128xf32, #tpu.memory_space<vmem>>
        %dma_start3A_832 = tpu.memref_squeeze %dma_start3A_831 : memref<1x40x128xf32, #tpu.memory_space<vmem>> -> memref<40x128xf32, #tpu.memory_space<vmem>>
        tpu.enqueue_dma source(%dma_start3A_832 : memref<40x128xf32, #tpu.memory_space<vmem>>) target(%dma_start3A_828 : memref<40x128xf32, #tpu.memory_space<hbm>>) target_semaphore(%arg29 : memref<!tpu.dma_semaphore, #tpu.memory_space<semaphore_mem>>)
      } else {
      }
      %mul3A_404 = arith.constant 8 : i32
      %mul3A_405 = arith.muli %add3A_185, %mul3A_404 : i32
      %add3A_406 = arith.constant 5 : i32
      %add3A_407 = arith.addi %mul3A_405, %add3A_406 : i32
      %ge3A_408 = arith.constant 2 : i32
      %ge3A_409 = arith.cmpi sge, %add3A_407, %ge3A_408 : i32
      %lt3A_410 = arith.cmpi slt, %add3A_407, %min3A_4 : i32
      %and3A_411 = arith.andi %ge3A_409, %lt3A_410 : i1
      %convert_element_type3A_412 = arith.extui %and3A_411 : i1 to i32
      %cond3A_413 = arith.constant 0 : i32
      %cond3A_414 = arith.cmpi ne, %convert_element_type3A_412, %cond3A_413 : i32
      scf.if %cond3A_414 {
        %sub3A_801 = arith.constant 2 : i32
        %sub3A_802 = arith.subi %add3A_407, %sub3A_801 : i32
        %mul3A_803 = arith.constant 79 : i32
        %mul3A_804 = arith.muli %add3A, %mul3A_803 : i32
        %add3A_805 = arith.addi %mul3A_804, %sub3A_802 : i32
        %mul3A_806 = arith.constant 40 : i32
        %mul3A_807 = arith.muli %add3A_805, %mul3A_806 : i32
        %add3A_808 = arith.constant 100000 : i32
        %add3A_809 = arith.addi %add3A_808, %mul3A_807 : i32
        %dma_wait3A_810 = arith.constant 3 : i32
        %dma_wait3A_811 = arith.constant 0 : i32
        %dma_wait3A_812 = arith.constant 0 : i32
        %dma_wait3A_813 = tpu.memref_slice %arg7[%dma_wait3A_810, %dma_wait3A_811, %dma_wait3A_812] : memref<8x40x128xf32, #tpu.memory_space<vmem>> -> memref<1x40x128xf32, #tpu.memory_space<vmem>>
        %dma_wait3A_814 = tpu.memref_squeeze %dma_wait3A_813 : memref<1x40x128xf32, #tpu.memory_space<vmem>> -> memref<40x128xf32, #tpu.memory_space<vmem>>
        %dma_wait3A_815 = arith.constant 0 : i32
        %dma_wait3A_816 = tpu.memref_slice %arg5[%add3A_809, %dma_wait3A_815] : memref<200000x128xf32, #tpu.memory_space<hbm>> -> memref<40x128xf32, #tpu.memory_space<hbm>>
        %dma_wait3A_817 = arith.constant 0 : i32
        %dma_wait3A_818 = tpu.memref_slice %arg5[%add3A_809, %dma_wait3A_817] : memref<200000x128xf32, #tpu.memory_space<hbm>> -> memref<40x128xf32, #tpu.memory_space<hbm>>
        %dma_wait3A_819 = arith.constant 0 : i32
        %dma_wait3A_820 = arith.constant 0 : i32
        %dma_wait3A_821 = tpu.memref_slice %arg7[%dma_wait3A_810, %dma_wait3A_819, %dma_wait3A_820] : memref<8x40x128xf32, #tpu.memory_space<vmem>> -> memref<1x40x128xf32, #tpu.memory_space<vmem>>
        %dma_wait3A_822 = tpu.memref_squeeze %dma_wait3A_821 : memref<1x40x128xf32, #tpu.memory_space<vmem>> -> memref<40x128xf32, #tpu.memory_space<vmem>>
        tpu.wait_dma2 semaphore(%arg28 : memref<!tpu.dma_semaphore, #tpu.memory_space<semaphore_mem>>) src(%dma_wait3A_822 : memref<40x128xf32, #tpu.memory_space<vmem>>) dst(%dma_wait3A_818 : memref<40x128xf32, #tpu.memory_space<hbm>>)
      } else {
      }
      %add3A_415 = arith.constant 8 : i32
      %add3A_416 = arith.addi %add3A_407, %add3A_415 : i32
      %sub3A_417 = arith.constant 2 : i32
      %sub3A_418 = arith.subi %add3A_416, %sub3A_417 : i32
      %lt3A_419 = arith.cmpi slt, %sub3A_418, %min3A_4 : i32
      %convert_element_type3A_420 = arith.extui %lt3A_419 : i1 to i32
      %cond3A_421 = arith.constant 0 : i32
      %cond3A_422 = arith.cmpi ne, %convert_element_type3A_420, %cond3A_421 : i32
      scf.if %cond3A_422 {
        %add3A_801 = arith.constant 8 : i32
        %add3A_802 = arith.addi %add3A_407, %add3A_801 : i32
        %sub3A_803 = arith.constant 2 : i32
        %sub3A_804 = arith.subi %add3A_802, %sub3A_803 : i32
        %dma_start3A_805 = arith.constant 0 : i32
        %dma_start3A_806 = arith.constant 3 : i32
        %dma_start3A_807 = arith.constant 0 : i32
        %dma_start3A_808 = arith.constant 0 : i32
        %dma_start3A_809 = tpu.memref_slice %arg7[%dma_start3A_806, %dma_start3A_807, %dma_start3A_808] : memref<8x40x128xf32, #tpu.memory_space<vmem>> -> memref<1x40x128xf32, #tpu.memory_space<vmem>>
        %dma_start3A_810 = tpu.memref_squeeze %dma_start3A_809 : memref<1x40x128xf32, #tpu.memory_space<vmem>> -> memref<40x128xf32, #tpu.memory_space<vmem>>
        %dma_start3A_811 = arith.constant 0 : i32
        %dma_start3A_812 = tpu.memref_slice %arg6[%sub3A_804, %dma_start3A_805, %dma_start3A_811] : memref<79x2x40xi32, #tpu.memory_space<vmem>> -> memref<1x1x40xi32, #tpu.memory_space<vmem>>
        %dma_start3A_813 = tpu.memref_squeeze %dma_start3A_812 : memref<1x1x40xi32, #tpu.memory_space<vmem>> -> memref<40xi32, #tpu.memory_space<vmem>>
        %dma_start3A_814 = arith.constant 0 : i32
        %dma_start3A_815 = arith.constant 0 : i32
        %dma_start3A_816 = tpu.memref_slice %arg3[%dma_start3A_814, %dma_start3A_815] : memref<100000x128xf32, #tpu.memory_space<hbm>> -> memref<100000x128xf32, #tpu.memory_space<hbm>>
        tpu.enqueue_indirect_dma source(%dma_start3A_816 : memref<100000x128xf32, #tpu.memory_space<hbm>>) target(%dma_start3A_810 : memref<40x128xf32, #tpu.memory_space<vmem>>) offsets(%dma_start3A_813 : memref<40xi32, #tpu.memory_space<vmem>>) semaphore(%arg12 : memref<!tpu.dma_semaphore, #tpu.memory_space<semaphore_mem>>)
      } else {
      }
      %add3A_423 = arith.constant 1 : i32
      %add3A_424 = arith.addi %add3A_407, %add3A_423 : i32
      %lt3A_425 = arith.cmpi slt, %add3A_424, %min3A_4 : i32
      %convert_element_type3A_426 = arith.extui %lt3A_425 : i1 to i32
      %cond3A_427 = arith.constant 0 : i32
      %cond3A_428 = arith.cmpi ne, %convert_element_type3A_426, %cond3A_427 : i32
      scf.if %cond3A_428 {
        %add3A_801 = arith.constant 1 : i32
        %add3A_802 = arith.addi %add3A_407, %add3A_801 : i32
        %dma_wait3A_803 = arith.constant 0 : i32
        %dma_wait3A_804 = arith.constant 6 : i32
        %dma_wait3A_805 = arith.constant 0 : i32
        %dma_wait3A_806 = arith.constant 0 : i32
        %dma_wait3A_807 = tpu.memref_slice %arg7[%dma_wait3A_804, %dma_wait3A_805, %dma_wait3A_806] : memref<8x40x128xf32, #tpu.memory_space<vmem>> -> memref<1x40x128xf32, #tpu.memory_space<vmem>>
        %dma_wait3A_808 = tpu.memref_squeeze %dma_wait3A_807 : memref<1x40x128xf32, #tpu.memory_space<vmem>> -> memref<40x128xf32, #tpu.memory_space<vmem>>
        %dma_wait3A_809 = arith.constant 0 : i32
        %dma_wait3A_810 = tpu.memref_slice %arg6[%add3A_802, %dma_wait3A_803, %dma_wait3A_809] : memref<79x2x40xi32, #tpu.memory_space<vmem>> -> memref<1x1x40xi32, #tpu.memory_space<vmem>>
        %dma_wait3A_811 = tpu.memref_squeeze %dma_wait3A_810 : memref<1x1x40xi32, #tpu.memory_space<vmem>> -> memref<40xi32, #tpu.memory_space<vmem>>
        %dma_wait3A_812 = arith.constant 0 : i32
        %dma_wait3A_813 = arith.constant 0 : i32
        %dma_wait3A_814 = tpu.memref_slice %arg3[%dma_wait3A_812, %dma_wait3A_813] : memref<100000x128xf32, #tpu.memory_space<hbm>> -> memref<100000x128xf32, #tpu.memory_space<hbm>>
        tpu.wait_indirect_dma semaphore(%arg15 : memref<!tpu.dma_semaphore, #tpu.memory_space<semaphore_mem>>) src(%dma_wait3A_814 : memref<100000x128xf32, #tpu.memory_space<hbm>>) dst(%dma_wait3A_808 : memref<40x128xf32, #tpu.memory_space<vmem>>)
        %add3A_815 = arith.constant 1 : i32
        %add3A_816 = arith.addi %add3A_407, %add3A_815 : i32
        %dma_start3A_817 = arith.constant 1 : i32
        %dma_start3A_818 = arith.constant 6 : i32
        %dma_start3A_819 = arith.constant 0 : i32
        %dma_start3A_820 = arith.constant 0 : i32
        %dma_start3A_821 = tpu.memref_slice %arg7[%dma_start3A_818, %dma_start3A_819, %dma_start3A_820] : memref<8x40x128xf32, #tpu.memory_space<vmem>> -> memref<1x40x128xf32, #tpu.memory_space<vmem>>
        %dma_start3A_822 = tpu.memref_squeeze %dma_start3A_821 : memref<1x40x128xf32, #tpu.memory_space<vmem>> -> memref<40x128xf32, #tpu.memory_space<vmem>>
        %dma_start3A_823 = arith.constant 0 : i32
        %dma_start3A_824 = tpu.memref_slice %arg6[%add3A_816, %dma_start3A_817, %dma_start3A_823] : memref<79x2x40xi32, #tpu.memory_space<vmem>> -> memref<1x1x40xi32, #tpu.memory_space<vmem>>
        %dma_start3A_825 = tpu.memref_squeeze %dma_start3A_824 : memref<1x1x40xi32, #tpu.memory_space<vmem>> -> memref<40xi32, #tpu.memory_space<vmem>>
        %dma_start3A_826 = arith.constant 0 : i32
        %dma_start3A_827 = arith.constant 0 : i32
        %dma_start3A_828 = tpu.memref_slice %arg3[%dma_start3A_826, %dma_start3A_827] : memref<100000x128xf32, #tpu.memory_space<hbm>> -> memref<100000x128xf32, #tpu.memory_space<hbm>>
        tpu.enqueue_indirect_dma source(%dma_start3A_828 : memref<100000x128xf32, #tpu.memory_space<hbm>>) target(%dma_start3A_822 : memref<40x128xf32, #tpu.memory_space<vmem>>) offsets(%dma_start3A_825 : memref<40xi32, #tpu.memory_space<vmem>>) semaphore(%arg23 : memref<!tpu.dma_semaphore, #tpu.memory_space<semaphore_mem>>) {add = true}
      } else {
      }
      %lt3A_429 = arith.cmpi slt, %add3A_407, %min3A_4 : i32
      %convert_element_type3A_430 = arith.extui %lt3A_429 : i1 to i32
      %cond3A_431 = arith.constant 0 : i32
      %cond3A_432 = arith.cmpi ne, %convert_element_type3A_430, %cond3A_431 : i32
      scf.if %cond3A_432 {
        %dma_wait3A_801 = arith.constant 1 : i32
        %dma_wait3A_802 = arith.constant 5 : i32
        %dma_wait3A_803 = arith.constant 0 : i32
        %dma_wait3A_804 = arith.constant 0 : i32
        %dma_wait3A_805 = tpu.memref_slice %arg7[%dma_wait3A_802, %dma_wait3A_803, %dma_wait3A_804] : memref<8x40x128xf32, #tpu.memory_space<vmem>> -> memref<1x40x128xf32, #tpu.memory_space<vmem>>
        %dma_wait3A_806 = tpu.memref_squeeze %dma_wait3A_805 : memref<1x40x128xf32, #tpu.memory_space<vmem>> -> memref<40x128xf32, #tpu.memory_space<vmem>>
        %dma_wait3A_807 = arith.constant 0 : i32
        %dma_wait3A_808 = tpu.memref_slice %arg6[%add3A_407, %dma_wait3A_801, %dma_wait3A_807] : memref<79x2x40xi32, #tpu.memory_space<vmem>> -> memref<1x1x40xi32, #tpu.memory_space<vmem>>
        %dma_wait3A_809 = tpu.memref_squeeze %dma_wait3A_808 : memref<1x1x40xi32, #tpu.memory_space<vmem>> -> memref<40xi32, #tpu.memory_space<vmem>>
        %dma_wait3A_810 = arith.constant 0 : i32
        %dma_wait3A_811 = arith.constant 0 : i32
        %dma_wait3A_812 = tpu.memref_slice %arg3[%dma_wait3A_810, %dma_wait3A_811] : memref<100000x128xf32, #tpu.memory_space<hbm>> -> memref<100000x128xf32, #tpu.memory_space<hbm>>
        tpu.wait_indirect_dma semaphore(%arg22 : memref<!tpu.dma_semaphore, #tpu.memory_space<semaphore_mem>>) src(%dma_wait3A_812 : memref<100000x128xf32, #tpu.memory_space<hbm>>) dst(%dma_wait3A_806 : memref<40x128xf32, #tpu.memory_space<vmem>>)
        %mul3A_813 = arith.constant 79 : i32
        %mul3A_814 = arith.muli %add3A, %mul3A_813 : i32
        %add3A_815 = arith.addi %mul3A_814, %add3A_407 : i32
        %mul3A_816 = arith.constant 40 : i32
        %mul3A_817 = arith.muli %add3A_815, %mul3A_816 : i32
        %add3A_818 = arith.constant 100000 : i32
        %add3A_819 = arith.addi %add3A_818, %mul3A_817 : i32
        %dma_start3A_820 = arith.constant 5 : i32
        %dma_start3A_821 = arith.constant 0 : i32
        %dma_start3A_822 = arith.constant 0 : i32
        %dma_start3A_823 = tpu.memref_slice %arg7[%dma_start3A_820, %dma_start3A_821, %dma_start3A_822] : memref<8x40x128xf32, #tpu.memory_space<vmem>> -> memref<1x40x128xf32, #tpu.memory_space<vmem>>
        %dma_start3A_824 = tpu.memref_squeeze %dma_start3A_823 : memref<1x40x128xf32, #tpu.memory_space<vmem>> -> memref<40x128xf32, #tpu.memory_space<vmem>>
        %dma_start3A_825 = arith.constant 0 : i32
        %dma_start3A_826 = tpu.memref_slice %arg5[%add3A_819, %dma_start3A_825] : memref<200000x128xf32, #tpu.memory_space<hbm>> -> memref<40x128xf32, #tpu.memory_space<hbm>>
        %dma_start3A_827 = arith.constant 0 : i32
        %dma_start3A_828 = tpu.memref_slice %arg5[%add3A_819, %dma_start3A_827] : memref<200000x128xf32, #tpu.memory_space<hbm>> -> memref<40x128xf32, #tpu.memory_space<hbm>>
        %dma_start3A_829 = arith.constant 0 : i32
        %dma_start3A_830 = arith.constant 0 : i32
        %dma_start3A_831 = tpu.memref_slice %arg7[%dma_start3A_820, %dma_start3A_829, %dma_start3A_830] : memref<8x40x128xf32, #tpu.memory_space<vmem>> -> memref<1x40x128xf32, #tpu.memory_space<vmem>>
        %dma_start3A_832 = tpu.memref_squeeze %dma_start3A_831 : memref<1x40x128xf32, #tpu.memory_space<vmem>> -> memref<40x128xf32, #tpu.memory_space<vmem>>
        tpu.enqueue_dma source(%dma_start3A_832 : memref<40x128xf32, #tpu.memory_space<vmem>>) target(%dma_start3A_828 : memref<40x128xf32, #tpu.memory_space<hbm>>) target_semaphore(%arg30 : memref<!tpu.dma_semaphore, #tpu.memory_space<semaphore_mem>>)
      } else {
      }
      %mul3A_433 = arith.constant 8 : i32
      %mul3A_434 = arith.muli %add3A_185, %mul3A_433 : i32
      %add3A_435 = arith.constant 6 : i32
      %add3A_436 = arith.addi %mul3A_434, %add3A_435 : i32
      %ge3A_437 = arith.constant 2 : i32
      %ge3A_438 = arith.cmpi sge, %add3A_436, %ge3A_437 : i32
      %lt3A_439 = arith.cmpi slt, %add3A_436, %min3A_4 : i32
      %and3A_440 = arith.andi %ge3A_438, %lt3A_439 : i1
      %convert_element_type3A_441 = arith.extui %and3A_440 : i1 to i32
      %cond3A_442 = arith.constant 0 : i32
      %cond3A_443 = arith.cmpi ne, %convert_element_type3A_441, %cond3A_442 : i32
      scf.if %cond3A_443 {
        %sub3A_801 = arith.constant 2 : i32
        %sub3A_802 = arith.subi %add3A_436, %sub3A_801 : i32
        %mul3A_803 = arith.constant 79 : i32
        %mul3A_804 = arith.muli %add3A, %mul3A_803 : i32
        %add3A_805 = arith.addi %mul3A_804, %sub3A_802 : i32
        %mul3A_806 = arith.constant 40 : i32
        %mul3A_807 = arith.muli %add3A_805, %mul3A_806 : i32
        %add3A_808 = arith.constant 100000 : i32
        %add3A_809 = arith.addi %add3A_808, %mul3A_807 : i32
        %dma_wait3A_810 = arith.constant 4 : i32
        %dma_wait3A_811 = arith.constant 0 : i32
        %dma_wait3A_812 = arith.constant 0 : i32
        %dma_wait3A_813 = tpu.memref_slice %arg7[%dma_wait3A_810, %dma_wait3A_811, %dma_wait3A_812] : memref<8x40x128xf32, #tpu.memory_space<vmem>> -> memref<1x40x128xf32, #tpu.memory_space<vmem>>
        %dma_wait3A_814 = tpu.memref_squeeze %dma_wait3A_813 : memref<1x40x128xf32, #tpu.memory_space<vmem>> -> memref<40x128xf32, #tpu.memory_space<vmem>>
        %dma_wait3A_815 = arith.constant 0 : i32
        %dma_wait3A_816 = tpu.memref_slice %arg5[%add3A_809, %dma_wait3A_815] : memref<200000x128xf32, #tpu.memory_space<hbm>> -> memref<40x128xf32, #tpu.memory_space<hbm>>
        %dma_wait3A_817 = arith.constant 0 : i32
        %dma_wait3A_818 = tpu.memref_slice %arg5[%add3A_809, %dma_wait3A_817] : memref<200000x128xf32, #tpu.memory_space<hbm>> -> memref<40x128xf32, #tpu.memory_space<hbm>>
        %dma_wait3A_819 = arith.constant 0 : i32
        %dma_wait3A_820 = arith.constant 0 : i32
        %dma_wait3A_821 = tpu.memref_slice %arg7[%dma_wait3A_810, %dma_wait3A_819, %dma_wait3A_820] : memref<8x40x128xf32, #tpu.memory_space<vmem>> -> memref<1x40x128xf32, #tpu.memory_space<vmem>>
        %dma_wait3A_822 = tpu.memref_squeeze %dma_wait3A_821 : memref<1x40x128xf32, #tpu.memory_space<vmem>> -> memref<40x128xf32, #tpu.memory_space<vmem>>
        tpu.wait_dma2 semaphore(%arg29 : memref<!tpu.dma_semaphore, #tpu.memory_space<semaphore_mem>>) src(%dma_wait3A_822 : memref<40x128xf32, #tpu.memory_space<vmem>>) dst(%dma_wait3A_818 : memref<40x128xf32, #tpu.memory_space<hbm>>)
      } else {
      }
      %add3A_444 = arith.constant 8 : i32
      %add3A_445 = arith.addi %add3A_436, %add3A_444 : i32
      %sub3A_446 = arith.constant 2 : i32
      %sub3A_447 = arith.subi %add3A_445, %sub3A_446 : i32
      %lt3A_448 = arith.cmpi slt, %sub3A_447, %min3A_4 : i32
      %convert_element_type3A_449 = arith.extui %lt3A_448 : i1 to i32
      %cond3A_450 = arith.constant 0 : i32
      %cond3A_451 = arith.cmpi ne, %convert_element_type3A_449, %cond3A_450 : i32
      scf.if %cond3A_451 {
        %add3A_801 = arith.constant 8 : i32
        %add3A_802 = arith.addi %add3A_436, %add3A_801 : i32
        %sub3A_803 = arith.constant 2 : i32
        %sub3A_804 = arith.subi %add3A_802, %sub3A_803 : i32
        %dma_start3A_805 = arith.constant 0 : i32
        %dma_start3A_806 = arith.constant 4 : i32
        %dma_start3A_807 = arith.constant 0 : i32
        %dma_start3A_808 = arith.constant 0 : i32
        %dma_start3A_809 = tpu.memref_slice %arg7[%dma_start3A_806, %dma_start3A_807, %dma_start3A_808] : memref<8x40x128xf32, #tpu.memory_space<vmem>> -> memref<1x40x128xf32, #tpu.memory_space<vmem>>
        %dma_start3A_810 = tpu.memref_squeeze %dma_start3A_809 : memref<1x40x128xf32, #tpu.memory_space<vmem>> -> memref<40x128xf32, #tpu.memory_space<vmem>>
        %dma_start3A_811 = arith.constant 0 : i32
        %dma_start3A_812 = tpu.memref_slice %arg6[%sub3A_804, %dma_start3A_805, %dma_start3A_811] : memref<79x2x40xi32, #tpu.memory_space<vmem>> -> memref<1x1x40xi32, #tpu.memory_space<vmem>>
        %dma_start3A_813 = tpu.memref_squeeze %dma_start3A_812 : memref<1x1x40xi32, #tpu.memory_space<vmem>> -> memref<40xi32, #tpu.memory_space<vmem>>
        %dma_start3A_814 = arith.constant 0 : i32
        %dma_start3A_815 = arith.constant 0 : i32
        %dma_start3A_816 = tpu.memref_slice %arg3[%dma_start3A_814, %dma_start3A_815] : memref<100000x128xf32, #tpu.memory_space<hbm>> -> memref<100000x128xf32, #tpu.memory_space<hbm>>
        tpu.enqueue_indirect_dma source(%dma_start3A_816 : memref<100000x128xf32, #tpu.memory_space<hbm>>) target(%dma_start3A_810 : memref<40x128xf32, #tpu.memory_space<vmem>>) offsets(%dma_start3A_813 : memref<40xi32, #tpu.memory_space<vmem>>) semaphore(%arg13 : memref<!tpu.dma_semaphore, #tpu.memory_space<semaphore_mem>>)
      } else {
      }
      %add3A_452 = arith.constant 1 : i32
      %add3A_453 = arith.addi %add3A_436, %add3A_452 : i32
      %lt3A_454 = arith.cmpi slt, %add3A_453, %min3A_4 : i32
      %convert_element_type3A_455 = arith.extui %lt3A_454 : i1 to i32
      %cond3A_456 = arith.constant 0 : i32
      %cond3A_457 = arith.cmpi ne, %convert_element_type3A_455, %cond3A_456 : i32
      scf.if %cond3A_457 {
        %add3A_801 = arith.constant 1 : i32
        %add3A_802 = arith.addi %add3A_436, %add3A_801 : i32
        %dma_wait3A_803 = arith.constant 0 : i32
        %dma_wait3A_804 = arith.constant 7 : i32
        %dma_wait3A_805 = arith.constant 0 : i32
        %dma_wait3A_806 = arith.constant 0 : i32
        %dma_wait3A_807 = tpu.memref_slice %arg7[%dma_wait3A_804, %dma_wait3A_805, %dma_wait3A_806] : memref<8x40x128xf32, #tpu.memory_space<vmem>> -> memref<1x40x128xf32, #tpu.memory_space<vmem>>
        %dma_wait3A_808 = tpu.memref_squeeze %dma_wait3A_807 : memref<1x40x128xf32, #tpu.memory_space<vmem>> -> memref<40x128xf32, #tpu.memory_space<vmem>>
        %dma_wait3A_809 = arith.constant 0 : i32
        %dma_wait3A_810 = tpu.memref_slice %arg6[%add3A_802, %dma_wait3A_803, %dma_wait3A_809] : memref<79x2x40xi32, #tpu.memory_space<vmem>> -> memref<1x1x40xi32, #tpu.memory_space<vmem>>
        %dma_wait3A_811 = tpu.memref_squeeze %dma_wait3A_810 : memref<1x1x40xi32, #tpu.memory_space<vmem>> -> memref<40xi32, #tpu.memory_space<vmem>>
        %dma_wait3A_812 = arith.constant 0 : i32
        %dma_wait3A_813 = arith.constant 0 : i32
        %dma_wait3A_814 = tpu.memref_slice %arg3[%dma_wait3A_812, %dma_wait3A_813] : memref<100000x128xf32, #tpu.memory_space<hbm>> -> memref<100000x128xf32, #tpu.memory_space<hbm>>
        tpu.wait_indirect_dma semaphore(%arg16 : memref<!tpu.dma_semaphore, #tpu.memory_space<semaphore_mem>>) src(%dma_wait3A_814 : memref<100000x128xf32, #tpu.memory_space<hbm>>) dst(%dma_wait3A_808 : memref<40x128xf32, #tpu.memory_space<vmem>>)
        %add3A_815 = arith.constant 1 : i32
        %add3A_816 = arith.addi %add3A_436, %add3A_815 : i32
        %dma_start3A_817 = arith.constant 1 : i32
        %dma_start3A_818 = arith.constant 7 : i32
        %dma_start3A_819 = arith.constant 0 : i32
        %dma_start3A_820 = arith.constant 0 : i32
        %dma_start3A_821 = tpu.memref_slice %arg7[%dma_start3A_818, %dma_start3A_819, %dma_start3A_820] : memref<8x40x128xf32, #tpu.memory_space<vmem>> -> memref<1x40x128xf32, #tpu.memory_space<vmem>>
        %dma_start3A_822 = tpu.memref_squeeze %dma_start3A_821 : memref<1x40x128xf32, #tpu.memory_space<vmem>> -> memref<40x128xf32, #tpu.memory_space<vmem>>
        %dma_start3A_823 = arith.constant 0 : i32
        %dma_start3A_824 = tpu.memref_slice %arg6[%add3A_816, %dma_start3A_817, %dma_start3A_823] : memref<79x2x40xi32, #tpu.memory_space<vmem>> -> memref<1x1x40xi32, #tpu.memory_space<vmem>>
        %dma_start3A_825 = tpu.memref_squeeze %dma_start3A_824 : memref<1x1x40xi32, #tpu.memory_space<vmem>> -> memref<40xi32, #tpu.memory_space<vmem>>
        %dma_start3A_826 = arith.constant 0 : i32
        %dma_start3A_827 = arith.constant 0 : i32
        %dma_start3A_828 = tpu.memref_slice %arg3[%dma_start3A_826, %dma_start3A_827] : memref<100000x128xf32, #tpu.memory_space<hbm>> -> memref<100000x128xf32, #tpu.memory_space<hbm>>
        tpu.enqueue_indirect_dma source(%dma_start3A_828 : memref<100000x128xf32, #tpu.memory_space<hbm>>) target(%dma_start3A_822 : memref<40x128xf32, #tpu.memory_space<vmem>>) offsets(%dma_start3A_825 : memref<40xi32, #tpu.memory_space<vmem>>) semaphore(%arg24 : memref<!tpu.dma_semaphore, #tpu.memory_space<semaphore_mem>>) {add = true}
      } else {
      }
      %lt3A_458 = arith.cmpi slt, %add3A_436, %min3A_4 : i32
      %convert_element_type3A_459 = arith.extui %lt3A_458 : i1 to i32
      %cond3A_460 = arith.constant 0 : i32
      %cond3A_461 = arith.cmpi ne, %convert_element_type3A_459, %cond3A_460 : i32
      scf.if %cond3A_461 {
        %dma_wait3A_801 = arith.constant 1 : i32
        %dma_wait3A_802 = arith.constant 6 : i32
        %dma_wait3A_803 = arith.constant 0 : i32
        %dma_wait3A_804 = arith.constant 0 : i32
        %dma_wait3A_805 = tpu.memref_slice %arg7[%dma_wait3A_802, %dma_wait3A_803, %dma_wait3A_804] : memref<8x40x128xf32, #tpu.memory_space<vmem>> -> memref<1x40x128xf32, #tpu.memory_space<vmem>>
        %dma_wait3A_806 = tpu.memref_squeeze %dma_wait3A_805 : memref<1x40x128xf32, #tpu.memory_space<vmem>> -> memref<40x128xf32, #tpu.memory_space<vmem>>
        %dma_wait3A_807 = arith.constant 0 : i32
        %dma_wait3A_808 = tpu.memref_slice %arg6[%add3A_436, %dma_wait3A_801, %dma_wait3A_807] : memref<79x2x40xi32, #tpu.memory_space<vmem>> -> memref<1x1x40xi32, #tpu.memory_space<vmem>>
        %dma_wait3A_809 = tpu.memref_squeeze %dma_wait3A_808 : memref<1x1x40xi32, #tpu.memory_space<vmem>> -> memref<40xi32, #tpu.memory_space<vmem>>
        %dma_wait3A_810 = arith.constant 0 : i32
        %dma_wait3A_811 = arith.constant 0 : i32
        %dma_wait3A_812 = tpu.memref_slice %arg3[%dma_wait3A_810, %dma_wait3A_811] : memref<100000x128xf32, #tpu.memory_space<hbm>> -> memref<100000x128xf32, #tpu.memory_space<hbm>>
        tpu.wait_indirect_dma semaphore(%arg23 : memref<!tpu.dma_semaphore, #tpu.memory_space<semaphore_mem>>) src(%dma_wait3A_812 : memref<100000x128xf32, #tpu.memory_space<hbm>>) dst(%dma_wait3A_806 : memref<40x128xf32, #tpu.memory_space<vmem>>)
        %mul3A_813 = arith.constant 79 : i32
        %mul3A_814 = arith.muli %add3A, %mul3A_813 : i32
        %add3A_815 = arith.addi %mul3A_814, %add3A_436 : i32
        %mul3A_816 = arith.constant 40 : i32
        %mul3A_817 = arith.muli %add3A_815, %mul3A_816 : i32
        %add3A_818 = arith.constant 100000 : i32
        %add3A_819 = arith.addi %add3A_818, %mul3A_817 : i32
        %dma_start3A_820 = arith.constant 6 : i32
        %dma_start3A_821 = arith.constant 0 : i32
        %dma_start3A_822 = arith.constant 0 : i32
        %dma_start3A_823 = tpu.memref_slice %arg7[%dma_start3A_820, %dma_start3A_821, %dma_start3A_822] : memref<8x40x128xf32, #tpu.memory_space<vmem>> -> memref<1x40x128xf32, #tpu.memory_space<vmem>>
        %dma_start3A_824 = tpu.memref_squeeze %dma_start3A_823 : memref<1x40x128xf32, #tpu.memory_space<vmem>> -> memref<40x128xf32, #tpu.memory_space<vmem>>
        %dma_start3A_825 = arith.constant 0 : i32
        %dma_start3A_826 = tpu.memref_slice %arg5[%add3A_819, %dma_start3A_825] : memref<200000x128xf32, #tpu.memory_space<hbm>> -> memref<40x128xf32, #tpu.memory_space<hbm>>
        %dma_start3A_827 = arith.constant 0 : i32
        %dma_start3A_828 = tpu.memref_slice %arg5[%add3A_819, %dma_start3A_827] : memref<200000x128xf32, #tpu.memory_space<hbm>> -> memref<40x128xf32, #tpu.memory_space<hbm>>
        %dma_start3A_829 = arith.constant 0 : i32
        %dma_start3A_830 = arith.constant 0 : i32
        %dma_start3A_831 = tpu.memref_slice %arg7[%dma_start3A_820, %dma_start3A_829, %dma_start3A_830] : memref<8x40x128xf32, #tpu.memory_space<vmem>> -> memref<1x40x128xf32, #tpu.memory_space<vmem>>
        %dma_start3A_832 = tpu.memref_squeeze %dma_start3A_831 : memref<1x40x128xf32, #tpu.memory_space<vmem>> -> memref<40x128xf32, #tpu.memory_space<vmem>>
        tpu.enqueue_dma source(%dma_start3A_832 : memref<40x128xf32, #tpu.memory_space<vmem>>) target(%dma_start3A_828 : memref<40x128xf32, #tpu.memory_space<hbm>>) target_semaphore(%arg31 : memref<!tpu.dma_semaphore, #tpu.memory_space<semaphore_mem>>)
      } else {
      }
      %mul3A_462 = arith.constant 8 : i32
      %mul3A_463 = arith.muli %add3A_185, %mul3A_462 : i32
      %add3A_464 = arith.constant 7 : i32
      %add3A_465 = arith.addi %mul3A_463, %add3A_464 : i32
      %ge3A_466 = arith.constant 2 : i32
      %ge3A_467 = arith.cmpi sge, %add3A_465, %ge3A_466 : i32
      %lt3A_468 = arith.cmpi slt, %add3A_465, %min3A_4 : i32
      %and3A_469 = arith.andi %ge3A_467, %lt3A_468 : i1
      %convert_element_type3A_470 = arith.extui %and3A_469 : i1 to i32
      %cond3A_471 = arith.constant 0 : i32
      %cond3A_472 = arith.cmpi ne, %convert_element_type3A_470, %cond3A_471 : i32
      scf.if %cond3A_472 {
        %sub3A_801 = arith.constant 2 : i32
        %sub3A_802 = arith.subi %add3A_465, %sub3A_801 : i32
        %mul3A_803 = arith.constant 79 : i32
        %mul3A_804 = arith.muli %add3A, %mul3A_803 : i32
        %add3A_805 = arith.addi %mul3A_804, %sub3A_802 : i32
        %mul3A_806 = arith.constant 40 : i32
        %mul3A_807 = arith.muli %add3A_805, %mul3A_806 : i32
        %add3A_808 = arith.constant 100000 : i32
        %add3A_809 = arith.addi %add3A_808, %mul3A_807 : i32
        %dma_wait3A_810 = arith.constant 5 : i32
        %dma_wait3A_811 = arith.constant 0 : i32
        %dma_wait3A_812 = arith.constant 0 : i32
        %dma_wait3A_813 = tpu.memref_slice %arg7[%dma_wait3A_810, %dma_wait3A_811, %dma_wait3A_812] : memref<8x40x128xf32, #tpu.memory_space<vmem>> -> memref<1x40x128xf32, #tpu.memory_space<vmem>>
        %dma_wait3A_814 = tpu.memref_squeeze %dma_wait3A_813 : memref<1x40x128xf32, #tpu.memory_space<vmem>> -> memref<40x128xf32, #tpu.memory_space<vmem>>
        %dma_wait3A_815 = arith.constant 0 : i32
        %dma_wait3A_816 = tpu.memref_slice %arg5[%add3A_809, %dma_wait3A_815] : memref<200000x128xf32, #tpu.memory_space<hbm>> -> memref<40x128xf32, #tpu.memory_space<hbm>>
        %dma_wait3A_817 = arith.constant 0 : i32
        %dma_wait3A_818 = tpu.memref_slice %arg5[%add3A_809, %dma_wait3A_817] : memref<200000x128xf32, #tpu.memory_space<hbm>> -> memref<40x128xf32, #tpu.memory_space<hbm>>
        %dma_wait3A_819 = arith.constant 0 : i32
        %dma_wait3A_820 = arith.constant 0 : i32
        %dma_wait3A_821 = tpu.memref_slice %arg7[%dma_wait3A_810, %dma_wait3A_819, %dma_wait3A_820] : memref<8x40x128xf32, #tpu.memory_space<vmem>> -> memref<1x40x128xf32, #tpu.memory_space<vmem>>
        %dma_wait3A_822 = tpu.memref_squeeze %dma_wait3A_821 : memref<1x40x128xf32, #tpu.memory_space<vmem>> -> memref<40x128xf32, #tpu.memory_space<vmem>>
        tpu.wait_dma2 semaphore(%arg30 : memref<!tpu.dma_semaphore, #tpu.memory_space<semaphore_mem>>) src(%dma_wait3A_822 : memref<40x128xf32, #tpu.memory_space<vmem>>) dst(%dma_wait3A_818 : memref<40x128xf32, #tpu.memory_space<hbm>>)
      } else {
      }
      %add3A_473 = arith.constant 8 : i32
      %add3A_474 = arith.addi %add3A_465, %add3A_473 : i32
      %sub3A_475 = arith.constant 2 : i32
      %sub3A_476 = arith.subi %add3A_474, %sub3A_475 : i32
      %lt3A_477 = arith.cmpi slt, %sub3A_476, %min3A_4 : i32
      %convert_element_type3A_478 = arith.extui %lt3A_477 : i1 to i32
      %cond3A_479 = arith.constant 0 : i32
      %cond3A_480 = arith.cmpi ne, %convert_element_type3A_478, %cond3A_479 : i32
      scf.if %cond3A_480 {
        %add3A_801 = arith.constant 8 : i32
        %add3A_802 = arith.addi %add3A_465, %add3A_801 : i32
        %sub3A_803 = arith.constant 2 : i32
        %sub3A_804 = arith.subi %add3A_802, %sub3A_803 : i32
        %dma_start3A_805 = arith.constant 0 : i32
        %dma_start3A_806 = arith.constant 5 : i32
        %dma_start3A_807 = arith.constant 0 : i32
        %dma_start3A_808 = arith.constant 0 : i32
        %dma_start3A_809 = tpu.memref_slice %arg7[%dma_start3A_806, %dma_start3A_807, %dma_start3A_808] : memref<8x40x128xf32, #tpu.memory_space<vmem>> -> memref<1x40x128xf32, #tpu.memory_space<vmem>>
        %dma_start3A_810 = tpu.memref_squeeze %dma_start3A_809 : memref<1x40x128xf32, #tpu.memory_space<vmem>> -> memref<40x128xf32, #tpu.memory_space<vmem>>
        %dma_start3A_811 = arith.constant 0 : i32
        %dma_start3A_812 = tpu.memref_slice %arg6[%sub3A_804, %dma_start3A_805, %dma_start3A_811] : memref<79x2x40xi32, #tpu.memory_space<vmem>> -> memref<1x1x40xi32, #tpu.memory_space<vmem>>
        %dma_start3A_813 = tpu.memref_squeeze %dma_start3A_812 : memref<1x1x40xi32, #tpu.memory_space<vmem>> -> memref<40xi32, #tpu.memory_space<vmem>>
        %dma_start3A_814 = arith.constant 0 : i32
        %dma_start3A_815 = arith.constant 0 : i32
        %dma_start3A_816 = tpu.memref_slice %arg3[%dma_start3A_814, %dma_start3A_815] : memref<100000x128xf32, #tpu.memory_space<hbm>> -> memref<100000x128xf32, #tpu.memory_space<hbm>>
        tpu.enqueue_indirect_dma source(%dma_start3A_816 : memref<100000x128xf32, #tpu.memory_space<hbm>>) target(%dma_start3A_810 : memref<40x128xf32, #tpu.memory_space<vmem>>) offsets(%dma_start3A_813 : memref<40xi32, #tpu.memory_space<vmem>>) semaphore(%arg14 : memref<!tpu.dma_semaphore, #tpu.memory_space<semaphore_mem>>)
      } else {
      }
      %add3A_481 = arith.constant 1 : i32
      %add3A_482 = arith.addi %add3A_465, %add3A_481 : i32
      %lt3A_483 = arith.cmpi slt, %add3A_482, %min3A_4 : i32
      %convert_element_type3A_484 = arith.extui %lt3A_483 : i1 to i32
      %cond3A_485 = arith.constant 0 : i32
      %cond3A_486 = arith.cmpi ne, %convert_element_type3A_484, %cond3A_485 : i32
      scf.if %cond3A_486 {
        %add3A_801 = arith.constant 1 : i32
        %add3A_802 = arith.addi %add3A_465, %add3A_801 : i32
        %dma_wait3A_803 = arith.constant 0 : i32
        %dma_wait3A_804 = arith.constant 0 : i32
        %dma_wait3A_805 = arith.constant 0 : i32
        %dma_wait3A_806 = arith.constant 0 : i32
        %dma_wait3A_807 = tpu.memref_slice %arg7[%dma_wait3A_804, %dma_wait3A_805, %dma_wait3A_806] : memref<8x40x128xf32, #tpu.memory_space<vmem>> -> memref<1x40x128xf32, #tpu.memory_space<vmem>>
        %dma_wait3A_808 = tpu.memref_squeeze %dma_wait3A_807 : memref<1x40x128xf32, #tpu.memory_space<vmem>> -> memref<40x128xf32, #tpu.memory_space<vmem>>
        %dma_wait3A_809 = arith.constant 0 : i32
        %dma_wait3A_810 = tpu.memref_slice %arg6[%add3A_802, %dma_wait3A_803, %dma_wait3A_809] : memref<79x2x40xi32, #tpu.memory_space<vmem>> -> memref<1x1x40xi32, #tpu.memory_space<vmem>>
        %dma_wait3A_811 = tpu.memref_squeeze %dma_wait3A_810 : memref<1x1x40xi32, #tpu.memory_space<vmem>> -> memref<40xi32, #tpu.memory_space<vmem>>
        %dma_wait3A_812 = arith.constant 0 : i32
        %dma_wait3A_813 = arith.constant 0 : i32
        %dma_wait3A_814 = tpu.memref_slice %arg3[%dma_wait3A_812, %dma_wait3A_813] : memref<100000x128xf32, #tpu.memory_space<hbm>> -> memref<100000x128xf32, #tpu.memory_space<hbm>>
        tpu.wait_indirect_dma semaphore(%arg9 : memref<!tpu.dma_semaphore, #tpu.memory_space<semaphore_mem>>) src(%dma_wait3A_814 : memref<100000x128xf32, #tpu.memory_space<hbm>>) dst(%dma_wait3A_808 : memref<40x128xf32, #tpu.memory_space<vmem>>)
        %add3A_815 = arith.constant 1 : i32
        %add3A_816 = arith.addi %add3A_465, %add3A_815 : i32
        %dma_start3A_817 = arith.constant 1 : i32
        %dma_start3A_818 = arith.constant 0 : i32
        %dma_start3A_819 = arith.constant 0 : i32
        %dma_start3A_820 = arith.constant 0 : i32
        %dma_start3A_821 = tpu.memref_slice %arg7[%dma_start3A_818, %dma_start3A_819, %dma_start3A_820] : memref<8x40x128xf32, #tpu.memory_space<vmem>> -> memref<1x40x128xf32, #tpu.memory_space<vmem>>
        %dma_start3A_822 = tpu.memref_squeeze %dma_start3A_821 : memref<1x40x128xf32, #tpu.memory_space<vmem>> -> memref<40x128xf32, #tpu.memory_space<vmem>>
        %dma_start3A_823 = arith.constant 0 : i32
        %dma_start3A_824 = tpu.memref_slice %arg6[%add3A_816, %dma_start3A_817, %dma_start3A_823] : memref<79x2x40xi32, #tpu.memory_space<vmem>> -> memref<1x1x40xi32, #tpu.memory_space<vmem>>
        %dma_start3A_825 = tpu.memref_squeeze %dma_start3A_824 : memref<1x1x40xi32, #tpu.memory_space<vmem>> -> memref<40xi32, #tpu.memory_space<vmem>>
        %dma_start3A_826 = arith.constant 0 : i32
        %dma_start3A_827 = arith.constant 0 : i32
        %dma_start3A_828 = tpu.memref_slice %arg3[%dma_start3A_826, %dma_start3A_827] : memref<100000x128xf32, #tpu.memory_space<hbm>> -> memref<100000x128xf32, #tpu.memory_space<hbm>>
        tpu.enqueue_indirect_dma source(%dma_start3A_828 : memref<100000x128xf32, #tpu.memory_space<hbm>>) target(%dma_start3A_822 : memref<40x128xf32, #tpu.memory_space<vmem>>) offsets(%dma_start3A_825 : memref<40xi32, #tpu.memory_space<vmem>>) semaphore(%arg17 : memref<!tpu.dma_semaphore, #tpu.memory_space<semaphore_mem>>) {add = true}
      } else {
      }
      %lt3A_487 = arith.cmpi slt, %add3A_465, %min3A_4 : i32
      %convert_element_type3A_488 = arith.extui %lt3A_487 : i1 to i32
      %cond3A_489 = arith.constant 0 : i32
      %cond3A_490 = arith.cmpi ne, %convert_element_type3A_488, %cond3A_489 : i32
      scf.if %cond3A_490 {
        %dma_wait3A_801 = arith.constant 1 : i32
        %dma_wait3A_802 = arith.constant 7 : i32
        %dma_wait3A_803 = arith.constant 0 : i32
        %dma_wait3A_804 = arith.constant 0 : i32
        %dma_wait3A_805 = tpu.memref_slice %arg7[%dma_wait3A_802, %dma_wait3A_803, %dma_wait3A_804] : memref<8x40x128xf32, #tpu.memory_space<vmem>> -> memref<1x40x128xf32, #tpu.memory_space<vmem>>
        %dma_wait3A_806 = tpu.memref_squeeze %dma_wait3A_805 : memref<1x40x128xf32, #tpu.memory_space<vmem>> -> memref<40x128xf32, #tpu.memory_space<vmem>>
        %dma_wait3A_807 = arith.constant 0 : i32
        %dma_wait3A_808 = tpu.memref_slice %arg6[%add3A_465, %dma_wait3A_801, %dma_wait3A_807] : memref<79x2x40xi32, #tpu.memory_space<vmem>> -> memref<1x1x40xi32, #tpu.memory_space<vmem>>
        %dma_wait3A_809 = tpu.memref_squeeze %dma_wait3A_808 : memref<1x1x40xi32, #tpu.memory_space<vmem>> -> memref<40xi32, #tpu.memory_space<vmem>>
        %dma_wait3A_810 = arith.constant 0 : i32
        %dma_wait3A_811 = arith.constant 0 : i32
        %dma_wait3A_812 = tpu.memref_slice %arg3[%dma_wait3A_810, %dma_wait3A_811] : memref<100000x128xf32, #tpu.memory_space<hbm>> -> memref<100000x128xf32, #tpu.memory_space<hbm>>
        tpu.wait_indirect_dma semaphore(%arg24 : memref<!tpu.dma_semaphore, #tpu.memory_space<semaphore_mem>>) src(%dma_wait3A_812 : memref<100000x128xf32, #tpu.memory_space<hbm>>) dst(%dma_wait3A_806 : memref<40x128xf32, #tpu.memory_space<vmem>>)
        %mul3A_813 = arith.constant 79 : i32
        %mul3A_814 = arith.muli %add3A, %mul3A_813 : i32
        %add3A_815 = arith.addi %mul3A_814, %add3A_465 : i32
        %mul3A_816 = arith.constant 40 : i32
        %mul3A_817 = arith.muli %add3A_815, %mul3A_816 : i32
        %add3A_818 = arith.constant 100000 : i32
        %add3A_819 = arith.addi %add3A_818, %mul3A_817 : i32
        %dma_start3A_820 = arith.constant 7 : i32
        %dma_start3A_821 = arith.constant 0 : i32
        %dma_start3A_822 = arith.constant 0 : i32
        %dma_start3A_823 = tpu.memref_slice %arg7[%dma_start3A_820, %dma_start3A_821, %dma_start3A_822] : memref<8x40x128xf32, #tpu.memory_space<vmem>> -> memref<1x40x128xf32, #tpu.memory_space<vmem>>
        %dma_start3A_824 = tpu.memref_squeeze %dma_start3A_823 : memref<1x40x128xf32, #tpu.memory_space<vmem>> -> memref<40x128xf32, #tpu.memory_space<vmem>>
        %dma_start3A_825 = arith.constant 0 : i32
        %dma_start3A_826 = tpu.memref_slice %arg5[%add3A_819, %dma_start3A_825] : memref<200000x128xf32, #tpu.memory_space<hbm>> -> memref<40x128xf32, #tpu.memory_space<hbm>>
        %dma_start3A_827 = arith.constant 0 : i32
        %dma_start3A_828 = tpu.memref_slice %arg5[%add3A_819, %dma_start3A_827] : memref<200000x128xf32, #tpu.memory_space<hbm>> -> memref<40x128xf32, #tpu.memory_space<hbm>>
        %dma_start3A_829 = arith.constant 0 : i32
        %dma_start3A_830 = arith.constant 0 : i32
        %dma_start3A_831 = tpu.memref_slice %arg7[%dma_start3A_820, %dma_start3A_829, %dma_start3A_830] : memref<8x40x128xf32, #tpu.memory_space<vmem>> -> memref<1x40x128xf32, #tpu.memory_space<vmem>>
        %dma_start3A_832 = tpu.memref_squeeze %dma_start3A_831 : memref<1x40x128xf32, #tpu.memory_space<vmem>> -> memref<40x128xf32, #tpu.memory_space<vmem>>
        tpu.enqueue_dma source(%dma_start3A_832 : memref<40x128xf32, #tpu.memory_space<vmem>>) target(%dma_start3A_828 : memref<40x128xf32, #tpu.memory_space<hbm>>) target_semaphore(%arg32 : memref<!tpu.dma_semaphore, #tpu.memory_space<semaphore_mem>>)
      } else {
      }
      %mul3A_491 = arith.constant 2 : i32
      %mul3A_492 = arith.muli %mul3A_491, %scan3A_181 : i32
      %add3A_493 = arith.constant 1 : i32
      %add3A_494 = arith.addi %mul3A_492, %add3A_493 : i32
      %mul3A_495 = arith.constant 2 : i32
      %mul3A_496 = arith.muli %mul3A_495, %add3A_494 : i32
      %ge3A_497 = arith.constant 2 : i32
      %ge3A_498 = arith.cmpi sge, %mul3A_496, %ge3A_497 : i32
      %sub3A_499 = arith.constant 2 : i32
      %sub3A_500 = arith.subi %mul3A_496, %sub3A_499 : i32
      %mul3A_501 = arith.constant 32 : i32
      %mul3A_502 = arith.muli %mul3A_501, %sub3A_500 : i32
      %add3A_503 = arith.addi %add3A, %mul3A_502 : i32
      %lt3A_504 = arith.constant 500 : i32
      %lt3A_505 = arith.cmpi slt, %add3A_503, %lt3A_504 : i32
      %and3A_506 = arith.andi %ge3A_498, %lt3A_505 : i1
      %convert_element_type3A_507 = arith.extui %and3A_506 : i1 to i32
      %cond3A_508 = arith.constant 0 : i32
      %cond3A_509 = arith.cmpi ne, %convert_element_type3A_507, %cond3A_508 : i32
      scf.if %cond3A_509 {
        %sub3A_801 = arith.constant 2 : i32
        %sub3A_802 = arith.subi %mul3A_496, %sub3A_801 : i32
        %mul3A_803 = arith.constant 32 : i32
        %mul3A_804 = arith.muli %mul3A_803, %sub3A_802 : i32
        %add3A_805 = arith.addi %add3A, %mul3A_804 : i32
        %mul3A_806 = arith.constant 200 : i32
        %mul3A_807 = arith.muli %add3A_805, %mul3A_806 : i32
        %dma_wait3A_808 = arith.constant 0 : i32
        %dma_wait3A_809 = arith.constant 0 : i32
        %dma_wait3A_810 = tpu.memref_slice %arg5[%mul3A_807, %dma_wait3A_809] : memref<200000x128xf32, #tpu.memory_space<hbm>> -> memref<200x128xf32, #tpu.memory_space<hbm>>
        %dma_wait3A_811 = arith.constant 0 : i32
        %dma_wait3A_812 = arith.constant 0 : i32
        %dma_wait3A_813 = tpu.memref_slice %arg8[%arg1, %dma_wait3A_808, %dma_wait3A_811, %dma_wait3A_812] : memref<16x2x200x128xf32, #tpu.memory_space<vmem_shared>> -> memref<1x1x200x128xf32, #tpu.memory_space<vmem_shared>>
        %dma_wait3A_814 = tpu.memref_squeeze %dma_wait3A_813 : memref<1x1x200x128xf32, #tpu.memory_space<vmem_shared>> -> memref<200x128xf32, #tpu.memory_space<vmem_shared>>
        tpu.wait_dma2 semaphore(%arg35 : memref<!tpu.dma_semaphore, #tpu.memory_space<semaphore_mem>>) src(%dma_wait3A_814 : memref<200x128xf32, #tpu.memory_space<vmem_shared>>) dst(%dma_wait3A_810 : memref<200x128xf32, #tpu.memory_space<hbm>>)
      } else {
      }
      %mul3A_510 = arith.constant 32 : i32
      %mul3A_511 = arith.muli %mul3A_510, %mul3A_496 : i32
      %add3A_512 = arith.addi %add3A, %mul3A_511 : i32
      %lt3A_513 = arith.constant 500 : i32
      %lt3A_514 = arith.cmpi slt, %add3A_512, %lt3A_513 : i32
      %convert_element_type3A_515 = arith.extui %lt3A_514 : i1 to i32
      %cond3A_516 = arith.constant 0 : i32
      %cond3A_517 = arith.cmpi ne, %convert_element_type3A_515, %cond3A_516 : i32
      scf.if %cond3A_517 {
        %mul3A_801 = arith.constant 32 : i32
        %mul3A_802 = arith.muli %mul3A_801, %mul3A_496 : i32
        %add3A_803 = arith.addi %add3A, %mul3A_802 : i32
        %mul3A_804 = arith.constant 200 : i32
        %mul3A_805 = arith.muli %add3A_803, %mul3A_804 : i32
        %dma_start3A_806 = arith.constant 0 : i32
        %dma_start3A_807 = arith.constant 0 : i32
        %dma_start3A_808 = arith.constant 0 : i32
        %dma_start3A_809 = tpu.memref_slice %arg8[%arg1, %dma_start3A_806, %dma_start3A_807, %dma_start3A_808] : memref<16x2x200x128xf32, #tpu.memory_space<vmem_shared>> -> memref<1x1x200x128xf32, #tpu.memory_space<vmem_shared>>
        %dma_start3A_810 = tpu.memref_squeeze %dma_start3A_809 : memref<1x1x200x128xf32, #tpu.memory_space<vmem_shared>> -> memref<200x128xf32, #tpu.memory_space<vmem_shared>>
        %dma_start3A_811 = arith.constant 0 : i32
        %dma_start3A_812 = tpu.memref_slice %arg2[%mul3A_805, %dma_start3A_811] : memref<100000x128xf32, #tpu.memory_space<hbm>> -> memref<200x128xf32, #tpu.memory_space<hbm>>
        tpu.enqueue_dma source(%dma_start3A_812 : memref<200x128xf32, #tpu.memory_space<hbm>>) target(%dma_start3A_810 : memref<200x128xf32, #tpu.memory_space<vmem_shared>>) target_semaphore(%arg33 : memref<!tpu.dma_semaphore, #tpu.memory_space<semaphore_mem>>)
      } else {
      }
      %ge3A_518 = arith.constant 1 : i32
      %ge3A_519 = arith.cmpi sge, %mul3A_496, %ge3A_518 : i32
      %sub3A_520 = arith.constant 1 : i32
      %sub3A_521 = arith.subi %mul3A_496, %sub3A_520 : i32
      %mul3A_522 = arith.constant 32 : i32
      %mul3A_523 = arith.muli %mul3A_522, %sub3A_521 : i32
      %add3A_524 = arith.addi %add3A, %mul3A_523 : i32
      %lt3A_525 = arith.constant 500 : i32
      %lt3A_526 = arith.cmpi slt, %add3A_524, %lt3A_525 : i32
      %and3A_527 = arith.andi %ge3A_519, %lt3A_526 : i1
      %convert_element_type3A_528 = arith.extui %and3A_527 : i1 to i32
      %cond3A_529 = arith.constant 0 : i32
      %cond3A_530 = arith.cmpi ne, %convert_element_type3A_528, %cond3A_529 : i32
      scf.if %cond3A_530 {
        %sub3A_801 = arith.constant 1 : i32
        %sub3A_802 = arith.subi %mul3A_496, %sub3A_801 : i32
        %mul3A_803 = arith.constant 32 : i32
        %mul3A_804 = arith.muli %mul3A_803, %sub3A_802 : i32
        %add3A_805 = arith.addi %add3A, %mul3A_804 : i32
        %mul3A_806 = arith.constant 200 : i32
        %mul3A_807 = arith.muli %add3A_805, %mul3A_806 : i32
        %dma_wait3A_808 = arith.constant 1 : i32
        %dma_wait3A_809 = arith.constant 0 : i32
        %dma_wait3A_810 = arith.constant 0 : i32
        %dma_wait3A_811 = tpu.memref_slice %arg8[%arg1, %dma_wait3A_808, %dma_wait3A_809, %dma_wait3A_810] : memref<16x2x200x128xf32, #tpu.memory_space<vmem_shared>> -> memref<1x1x200x128xf32, #tpu.memory_space<vmem_shared>>
        %dma_wait3A_812 = tpu.memref_squeeze %dma_wait3A_811 : memref<1x1x200x128xf32, #tpu.memory_space<vmem_shared>> -> memref<200x128xf32, #tpu.memory_space<vmem_shared>>
        %dma_wait3A_813 = arith.constant 0 : i32
        %dma_wait3A_814 = tpu.memref_slice %arg2[%mul3A_807, %dma_wait3A_813] : memref<100000x128xf32, #tpu.memory_space<hbm>> -> memref<200x128xf32, #tpu.memory_space<hbm>>
        tpu.wait_dma2 semaphore(%arg34 : memref<!tpu.dma_semaphore, #tpu.memory_space<semaphore_mem>>) src(%dma_wait3A_814 : memref<200x128xf32, #tpu.memory_space<hbm>>) dst(%dma_wait3A_812 : memref<200x128xf32, #tpu.memory_space<vmem_shared>>)
        %sub3A_815 = arith.constant 1 : i32
        %sub3A_816 = arith.subi %mul3A_496, %sub3A_815 : i32
        %mul3A_817 = arith.constant 32 : i32
        %mul3A_818 = arith.muli %mul3A_817, %sub3A_816 : i32
        %add3A_819 = arith.addi %add3A, %mul3A_818 : i32
        %mul3A_820 = arith.constant 200 : i32
        %mul3A_821 = arith.muli %add3A_819, %mul3A_820 : i32
        %dma_start3A_822 = arith.constant 1 : i32
        %dma_start3A_823 = arith.constant 0 : i32
        %dma_start3A_824 = tpu.memref_slice %arg5[%mul3A_821, %dma_start3A_823] : memref<200000x128xf32, #tpu.memory_space<hbm>> -> memref<200x128xf32, #tpu.memory_space<hbm>>
        %dma_start3A_825 = arith.constant 0 : i32
        %dma_start3A_826 = arith.constant 0 : i32
        %dma_start3A_827 = tpu.memref_slice %arg8[%arg1, %dma_start3A_822, %dma_start3A_825, %dma_start3A_826] : memref<16x2x200x128xf32, #tpu.memory_space<vmem_shared>> -> memref<1x1x200x128xf32, #tpu.memory_space<vmem_shared>>
        %dma_start3A_828 = tpu.memref_squeeze %dma_start3A_827 : memref<1x1x200x128xf32, #tpu.memory_space<vmem_shared>> -> memref<200x128xf32, #tpu.memory_space<vmem_shared>>
        tpu.enqueue_dma source(%dma_start3A_828 : memref<200x128xf32, #tpu.memory_space<vmem_shared>>) target(%dma_start3A_824 : memref<200x128xf32, #tpu.memory_space<hbm>>) target_semaphore(%arg36 : memref<!tpu.dma_semaphore, #tpu.memory_space<semaphore_mem>>)
      } else {
      }
      %mul3A_531 = arith.constant 2 : i32
      %mul3A_532 = arith.muli %mul3A_531, %add3A_494 : i32
      %add3A_533 = arith.constant 1 : i32
      %add3A_534 = arith.addi %mul3A_532, %add3A_533 : i32
      %ge3A_535 = arith.constant 2 : i32
      %ge3A_536 = arith.cmpi sge, %add3A_534, %ge3A_535 : i32
      %sub3A_537 = arith.constant 2 : i32
      %sub3A_538 = arith.subi %add3A_534, %sub3A_537 : i32
      %mul3A_539 = arith.constant 32 : i32
      %mul3A_540 = arith.muli %mul3A_539, %sub3A_538 : i32
      %add3A_541 = arith.addi %add3A, %mul3A_540 : i32
      %lt3A_542 = arith.constant 500 : i32
      %lt3A_543 = arith.cmpi slt, %add3A_541, %lt3A_542 : i32
      %and3A_544 = arith.andi %ge3A_536, %lt3A_543 : i1
      %convert_element_type3A_545 = arith.extui %and3A_544 : i1 to i32
      %cond3A_546 = arith.constant 0 : i32
      %cond3A_547 = arith.cmpi ne, %convert_element_type3A_545, %cond3A_546 : i32
      scf.if %cond3A_547 {
        %sub3A_801 = arith.constant 2 : i32
        %sub3A_802 = arith.subi %add3A_534, %sub3A_801 : i32
        %mul3A_803 = arith.constant 32 : i32
        %mul3A_804 = arith.muli %mul3A_803, %sub3A_802 : i32
        %add3A_805 = arith.addi %add3A, %mul3A_804 : i32
        %mul3A_806 = arith.constant 200 : i32
        %mul3A_807 = arith.muli %add3A_805, %mul3A_806 : i32
        %dma_wait3A_808 = arith.constant 1 : i32
        %dma_wait3A_809 = arith.constant 0 : i32
        %dma_wait3A_810 = tpu.memref_slice %arg5[%mul3A_807, %dma_wait3A_809] : memref<200000x128xf32, #tpu.memory_space<hbm>> -> memref<200x128xf32, #tpu.memory_space<hbm>>
        %dma_wait3A_811 = arith.constant 0 : i32
        %dma_wait3A_812 = arith.constant 0 : i32
        %dma_wait3A_813 = tpu.memref_slice %arg8[%arg1, %dma_wait3A_808, %dma_wait3A_811, %dma_wait3A_812] : memref<16x2x200x128xf32, #tpu.memory_space<vmem_shared>> -> memref<1x1x200x128xf32, #tpu.memory_space<vmem_shared>>
        %dma_wait3A_814 = tpu.memref_squeeze %dma_wait3A_813 : memref<1x1x200x128xf32, #tpu.memory_space<vmem_shared>> -> memref<200x128xf32, #tpu.memory_space<vmem_shared>>
        tpu.wait_dma2 semaphore(%arg36 : memref<!tpu.dma_semaphore, #tpu.memory_space<semaphore_mem>>) src(%dma_wait3A_814 : memref<200x128xf32, #tpu.memory_space<vmem_shared>>) dst(%dma_wait3A_810 : memref<200x128xf32, #tpu.memory_space<hbm>>)
      } else {
      }
      %mul3A_548 = arith.constant 32 : i32
      %mul3A_549 = arith.muli %mul3A_548, %add3A_534 : i32
      %add3A_550 = arith.addi %add3A, %mul3A_549 : i32
      %lt3A_551 = arith.constant 500 : i32
      %lt3A_552 = arith.cmpi slt, %add3A_550, %lt3A_551 : i32
      %convert_element_type3A_553 = arith.extui %lt3A_552 : i1 to i32
      %cond3A_554 = arith.constant 0 : i32
      %cond3A_555 = arith.cmpi ne, %convert_element_type3A_553, %cond3A_554 : i32
      scf.if %cond3A_555 {
        %mul3A_801 = arith.constant 32 : i32
        %mul3A_802 = arith.muli %mul3A_801, %add3A_534 : i32
        %add3A_803 = arith.addi %add3A, %mul3A_802 : i32
        %mul3A_804 = arith.constant 200 : i32
        %mul3A_805 = arith.muli %add3A_803, %mul3A_804 : i32
        %dma_start3A_806 = arith.constant 1 : i32
        %dma_start3A_807 = arith.constant 0 : i32
        %dma_start3A_808 = arith.constant 0 : i32
        %dma_start3A_809 = tpu.memref_slice %arg8[%arg1, %dma_start3A_806, %dma_start3A_807, %dma_start3A_808] : memref<16x2x200x128xf32, #tpu.memory_space<vmem_shared>> -> memref<1x1x200x128xf32, #tpu.memory_space<vmem_shared>>
        %dma_start3A_810 = tpu.memref_squeeze %dma_start3A_809 : memref<1x1x200x128xf32, #tpu.memory_space<vmem_shared>> -> memref<200x128xf32, #tpu.memory_space<vmem_shared>>
        %dma_start3A_811 = arith.constant 0 : i32
        %dma_start3A_812 = tpu.memref_slice %arg2[%mul3A_805, %dma_start3A_811] : memref<100000x128xf32, #tpu.memory_space<hbm>> -> memref<200x128xf32, #tpu.memory_space<hbm>>
        tpu.enqueue_dma source(%dma_start3A_812 : memref<200x128xf32, #tpu.memory_space<hbm>>) target(%dma_start3A_810 : memref<200x128xf32, #tpu.memory_space<vmem_shared>>) target_semaphore(%arg34 : memref<!tpu.dma_semaphore, #tpu.memory_space<semaphore_mem>>)
      } else {
      }
      %ge3A_556 = arith.constant 1 : i32
      %ge3A_557 = arith.cmpi sge, %add3A_534, %ge3A_556 : i32
      %sub3A_558 = arith.constant 1 : i32
      %sub3A_559 = arith.subi %add3A_534, %sub3A_558 : i32
      %mul3A_560 = arith.constant 32 : i32
      %mul3A_561 = arith.muli %mul3A_560, %sub3A_559 : i32
      %add3A_562 = arith.addi %add3A, %mul3A_561 : i32
      %lt3A_563 = arith.constant 500 : i32
      %lt3A_564 = arith.cmpi slt, %add3A_562, %lt3A_563 : i32
      %and3A_565 = arith.andi %ge3A_557, %lt3A_564 : i1
      %convert_element_type3A_566 = arith.extui %and3A_565 : i1 to i32
      %cond3A_567 = arith.constant 0 : i32
      %cond3A_568 = arith.cmpi ne, %convert_element_type3A_566, %cond3A_567 : i32
      scf.if %cond3A_568 {
        %sub3A_801 = arith.constant 1 : i32
        %sub3A_802 = arith.subi %add3A_534, %sub3A_801 : i32
        %mul3A_803 = arith.constant 32 : i32
        %mul3A_804 = arith.muli %mul3A_803, %sub3A_802 : i32
        %add3A_805 = arith.addi %add3A, %mul3A_804 : i32
        %mul3A_806 = arith.constant 200 : i32
        %mul3A_807 = arith.muli %add3A_805, %mul3A_806 : i32
        %dma_wait3A_808 = arith.constant 0 : i32
        %dma_wait3A_809 = arith.constant 0 : i32
        %dma_wait3A_810 = arith.constant 0 : i32
        %dma_wait3A_811 = tpu.memref_slice %arg8[%arg1, %dma_wait3A_808, %dma_wait3A_809, %dma_wait3A_810] : memref<16x2x200x128xf32, #tpu.memory_space<vmem_shared>> -> memref<1x1x200x128xf32, #tpu.memory_space<vmem_shared>>
        %dma_wait3A_812 = tpu.memref_squeeze %dma_wait3A_811 : memref<1x1x200x128xf32, #tpu.memory_space<vmem_shared>> -> memref<200x128xf32, #tpu.memory_space<vmem_shared>>
        %dma_wait3A_813 = arith.constant 0 : i32
        %dma_wait3A_814 = tpu.memref_slice %arg2[%mul3A_807, %dma_wait3A_813] : memref<100000x128xf32, #tpu.memory_space<hbm>> -> memref<200x128xf32, #tpu.memory_space<hbm>>
        tpu.wait_dma2 semaphore(%arg33 : memref<!tpu.dma_semaphore, #tpu.memory_space<semaphore_mem>>) src(%dma_wait3A_814 : memref<200x128xf32, #tpu.memory_space<hbm>>) dst(%dma_wait3A_812 : memref<200x128xf32, #tpu.memory_space<vmem_shared>>)
        %sub3A_815 = arith.constant 1 : i32
        %sub3A_816 = arith.subi %add3A_534, %sub3A_815 : i32
        %mul3A_817 = arith.constant 32 : i32
        %mul3A_818 = arith.muli %mul3A_817, %sub3A_816 : i32
        %add3A_819 = arith.addi %add3A, %mul3A_818 : i32
        %mul3A_820 = arith.constant 200 : i32
        %mul3A_821 = arith.muli %add3A_819, %mul3A_820 : i32
        %dma_start3A_822 = arith.constant 0 : i32
        %dma_start3A_823 = arith.constant 0 : i32
        %dma_start3A_824 = tpu.memref_slice %arg5[%mul3A_821, %dma_start3A_823] : memref<200000x128xf32, #tpu.memory_space<hbm>> -> memref<200x128xf32, #tpu.memory_space<hbm>>
        %dma_start3A_825 = arith.constant 0 : i32
        %dma_start3A_826 = arith.constant 0 : i32
        %dma_start3A_827 = tpu.memref_slice %arg8[%arg1, %dma_start3A_822, %dma_start3A_825, %dma_start3A_826] : memref<16x2x200x128xf32, #tpu.memory_space<vmem_shared>> -> memref<1x1x200x128xf32, #tpu.memory_space<vmem_shared>>
        %dma_start3A_828 = tpu.memref_squeeze %dma_start3A_827 : memref<1x1x200x128xf32, #tpu.memory_space<vmem_shared>> -> memref<200x128xf32, #tpu.memory_space<vmem_shared>>
        tpu.enqueue_dma source(%dma_start3A_828 : memref<200x128xf32, #tpu.memory_space<vmem_shared>>) target(%dma_start3A_824 : memref<200x128xf32, #tpu.memory_space<hbm>>) target_semaphore(%arg35 : memref<!tpu.dma_semaphore, #tpu.memory_space<semaphore_mem>>)
      } else {
      }
      %mul3A_569 = arith.constant 8 : i32
      %mul3A_570 = arith.muli %add3A_494, %mul3A_569 : i32
      %add3A_571 = arith.constant 0 : i32
      %add3A_572 = arith.addi %mul3A_570, %add3A_571 : i32
      %ge3A_573 = arith.constant 2 : i32
      %ge3A_574 = arith.cmpi sge, %add3A_572, %ge3A_573 : i32
      %lt3A_575 = arith.cmpi slt, %add3A_572, %min3A_4 : i32
      %and3A_576 = arith.andi %ge3A_574, %lt3A_575 : i1
      %convert_element_type3A_577 = arith.extui %and3A_576 : i1 to i32
      %cond3A_578 = arith.constant 0 : i32
      %cond3A_579 = arith.cmpi ne, %convert_element_type3A_577, %cond3A_578 : i32
      scf.if %cond3A_579 {
        %sub3A_801 = arith.constant 2 : i32
        %sub3A_802 = arith.subi %add3A_572, %sub3A_801 : i32
        %mul3A_803 = arith.constant 79 : i32
        %mul3A_804 = arith.muli %add3A, %mul3A_803 : i32
        %add3A_805 = arith.addi %mul3A_804, %sub3A_802 : i32
        %mul3A_806 = arith.constant 40 : i32
        %mul3A_807 = arith.muli %add3A_805, %mul3A_806 : i32
        %add3A_808 = arith.constant 100000 : i32
        %add3A_809 = arith.addi %add3A_808, %mul3A_807 : i32
        %dma_wait3A_810 = arith.constant 6 : i32
        %dma_wait3A_811 = arith.constant 0 : i32
        %dma_wait3A_812 = arith.constant 0 : i32
        %dma_wait3A_813 = tpu.memref_slice %arg7[%dma_wait3A_810, %dma_wait3A_811, %dma_wait3A_812] : memref<8x40x128xf32, #tpu.memory_space<vmem>> -> memref<1x40x128xf32, #tpu.memory_space<vmem>>
        %dma_wait3A_814 = tpu.memref_squeeze %dma_wait3A_813 : memref<1x40x128xf32, #tpu.memory_space<vmem>> -> memref<40x128xf32, #tpu.memory_space<vmem>>
        %dma_wait3A_815 = arith.constant 0 : i32
        %dma_wait3A_816 = tpu.memref_slice %arg5[%add3A_809, %dma_wait3A_815] : memref<200000x128xf32, #tpu.memory_space<hbm>> -> memref<40x128xf32, #tpu.memory_space<hbm>>
        %dma_wait3A_817 = arith.constant 0 : i32
        %dma_wait3A_818 = tpu.memref_slice %arg5[%add3A_809, %dma_wait3A_817] : memref<200000x128xf32, #tpu.memory_space<hbm>> -> memref<40x128xf32, #tpu.memory_space<hbm>>
        %dma_wait3A_819 = arith.constant 0 : i32
        %dma_wait3A_820 = arith.constant 0 : i32
        %dma_wait3A_821 = tpu.memref_slice %arg7[%dma_wait3A_810, %dma_wait3A_819, %dma_wait3A_820] : memref<8x40x128xf32, #tpu.memory_space<vmem>> -> memref<1x40x128xf32, #tpu.memory_space<vmem>>
        %dma_wait3A_822 = tpu.memref_squeeze %dma_wait3A_821 : memref<1x40x128xf32, #tpu.memory_space<vmem>> -> memref<40x128xf32, #tpu.memory_space<vmem>>
        tpu.wait_dma2 semaphore(%arg31 : memref<!tpu.dma_semaphore, #tpu.memory_space<semaphore_mem>>) src(%dma_wait3A_822 : memref<40x128xf32, #tpu.memory_space<vmem>>) dst(%dma_wait3A_818 : memref<40x128xf32, #tpu.memory_space<hbm>>)
      } else {
      }
      %add3A_580 = arith.constant 8 : i32
      %add3A_581 = arith.addi %add3A_572, %add3A_580 : i32
      %sub3A_582 = arith.constant 2 : i32
      %sub3A_583 = arith.subi %add3A_581, %sub3A_582 : i32
      %lt3A_584 = arith.cmpi slt, %sub3A_583, %min3A_4 : i32
      %convert_element_type3A_585 = arith.extui %lt3A_584 : i1 to i32
      %cond3A_586 = arith.constant 0 : i32
      %cond3A_587 = arith.cmpi ne, %convert_element_type3A_585, %cond3A_586 : i32
      scf.if %cond3A_587 {
        %add3A_801 = arith.constant 8 : i32
        %add3A_802 = arith.addi %add3A_572, %add3A_801 : i32
        %sub3A_803 = arith.constant 2 : i32
        %sub3A_804 = arith.subi %add3A_802, %sub3A_803 : i32
        %dma_start3A_805 = arith.constant 0 : i32
        %dma_start3A_806 = arith.constant 6 : i32
        %dma_start3A_807 = arith.constant 0 : i32
        %dma_start3A_808 = arith.constant 0 : i32
        %dma_start3A_809 = tpu.memref_slice %arg7[%dma_start3A_806, %dma_start3A_807, %dma_start3A_808] : memref<8x40x128xf32, #tpu.memory_space<vmem>> -> memref<1x40x128xf32, #tpu.memory_space<vmem>>
        %dma_start3A_810 = tpu.memref_squeeze %dma_start3A_809 : memref<1x40x128xf32, #tpu.memory_space<vmem>> -> memref<40x128xf32, #tpu.memory_space<vmem>>
        %dma_start3A_811 = arith.constant 0 : i32
        %dma_start3A_812 = tpu.memref_slice %arg6[%sub3A_804, %dma_start3A_805, %dma_start3A_811] : memref<79x2x40xi32, #tpu.memory_space<vmem>> -> memref<1x1x40xi32, #tpu.memory_space<vmem>>
        %dma_start3A_813 = tpu.memref_squeeze %dma_start3A_812 : memref<1x1x40xi32, #tpu.memory_space<vmem>> -> memref<40xi32, #tpu.memory_space<vmem>>
        %dma_start3A_814 = arith.constant 0 : i32
        %dma_start3A_815 = arith.constant 0 : i32
        %dma_start3A_816 = tpu.memref_slice %arg3[%dma_start3A_814, %dma_start3A_815] : memref<100000x128xf32, #tpu.memory_space<hbm>> -> memref<100000x128xf32, #tpu.memory_space<hbm>>
        tpu.enqueue_indirect_dma source(%dma_start3A_816 : memref<100000x128xf32, #tpu.memory_space<hbm>>) target(%dma_start3A_810 : memref<40x128xf32, #tpu.memory_space<vmem>>) offsets(%dma_start3A_813 : memref<40xi32, #tpu.memory_space<vmem>>) semaphore(%arg15 : memref<!tpu.dma_semaphore, #tpu.memory_space<semaphore_mem>>)
      } else {
      }
      %add3A_588 = arith.constant 1 : i32
      %add3A_589 = arith.addi %add3A_572, %add3A_588 : i32
      %lt3A_590 = arith.cmpi slt, %add3A_589, %min3A_4 : i32
      %convert_element_type3A_591 = arith.extui %lt3A_590 : i1 to i32
      %cond3A_592 = arith.constant 0 : i32
      %cond3A_593 = arith.cmpi ne, %convert_element_type3A_591, %cond3A_592 : i32
      scf.if %cond3A_593 {
        %add3A_801 = arith.constant 1 : i32
        %add3A_802 = arith.addi %add3A_572, %add3A_801 : i32
        %dma_wait3A_803 = arith.constant 0 : i32
        %dma_wait3A_804 = arith.constant 1 : i32
        %dma_wait3A_805 = arith.constant 0 : i32
        %dma_wait3A_806 = arith.constant 0 : i32
        %dma_wait3A_807 = tpu.memref_slice %arg7[%dma_wait3A_804, %dma_wait3A_805, %dma_wait3A_806] : memref<8x40x128xf32, #tpu.memory_space<vmem>> -> memref<1x40x128xf32, #tpu.memory_space<vmem>>
        %dma_wait3A_808 = tpu.memref_squeeze %dma_wait3A_807 : memref<1x40x128xf32, #tpu.memory_space<vmem>> -> memref<40x128xf32, #tpu.memory_space<vmem>>
        %dma_wait3A_809 = arith.constant 0 : i32
        %dma_wait3A_810 = tpu.memref_slice %arg6[%add3A_802, %dma_wait3A_803, %dma_wait3A_809] : memref<79x2x40xi32, #tpu.memory_space<vmem>> -> memref<1x1x40xi32, #tpu.memory_space<vmem>>
        %dma_wait3A_811 = tpu.memref_squeeze %dma_wait3A_810 : memref<1x1x40xi32, #tpu.memory_space<vmem>> -> memref<40xi32, #tpu.memory_space<vmem>>
        %dma_wait3A_812 = arith.constant 0 : i32
        %dma_wait3A_813 = arith.constant 0 : i32
        %dma_wait3A_814 = tpu.memref_slice %arg3[%dma_wait3A_812, %dma_wait3A_813] : memref<100000x128xf32, #tpu.memory_space<hbm>> -> memref<100000x128xf32, #tpu.memory_space<hbm>>
        tpu.wait_indirect_dma semaphore(%arg10 : memref<!tpu.dma_semaphore, #tpu.memory_space<semaphore_mem>>) src(%dma_wait3A_814 : memref<100000x128xf32, #tpu.memory_space<hbm>>) dst(%dma_wait3A_808 : memref<40x128xf32, #tpu.memory_space<vmem>>)
        %add3A_815 = arith.constant 1 : i32
        %add3A_816 = arith.addi %add3A_572, %add3A_815 : i32
        %dma_start3A_817 = arith.constant 1 : i32
        %dma_start3A_818 = arith.constant 1 : i32
        %dma_start3A_819 = arith.constant 0 : i32
        %dma_start3A_820 = arith.constant 0 : i32
        %dma_start3A_821 = tpu.memref_slice %arg7[%dma_start3A_818, %dma_start3A_819, %dma_start3A_820] : memref<8x40x128xf32, #tpu.memory_space<vmem>> -> memref<1x40x128xf32, #tpu.memory_space<vmem>>
        %dma_start3A_822 = tpu.memref_squeeze %dma_start3A_821 : memref<1x40x128xf32, #tpu.memory_space<vmem>> -> memref<40x128xf32, #tpu.memory_space<vmem>>
        %dma_start3A_823 = arith.constant 0 : i32
        %dma_start3A_824 = tpu.memref_slice %arg6[%add3A_816, %dma_start3A_817, %dma_start3A_823] : memref<79x2x40xi32, #tpu.memory_space<vmem>> -> memref<1x1x40xi32, #tpu.memory_space<vmem>>
        %dma_start3A_825 = tpu.memref_squeeze %dma_start3A_824 : memref<1x1x40xi32, #tpu.memory_space<vmem>> -> memref<40xi32, #tpu.memory_space<vmem>>
        %dma_start3A_826 = arith.constant 0 : i32
        %dma_start3A_827 = arith.constant 0 : i32
        %dma_start3A_828 = tpu.memref_slice %arg3[%dma_start3A_826, %dma_start3A_827] : memref<100000x128xf32, #tpu.memory_space<hbm>> -> memref<100000x128xf32, #tpu.memory_space<hbm>>
        tpu.enqueue_indirect_dma source(%dma_start3A_828 : memref<100000x128xf32, #tpu.memory_space<hbm>>) target(%dma_start3A_822 : memref<40x128xf32, #tpu.memory_space<vmem>>) offsets(%dma_start3A_825 : memref<40xi32, #tpu.memory_space<vmem>>) semaphore(%arg18 : memref<!tpu.dma_semaphore, #tpu.memory_space<semaphore_mem>>) {add = true}
      } else {
      }
      %lt3A_594 = arith.cmpi slt, %add3A_572, %min3A_4 : i32
      %convert_element_type3A_595 = arith.extui %lt3A_594 : i1 to i32
      %cond3A_596 = arith.constant 0 : i32
      %cond3A_597 = arith.cmpi ne, %convert_element_type3A_595, %cond3A_596 : i32
      scf.if %cond3A_597 {
        %dma_wait3A_801 = arith.constant 1 : i32
        %dma_wait3A_802 = arith.constant 0 : i32
        %dma_wait3A_803 = arith.constant 0 : i32
        %dma_wait3A_804 = arith.constant 0 : i32
        %dma_wait3A_805 = tpu.memref_slice %arg7[%dma_wait3A_802, %dma_wait3A_803, %dma_wait3A_804] : memref<8x40x128xf32, #tpu.memory_space<vmem>> -> memref<1x40x128xf32, #tpu.memory_space<vmem>>
        %dma_wait3A_806 = tpu.memref_squeeze %dma_wait3A_805 : memref<1x40x128xf32, #tpu.memory_space<vmem>> -> memref<40x128xf32, #tpu.memory_space<vmem>>
        %dma_wait3A_807 = arith.constant 0 : i32
        %dma_wait3A_808 = tpu.memref_slice %arg6[%add3A_572, %dma_wait3A_801, %dma_wait3A_807] : memref<79x2x40xi32, #tpu.memory_space<vmem>> -> memref<1x1x40xi32, #tpu.memory_space<vmem>>
        %dma_wait3A_809 = tpu.memref_squeeze %dma_wait3A_808 : memref<1x1x40xi32, #tpu.memory_space<vmem>> -> memref<40xi32, #tpu.memory_space<vmem>>
        %dma_wait3A_810 = arith.constant 0 : i32
        %dma_wait3A_811 = arith.constant 0 : i32
        %dma_wait3A_812 = tpu.memref_slice %arg3[%dma_wait3A_810, %dma_wait3A_811] : memref<100000x128xf32, #tpu.memory_space<hbm>> -> memref<100000x128xf32, #tpu.memory_space<hbm>>
        tpu.wait_indirect_dma semaphore(%arg17 : memref<!tpu.dma_semaphore, #tpu.memory_space<semaphore_mem>>) src(%dma_wait3A_812 : memref<100000x128xf32, #tpu.memory_space<hbm>>) dst(%dma_wait3A_806 : memref<40x128xf32, #tpu.memory_space<vmem>>)
        %mul3A_813 = arith.constant 79 : i32
        %mul3A_814 = arith.muli %add3A, %mul3A_813 : i32
        %add3A_815 = arith.addi %mul3A_814, %add3A_572 : i32
        %mul3A_816 = arith.constant 40 : i32
        %mul3A_817 = arith.muli %add3A_815, %mul3A_816 : i32
        %add3A_818 = arith.constant 100000 : i32
        %add3A_819 = arith.addi %add3A_818, %mul3A_817 : i32
        %dma_start3A_820 = arith.constant 0 : i32
        %dma_start3A_821 = arith.constant 0 : i32
        %dma_start3A_822 = arith.constant 0 : i32
        %dma_start3A_823 = tpu.memref_slice %arg7[%dma_start3A_820, %dma_start3A_821, %dma_start3A_822] : memref<8x40x128xf32, #tpu.memory_space<vmem>> -> memref<1x40x128xf32, #tpu.memory_space<vmem>>
        %dma_start3A_824 = tpu.memref_squeeze %dma_start3A_823 : memref<1x40x128xf32, #tpu.memory_space<vmem>> -> memref<40x128xf32, #tpu.memory_space<vmem>>
        %dma_start3A_825 = arith.constant 0 : i32
        %dma_start3A_826 = tpu.memref_slice %arg5[%add3A_819, %dma_start3A_825] : memref<200000x128xf32, #tpu.memory_space<hbm>> -> memref<40x128xf32, #tpu.memory_space<hbm>>
        %dma_start3A_827 = arith.constant 0 : i32
        %dma_start3A_828 = tpu.memref_slice %arg5[%add3A_819, %dma_start3A_827] : memref<200000x128xf32, #tpu.memory_space<hbm>> -> memref<40x128xf32, #tpu.memory_space<hbm>>
        %dma_start3A_829 = arith.constant 0 : i32
        %dma_start3A_830 = arith.constant 0 : i32
        %dma_start3A_831 = tpu.memref_slice %arg7[%dma_start3A_820, %dma_start3A_829, %dma_start3A_830] : memref<8x40x128xf32, #tpu.memory_space<vmem>> -> memref<1x40x128xf32, #tpu.memory_space<vmem>>
        %dma_start3A_832 = tpu.memref_squeeze %dma_start3A_831 : memref<1x40x128xf32, #tpu.memory_space<vmem>> -> memref<40x128xf32, #tpu.memory_space<vmem>>
        tpu.enqueue_dma source(%dma_start3A_832 : memref<40x128xf32, #tpu.memory_space<vmem>>) target(%dma_start3A_828 : memref<40x128xf32, #tpu.memory_space<hbm>>) target_semaphore(%arg25 : memref<!tpu.dma_semaphore, #tpu.memory_space<semaphore_mem>>)
      } else {
      }
      %mul3A_598 = arith.constant 8 : i32
      %mul3A_599 = arith.muli %add3A_494, %mul3A_598 : i32
      %add3A_600 = arith.constant 1 : i32
      %add3A_601 = arith.addi %mul3A_599, %add3A_600 : i32
      %ge3A_602 = arith.constant 2 : i32
      %ge3A_603 = arith.cmpi sge, %add3A_601, %ge3A_602 : i32
      %lt3A_604 = arith.cmpi slt, %add3A_601, %min3A_4 : i32
      %and3A_605 = arith.andi %ge3A_603, %lt3A_604 : i1
      %convert_element_type3A_606 = arith.extui %and3A_605 : i1 to i32
      %cond3A_607 = arith.constant 0 : i32
      %cond3A_608 = arith.cmpi ne, %convert_element_type3A_606, %cond3A_607 : i32
      scf.if %cond3A_608 {
        %sub3A_801 = arith.constant 2 : i32
        %sub3A_802 = arith.subi %add3A_601, %sub3A_801 : i32
        %mul3A_803 = arith.constant 79 : i32
        %mul3A_804 = arith.muli %add3A, %mul3A_803 : i32
        %add3A_805 = arith.addi %mul3A_804, %sub3A_802 : i32
        %mul3A_806 = arith.constant 40 : i32
        %mul3A_807 = arith.muli %add3A_805, %mul3A_806 : i32
        %add3A_808 = arith.constant 100000 : i32
        %add3A_809 = arith.addi %add3A_808, %mul3A_807 : i32
        %dma_wait3A_810 = arith.constant 7 : i32
        %dma_wait3A_811 = arith.constant 0 : i32
        %dma_wait3A_812 = arith.constant 0 : i32
        %dma_wait3A_813 = tpu.memref_slice %arg7[%dma_wait3A_810, %dma_wait3A_811, %dma_wait3A_812] : memref<8x40x128xf32, #tpu.memory_space<vmem>> -> memref<1x40x128xf32, #tpu.memory_space<vmem>>
        %dma_wait3A_814 = tpu.memref_squeeze %dma_wait3A_813 : memref<1x40x128xf32, #tpu.memory_space<vmem>> -> memref<40x128xf32, #tpu.memory_space<vmem>>
        %dma_wait3A_815 = arith.constant 0 : i32
        %dma_wait3A_816 = tpu.memref_slice %arg5[%add3A_809, %dma_wait3A_815] : memref<200000x128xf32, #tpu.memory_space<hbm>> -> memref<40x128xf32, #tpu.memory_space<hbm>>
        %dma_wait3A_817 = arith.constant 0 : i32
        %dma_wait3A_818 = tpu.memref_slice %arg5[%add3A_809, %dma_wait3A_817] : memref<200000x128xf32, #tpu.memory_space<hbm>> -> memref<40x128xf32, #tpu.memory_space<hbm>>
        %dma_wait3A_819 = arith.constant 0 : i32
        %dma_wait3A_820 = arith.constant 0 : i32
        %dma_wait3A_821 = tpu.memref_slice %arg7[%dma_wait3A_810, %dma_wait3A_819, %dma_wait3A_820] : memref<8x40x128xf32, #tpu.memory_space<vmem>> -> memref<1x40x128xf32, #tpu.memory_space<vmem>>
        %dma_wait3A_822 = tpu.memref_squeeze %dma_wait3A_821 : memref<1x40x128xf32, #tpu.memory_space<vmem>> -> memref<40x128xf32, #tpu.memory_space<vmem>>
        tpu.wait_dma2 semaphore(%arg32 : memref<!tpu.dma_semaphore, #tpu.memory_space<semaphore_mem>>) src(%dma_wait3A_822 : memref<40x128xf32, #tpu.memory_space<vmem>>) dst(%dma_wait3A_818 : memref<40x128xf32, #tpu.memory_space<hbm>>)
      } else {
      }
      %add3A_609 = arith.constant 8 : i32
      %add3A_610 = arith.addi %add3A_601, %add3A_609 : i32
      %sub3A_611 = arith.constant 2 : i32
      %sub3A_612 = arith.subi %add3A_610, %sub3A_611 : i32
      %lt3A_613 = arith.cmpi slt, %sub3A_612, %min3A_4 : i32
      %convert_element_type3A_614 = arith.extui %lt3A_613 : i1 to i32
      %cond3A_615 = arith.constant 0 : i32
      %cond3A_616 = arith.cmpi ne, %convert_element_type3A_614, %cond3A_615 : i32
      scf.if %cond3A_616 {
        %add3A_801 = arith.constant 8 : i32
        %add3A_802 = arith.addi %add3A_601, %add3A_801 : i32
        %sub3A_803 = arith.constant 2 : i32
        %sub3A_804 = arith.subi %add3A_802, %sub3A_803 : i32
        %dma_start3A_805 = arith.constant 0 : i32
        %dma_start3A_806 = arith.constant 7 : i32
        %dma_start3A_807 = arith.constant 0 : i32
        %dma_start3A_808 = arith.constant 0 : i32
        %dma_start3A_809 = tpu.memref_slice %arg7[%dma_start3A_806, %dma_start3A_807, %dma_start3A_808] : memref<8x40x128xf32, #tpu.memory_space<vmem>> -> memref<1x40x128xf32, #tpu.memory_space<vmem>>
        %dma_start3A_810 = tpu.memref_squeeze %dma_start3A_809 : memref<1x40x128xf32, #tpu.memory_space<vmem>> -> memref<40x128xf32, #tpu.memory_space<vmem>>
        %dma_start3A_811 = arith.constant 0 : i32
        %dma_start3A_812 = tpu.memref_slice %arg6[%sub3A_804, %dma_start3A_805, %dma_start3A_811] : memref<79x2x40xi32, #tpu.memory_space<vmem>> -> memref<1x1x40xi32, #tpu.memory_space<vmem>>
        %dma_start3A_813 = tpu.memref_squeeze %dma_start3A_812 : memref<1x1x40xi32, #tpu.memory_space<vmem>> -> memref<40xi32, #tpu.memory_space<vmem>>
        %dma_start3A_814 = arith.constant 0 : i32
        %dma_start3A_815 = arith.constant 0 : i32
        %dma_start3A_816 = tpu.memref_slice %arg3[%dma_start3A_814, %dma_start3A_815] : memref<100000x128xf32, #tpu.memory_space<hbm>> -> memref<100000x128xf32, #tpu.memory_space<hbm>>
        tpu.enqueue_indirect_dma source(%dma_start3A_816 : memref<100000x128xf32, #tpu.memory_space<hbm>>) target(%dma_start3A_810 : memref<40x128xf32, #tpu.memory_space<vmem>>) offsets(%dma_start3A_813 : memref<40xi32, #tpu.memory_space<vmem>>) semaphore(%arg16 : memref<!tpu.dma_semaphore, #tpu.memory_space<semaphore_mem>>)
      } else {
      }
      %add3A_617 = arith.constant 1 : i32
      %add3A_618 = arith.addi %add3A_601, %add3A_617 : i32
      %lt3A_619 = arith.cmpi slt, %add3A_618, %min3A_4 : i32
      %convert_element_type3A_620 = arith.extui %lt3A_619 : i1 to i32
      %cond3A_621 = arith.constant 0 : i32
      %cond3A_622 = arith.cmpi ne, %convert_element_type3A_620, %cond3A_621 : i32
      scf.if %cond3A_622 {
        %add3A_801 = arith.constant 1 : i32
        %add3A_802 = arith.addi %add3A_601, %add3A_801 : i32
        %dma_wait3A_803 = arith.constant 0 : i32
        %dma_wait3A_804 = arith.constant 2 : i32
        %dma_wait3A_805 = arith.constant 0 : i32
        %dma_wait3A_806 = arith.constant 0 : i32
        %dma_wait3A_807 = tpu.memref_slice %arg7[%dma_wait3A_804, %dma_wait3A_805, %dma_wait3A_806] : memref<8x40x128xf32, #tpu.memory_space<vmem>> -> memref<1x40x128xf32, #tpu.memory_space<vmem>>
        %dma_wait3A_808 = tpu.memref_squeeze %dma_wait3A_807 : memref<1x40x128xf32, #tpu.memory_space<vmem>> -> memref<40x128xf32, #tpu.memory_space<vmem>>
        %dma_wait3A_809 = arith.constant 0 : i32
        %dma_wait3A_810 = tpu.memref_slice %arg6[%add3A_802, %dma_wait3A_803, %dma_wait3A_809] : memref<79x2x40xi32, #tpu.memory_space<vmem>> -> memref<1x1x40xi32, #tpu.memory_space<vmem>>
        %dma_wait3A_811 = tpu.memref_squeeze %dma_wait3A_810 : memref<1x1x40xi32, #tpu.memory_space<vmem>> -> memref<40xi32, #tpu.memory_space<vmem>>
        %dma_wait3A_812 = arith.constant 0 : i32
        %dma_wait3A_813 = arith.constant 0 : i32
        %dma_wait3A_814 = tpu.memref_slice %arg3[%dma_wait3A_812, %dma_wait3A_813] : memref<100000x128xf32, #tpu.memory_space<hbm>> -> memref<100000x128xf32, #tpu.memory_space<hbm>>
        tpu.wait_indirect_dma semaphore(%arg11 : memref<!tpu.dma_semaphore, #tpu.memory_space<semaphore_mem>>) src(%dma_wait3A_814 : memref<100000x128xf32, #tpu.memory_space<hbm>>) dst(%dma_wait3A_808 : memref<40x128xf32, #tpu.memory_space<vmem>>)
        %add3A_815 = arith.constant 1 : i32
        %add3A_816 = arith.addi %add3A_601, %add3A_815 : i32
        %dma_start3A_817 = arith.constant 1 : i32
        %dma_start3A_818 = arith.constant 2 : i32
        %dma_start3A_819 = arith.constant 0 : i32
        %dma_start3A_820 = arith.constant 0 : i32
        %dma_start3A_821 = tpu.memref_slice %arg7[%dma_start3A_818, %dma_start3A_819, %dma_start3A_820] : memref<8x40x128xf32, #tpu.memory_space<vmem>> -> memref<1x40x128xf32, #tpu.memory_space<vmem>>
        %dma_start3A_822 = tpu.memref_squeeze %dma_start3A_821 : memref<1x40x128xf32, #tpu.memory_space<vmem>> -> memref<40x128xf32, #tpu.memory_space<vmem>>
        %dma_start3A_823 = arith.constant 0 : i32
        %dma_start3A_824 = tpu.memref_slice %arg6[%add3A_816, %dma_start3A_817, %dma_start3A_823] : memref<79x2x40xi32, #tpu.memory_space<vmem>> -> memref<1x1x40xi32, #tpu.memory_space<vmem>>
        %dma_start3A_825 = tpu.memref_squeeze %dma_start3A_824 : memref<1x1x40xi32, #tpu.memory_space<vmem>> -> memref<40xi32, #tpu.memory_space<vmem>>
        %dma_start3A_826 = arith.constant 0 : i32
        %dma_start3A_827 = arith.constant 0 : i32
        %dma_start3A_828 = tpu.memref_slice %arg3[%dma_start3A_826, %dma_start3A_827] : memref<100000x128xf32, #tpu.memory_space<hbm>> -> memref<100000x128xf32, #tpu.memory_space<hbm>>
        tpu.enqueue_indirect_dma source(%dma_start3A_828 : memref<100000x128xf32, #tpu.memory_space<hbm>>) target(%dma_start3A_822 : memref<40x128xf32, #tpu.memory_space<vmem>>) offsets(%dma_start3A_825 : memref<40xi32, #tpu.memory_space<vmem>>) semaphore(%arg19 : memref<!tpu.dma_semaphore, #tpu.memory_space<semaphore_mem>>) {add = true}
      } else {
      }
      %lt3A_623 = arith.cmpi slt, %add3A_601, %min3A_4 : i32
      %convert_element_type3A_624 = arith.extui %lt3A_623 : i1 to i32
      %cond3A_625 = arith.constant 0 : i32
      %cond3A_626 = arith.cmpi ne, %convert_element_type3A_624, %cond3A_625 : i32
      scf.if %cond3A_626 {
        %dma_wait3A_801 = arith.constant 1 : i32
        %dma_wait3A_802 = arith.constant 1 : i32
        %dma_wait3A_803 = arith.constant 0 : i32
        %dma_wait3A_804 = arith.constant 0 : i32
        %dma_wait3A_805 = tpu.memref_slice %arg7[%dma_wait3A_802, %dma_wait3A_803, %dma_wait3A_804] : memref<8x40x128xf32, #tpu.memory_space<vmem>> -> memref<1x40x128xf32, #tpu.memory_space<vmem>>
        %dma_wait3A_806 = tpu.memref_squeeze %dma_wait3A_805 : memref<1x40x128xf32, #tpu.memory_space<vmem>> -> memref<40x128xf32, #tpu.memory_space<vmem>>
        %dma_wait3A_807 = arith.constant 0 : i32
        %dma_wait3A_808 = tpu.memref_slice %arg6[%add3A_601, %dma_wait3A_801, %dma_wait3A_807] : memref<79x2x40xi32, #tpu.memory_space<vmem>> -> memref<1x1x40xi32, #tpu.memory_space<vmem>>
        %dma_wait3A_809 = tpu.memref_squeeze %dma_wait3A_808 : memref<1x1x40xi32, #tpu.memory_space<vmem>> -> memref<40xi32, #tpu.memory_space<vmem>>
        %dma_wait3A_810 = arith.constant 0 : i32
        %dma_wait3A_811 = arith.constant 0 : i32
        %dma_wait3A_812 = tpu.memref_slice %arg3[%dma_wait3A_810, %dma_wait3A_811] : memref<100000x128xf32, #tpu.memory_space<hbm>> -> memref<100000x128xf32, #tpu.memory_space<hbm>>
        tpu.wait_indirect_dma semaphore(%arg18 : memref<!tpu.dma_semaphore, #tpu.memory_space<semaphore_mem>>) src(%dma_wait3A_812 : memref<100000x128xf32, #tpu.memory_space<hbm>>) dst(%dma_wait3A_806 : memref<40x128xf32, #tpu.memory_space<vmem>>)
        %mul3A_813 = arith.constant 79 : i32
        %mul3A_814 = arith.muli %add3A, %mul3A_813 : i32
        %add3A_815 = arith.addi %mul3A_814, %add3A_601 : i32
        %mul3A_816 = arith.constant 40 : i32
        %mul3A_817 = arith.muli %add3A_815, %mul3A_816 : i32
        %add3A_818 = arith.constant 100000 : i32
        %add3A_819 = arith.addi %add3A_818, %mul3A_817 : i32
        %dma_start3A_820 = arith.constant 1 : i32
        %dma_start3A_821 = arith.constant 0 : i32
        %dma_start3A_822 = arith.constant 0 : i32
        %dma_start3A_823 = tpu.memref_slice %arg7[%dma_start3A_820, %dma_start3A_821, %dma_start3A_822] : memref<8x40x128xf32, #tpu.memory_space<vmem>> -> memref<1x40x128xf32, #tpu.memory_space<vmem>>
        %dma_start3A_824 = tpu.memref_squeeze %dma_start3A_823 : memref<1x40x128xf32, #tpu.memory_space<vmem>> -> memref<40x128xf32, #tpu.memory_space<vmem>>
        %dma_start3A_825 = arith.constant 0 : i32
        %dma_start3A_826 = tpu.memref_slice %arg5[%add3A_819, %dma_start3A_825] : memref<200000x128xf32, #tpu.memory_space<hbm>> -> memref<40x128xf32, #tpu.memory_space<hbm>>
        %dma_start3A_827 = arith.constant 0 : i32
        %dma_start3A_828 = tpu.memref_slice %arg5[%add3A_819, %dma_start3A_827] : memref<200000x128xf32, #tpu.memory_space<hbm>> -> memref<40x128xf32, #tpu.memory_space<hbm>>
        %dma_start3A_829 = arith.constant 0 : i32
        %dma_start3A_830 = arith.constant 0 : i32
        %dma_start3A_831 = tpu.memref_slice %arg7[%dma_start3A_820, %dma_start3A_829, %dma_start3A_830] : memref<8x40x128xf32, #tpu.memory_space<vmem>> -> memref<1x40x128xf32, #tpu.memory_space<vmem>>
        %dma_start3A_832 = tpu.memref_squeeze %dma_start3A_831 : memref<1x40x128xf32, #tpu.memory_space<vmem>> -> memref<40x128xf32, #tpu.memory_space<vmem>>
        tpu.enqueue_dma source(%dma_start3A_832 : memref<40x128xf32, #tpu.memory_space<vmem>>) target(%dma_start3A_828 : memref<40x128xf32, #tpu.memory_space<hbm>>) target_semaphore(%arg26 : memref<!tpu.dma_semaphore, #tpu.memory_space<semaphore_mem>>)
      } else {
      }
      %mul3A_627 = arith.constant 8 : i32
      %mul3A_628 = arith.muli %add3A_494, %mul3A_627 : i32
      %add3A_629 = arith.constant 2 : i32
      %add3A_630 = arith.addi %mul3A_628, %add3A_629 : i32
      %ge3A_631 = arith.constant 2 : i32
      %ge3A_632 = arith.cmpi sge, %add3A_630, %ge3A_631 : i32
      %lt3A_633 = arith.cmpi slt, %add3A_630, %min3A_4 : i32
      %and3A_634 = arith.andi %ge3A_632, %lt3A_633 : i1
      %convert_element_type3A_635 = arith.extui %and3A_634 : i1 to i32
      %cond3A_636 = arith.constant 0 : i32
      %cond3A_637 = arith.cmpi ne, %convert_element_type3A_635, %cond3A_636 : i32
      scf.if %cond3A_637 {
        %sub3A_801 = arith.constant 2 : i32
        %sub3A_802 = arith.subi %add3A_630, %sub3A_801 : i32
        %mul3A_803 = arith.constant 79 : i32
        %mul3A_804 = arith.muli %add3A, %mul3A_803 : i32
        %add3A_805 = arith.addi %mul3A_804, %sub3A_802 : i32
        %mul3A_806 = arith.constant 40 : i32
        %mul3A_807 = arith.muli %add3A_805, %mul3A_806 : i32
        %add3A_808 = arith.constant 100000 : i32
        %add3A_809 = arith.addi %add3A_808, %mul3A_807 : i32
        %dma_wait3A_810 = arith.constant 0 : i32
        %dma_wait3A_811 = arith.constant 0 : i32
        %dma_wait3A_812 = arith.constant 0 : i32
        %dma_wait3A_813 = tpu.memref_slice %arg7[%dma_wait3A_810, %dma_wait3A_811, %dma_wait3A_812] : memref<8x40x128xf32, #tpu.memory_space<vmem>> -> memref<1x40x128xf32, #tpu.memory_space<vmem>>
        %dma_wait3A_814 = tpu.memref_squeeze %dma_wait3A_813 : memref<1x40x128xf32, #tpu.memory_space<vmem>> -> memref<40x128xf32, #tpu.memory_space<vmem>>
        %dma_wait3A_815 = arith.constant 0 : i32
        %dma_wait3A_816 = tpu.memref_slice %arg5[%add3A_809, %dma_wait3A_815] : memref<200000x128xf32, #tpu.memory_space<hbm>> -> memref<40x128xf32, #tpu.memory_space<hbm>>
        %dma_wait3A_817 = arith.constant 0 : i32
        %dma_wait3A_818 = tpu.memref_slice %arg5[%add3A_809, %dma_wait3A_817] : memref<200000x128xf32, #tpu.memory_space<hbm>> -> memref<40x128xf32, #tpu.memory_space<hbm>>
        %dma_wait3A_819 = arith.constant 0 : i32
        %dma_wait3A_820 = arith.constant 0 : i32
        %dma_wait3A_821 = tpu.memref_slice %arg7[%dma_wait3A_810, %dma_wait3A_819, %dma_wait3A_820] : memref<8x40x128xf32, #tpu.memory_space<vmem>> -> memref<1x40x128xf32, #tpu.memory_space<vmem>>
        %dma_wait3A_822 = tpu.memref_squeeze %dma_wait3A_821 : memref<1x40x128xf32, #tpu.memory_space<vmem>> -> memref<40x128xf32, #tpu.memory_space<vmem>>
        tpu.wait_dma2 semaphore(%arg25 : memref<!tpu.dma_semaphore, #tpu.memory_space<semaphore_mem>>) src(%dma_wait3A_822 : memref<40x128xf32, #tpu.memory_space<vmem>>) dst(%dma_wait3A_818 : memref<40x128xf32, #tpu.memory_space<hbm>>)
      } else {
      }
      %add3A_638 = arith.constant 8 : i32
      %add3A_639 = arith.addi %add3A_630, %add3A_638 : i32
      %sub3A_640 = arith.constant 2 : i32
      %sub3A_641 = arith.subi %add3A_639, %sub3A_640 : i32
      %lt3A_642 = arith.cmpi slt, %sub3A_641, %min3A_4 : i32
      %convert_element_type3A_643 = arith.extui %lt3A_642 : i1 to i32
      %cond3A_644 = arith.constant 0 : i32
      %cond3A_645 = arith.cmpi ne, %convert_element_type3A_643, %cond3A_644 : i32
      scf.if %cond3A_645 {
        %add3A_801 = arith.constant 8 : i32
        %add3A_802 = arith.addi %add3A_630, %add3A_801 : i32
        %sub3A_803 = arith.constant 2 : i32
        %sub3A_804 = arith.subi %add3A_802, %sub3A_803 : i32
        %dma_start3A_805 = arith.constant 0 : i32
        %dma_start3A_806 = arith.constant 0 : i32
        %dma_start3A_807 = arith.constant 0 : i32
        %dma_start3A_808 = arith.constant 0 : i32
        %dma_start3A_809 = tpu.memref_slice %arg7[%dma_start3A_806, %dma_start3A_807, %dma_start3A_808] : memref<8x40x128xf32, #tpu.memory_space<vmem>> -> memref<1x40x128xf32, #tpu.memory_space<vmem>>
        %dma_start3A_810 = tpu.memref_squeeze %dma_start3A_809 : memref<1x40x128xf32, #tpu.memory_space<vmem>> -> memref<40x128xf32, #tpu.memory_space<vmem>>
        %dma_start3A_811 = arith.constant 0 : i32
        %dma_start3A_812 = tpu.memref_slice %arg6[%sub3A_804, %dma_start3A_805, %dma_start3A_811] : memref<79x2x40xi32, #tpu.memory_space<vmem>> -> memref<1x1x40xi32, #tpu.memory_space<vmem>>
        %dma_start3A_813 = tpu.memref_squeeze %dma_start3A_812 : memref<1x1x40xi32, #tpu.memory_space<vmem>> -> memref<40xi32, #tpu.memory_space<vmem>>
        %dma_start3A_814 = arith.constant 0 : i32
        %dma_start3A_815 = arith.constant 0 : i32
        %dma_start3A_816 = tpu.memref_slice %arg3[%dma_start3A_814, %dma_start3A_815] : memref<100000x128xf32, #tpu.memory_space<hbm>> -> memref<100000x128xf32, #tpu.memory_space<hbm>>
        tpu.enqueue_indirect_dma source(%dma_start3A_816 : memref<100000x128xf32, #tpu.memory_space<hbm>>) target(%dma_start3A_810 : memref<40x128xf32, #tpu.memory_space<vmem>>) offsets(%dma_start3A_813 : memref<40xi32, #tpu.memory_space<vmem>>) semaphore(%arg9 : memref<!tpu.dma_semaphore, #tpu.memory_space<semaphore_mem>>)
      } else {
      }
      %add3A_646 = arith.constant 1 : i32
      %add3A_647 = arith.addi %add3A_630, %add3A_646 : i32
      %lt3A_648 = arith.cmpi slt, %add3A_647, %min3A_4 : i32
      %convert_element_type3A_649 = arith.extui %lt3A_648 : i1 to i32
      %cond3A_650 = arith.constant 0 : i32
      %cond3A_651 = arith.cmpi ne, %convert_element_type3A_649, %cond3A_650 : i32
      scf.if %cond3A_651 {
        %add3A_801 = arith.constant 1 : i32
        %add3A_802 = arith.addi %add3A_630, %add3A_801 : i32
        %dma_wait3A_803 = arith.constant 0 : i32
        %dma_wait3A_804 = arith.constant 3 : i32
        %dma_wait3A_805 = arith.constant 0 : i32
        %dma_wait3A_806 = arith.constant 0 : i32
        %dma_wait3A_807 = tpu.memref_slice %arg7[%dma_wait3A_804, %dma_wait3A_805, %dma_wait3A_806] : memref<8x40x128xf32, #tpu.memory_space<vmem>> -> memref<1x40x128xf32, #tpu.memory_space<vmem>>
        %dma_wait3A_808 = tpu.memref_squeeze %dma_wait3A_807 : memref<1x40x128xf32, #tpu.memory_space<vmem>> -> memref<40x128xf32, #tpu.memory_space<vmem>>
        %dma_wait3A_809 = arith.constant 0 : i32
        %dma_wait3A_810 = tpu.memref_slice %arg6[%add3A_802, %dma_wait3A_803, %dma_wait3A_809] : memref<79x2x40xi32, #tpu.memory_space<vmem>> -> memref<1x1x40xi32, #tpu.memory_space<vmem>>
        %dma_wait3A_811 = tpu.memref_squeeze %dma_wait3A_810 : memref<1x1x40xi32, #tpu.memory_space<vmem>> -> memref<40xi32, #tpu.memory_space<vmem>>
        %dma_wait3A_812 = arith.constant 0 : i32
        %dma_wait3A_813 = arith.constant 0 : i32
        %dma_wait3A_814 = tpu.memref_slice %arg3[%dma_wait3A_812, %dma_wait3A_813] : memref<100000x128xf32, #tpu.memory_space<hbm>> -> memref<100000x128xf32, #tpu.memory_space<hbm>>
        tpu.wait_indirect_dma semaphore(%arg12 : memref<!tpu.dma_semaphore, #tpu.memory_space<semaphore_mem>>) src(%dma_wait3A_814 : memref<100000x128xf32, #tpu.memory_space<hbm>>) dst(%dma_wait3A_808 : memref<40x128xf32, #tpu.memory_space<vmem>>)
        %add3A_815 = arith.constant 1 : i32
        %add3A_816 = arith.addi %add3A_630, %add3A_815 : i32
        %dma_start3A_817 = arith.constant 1 : i32
        %dma_start3A_818 = arith.constant 3 : i32
        %dma_start3A_819 = arith.constant 0 : i32
        %dma_start3A_820 = arith.constant 0 : i32
        %dma_start3A_821 = tpu.memref_slice %arg7[%dma_start3A_818, %dma_start3A_819, %dma_start3A_820] : memref<8x40x128xf32, #tpu.memory_space<vmem>> -> memref<1x40x128xf32, #tpu.memory_space<vmem>>
        %dma_start3A_822 = tpu.memref_squeeze %dma_start3A_821 : memref<1x40x128xf32, #tpu.memory_space<vmem>> -> memref<40x128xf32, #tpu.memory_space<vmem>>
        %dma_start3A_823 = arith.constant 0 : i32
        %dma_start3A_824 = tpu.memref_slice %arg6[%add3A_816, %dma_start3A_817, %dma_start3A_823] : memref<79x2x40xi32, #tpu.memory_space<vmem>> -> memref<1x1x40xi32, #tpu.memory_space<vmem>>
        %dma_start3A_825 = tpu.memref_squeeze %dma_start3A_824 : memref<1x1x40xi32, #tpu.memory_space<vmem>> -> memref<40xi32, #tpu.memory_space<vmem>>
        %dma_start3A_826 = arith.constant 0 : i32
        %dma_start3A_827 = arith.constant 0 : i32
        %dma_start3A_828 = tpu.memref_slice %arg3[%dma_start3A_826, %dma_start3A_827] : memref<100000x128xf32, #tpu.memory_space<hbm>> -> memref<100000x128xf32, #tpu.memory_space<hbm>>
        tpu.enqueue_indirect_dma source(%dma_start3A_828 : memref<100000x128xf32, #tpu.memory_space<hbm>>) target(%dma_start3A_822 : memref<40x128xf32, #tpu.memory_space<vmem>>) offsets(%dma_start3A_825 : memref<40xi32, #tpu.memory_space<vmem>>) semaphore(%arg20 : memref<!tpu.dma_semaphore, #tpu.memory_space<semaphore_mem>>) {add = true}
      } else {
      }
      %lt3A_652 = arith.cmpi slt, %add3A_630, %min3A_4 : i32
      %convert_element_type3A_653 = arith.extui %lt3A_652 : i1 to i32
      %cond3A_654 = arith.constant 0 : i32
      %cond3A_655 = arith.cmpi ne, %convert_element_type3A_653, %cond3A_654 : i32
      scf.if %cond3A_655 {
        %dma_wait3A_801 = arith.constant 1 : i32
        %dma_wait3A_802 = arith.constant 2 : i32
        %dma_wait3A_803 = arith.constant 0 : i32
        %dma_wait3A_804 = arith.constant 0 : i32
        %dma_wait3A_805 = tpu.memref_slice %arg7[%dma_wait3A_802, %dma_wait3A_803, %dma_wait3A_804] : memref<8x40x128xf32, #tpu.memory_space<vmem>> -> memref<1x40x128xf32, #tpu.memory_space<vmem>>
        %dma_wait3A_806 = tpu.memref_squeeze %dma_wait3A_805 : memref<1x40x128xf32, #tpu.memory_space<vmem>> -> memref<40x128xf32, #tpu.memory_space<vmem>>
        %dma_wait3A_807 = arith.constant 0 : i32
        %dma_wait3A_808 = tpu.memref_slice %arg6[%add3A_630, %dma_wait3A_801, %dma_wait3A_807] : memref<79x2x40xi32, #tpu.memory_space<vmem>> -> memref<1x1x40xi32, #tpu.memory_space<vmem>>
        %dma_wait3A_809 = tpu.memref_squeeze %dma_wait3A_808 : memref<1x1x40xi32, #tpu.memory_space<vmem>> -> memref<40xi32, #tpu.memory_space<vmem>>
        %dma_wait3A_810 = arith.constant 0 : i32
        %dma_wait3A_811 = arith.constant 0 : i32
        %dma_wait3A_812 = tpu.memref_slice %arg3[%dma_wait3A_810, %dma_wait3A_811] : memref<100000x128xf32, #tpu.memory_space<hbm>> -> memref<100000x128xf32, #tpu.memory_space<hbm>>
        tpu.wait_indirect_dma semaphore(%arg19 : memref<!tpu.dma_semaphore, #tpu.memory_space<semaphore_mem>>) src(%dma_wait3A_812 : memref<100000x128xf32, #tpu.memory_space<hbm>>) dst(%dma_wait3A_806 : memref<40x128xf32, #tpu.memory_space<vmem>>)
        %mul3A_813 = arith.constant 79 : i32
        %mul3A_814 = arith.muli %add3A, %mul3A_813 : i32
        %add3A_815 = arith.addi %mul3A_814, %add3A_630 : i32
        %mul3A_816 = arith.constant 40 : i32
        %mul3A_817 = arith.muli %add3A_815, %mul3A_816 : i32
        %add3A_818 = arith.constant 100000 : i32
        %add3A_819 = arith.addi %add3A_818, %mul3A_817 : i32
        %dma_start3A_820 = arith.constant 2 : i32
        %dma_start3A_821 = arith.constant 0 : i32
        %dma_start3A_822 = arith.constant 0 : i32
        %dma_start3A_823 = tpu.memref_slice %arg7[%dma_start3A_820, %dma_start3A_821, %dma_start3A_822] : memref<8x40x128xf32, #tpu.memory_space<vmem>> -> memref<1x40x128xf32, #tpu.memory_space<vmem>>
        %dma_start3A_824 = tpu.memref_squeeze %dma_start3A_823 : memref<1x40x128xf32, #tpu.memory_space<vmem>> -> memref<40x128xf32, #tpu.memory_space<vmem>>
        %dma_start3A_825 = arith.constant 0 : i32
        %dma_start3A_826 = tpu.memref_slice %arg5[%add3A_819, %dma_start3A_825] : memref<200000x128xf32, #tpu.memory_space<hbm>> -> memref<40x128xf32, #tpu.memory_space<hbm>>
        %dma_start3A_827 = arith.constant 0 : i32
        %dma_start3A_828 = tpu.memref_slice %arg5[%add3A_819, %dma_start3A_827] : memref<200000x128xf32, #tpu.memory_space<hbm>> -> memref<40x128xf32, #tpu.memory_space<hbm>>
        %dma_start3A_829 = arith.constant 0 : i32
        %dma_start3A_830 = arith.constant 0 : i32
        %dma_start3A_831 = tpu.memref_slice %arg7[%dma_start3A_820, %dma_start3A_829, %dma_start3A_830] : memref<8x40x128xf32, #tpu.memory_space<vmem>> -> memref<1x40x128xf32, #tpu.memory_space<vmem>>
        %dma_start3A_832 = tpu.memref_squeeze %dma_start3A_831 : memref<1x40x128xf32, #tpu.memory_space<vmem>> -> memref<40x128xf32, #tpu.memory_space<vmem>>
        tpu.enqueue_dma source(%dma_start3A_832 : memref<40x128xf32, #tpu.memory_space<vmem>>) target(%dma_start3A_828 : memref<40x128xf32, #tpu.memory_space<hbm>>) target_semaphore(%arg27 : memref<!tpu.dma_semaphore, #tpu.memory_space<semaphore_mem>>)
      } else {
      }
      %mul3A_656 = arith.constant 8 : i32
      %mul3A_657 = arith.muli %add3A_494, %mul3A_656 : i32
      %add3A_658 = arith.constant 3 : i32
      %add3A_659 = arith.addi %mul3A_657, %add3A_658 : i32
      %ge3A_660 = arith.constant 2 : i32
      %ge3A_661 = arith.cmpi sge, %add3A_659, %ge3A_660 : i32
      %lt3A_662 = arith.cmpi slt, %add3A_659, %min3A_4 : i32
      %and3A_663 = arith.andi %ge3A_661, %lt3A_662 : i1
      %convert_element_type3A_664 = arith.extui %and3A_663 : i1 to i32
      %cond3A_665 = arith.constant 0 : i32
      %cond3A_666 = arith.cmpi ne, %convert_element_type3A_664, %cond3A_665 : i32
      scf.if %cond3A_666 {
        %sub3A_801 = arith.constant 2 : i32
        %sub3A_802 = arith.subi %add3A_659, %sub3A_801 : i32
        %mul3A_803 = arith.constant 79 : i32
        %mul3A_804 = arith.muli %add3A, %mul3A_803 : i32
        %add3A_805 = arith.addi %mul3A_804, %sub3A_802 : i32
        %mul3A_806 = arith.constant 40 : i32
        %mul3A_807 = arith.muli %add3A_805, %mul3A_806 : i32
        %add3A_808 = arith.constant 100000 : i32
        %add3A_809 = arith.addi %add3A_808, %mul3A_807 : i32
        %dma_wait3A_810 = arith.constant 1 : i32
        %dma_wait3A_811 = arith.constant 0 : i32
        %dma_wait3A_812 = arith.constant 0 : i32
        %dma_wait3A_813 = tpu.memref_slice %arg7[%dma_wait3A_810, %dma_wait3A_811, %dma_wait3A_812] : memref<8x40x128xf32, #tpu.memory_space<vmem>> -> memref<1x40x128xf32, #tpu.memory_space<vmem>>
        %dma_wait3A_814 = tpu.memref_squeeze %dma_wait3A_813 : memref<1x40x128xf32, #tpu.memory_space<vmem>> -> memref<40x128xf32, #tpu.memory_space<vmem>>
        %dma_wait3A_815 = arith.constant 0 : i32
        %dma_wait3A_816 = tpu.memref_slice %arg5[%add3A_809, %dma_wait3A_815] : memref<200000x128xf32, #tpu.memory_space<hbm>> -> memref<40x128xf32, #tpu.memory_space<hbm>>
        %dma_wait3A_817 = arith.constant 0 : i32
        %dma_wait3A_818 = tpu.memref_slice %arg5[%add3A_809, %dma_wait3A_817] : memref<200000x128xf32, #tpu.memory_space<hbm>> -> memref<40x128xf32, #tpu.memory_space<hbm>>
        %dma_wait3A_819 = arith.constant 0 : i32
        %dma_wait3A_820 = arith.constant 0 : i32
        %dma_wait3A_821 = tpu.memref_slice %arg7[%dma_wait3A_810, %dma_wait3A_819, %dma_wait3A_820] : memref<8x40x128xf32, #tpu.memory_space<vmem>> -> memref<1x40x128xf32, #tpu.memory_space<vmem>>
        %dma_wait3A_822 = tpu.memref_squeeze %dma_wait3A_821 : memref<1x40x128xf32, #tpu.memory_space<vmem>> -> memref<40x128xf32, #tpu.memory_space<vmem>>
        tpu.wait_dma2 semaphore(%arg26 : memref<!tpu.dma_semaphore, #tpu.memory_space<semaphore_mem>>) src(%dma_wait3A_822 : memref<40x128xf32, #tpu.memory_space<vmem>>) dst(%dma_wait3A_818 : memref<40x128xf32, #tpu.memory_space<hbm>>)
      } else {
      }
      %add3A_667 = arith.constant 8 : i32
      %add3A_668 = arith.addi %add3A_659, %add3A_667 : i32
      %sub3A_669 = arith.constant 2 : i32
      %sub3A_670 = arith.subi %add3A_668, %sub3A_669 : i32
      %lt3A_671 = arith.cmpi slt, %sub3A_670, %min3A_4 : i32
      %convert_element_type3A_672 = arith.extui %lt3A_671 : i1 to i32
      %cond3A_673 = arith.constant 0 : i32
      %cond3A_674 = arith.cmpi ne, %convert_element_type3A_672, %cond3A_673 : i32
      scf.if %cond3A_674 {
        %add3A_801 = arith.constant 8 : i32
        %add3A_802 = arith.addi %add3A_659, %add3A_801 : i32
        %sub3A_803 = arith.constant 2 : i32
        %sub3A_804 = arith.subi %add3A_802, %sub3A_803 : i32
        %dma_start3A_805 = arith.constant 0 : i32
        %dma_start3A_806 = arith.constant 1 : i32
        %dma_start3A_807 = arith.constant 0 : i32
        %dma_start3A_808 = arith.constant 0 : i32
        %dma_start3A_809 = tpu.memref_slice %arg7[%dma_start3A_806, %dma_start3A_807, %dma_start3A_808] : memref<8x40x128xf32, #tpu.memory_space<vmem>> -> memref<1x40x128xf32, #tpu.memory_space<vmem>>
        %dma_start3A_810 = tpu.memref_squeeze %dma_start3A_809 : memref<1x40x128xf32, #tpu.memory_space<vmem>> -> memref<40x128xf32, #tpu.memory_space<vmem>>
        %dma_start3A_811 = arith.constant 0 : i32
        %dma_start3A_812 = tpu.memref_slice %arg6[%sub3A_804, %dma_start3A_805, %dma_start3A_811] : memref<79x2x40xi32, #tpu.memory_space<vmem>> -> memref<1x1x40xi32, #tpu.memory_space<vmem>>
        %dma_start3A_813 = tpu.memref_squeeze %dma_start3A_812 : memref<1x1x40xi32, #tpu.memory_space<vmem>> -> memref<40xi32, #tpu.memory_space<vmem>>
        %dma_start3A_814 = arith.constant 0 : i32
        %dma_start3A_815 = arith.constant 0 : i32
        %dma_start3A_816 = tpu.memref_slice %arg3[%dma_start3A_814, %dma_start3A_815] : memref<100000x128xf32, #tpu.memory_space<hbm>> -> memref<100000x128xf32, #tpu.memory_space<hbm>>
        tpu.enqueue_indirect_dma source(%dma_start3A_816 : memref<100000x128xf32, #tpu.memory_space<hbm>>) target(%dma_start3A_810 : memref<40x128xf32, #tpu.memory_space<vmem>>) offsets(%dma_start3A_813 : memref<40xi32, #tpu.memory_space<vmem>>) semaphore(%arg10 : memref<!tpu.dma_semaphore, #tpu.memory_space<semaphore_mem>>)
      } else {
      }
      %add3A_675 = arith.constant 1 : i32
      %add3A_676 = arith.addi %add3A_659, %add3A_675 : i32
      %lt3A_677 = arith.cmpi slt, %add3A_676, %min3A_4 : i32
      %convert_element_type3A_678 = arith.extui %lt3A_677 : i1 to i32
      %cond3A_679 = arith.constant 0 : i32
      %cond3A_680 = arith.cmpi ne, %convert_element_type3A_678, %cond3A_679 : i32
      scf.if %cond3A_680 {
        %add3A_801 = arith.constant 1 : i32
        %add3A_802 = arith.addi %add3A_659, %add3A_801 : i32
        %dma_wait3A_803 = arith.constant 0 : i32
        %dma_wait3A_804 = arith.constant 4 : i32
        %dma_wait3A_805 = arith.constant 0 : i32
        %dma_wait3A_806 = arith.constant 0 : i32
        %dma_wait3A_807 = tpu.memref_slice %arg7[%dma_wait3A_804, %dma_wait3A_805, %dma_wait3A_806] : memref<8x40x128xf32, #tpu.memory_space<vmem>> -> memref<1x40x128xf32, #tpu.memory_space<vmem>>
        %dma_wait3A_808 = tpu.memref_squeeze %dma_wait3A_807 : memref<1x40x128xf32, #tpu.memory_space<vmem>> -> memref<40x128xf32, #tpu.memory_space<vmem>>
        %dma_wait3A_809 = arith.constant 0 : i32
        %dma_wait3A_810 = tpu.memref_slice %arg6[%add3A_802, %dma_wait3A_803, %dma_wait3A_809] : memref<79x2x40xi32, #tpu.memory_space<vmem>> -> memref<1x1x40xi32, #tpu.memory_space<vmem>>
        %dma_wait3A_811 = tpu.memref_squeeze %dma_wait3A_810 : memref<1x1x40xi32, #tpu.memory_space<vmem>> -> memref<40xi32, #tpu.memory_space<vmem>>
        %dma_wait3A_812 = arith.constant 0 : i32
        %dma_wait3A_813 = arith.constant 0 : i32
        %dma_wait3A_814 = tpu.memref_slice %arg3[%dma_wait3A_812, %dma_wait3A_813] : memref<100000x128xf32, #tpu.memory_space<hbm>> -> memref<100000x128xf32, #tpu.memory_space<hbm>>
        tpu.wait_indirect_dma semaphore(%arg13 : memref<!tpu.dma_semaphore, #tpu.memory_space<semaphore_mem>>) src(%dma_wait3A_814 : memref<100000x128xf32, #tpu.memory_space<hbm>>) dst(%dma_wait3A_808 : memref<40x128xf32, #tpu.memory_space<vmem>>)
        %add3A_815 = arith.constant 1 : i32
        %add3A_816 = arith.addi %add3A_659, %add3A_815 : i32
        %dma_start3A_817 = arith.constant 1 : i32
        %dma_start3A_818 = arith.constant 4 : i32
        %dma_start3A_819 = arith.constant 0 : i32
        %dma_start3A_820 = arith.constant 0 : i32
        %dma_start3A_821 = tpu.memref_slice %arg7[%dma_start3A_818, %dma_start3A_819, %dma_start3A_820] : memref<8x40x128xf32, #tpu.memory_space<vmem>> -> memref<1x40x128xf32, #tpu.memory_space<vmem>>
        %dma_start3A_822 = tpu.memref_squeeze %dma_start3A_821 : memref<1x40x128xf32, #tpu.memory_space<vmem>> -> memref<40x128xf32, #tpu.memory_space<vmem>>
        %dma_start3A_823 = arith.constant 0 : i32
        %dma_start3A_824 = tpu.memref_slice %arg6[%add3A_816, %dma_start3A_817, %dma_start3A_823] : memref<79x2x40xi32, #tpu.memory_space<vmem>> -> memref<1x1x40xi32, #tpu.memory_space<vmem>>
        %dma_start3A_825 = tpu.memref_squeeze %dma_start3A_824 : memref<1x1x40xi32, #tpu.memory_space<vmem>> -> memref<40xi32, #tpu.memory_space<vmem>>
        %dma_start3A_826 = arith.constant 0 : i32
        %dma_start3A_827 = arith.constant 0 : i32
        %dma_start3A_828 = tpu.memref_slice %arg3[%dma_start3A_826, %dma_start3A_827] : memref<100000x128xf32, #tpu.memory_space<hbm>> -> memref<100000x128xf32, #tpu.memory_space<hbm>>
        tpu.enqueue_indirect_dma source(%dma_start3A_828 : memref<100000x128xf32, #tpu.memory_space<hbm>>) target(%dma_start3A_822 : memref<40x128xf32, #tpu.memory_space<vmem>>) offsets(%dma_start3A_825 : memref<40xi32, #tpu.memory_space<vmem>>) semaphore(%arg21 : memref<!tpu.dma_semaphore, #tpu.memory_space<semaphore_mem>>) {add = true}
      } else {
      }
      %lt3A_681 = arith.cmpi slt, %add3A_659, %min3A_4 : i32
      %convert_element_type3A_682 = arith.extui %lt3A_681 : i1 to i32
      %cond3A_683 = arith.constant 0 : i32
      %cond3A_684 = arith.cmpi ne, %convert_element_type3A_682, %cond3A_683 : i32
      scf.if %cond3A_684 {
        %dma_wait3A_801 = arith.constant 1 : i32
        %dma_wait3A_802 = arith.constant 3 : i32
        %dma_wait3A_803 = arith.constant 0 : i32
        %dma_wait3A_804 = arith.constant 0 : i32
        %dma_wait3A_805 = tpu.memref_slice %arg7[%dma_wait3A_802, %dma_wait3A_803, %dma_wait3A_804] : memref<8x40x128xf32, #tpu.memory_space<vmem>> -> memref<1x40x128xf32, #tpu.memory_space<vmem>>
        %dma_wait3A_806 = tpu.memref_squeeze %dma_wait3A_805 : memref<1x40x128xf32, #tpu.memory_space<vmem>> -> memref<40x128xf32, #tpu.memory_space<vmem>>
        %dma_wait3A_807 = arith.constant 0 : i32
        %dma_wait3A_808 = tpu.memref_slice %arg6[%add3A_659, %dma_wait3A_801, %dma_wait3A_807] : memref<79x2x40xi32, #tpu.memory_space<vmem>> -> memref<1x1x40xi32, #tpu.memory_space<vmem>>
        %dma_wait3A_809 = tpu.memref_squeeze %dma_wait3A_808 : memref<1x1x40xi32, #tpu.memory_space<vmem>> -> memref<40xi32, #tpu.memory_space<vmem>>
        %dma_wait3A_810 = arith.constant 0 : i32
        %dma_wait3A_811 = arith.constant 0 : i32
        %dma_wait3A_812 = tpu.memref_slice %arg3[%dma_wait3A_810, %dma_wait3A_811] : memref<100000x128xf32, #tpu.memory_space<hbm>> -> memref<100000x128xf32, #tpu.memory_space<hbm>>
        tpu.wait_indirect_dma semaphore(%arg20 : memref<!tpu.dma_semaphore, #tpu.memory_space<semaphore_mem>>) src(%dma_wait3A_812 : memref<100000x128xf32, #tpu.memory_space<hbm>>) dst(%dma_wait3A_806 : memref<40x128xf32, #tpu.memory_space<vmem>>)
        %mul3A_813 = arith.constant 79 : i32
        %mul3A_814 = arith.muli %add3A, %mul3A_813 : i32
        %add3A_815 = arith.addi %mul3A_814, %add3A_659 : i32
        %mul3A_816 = arith.constant 40 : i32
        %mul3A_817 = arith.muli %add3A_815, %mul3A_816 : i32
        %add3A_818 = arith.constant 100000 : i32
        %add3A_819 = arith.addi %add3A_818, %mul3A_817 : i32
        %dma_start3A_820 = arith.constant 3 : i32
        %dma_start3A_821 = arith.constant 0 : i32
        %dma_start3A_822 = arith.constant 0 : i32
        %dma_start3A_823 = tpu.memref_slice %arg7[%dma_start3A_820, %dma_start3A_821, %dma_start3A_822] : memref<8x40x128xf32, #tpu.memory_space<vmem>> -> memref<1x40x128xf32, #tpu.memory_space<vmem>>
        %dma_start3A_824 = tpu.memref_squeeze %dma_start3A_823 : memref<1x40x128xf32, #tpu.memory_space<vmem>> -> memref<40x128xf32, #tpu.memory_space<vmem>>
        %dma_start3A_825 = arith.constant 0 : i32
        %dma_start3A_826 = tpu.memref_slice %arg5[%add3A_819, %dma_start3A_825] : memref<200000x128xf32, #tpu.memory_space<hbm>> -> memref<40x128xf32, #tpu.memory_space<hbm>>
        %dma_start3A_827 = arith.constant 0 : i32
        %dma_start3A_828 = tpu.memref_slice %arg5[%add3A_819, %dma_start3A_827] : memref<200000x128xf32, #tpu.memory_space<hbm>> -> memref<40x128xf32, #tpu.memory_space<hbm>>
        %dma_start3A_829 = arith.constant 0 : i32
        %dma_start3A_830 = arith.constant 0 : i32
        %dma_start3A_831 = tpu.memref_slice %arg7[%dma_start3A_820, %dma_start3A_829, %dma_start3A_830] : memref<8x40x128xf32, #tpu.memory_space<vmem>> -> memref<1x40x128xf32, #tpu.memory_space<vmem>>
        %dma_start3A_832 = tpu.memref_squeeze %dma_start3A_831 : memref<1x40x128xf32, #tpu.memory_space<vmem>> -> memref<40x128xf32, #tpu.memory_space<vmem>>
        tpu.enqueue_dma source(%dma_start3A_832 : memref<40x128xf32, #tpu.memory_space<vmem>>) target(%dma_start3A_828 : memref<40x128xf32, #tpu.memory_space<hbm>>) target_semaphore(%arg28 : memref<!tpu.dma_semaphore, #tpu.memory_space<semaphore_mem>>)
      } else {
      }
      %mul3A_685 = arith.constant 8 : i32
      %mul3A_686 = arith.muli %add3A_494, %mul3A_685 : i32
      %add3A_687 = arith.constant 4 : i32
      %add3A_688 = arith.addi %mul3A_686, %add3A_687 : i32
      %ge3A_689 = arith.constant 2 : i32
      %ge3A_690 = arith.cmpi sge, %add3A_688, %ge3A_689 : i32
      %lt3A_691 = arith.cmpi slt, %add3A_688, %min3A_4 : i32
      %and3A_692 = arith.andi %ge3A_690, %lt3A_691 : i1
      %convert_element_type3A_693 = arith.extui %and3A_692 : i1 to i32
      %cond3A_694 = arith.constant 0 : i32
      %cond3A_695 = arith.cmpi ne, %convert_element_type3A_693, %cond3A_694 : i32
      scf.if %cond3A_695 {
        %sub3A_801 = arith.constant 2 : i32
        %sub3A_802 = arith.subi %add3A_688, %sub3A_801 : i32
        %mul3A_803 = arith.constant 79 : i32
        %mul3A_804 = arith.muli %add3A, %mul3A_803 : i32
        %add3A_805 = arith.addi %mul3A_804, %sub3A_802 : i32
        %mul3A_806 = arith.constant 40 : i32
        %mul3A_807 = arith.muli %add3A_805, %mul3A_806 : i32
        %add3A_808 = arith.constant 100000 : i32
        %add3A_809 = arith.addi %add3A_808, %mul3A_807 : i32
        %dma_wait3A_810 = arith.constant 2 : i32
        %dma_wait3A_811 = arith.constant 0 : i32
        %dma_wait3A_812 = arith.constant 0 : i32
        %dma_wait3A_813 = tpu.memref_slice %arg7[%dma_wait3A_810, %dma_wait3A_811, %dma_wait3A_812] : memref<8x40x128xf32, #tpu.memory_space<vmem>> -> memref<1x40x128xf32, #tpu.memory_space<vmem>>
        %dma_wait3A_814 = tpu.memref_squeeze %dma_wait3A_813 : memref<1x40x128xf32, #tpu.memory_space<vmem>> -> memref<40x128xf32, #tpu.memory_space<vmem>>
        %dma_wait3A_815 = arith.constant 0 : i32
        %dma_wait3A_816 = tpu.memref_slice %arg5[%add3A_809, %dma_wait3A_815] : memref<200000x128xf32, #tpu.memory_space<hbm>> -> memref<40x128xf32, #tpu.memory_space<hbm>>
        %dma_wait3A_817 = arith.constant 0 : i32
        %dma_wait3A_818 = tpu.memref_slice %arg5[%add3A_809, %dma_wait3A_817] : memref<200000x128xf32, #tpu.memory_space<hbm>> -> memref<40x128xf32, #tpu.memory_space<hbm>>
        %dma_wait3A_819 = arith.constant 0 : i32
        %dma_wait3A_820 = arith.constant 0 : i32
        %dma_wait3A_821 = tpu.memref_slice %arg7[%dma_wait3A_810, %dma_wait3A_819, %dma_wait3A_820] : memref<8x40x128xf32, #tpu.memory_space<vmem>> -> memref<1x40x128xf32, #tpu.memory_space<vmem>>
        %dma_wait3A_822 = tpu.memref_squeeze %dma_wait3A_821 : memref<1x40x128xf32, #tpu.memory_space<vmem>> -> memref<40x128xf32, #tpu.memory_space<vmem>>
        tpu.wait_dma2 semaphore(%arg27 : memref<!tpu.dma_semaphore, #tpu.memory_space<semaphore_mem>>) src(%dma_wait3A_822 : memref<40x128xf32, #tpu.memory_space<vmem>>) dst(%dma_wait3A_818 : memref<40x128xf32, #tpu.memory_space<hbm>>)
      } else {
      }
      %add3A_696 = arith.constant 8 : i32
      %add3A_697 = arith.addi %add3A_688, %add3A_696 : i32
      %sub3A_698 = arith.constant 2 : i32
      %sub3A_699 = arith.subi %add3A_697, %sub3A_698 : i32
      %lt3A_700 = arith.cmpi slt, %sub3A_699, %min3A_4 : i32
      %convert_element_type3A_701 = arith.extui %lt3A_700 : i1 to i32
      %cond3A_702 = arith.constant 0 : i32
      %cond3A_703 = arith.cmpi ne, %convert_element_type3A_701, %cond3A_702 : i32
      scf.if %cond3A_703 {
        %add3A_801 = arith.constant 8 : i32
        %add3A_802 = arith.addi %add3A_688, %add3A_801 : i32
        %sub3A_803 = arith.constant 2 : i32
        %sub3A_804 = arith.subi %add3A_802, %sub3A_803 : i32
        %dma_start3A_805 = arith.constant 0 : i32
        %dma_start3A_806 = arith.constant 2 : i32
        %dma_start3A_807 = arith.constant 0 : i32
        %dma_start3A_808 = arith.constant 0 : i32
        %dma_start3A_809 = tpu.memref_slice %arg7[%dma_start3A_806, %dma_start3A_807, %dma_start3A_808] : memref<8x40x128xf32, #tpu.memory_space<vmem>> -> memref<1x40x128xf32, #tpu.memory_space<vmem>>
        %dma_start3A_810 = tpu.memref_squeeze %dma_start3A_809 : memref<1x40x128xf32, #tpu.memory_space<vmem>> -> memref<40x128xf32, #tpu.memory_space<vmem>>
        %dma_start3A_811 = arith.constant 0 : i32
        %dma_start3A_812 = tpu.memref_slice %arg6[%sub3A_804, %dma_start3A_805, %dma_start3A_811] : memref<79x2x40xi32, #tpu.memory_space<vmem>> -> memref<1x1x40xi32, #tpu.memory_space<vmem>>
        %dma_start3A_813 = tpu.memref_squeeze %dma_start3A_812 : memref<1x1x40xi32, #tpu.memory_space<vmem>> -> memref<40xi32, #tpu.memory_space<vmem>>
        %dma_start3A_814 = arith.constant 0 : i32
        %dma_start3A_815 = arith.constant 0 : i32
        %dma_start3A_816 = tpu.memref_slice %arg3[%dma_start3A_814, %dma_start3A_815] : memref<100000x128xf32, #tpu.memory_space<hbm>> -> memref<100000x128xf32, #tpu.memory_space<hbm>>
        tpu.enqueue_indirect_dma source(%dma_start3A_816 : memref<100000x128xf32, #tpu.memory_space<hbm>>) target(%dma_start3A_810 : memref<40x128xf32, #tpu.memory_space<vmem>>) offsets(%dma_start3A_813 : memref<40xi32, #tpu.memory_space<vmem>>) semaphore(%arg11 : memref<!tpu.dma_semaphore, #tpu.memory_space<semaphore_mem>>)
      } else {
      }
      %add3A_704 = arith.constant 1 : i32
      %add3A_705 = arith.addi %add3A_688, %add3A_704 : i32
      %lt3A_706 = arith.cmpi slt, %add3A_705, %min3A_4 : i32
      %convert_element_type3A_707 = arith.extui %lt3A_706 : i1 to i32
      %cond3A_708 = arith.constant 0 : i32
      %cond3A_709 = arith.cmpi ne, %convert_element_type3A_707, %cond3A_708 : i32
      scf.if %cond3A_709 {
        %add3A_801 = arith.constant 1 : i32
        %add3A_802 = arith.addi %add3A_688, %add3A_801 : i32
        %dma_wait3A_803 = arith.constant 0 : i32
        %dma_wait3A_804 = arith.constant 5 : i32
        %dma_wait3A_805 = arith.constant 0 : i32
        %dma_wait3A_806 = arith.constant 0 : i32
        %dma_wait3A_807 = tpu.memref_slice %arg7[%dma_wait3A_804, %dma_wait3A_805, %dma_wait3A_806] : memref<8x40x128xf32, #tpu.memory_space<vmem>> -> memref<1x40x128xf32, #tpu.memory_space<vmem>>
        %dma_wait3A_808 = tpu.memref_squeeze %dma_wait3A_807 : memref<1x40x128xf32, #tpu.memory_space<vmem>> -> memref<40x128xf32, #tpu.memory_space<vmem>>
        %dma_wait3A_809 = arith.constant 0 : i32
        %dma_wait3A_810 = tpu.memref_slice %arg6[%add3A_802, %dma_wait3A_803, %dma_wait3A_809] : memref<79x2x40xi32, #tpu.memory_space<vmem>> -> memref<1x1x40xi32, #tpu.memory_space<vmem>>
        %dma_wait3A_811 = tpu.memref_squeeze %dma_wait3A_810 : memref<1x1x40xi32, #tpu.memory_space<vmem>> -> memref<40xi32, #tpu.memory_space<vmem>>
        %dma_wait3A_812 = arith.constant 0 : i32
        %dma_wait3A_813 = arith.constant 0 : i32
        %dma_wait3A_814 = tpu.memref_slice %arg3[%dma_wait3A_812, %dma_wait3A_813] : memref<100000x128xf32, #tpu.memory_space<hbm>> -> memref<100000x128xf32, #tpu.memory_space<hbm>>
        tpu.wait_indirect_dma semaphore(%arg14 : memref<!tpu.dma_semaphore, #tpu.memory_space<semaphore_mem>>) src(%dma_wait3A_814 : memref<100000x128xf32, #tpu.memory_space<hbm>>) dst(%dma_wait3A_808 : memref<40x128xf32, #tpu.memory_space<vmem>>)
        %add3A_815 = arith.constant 1 : i32
        %add3A_816 = arith.addi %add3A_688, %add3A_815 : i32
        %dma_start3A_817 = arith.constant 1 : i32
        %dma_start3A_818 = arith.constant 5 : i32
        %dma_start3A_819 = arith.constant 0 : i32
        %dma_start3A_820 = arith.constant 0 : i32
        %dma_start3A_821 = tpu.memref_slice %arg7[%dma_start3A_818, %dma_start3A_819, %dma_start3A_820] : memref<8x40x128xf32, #tpu.memory_space<vmem>> -> memref<1x40x128xf32, #tpu.memory_space<vmem>>
        %dma_start3A_822 = tpu.memref_squeeze %dma_start3A_821 : memref<1x40x128xf32, #tpu.memory_space<vmem>> -> memref<40x128xf32, #tpu.memory_space<vmem>>
        %dma_start3A_823 = arith.constant 0 : i32
        %dma_start3A_824 = tpu.memref_slice %arg6[%add3A_816, %dma_start3A_817, %dma_start3A_823] : memref<79x2x40xi32, #tpu.memory_space<vmem>> -> memref<1x1x40xi32, #tpu.memory_space<vmem>>
        %dma_start3A_825 = tpu.memref_squeeze %dma_start3A_824 : memref<1x1x40xi32, #tpu.memory_space<vmem>> -> memref<40xi32, #tpu.memory_space<vmem>>
        %dma_start3A_826 = arith.constant 0 : i32
        %dma_start3A_827 = arith.constant 0 : i32
        %dma_start3A_828 = tpu.memref_slice %arg3[%dma_start3A_826, %dma_start3A_827] : memref<100000x128xf32, #tpu.memory_space<hbm>> -> memref<100000x128xf32, #tpu.memory_space<hbm>>
        tpu.enqueue_indirect_dma source(%dma_start3A_828 : memref<100000x128xf32, #tpu.memory_space<hbm>>) target(%dma_start3A_822 : memref<40x128xf32, #tpu.memory_space<vmem>>) offsets(%dma_start3A_825 : memref<40xi32, #tpu.memory_space<vmem>>) semaphore(%arg22 : memref<!tpu.dma_semaphore, #tpu.memory_space<semaphore_mem>>) {add = true}
      } else {
      }
      %lt3A_710 = arith.cmpi slt, %add3A_688, %min3A_4 : i32
      %convert_element_type3A_711 = arith.extui %lt3A_710 : i1 to i32
      %cond3A_712 = arith.constant 0 : i32
      %cond3A_713 = arith.cmpi ne, %convert_element_type3A_711, %cond3A_712 : i32
      scf.if %cond3A_713 {
        %dma_wait3A_801 = arith.constant 1 : i32
        %dma_wait3A_802 = arith.constant 4 : i32
        %dma_wait3A_803 = arith.constant 0 : i32
        %dma_wait3A_804 = arith.constant 0 : i32
        %dma_wait3A_805 = tpu.memref_slice %arg7[%dma_wait3A_802, %dma_wait3A_803, %dma_wait3A_804] : memref<8x40x128xf32, #tpu.memory_space<vmem>> -> memref<1x40x128xf32, #tpu.memory_space<vmem>>
        %dma_wait3A_806 = tpu.memref_squeeze %dma_wait3A_805 : memref<1x40x128xf32, #tpu.memory_space<vmem>> -> memref<40x128xf32, #tpu.memory_space<vmem>>
        %dma_wait3A_807 = arith.constant 0 : i32
        %dma_wait3A_808 = tpu.memref_slice %arg6[%add3A_688, %dma_wait3A_801, %dma_wait3A_807] : memref<79x2x40xi32, #tpu.memory_space<vmem>> -> memref<1x1x40xi32, #tpu.memory_space<vmem>>
        %dma_wait3A_809 = tpu.memref_squeeze %dma_wait3A_808 : memref<1x1x40xi32, #tpu.memory_space<vmem>> -> memref<40xi32, #tpu.memory_space<vmem>>
        %dma_wait3A_810 = arith.constant 0 : i32
        %dma_wait3A_811 = arith.constant 0 : i32
        %dma_wait3A_812 = tpu.memref_slice %arg3[%dma_wait3A_810, %dma_wait3A_811] : memref<100000x128xf32, #tpu.memory_space<hbm>> -> memref<100000x128xf32, #tpu.memory_space<hbm>>
        tpu.wait_indirect_dma semaphore(%arg21 : memref<!tpu.dma_semaphore, #tpu.memory_space<semaphore_mem>>) src(%dma_wait3A_812 : memref<100000x128xf32, #tpu.memory_space<hbm>>) dst(%dma_wait3A_806 : memref<40x128xf32, #tpu.memory_space<vmem>>)
        %mul3A_813 = arith.constant 79 : i32
        %mul3A_814 = arith.muli %add3A, %mul3A_813 : i32
        %add3A_815 = arith.addi %mul3A_814, %add3A_688 : i32
        %mul3A_816 = arith.constant 40 : i32
        %mul3A_817 = arith.muli %add3A_815, %mul3A_816 : i32
        %add3A_818 = arith.constant 100000 : i32
        %add3A_819 = arith.addi %add3A_818, %mul3A_817 : i32
        %dma_start3A_820 = arith.constant 4 : i32
        %dma_start3A_821 = arith.constant 0 : i32
        %dma_start3A_822 = arith.constant 0 : i32
        %dma_start3A_823 = tpu.memref_slice %arg7[%dma_start3A_820, %dma_start3A_821, %dma_start3A_822] : memref<8x40x128xf32, #tpu.memory_space<vmem>> -> memref<1x40x128xf32, #tpu.memory_space<vmem>>
        %dma_start3A_824 = tpu.memref_squeeze %dma_start3A_823 : memref<1x40x128xf32, #tpu.memory_space<vmem>> -> memref<40x128xf32, #tpu.memory_space<vmem>>
        %dma_start3A_825 = arith.constant 0 : i32
        %dma_start3A_826 = tpu.memref_slice %arg5[%add3A_819, %dma_start3A_825] : memref<200000x128xf32, #tpu.memory_space<hbm>> -> memref<40x128xf32, #tpu.memory_space<hbm>>
        %dma_start3A_827 = arith.constant 0 : i32
        %dma_start3A_828 = tpu.memref_slice %arg5[%add3A_819, %dma_start3A_827] : memref<200000x128xf32, #tpu.memory_space<hbm>> -> memref<40x128xf32, #tpu.memory_space<hbm>>
        %dma_start3A_829 = arith.constant 0 : i32
        %dma_start3A_830 = arith.constant 0 : i32
        %dma_start3A_831 = tpu.memref_slice %arg7[%dma_start3A_820, %dma_start3A_829, %dma_start3A_830] : memref<8x40x128xf32, #tpu.memory_space<vmem>> -> memref<1x40x128xf32, #tpu.memory_space<vmem>>
        %dma_start3A_832 = tpu.memref_squeeze %dma_start3A_831 : memref<1x40x128xf32, #tpu.memory_space<vmem>> -> memref<40x128xf32, #tpu.memory_space<vmem>>
        tpu.enqueue_dma source(%dma_start3A_832 : memref<40x128xf32, #tpu.memory_space<vmem>>) target(%dma_start3A_828 : memref<40x128xf32, #tpu.memory_space<hbm>>) target_semaphore(%arg29 : memref<!tpu.dma_semaphore, #tpu.memory_space<semaphore_mem>>)
      } else {
      }
      %mul3A_714 = arith.constant 8 : i32
      %mul3A_715 = arith.muli %add3A_494, %mul3A_714 : i32
      %add3A_716 = arith.constant 5 : i32
      %add3A_717 = arith.addi %mul3A_715, %add3A_716 : i32
      %ge3A_718 = arith.constant 2 : i32
      %ge3A_719 = arith.cmpi sge, %add3A_717, %ge3A_718 : i32
      %lt3A_720 = arith.cmpi slt, %add3A_717, %min3A_4 : i32
      %and3A_721 = arith.andi %ge3A_719, %lt3A_720 : i1
      %convert_element_type3A_722 = arith.extui %and3A_721 : i1 to i32
      %cond3A_723 = arith.constant 0 : i32
      %cond3A_724 = arith.cmpi ne, %convert_element_type3A_722, %cond3A_723 : i32
      scf.if %cond3A_724 {
        %sub3A_801 = arith.constant 2 : i32
        %sub3A_802 = arith.subi %add3A_717, %sub3A_801 : i32
        %mul3A_803 = arith.constant 79 : i32
        %mul3A_804 = arith.muli %add3A, %mul3A_803 : i32
        %add3A_805 = arith.addi %mul3A_804, %sub3A_802 : i32
        %mul3A_806 = arith.constant 40 : i32
        %mul3A_807 = arith.muli %add3A_805, %mul3A_806 : i32
        %add3A_808 = arith.constant 100000 : i32
        %add3A_809 = arith.addi %add3A_808, %mul3A_807 : i32
        %dma_wait3A_810 = arith.constant 3 : i32
        %dma_wait3A_811 = arith.constant 0 : i32
        %dma_wait3A_812 = arith.constant 0 : i32
        %dma_wait3A_813 = tpu.memref_slice %arg7[%dma_wait3A_810, %dma_wait3A_811, %dma_wait3A_812] : memref<8x40x128xf32, #tpu.memory_space<vmem>> -> memref<1x40x128xf32, #tpu.memory_space<vmem>>
        %dma_wait3A_814 = tpu.memref_squeeze %dma_wait3A_813 : memref<1x40x128xf32, #tpu.memory_space<vmem>> -> memref<40x128xf32, #tpu.memory_space<vmem>>
        %dma_wait3A_815 = arith.constant 0 : i32
        %dma_wait3A_816 = tpu.memref_slice %arg5[%add3A_809, %dma_wait3A_815] : memref<200000x128xf32, #tpu.memory_space<hbm>> -> memref<40x128xf32, #tpu.memory_space<hbm>>
        %dma_wait3A_817 = arith.constant 0 : i32
        %dma_wait3A_818 = tpu.memref_slice %arg5[%add3A_809, %dma_wait3A_817] : memref<200000x128xf32, #tpu.memory_space<hbm>> -> memref<40x128xf32, #tpu.memory_space<hbm>>
        %dma_wait3A_819 = arith.constant 0 : i32
        %dma_wait3A_820 = arith.constant 0 : i32
        %dma_wait3A_821 = tpu.memref_slice %arg7[%dma_wait3A_810, %dma_wait3A_819, %dma_wait3A_820] : memref<8x40x128xf32, #tpu.memory_space<vmem>> -> memref<1x40x128xf32, #tpu.memory_space<vmem>>
        %dma_wait3A_822 = tpu.memref_squeeze %dma_wait3A_821 : memref<1x40x128xf32, #tpu.memory_space<vmem>> -> memref<40x128xf32, #tpu.memory_space<vmem>>
        tpu.wait_dma2 semaphore(%arg28 : memref<!tpu.dma_semaphore, #tpu.memory_space<semaphore_mem>>) src(%dma_wait3A_822 : memref<40x128xf32, #tpu.memory_space<vmem>>) dst(%dma_wait3A_818 : memref<40x128xf32, #tpu.memory_space<hbm>>)
      } else {
      }
      %add3A_725 = arith.constant 8 : i32
      %add3A_726 = arith.addi %add3A_717, %add3A_725 : i32
      %sub3A_727 = arith.constant 2 : i32
      %sub3A_728 = arith.subi %add3A_726, %sub3A_727 : i32
      %lt3A_729 = arith.cmpi slt, %sub3A_728, %min3A_4 : i32
      %convert_element_type3A_730 = arith.extui %lt3A_729 : i1 to i32
      %cond3A_731 = arith.constant 0 : i32
      %cond3A_732 = arith.cmpi ne, %convert_element_type3A_730, %cond3A_731 : i32
      scf.if %cond3A_732 {
        %add3A_801 = arith.constant 8 : i32
        %add3A_802 = arith.addi %add3A_717, %add3A_801 : i32
        %sub3A_803 = arith.constant 2 : i32
        %sub3A_804 = arith.subi %add3A_802, %sub3A_803 : i32
        %dma_start3A_805 = arith.constant 0 : i32
        %dma_start3A_806 = arith.constant 3 : i32
        %dma_start3A_807 = arith.constant 0 : i32
        %dma_start3A_808 = arith.constant 0 : i32
        %dma_start3A_809 = tpu.memref_slice %arg7[%dma_start3A_806, %dma_start3A_807, %dma_start3A_808] : memref<8x40x128xf32, #tpu.memory_space<vmem>> -> memref<1x40x128xf32, #tpu.memory_space<vmem>>
        %dma_start3A_810 = tpu.memref_squeeze %dma_start3A_809 : memref<1x40x128xf32, #tpu.memory_space<vmem>> -> memref<40x128xf32, #tpu.memory_space<vmem>>
        %dma_start3A_811 = arith.constant 0 : i32
        %dma_start3A_812 = tpu.memref_slice %arg6[%sub3A_804, %dma_start3A_805, %dma_start3A_811] : memref<79x2x40xi32, #tpu.memory_space<vmem>> -> memref<1x1x40xi32, #tpu.memory_space<vmem>>
        %dma_start3A_813 = tpu.memref_squeeze %dma_start3A_812 : memref<1x1x40xi32, #tpu.memory_space<vmem>> -> memref<40xi32, #tpu.memory_space<vmem>>
        %dma_start3A_814 = arith.constant 0 : i32
        %dma_start3A_815 = arith.constant 0 : i32
        %dma_start3A_816 = tpu.memref_slice %arg3[%dma_start3A_814, %dma_start3A_815] : memref<100000x128xf32, #tpu.memory_space<hbm>> -> memref<100000x128xf32, #tpu.memory_space<hbm>>
        tpu.enqueue_indirect_dma source(%dma_start3A_816 : memref<100000x128xf32, #tpu.memory_space<hbm>>) target(%dma_start3A_810 : memref<40x128xf32, #tpu.memory_space<vmem>>) offsets(%dma_start3A_813 : memref<40xi32, #tpu.memory_space<vmem>>) semaphore(%arg12 : memref<!tpu.dma_semaphore, #tpu.memory_space<semaphore_mem>>)
      } else {
      }
      %add3A_733 = arith.constant 1 : i32
      %add3A_734 = arith.addi %add3A_717, %add3A_733 : i32
      %lt3A_735 = arith.cmpi slt, %add3A_734, %min3A_4 : i32
      %convert_element_type3A_736 = arith.extui %lt3A_735 : i1 to i32
      %cond3A_737 = arith.constant 0 : i32
      %cond3A_738 = arith.cmpi ne, %convert_element_type3A_736, %cond3A_737 : i32
      scf.if %cond3A_738 {
        %add3A_801 = arith.constant 1 : i32
        %add3A_802 = arith.addi %add3A_717, %add3A_801 : i32
        %dma_wait3A_803 = arith.constant 0 : i32
        %dma_wait3A_804 = arith.constant 6 : i32
        %dma_wait3A_805 = arith.constant 0 : i32
        %dma_wait3A_806 = arith.constant 0 : i32
        %dma_wait3A_807 = tpu.memref_slice %arg7[%dma_wait3A_804, %dma_wait3A_805, %dma_wait3A_806] : memref<8x40x128xf32, #tpu.memory_space<vmem>> -> memref<1x40x128xf32, #tpu.memory_space<vmem>>
        %dma_wait3A_808 = tpu.memref_squeeze %dma_wait3A_807 : memref<1x40x128xf32, #tpu.memory_space<vmem>> -> memref<40x128xf32, #tpu.memory_space<vmem>>
        %dma_wait3A_809 = arith.constant 0 : i32
        %dma_wait3A_810 = tpu.memref_slice %arg6[%add3A_802, %dma_wait3A_803, %dma_wait3A_809] : memref<79x2x40xi32, #tpu.memory_space<vmem>> -> memref<1x1x40xi32, #tpu.memory_space<vmem>>
        %dma_wait3A_811 = tpu.memref_squeeze %dma_wait3A_810 : memref<1x1x40xi32, #tpu.memory_space<vmem>> -> memref<40xi32, #tpu.memory_space<vmem>>
        %dma_wait3A_812 = arith.constant 0 : i32
        %dma_wait3A_813 = arith.constant 0 : i32
        %dma_wait3A_814 = tpu.memref_slice %arg3[%dma_wait3A_812, %dma_wait3A_813] : memref<100000x128xf32, #tpu.memory_space<hbm>> -> memref<100000x128xf32, #tpu.memory_space<hbm>>
        tpu.wait_indirect_dma semaphore(%arg15 : memref<!tpu.dma_semaphore, #tpu.memory_space<semaphore_mem>>) src(%dma_wait3A_814 : memref<100000x128xf32, #tpu.memory_space<hbm>>) dst(%dma_wait3A_808 : memref<40x128xf32, #tpu.memory_space<vmem>>)
        %add3A_815 = arith.constant 1 : i32
        %add3A_816 = arith.addi %add3A_717, %add3A_815 : i32
        %dma_start3A_817 = arith.constant 1 : i32
        %dma_start3A_818 = arith.constant 6 : i32
        %dma_start3A_819 = arith.constant 0 : i32
        %dma_start3A_820 = arith.constant 0 : i32
        %dma_start3A_821 = tpu.memref_slice %arg7[%dma_start3A_818, %dma_start3A_819, %dma_start3A_820] : memref<8x40x128xf32, #tpu.memory_space<vmem>> -> memref<1x40x128xf32, #tpu.memory_space<vmem>>
        %dma_start3A_822 = tpu.memref_squeeze %dma_start3A_821 : memref<1x40x128xf32, #tpu.memory_space<vmem>> -> memref<40x128xf32, #tpu.memory_space<vmem>>
        %dma_start3A_823 = arith.constant 0 : i32
        %dma_start3A_824 = tpu.memref_slice %arg6[%add3A_816, %dma_start3A_817, %dma_start3A_823] : memref<79x2x40xi32, #tpu.memory_space<vmem>> -> memref<1x1x40xi32, #tpu.memory_space<vmem>>
        %dma_start3A_825 = tpu.memref_squeeze %dma_start3A_824 : memref<1x1x40xi32, #tpu.memory_space<vmem>> -> memref<40xi32, #tpu.memory_space<vmem>>
        %dma_start3A_826 = arith.constant 0 : i32
        %dma_start3A_827 = arith.constant 0 : i32
        %dma_start3A_828 = tpu.memref_slice %arg3[%dma_start3A_826, %dma_start3A_827] : memref<100000x128xf32, #tpu.memory_space<hbm>> -> memref<100000x128xf32, #tpu.memory_space<hbm>>
        tpu.enqueue_indirect_dma source(%dma_start3A_828 : memref<100000x128xf32, #tpu.memory_space<hbm>>) target(%dma_start3A_822 : memref<40x128xf32, #tpu.memory_space<vmem>>) offsets(%dma_start3A_825 : memref<40xi32, #tpu.memory_space<vmem>>) semaphore(%arg23 : memref<!tpu.dma_semaphore, #tpu.memory_space<semaphore_mem>>) {add = true}
      } else {
      }
      %lt3A_739 = arith.cmpi slt, %add3A_717, %min3A_4 : i32
      %convert_element_type3A_740 = arith.extui %lt3A_739 : i1 to i32
      %cond3A_741 = arith.constant 0 : i32
      %cond3A_742 = arith.cmpi ne, %convert_element_type3A_740, %cond3A_741 : i32
      scf.if %cond3A_742 {
        %dma_wait3A_801 = arith.constant 1 : i32
        %dma_wait3A_802 = arith.constant 5 : i32
        %dma_wait3A_803 = arith.constant 0 : i32
        %dma_wait3A_804 = arith.constant 0 : i32
        %dma_wait3A_805 = tpu.memref_slice %arg7[%dma_wait3A_802, %dma_wait3A_803, %dma_wait3A_804] : memref<8x40x128xf32, #tpu.memory_space<vmem>> -> memref<1x40x128xf32, #tpu.memory_space<vmem>>
        %dma_wait3A_806 = tpu.memref_squeeze %dma_wait3A_805 : memref<1x40x128xf32, #tpu.memory_space<vmem>> -> memref<40x128xf32, #tpu.memory_space<vmem>>
        %dma_wait3A_807 = arith.constant 0 : i32
        %dma_wait3A_808 = tpu.memref_slice %arg6[%add3A_717, %dma_wait3A_801, %dma_wait3A_807] : memref<79x2x40xi32, #tpu.memory_space<vmem>> -> memref<1x1x40xi32, #tpu.memory_space<vmem>>
        %dma_wait3A_809 = tpu.memref_squeeze %dma_wait3A_808 : memref<1x1x40xi32, #tpu.memory_space<vmem>> -> memref<40xi32, #tpu.memory_space<vmem>>
        %dma_wait3A_810 = arith.constant 0 : i32
        %dma_wait3A_811 = arith.constant 0 : i32
        %dma_wait3A_812 = tpu.memref_slice %arg3[%dma_wait3A_810, %dma_wait3A_811] : memref<100000x128xf32, #tpu.memory_space<hbm>> -> memref<100000x128xf32, #tpu.memory_space<hbm>>
        tpu.wait_indirect_dma semaphore(%arg22 : memref<!tpu.dma_semaphore, #tpu.memory_space<semaphore_mem>>) src(%dma_wait3A_812 : memref<100000x128xf32, #tpu.memory_space<hbm>>) dst(%dma_wait3A_806 : memref<40x128xf32, #tpu.memory_space<vmem>>)
        %mul3A_813 = arith.constant 79 : i32
        %mul3A_814 = arith.muli %add3A, %mul3A_813 : i32
        %add3A_815 = arith.addi %mul3A_814, %add3A_717 : i32
        %mul3A_816 = arith.constant 40 : i32
        %mul3A_817 = arith.muli %add3A_815, %mul3A_816 : i32
        %add3A_818 = arith.constant 100000 : i32
        %add3A_819 = arith.addi %add3A_818, %mul3A_817 : i32
        %dma_start3A_820 = arith.constant 5 : i32
        %dma_start3A_821 = arith.constant 0 : i32
        %dma_start3A_822 = arith.constant 0 : i32
        %dma_start3A_823 = tpu.memref_slice %arg7[%dma_start3A_820, %dma_start3A_821, %dma_start3A_822] : memref<8x40x128xf32, #tpu.memory_space<vmem>> -> memref<1x40x128xf32, #tpu.memory_space<vmem>>
        %dma_start3A_824 = tpu.memref_squeeze %dma_start3A_823 : memref<1x40x128xf32, #tpu.memory_space<vmem>> -> memref<40x128xf32, #tpu.memory_space<vmem>>
        %dma_start3A_825 = arith.constant 0 : i32
        %dma_start3A_826 = tpu.memref_slice %arg5[%add3A_819, %dma_start3A_825] : memref<200000x128xf32, #tpu.memory_space<hbm>> -> memref<40x128xf32, #tpu.memory_space<hbm>>
        %dma_start3A_827 = arith.constant 0 : i32
        %dma_start3A_828 = tpu.memref_slice %arg5[%add3A_819, %dma_start3A_827] : memref<200000x128xf32, #tpu.memory_space<hbm>> -> memref<40x128xf32, #tpu.memory_space<hbm>>
        %dma_start3A_829 = arith.constant 0 : i32
        %dma_start3A_830 = arith.constant 0 : i32
        %dma_start3A_831 = tpu.memref_slice %arg7[%dma_start3A_820, %dma_start3A_829, %dma_start3A_830] : memref<8x40x128xf32, #tpu.memory_space<vmem>> -> memref<1x40x128xf32, #tpu.memory_space<vmem>>
        %dma_start3A_832 = tpu.memref_squeeze %dma_start3A_831 : memref<1x40x128xf32, #tpu.memory_space<vmem>> -> memref<40x128xf32, #tpu.memory_space<vmem>>
        tpu.enqueue_dma source(%dma_start3A_832 : memref<40x128xf32, #tpu.memory_space<vmem>>) target(%dma_start3A_828 : memref<40x128xf32, #tpu.memory_space<hbm>>) target_semaphore(%arg30 : memref<!tpu.dma_semaphore, #tpu.memory_space<semaphore_mem>>)
      } else {
      }
      %mul3A_743 = arith.constant 8 : i32
      %mul3A_744 = arith.muli %add3A_494, %mul3A_743 : i32
      %add3A_745 = arith.constant 6 : i32
      %add3A_746 = arith.addi %mul3A_744, %add3A_745 : i32
      %ge3A_747 = arith.constant 2 : i32
      %ge3A_748 = arith.cmpi sge, %add3A_746, %ge3A_747 : i32
      %lt3A_749 = arith.cmpi slt, %add3A_746, %min3A_4 : i32
      %and3A_750 = arith.andi %ge3A_748, %lt3A_749 : i1
      %convert_element_type3A_751 = arith.extui %and3A_750 : i1 to i32
      %cond3A_752 = arith.constant 0 : i32
      %cond3A_753 = arith.cmpi ne, %convert_element_type3A_751, %cond3A_752 : i32
      scf.if %cond3A_753 {
        %sub3A_801 = arith.constant 2 : i32
        %sub3A_802 = arith.subi %add3A_746, %sub3A_801 : i32
        %mul3A_803 = arith.constant 79 : i32
        %mul3A_804 = arith.muli %add3A, %mul3A_803 : i32
        %add3A_805 = arith.addi %mul3A_804, %sub3A_802 : i32
        %mul3A_806 = arith.constant 40 : i32
        %mul3A_807 = arith.muli %add3A_805, %mul3A_806 : i32
        %add3A_808 = arith.constant 100000 : i32
        %add3A_809 = arith.addi %add3A_808, %mul3A_807 : i32
        %dma_wait3A_810 = arith.constant 4 : i32
        %dma_wait3A_811 = arith.constant 0 : i32
        %dma_wait3A_812 = arith.constant 0 : i32
        %dma_wait3A_813 = tpu.memref_slice %arg7[%dma_wait3A_810, %dma_wait3A_811, %dma_wait3A_812] : memref<8x40x128xf32, #tpu.memory_space<vmem>> -> memref<1x40x128xf32, #tpu.memory_space<vmem>>
        %dma_wait3A_814 = tpu.memref_squeeze %dma_wait3A_813 : memref<1x40x128xf32, #tpu.memory_space<vmem>> -> memref<40x128xf32, #tpu.memory_space<vmem>>
        %dma_wait3A_815 = arith.constant 0 : i32
        %dma_wait3A_816 = tpu.memref_slice %arg5[%add3A_809, %dma_wait3A_815] : memref<200000x128xf32, #tpu.memory_space<hbm>> -> memref<40x128xf32, #tpu.memory_space<hbm>>
        %dma_wait3A_817 = arith.constant 0 : i32
        %dma_wait3A_818 = tpu.memref_slice %arg5[%add3A_809, %dma_wait3A_817] : memref<200000x128xf32, #tpu.memory_space<hbm>> -> memref<40x128xf32, #tpu.memory_space<hbm>>
        %dma_wait3A_819 = arith.constant 0 : i32
        %dma_wait3A_820 = arith.constant 0 : i32
        %dma_wait3A_821 = tpu.memref_slice %arg7[%dma_wait3A_810, %dma_wait3A_819, %dma_wait3A_820] : memref<8x40x128xf32, #tpu.memory_space<vmem>> -> memref<1x40x128xf32, #tpu.memory_space<vmem>>
        %dma_wait3A_822 = tpu.memref_squeeze %dma_wait3A_821 : memref<1x40x128xf32, #tpu.memory_space<vmem>> -> memref<40x128xf32, #tpu.memory_space<vmem>>
        tpu.wait_dma2 semaphore(%arg29 : memref<!tpu.dma_semaphore, #tpu.memory_space<semaphore_mem>>) src(%dma_wait3A_822 : memref<40x128xf32, #tpu.memory_space<vmem>>) dst(%dma_wait3A_818 : memref<40x128xf32, #tpu.memory_space<hbm>>)
      } else {
      }
      %add3A_754 = arith.constant 8 : i32
      %add3A_755 = arith.addi %add3A_746, %add3A_754 : i32
      %sub3A_756 = arith.constant 2 : i32
      %sub3A_757 = arith.subi %add3A_755, %sub3A_756 : i32
      %lt3A_758 = arith.cmpi slt, %sub3A_757, %min3A_4 : i32
      %convert_element_type3A_759 = arith.extui %lt3A_758 : i1 to i32
      %cond3A_760 = arith.constant 0 : i32
      %cond3A_761 = arith.cmpi ne, %convert_element_type3A_759, %cond3A_760 : i32
      scf.if %cond3A_761 {
        %add3A_801 = arith.constant 8 : i32
        %add3A_802 = arith.addi %add3A_746, %add3A_801 : i32
        %sub3A_803 = arith.constant 2 : i32
        %sub3A_804 = arith.subi %add3A_802, %sub3A_803 : i32
        %dma_start3A_805 = arith.constant 0 : i32
        %dma_start3A_806 = arith.constant 4 : i32
        %dma_start3A_807 = arith.constant 0 : i32
        %dma_start3A_808 = arith.constant 0 : i32
        %dma_start3A_809 = tpu.memref_slice %arg7[%dma_start3A_806, %dma_start3A_807, %dma_start3A_808] : memref<8x40x128xf32, #tpu.memory_space<vmem>> -> memref<1x40x128xf32, #tpu.memory_space<vmem>>
        %dma_start3A_810 = tpu.memref_squeeze %dma_start3A_809 : memref<1x40x128xf32, #tpu.memory_space<vmem>> -> memref<40x128xf32, #tpu.memory_space<vmem>>
        %dma_start3A_811 = arith.constant 0 : i32
        %dma_start3A_812 = tpu.memref_slice %arg6[%sub3A_804, %dma_start3A_805, %dma_start3A_811] : memref<79x2x40xi32, #tpu.memory_space<vmem>> -> memref<1x1x40xi32, #tpu.memory_space<vmem>>
        %dma_start3A_813 = tpu.memref_squeeze %dma_start3A_812 : memref<1x1x40xi32, #tpu.memory_space<vmem>> -> memref<40xi32, #tpu.memory_space<vmem>>
        %dma_start3A_814 = arith.constant 0 : i32
        %dma_start3A_815 = arith.constant 0 : i32
        %dma_start3A_816 = tpu.memref_slice %arg3[%dma_start3A_814, %dma_start3A_815] : memref<100000x128xf32, #tpu.memory_space<hbm>> -> memref<100000x128xf32, #tpu.memory_space<hbm>>
        tpu.enqueue_indirect_dma source(%dma_start3A_816 : memref<100000x128xf32, #tpu.memory_space<hbm>>) target(%dma_start3A_810 : memref<40x128xf32, #tpu.memory_space<vmem>>) offsets(%dma_start3A_813 : memref<40xi32, #tpu.memory_space<vmem>>) semaphore(%arg13 : memref<!tpu.dma_semaphore, #tpu.memory_space<semaphore_mem>>)
      } else {
      }
      %add3A_762 = arith.constant 1 : i32
      %add3A_763 = arith.addi %add3A_746, %add3A_762 : i32
      %lt3A_764 = arith.cmpi slt, %add3A_763, %min3A_4 : i32
      %convert_element_type3A_765 = arith.extui %lt3A_764 : i1 to i32
      %cond3A_766 = arith.constant 0 : i32
      %cond3A_767 = arith.cmpi ne, %convert_element_type3A_765, %cond3A_766 : i32
      scf.if %cond3A_767 {
        %add3A_801 = arith.constant 1 : i32
        %add3A_802 = arith.addi %add3A_746, %add3A_801 : i32
        %dma_wait3A_803 = arith.constant 0 : i32
        %dma_wait3A_804 = arith.constant 7 : i32
        %dma_wait3A_805 = arith.constant 0 : i32
        %dma_wait3A_806 = arith.constant 0 : i32
        %dma_wait3A_807 = tpu.memref_slice %arg7[%dma_wait3A_804, %dma_wait3A_805, %dma_wait3A_806] : memref<8x40x128xf32, #tpu.memory_space<vmem>> -> memref<1x40x128xf32, #tpu.memory_space<vmem>>
        %dma_wait3A_808 = tpu.memref_squeeze %dma_wait3A_807 : memref<1x40x128xf32, #tpu.memory_space<vmem>> -> memref<40x128xf32, #tpu.memory_space<vmem>>
        %dma_wait3A_809 = arith.constant 0 : i32
        %dma_wait3A_810 = tpu.memref_slice %arg6[%add3A_802, %dma_wait3A_803, %dma_wait3A_809] : memref<79x2x40xi32, #tpu.memory_space<vmem>> -> memref<1x1x40xi32, #tpu.memory_space<vmem>>
        %dma_wait3A_811 = tpu.memref_squeeze %dma_wait3A_810 : memref<1x1x40xi32, #tpu.memory_space<vmem>> -> memref<40xi32, #tpu.memory_space<vmem>>
        %dma_wait3A_812 = arith.constant 0 : i32
        %dma_wait3A_813 = arith.constant 0 : i32
        %dma_wait3A_814 = tpu.memref_slice %arg3[%dma_wait3A_812, %dma_wait3A_813] : memref<100000x128xf32, #tpu.memory_space<hbm>> -> memref<100000x128xf32, #tpu.memory_space<hbm>>
        tpu.wait_indirect_dma semaphore(%arg16 : memref<!tpu.dma_semaphore, #tpu.memory_space<semaphore_mem>>) src(%dma_wait3A_814 : memref<100000x128xf32, #tpu.memory_space<hbm>>) dst(%dma_wait3A_808 : memref<40x128xf32, #tpu.memory_space<vmem>>)
        %add3A_815 = arith.constant 1 : i32
        %add3A_816 = arith.addi %add3A_746, %add3A_815 : i32
        %dma_start3A_817 = arith.constant 1 : i32
        %dma_start3A_818 = arith.constant 7 : i32
        %dma_start3A_819 = arith.constant 0 : i32
        %dma_start3A_820 = arith.constant 0 : i32
        %dma_start3A_821 = tpu.memref_slice %arg7[%dma_start3A_818, %dma_start3A_819, %dma_start3A_820] : memref<8x40x128xf32, #tpu.memory_space<vmem>> -> memref<1x40x128xf32, #tpu.memory_space<vmem>>
        %dma_start3A_822 = tpu.memref_squeeze %dma_start3A_821 : memref<1x40x128xf32, #tpu.memory_space<vmem>> -> memref<40x128xf32, #tpu.memory_space<vmem>>
        %dma_start3A_823 = arith.constant 0 : i32
        %dma_start3A_824 = tpu.memref_slice %arg6[%add3A_816, %dma_start3A_817, %dma_start3A_823] : memref<79x2x40xi32, #tpu.memory_space<vmem>> -> memref<1x1x40xi32, #tpu.memory_space<vmem>>
        %dma_start3A_825 = tpu.memref_squeeze %dma_start3A_824 : memref<1x1x40xi32, #tpu.memory_space<vmem>> -> memref<40xi32, #tpu.memory_space<vmem>>
        %dma_start3A_826 = arith.constant 0 : i32
        %dma_start3A_827 = arith.constant 0 : i32
        %dma_start3A_828 = tpu.memref_slice %arg3[%dma_start3A_826, %dma_start3A_827] : memref<100000x128xf32, #tpu.memory_space<hbm>> -> memref<100000x128xf32, #tpu.memory_space<hbm>>
        tpu.enqueue_indirect_dma source(%dma_start3A_828 : memref<100000x128xf32, #tpu.memory_space<hbm>>) target(%dma_start3A_822 : memref<40x128xf32, #tpu.memory_space<vmem>>) offsets(%dma_start3A_825 : memref<40xi32, #tpu.memory_space<vmem>>) semaphore(%arg24 : memref<!tpu.dma_semaphore, #tpu.memory_space<semaphore_mem>>) {add = true}
      } else {
      }
      %lt3A_768 = arith.cmpi slt, %add3A_746, %min3A_4 : i32
      %convert_element_type3A_769 = arith.extui %lt3A_768 : i1 to i32
      %cond3A_770 = arith.constant 0 : i32
      %cond3A_771 = arith.cmpi ne, %convert_element_type3A_769, %cond3A_770 : i32
      scf.if %cond3A_771 {
        %dma_wait3A_801 = arith.constant 1 : i32
        %dma_wait3A_802 = arith.constant 6 : i32
        %dma_wait3A_803 = arith.constant 0 : i32
        %dma_wait3A_804 = arith.constant 0 : i32
        %dma_wait3A_805 = tpu.memref_slice %arg7[%dma_wait3A_802, %dma_wait3A_803, %dma_wait3A_804] : memref<8x40x128xf32, #tpu.memory_space<vmem>> -> memref<1x40x128xf32, #tpu.memory_space<vmem>>
        %dma_wait3A_806 = tpu.memref_squeeze %dma_wait3A_805 : memref<1x40x128xf32, #tpu.memory_space<vmem>> -> memref<40x128xf32, #tpu.memory_space<vmem>>
        %dma_wait3A_807 = arith.constant 0 : i32
        %dma_wait3A_808 = tpu.memref_slice %arg6[%add3A_746, %dma_wait3A_801, %dma_wait3A_807] : memref<79x2x40xi32, #tpu.memory_space<vmem>> -> memref<1x1x40xi32, #tpu.memory_space<vmem>>
        %dma_wait3A_809 = tpu.memref_squeeze %dma_wait3A_808 : memref<1x1x40xi32, #tpu.memory_space<vmem>> -> memref<40xi32, #tpu.memory_space<vmem>>
        %dma_wait3A_810 = arith.constant 0 : i32
        %dma_wait3A_811 = arith.constant 0 : i32
        %dma_wait3A_812 = tpu.memref_slice %arg3[%dma_wait3A_810, %dma_wait3A_811] : memref<100000x128xf32, #tpu.memory_space<hbm>> -> memref<100000x128xf32, #tpu.memory_space<hbm>>
        tpu.wait_indirect_dma semaphore(%arg23 : memref<!tpu.dma_semaphore, #tpu.memory_space<semaphore_mem>>) src(%dma_wait3A_812 : memref<100000x128xf32, #tpu.memory_space<hbm>>) dst(%dma_wait3A_806 : memref<40x128xf32, #tpu.memory_space<vmem>>)
        %mul3A_813 = arith.constant 79 : i32
        %mul3A_814 = arith.muli %add3A, %mul3A_813 : i32
        %add3A_815 = arith.addi %mul3A_814, %add3A_746 : i32
        %mul3A_816 = arith.constant 40 : i32
        %mul3A_817 = arith.muli %add3A_815, %mul3A_816 : i32
        %add3A_818 = arith.constant 100000 : i32
        %add3A_819 = arith.addi %add3A_818, %mul3A_817 : i32
        %dma_start3A_820 = arith.constant 6 : i32
        %dma_start3A_821 = arith.constant 0 : i32
        %dma_start3A_822 = arith.constant 0 : i32
        %dma_start3A_823 = tpu.memref_slice %arg7[%dma_start3A_820, %dma_start3A_821, %dma_start3A_822] : memref<8x40x128xf32, #tpu.memory_space<vmem>> -> memref<1x40x128xf32, #tpu.memory_space<vmem>>
        %dma_start3A_824 = tpu.memref_squeeze %dma_start3A_823 : memref<1x40x128xf32, #tpu.memory_space<vmem>> -> memref<40x128xf32, #tpu.memory_space<vmem>>
        %dma_start3A_825 = arith.constant 0 : i32
        %dma_start3A_826 = tpu.memref_slice %arg5[%add3A_819, %dma_start3A_825] : memref<200000x128xf32, #tpu.memory_space<hbm>> -> memref<40x128xf32, #tpu.memory_space<hbm>>
        %dma_start3A_827 = arith.constant 0 : i32
        %dma_start3A_828 = tpu.memref_slice %arg5[%add3A_819, %dma_start3A_827] : memref<200000x128xf32, #tpu.memory_space<hbm>> -> memref<40x128xf32, #tpu.memory_space<hbm>>
        %dma_start3A_829 = arith.constant 0 : i32
        %dma_start3A_830 = arith.constant 0 : i32
        %dma_start3A_831 = tpu.memref_slice %arg7[%dma_start3A_820, %dma_start3A_829, %dma_start3A_830] : memref<8x40x128xf32, #tpu.memory_space<vmem>> -> memref<1x40x128xf32, #tpu.memory_space<vmem>>
        %dma_start3A_832 = tpu.memref_squeeze %dma_start3A_831 : memref<1x40x128xf32, #tpu.memory_space<vmem>> -> memref<40x128xf32, #tpu.memory_space<vmem>>
        tpu.enqueue_dma source(%dma_start3A_832 : memref<40x128xf32, #tpu.memory_space<vmem>>) target(%dma_start3A_828 : memref<40x128xf32, #tpu.memory_space<hbm>>) target_semaphore(%arg31 : memref<!tpu.dma_semaphore, #tpu.memory_space<semaphore_mem>>)
      } else {
      }
      %mul3A_772 = arith.constant 8 : i32
      %mul3A_773 = arith.muli %add3A_494, %mul3A_772 : i32
      %add3A_774 = arith.constant 7 : i32
      %add3A_775 = arith.addi %mul3A_773, %add3A_774 : i32
      %ge3A_776 = arith.constant 2 : i32
      %ge3A_777 = arith.cmpi sge, %add3A_775, %ge3A_776 : i32
      %lt3A_778 = arith.cmpi slt, %add3A_775, %min3A_4 : i32
      %and3A_779 = arith.andi %ge3A_777, %lt3A_778 : i1
      %convert_element_type3A_780 = arith.extui %and3A_779 : i1 to i32
      %cond3A_781 = arith.constant 0 : i32
      %cond3A_782 = arith.cmpi ne, %convert_element_type3A_780, %cond3A_781 : i32
      scf.if %cond3A_782 {
        %sub3A_801 = arith.constant 2 : i32
        %sub3A_802 = arith.subi %add3A_775, %sub3A_801 : i32
        %mul3A_803 = arith.constant 79 : i32
        %mul3A_804 = arith.muli %add3A, %mul3A_803 : i32
        %add3A_805 = arith.addi %mul3A_804, %sub3A_802 : i32
        %mul3A_806 = arith.constant 40 : i32
        %mul3A_807 = arith.muli %add3A_805, %mul3A_806 : i32
        %add3A_808 = arith.constant 100000 : i32
        %add3A_809 = arith.addi %add3A_808, %mul3A_807 : i32
        %dma_wait3A_810 = arith.constant 5 : i32
        %dma_wait3A_811 = arith.constant 0 : i32
        %dma_wait3A_812 = arith.constant 0 : i32
        %dma_wait3A_813 = tpu.memref_slice %arg7[%dma_wait3A_810, %dma_wait3A_811, %dma_wait3A_812] : memref<8x40x128xf32, #tpu.memory_space<vmem>> -> memref<1x40x128xf32, #tpu.memory_space<vmem>>
        %dma_wait3A_814 = tpu.memref_squeeze %dma_wait3A_813 : memref<1x40x128xf32, #tpu.memory_space<vmem>> -> memref<40x128xf32, #tpu.memory_space<vmem>>
        %dma_wait3A_815 = arith.constant 0 : i32
        %dma_wait3A_816 = tpu.memref_slice %arg5[%add3A_809, %dma_wait3A_815] : memref<200000x128xf32, #tpu.memory_space<hbm>> -> memref<40x128xf32, #tpu.memory_space<hbm>>
        %dma_wait3A_817 = arith.constant 0 : i32
        %dma_wait3A_818 = tpu.memref_slice %arg5[%add3A_809, %dma_wait3A_817] : memref<200000x128xf32, #tpu.memory_space<hbm>> -> memref<40x128xf32, #tpu.memory_space<hbm>>
        %dma_wait3A_819 = arith.constant 0 : i32
        %dma_wait3A_820 = arith.constant 0 : i32
        %dma_wait3A_821 = tpu.memref_slice %arg7[%dma_wait3A_810, %dma_wait3A_819, %dma_wait3A_820] : memref<8x40x128xf32, #tpu.memory_space<vmem>> -> memref<1x40x128xf32, #tpu.memory_space<vmem>>
        %dma_wait3A_822 = tpu.memref_squeeze %dma_wait3A_821 : memref<1x40x128xf32, #tpu.memory_space<vmem>> -> memref<40x128xf32, #tpu.memory_space<vmem>>
        tpu.wait_dma2 semaphore(%arg30 : memref<!tpu.dma_semaphore, #tpu.memory_space<semaphore_mem>>) src(%dma_wait3A_822 : memref<40x128xf32, #tpu.memory_space<vmem>>) dst(%dma_wait3A_818 : memref<40x128xf32, #tpu.memory_space<hbm>>)
      } else {
      }
      %add3A_783 = arith.constant 8 : i32
      %add3A_784 = arith.addi %add3A_775, %add3A_783 : i32
      %sub3A_785 = arith.constant 2 : i32
      %sub3A_786 = arith.subi %add3A_784, %sub3A_785 : i32
      %lt3A_787 = arith.cmpi slt, %sub3A_786, %min3A_4 : i32
      %convert_element_type3A_788 = arith.extui %lt3A_787 : i1 to i32
      %cond3A_789 = arith.constant 0 : i32
      %cond3A_790 = arith.cmpi ne, %convert_element_type3A_788, %cond3A_789 : i32
      scf.if %cond3A_790 {
        %add3A_801 = arith.constant 8 : i32
        %add3A_802 = arith.addi %add3A_775, %add3A_801 : i32
        %sub3A_803 = arith.constant 2 : i32
        %sub3A_804 = arith.subi %add3A_802, %sub3A_803 : i32
        %dma_start3A_805 = arith.constant 0 : i32
        %dma_start3A_806 = arith.constant 5 : i32
        %dma_start3A_807 = arith.constant 0 : i32
        %dma_start3A_808 = arith.constant 0 : i32
        %dma_start3A_809 = tpu.memref_slice %arg7[%dma_start3A_806, %dma_start3A_807, %dma_start3A_808] : memref<8x40x128xf32, #tpu.memory_space<vmem>> -> memref<1x40x128xf32, #tpu.memory_space<vmem>>
        %dma_start3A_810 = tpu.memref_squeeze %dma_start3A_809 : memref<1x40x128xf32, #tpu.memory_space<vmem>> -> memref<40x128xf32, #tpu.memory_space<vmem>>
        %dma_start3A_811 = arith.constant 0 : i32
        %dma_start3A_812 = tpu.memref_slice %arg6[%sub3A_804, %dma_start3A_805, %dma_start3A_811] : memref<79x2x40xi32, #tpu.memory_space<vmem>> -> memref<1x1x40xi32, #tpu.memory_space<vmem>>
        %dma_start3A_813 = tpu.memref_squeeze %dma_start3A_812 : memref<1x1x40xi32, #tpu.memory_space<vmem>> -> memref<40xi32, #tpu.memory_space<vmem>>
        %dma_start3A_814 = arith.constant 0 : i32
        %dma_start3A_815 = arith.constant 0 : i32
        %dma_start3A_816 = tpu.memref_slice %arg3[%dma_start3A_814, %dma_start3A_815] : memref<100000x128xf32, #tpu.memory_space<hbm>> -> memref<100000x128xf32, #tpu.memory_space<hbm>>
        tpu.enqueue_indirect_dma source(%dma_start3A_816 : memref<100000x128xf32, #tpu.memory_space<hbm>>) target(%dma_start3A_810 : memref<40x128xf32, #tpu.memory_space<vmem>>) offsets(%dma_start3A_813 : memref<40xi32, #tpu.memory_space<vmem>>) semaphore(%arg14 : memref<!tpu.dma_semaphore, #tpu.memory_space<semaphore_mem>>)
      } else {
      }
      %add3A_791 = arith.constant 1 : i32
      %add3A_792 = arith.addi %add3A_775, %add3A_791 : i32
      %lt3A_793 = arith.cmpi slt, %add3A_792, %min3A_4 : i32
      %convert_element_type3A_794 = arith.extui %lt3A_793 : i1 to i32
      %cond3A_795 = arith.constant 0 : i32
      %cond3A_796 = arith.cmpi ne, %convert_element_type3A_794, %cond3A_795 : i32
      scf.if %cond3A_796 {
        %add3A_801 = arith.constant 1 : i32
        %add3A_802 = arith.addi %add3A_775, %add3A_801 : i32
        %dma_wait3A_803 = arith.constant 0 : i32
        %dma_wait3A_804 = arith.constant 0 : i32
        %dma_wait3A_805 = arith.constant 0 : i32
        %dma_wait3A_806 = arith.constant 0 : i32
        %dma_wait3A_807 = tpu.memref_slice %arg7[%dma_wait3A_804, %dma_wait3A_805, %dma_wait3A_806] : memref<8x40x128xf32, #tpu.memory_space<vmem>> -> memref<1x40x128xf32, #tpu.memory_space<vmem>>
        %dma_wait3A_808 = tpu.memref_squeeze %dma_wait3A_807 : memref<1x40x128xf32, #tpu.memory_space<vmem>> -> memref<40x128xf32, #tpu.memory_space<vmem>>
        %dma_wait3A_809 = arith.constant 0 : i32
        %dma_wait3A_810 = tpu.memref_slice %arg6[%add3A_802, %dma_wait3A_803, %dma_wait3A_809] : memref<79x2x40xi32, #tpu.memory_space<vmem>> -> memref<1x1x40xi32, #tpu.memory_space<vmem>>
        %dma_wait3A_811 = tpu.memref_squeeze %dma_wait3A_810 : memref<1x1x40xi32, #tpu.memory_space<vmem>> -> memref<40xi32, #tpu.memory_space<vmem>>
        %dma_wait3A_812 = arith.constant 0 : i32
        %dma_wait3A_813 = arith.constant 0 : i32
        %dma_wait3A_814 = tpu.memref_slice %arg3[%dma_wait3A_812, %dma_wait3A_813] : memref<100000x128xf32, #tpu.memory_space<hbm>> -> memref<100000x128xf32, #tpu.memory_space<hbm>>
        tpu.wait_indirect_dma semaphore(%arg9 : memref<!tpu.dma_semaphore, #tpu.memory_space<semaphore_mem>>) src(%dma_wait3A_814 : memref<100000x128xf32, #tpu.memory_space<hbm>>) dst(%dma_wait3A_808 : memref<40x128xf32, #tpu.memory_space<vmem>>)
        %add3A_815 = arith.constant 1 : i32
        %add3A_816 = arith.addi %add3A_775, %add3A_815 : i32
        %dma_start3A_817 = arith.constant 1 : i32
        %dma_start3A_818 = arith.constant 0 : i32
        %dma_start3A_819 = arith.constant 0 : i32
        %dma_start3A_820 = arith.constant 0 : i32
        %dma_start3A_821 = tpu.memref_slice %arg7[%dma_start3A_818, %dma_start3A_819, %dma_start3A_820] : memref<8x40x128xf32, #tpu.memory_space<vmem>> -> memref<1x40x128xf32, #tpu.memory_space<vmem>>
        %dma_start3A_822 = tpu.memref_squeeze %dma_start3A_821 : memref<1x40x128xf32, #tpu.memory_space<vmem>> -> memref<40x128xf32, #tpu.memory_space<vmem>>
        %dma_start3A_823 = arith.constant 0 : i32
        %dma_start3A_824 = tpu.memref_slice %arg6[%add3A_816, %dma_start3A_817, %dma_start3A_823] : memref<79x2x40xi32, #tpu.memory_space<vmem>> -> memref<1x1x40xi32, #tpu.memory_space<vmem>>
        %dma_start3A_825 = tpu.memref_squeeze %dma_start3A_824 : memref<1x1x40xi32, #tpu.memory_space<vmem>> -> memref<40xi32, #tpu.memory_space<vmem>>
        %dma_start3A_826 = arith.constant 0 : i32
        %dma_start3A_827 = arith.constant 0 : i32
        %dma_start3A_828 = tpu.memref_slice %arg3[%dma_start3A_826, %dma_start3A_827] : memref<100000x128xf32, #tpu.memory_space<hbm>> -> memref<100000x128xf32, #tpu.memory_space<hbm>>
        tpu.enqueue_indirect_dma source(%dma_start3A_828 : memref<100000x128xf32, #tpu.memory_space<hbm>>) target(%dma_start3A_822 : memref<40x128xf32, #tpu.memory_space<vmem>>) offsets(%dma_start3A_825 : memref<40xi32, #tpu.memory_space<vmem>>) semaphore(%arg17 : memref<!tpu.dma_semaphore, #tpu.memory_space<semaphore_mem>>) {add = true}
      } else {
      }
      %lt3A_797 = arith.cmpi slt, %add3A_775, %min3A_4 : i32
      %convert_element_type3A_798 = arith.extui %lt3A_797 : i1 to i32
      %cond3A_799 = arith.constant 0 : i32
      %cond3A_800 = arith.cmpi ne, %convert_element_type3A_798, %cond3A_799 : i32
      scf.if %cond3A_800 {
        %dma_wait3A_801 = arith.constant 1 : i32
        %dma_wait3A_802 = arith.constant 7 : i32
        %dma_wait3A_803 = arith.constant 0 : i32
        %dma_wait3A_804 = arith.constant 0 : i32
        %dma_wait3A_805 = tpu.memref_slice %arg7[%dma_wait3A_802, %dma_wait3A_803, %dma_wait3A_804] : memref<8x40x128xf32, #tpu.memory_space<vmem>> -> memref<1x40x128xf32, #tpu.memory_space<vmem>>
        %dma_wait3A_806 = tpu.memref_squeeze %dma_wait3A_805 : memref<1x40x128xf32, #tpu.memory_space<vmem>> -> memref<40x128xf32, #tpu.memory_space<vmem>>
        %dma_wait3A_807 = arith.constant 0 : i32
        %dma_wait3A_808 = tpu.memref_slice %arg6[%add3A_775, %dma_wait3A_801, %dma_wait3A_807] : memref<79x2x40xi32, #tpu.memory_space<vmem>> -> memref<1x1x40xi32, #tpu.memory_space<vmem>>
        %dma_wait3A_809 = tpu.memref_squeeze %dma_wait3A_808 : memref<1x1x40xi32, #tpu.memory_space<vmem>> -> memref<40xi32, #tpu.memory_space<vmem>>
        %dma_wait3A_810 = arith.constant 0 : i32
        %dma_wait3A_811 = arith.constant 0 : i32
        %dma_wait3A_812 = tpu.memref_slice %arg3[%dma_wait3A_810, %dma_wait3A_811] : memref<100000x128xf32, #tpu.memory_space<hbm>> -> memref<100000x128xf32, #tpu.memory_space<hbm>>
        tpu.wait_indirect_dma semaphore(%arg24 : memref<!tpu.dma_semaphore, #tpu.memory_space<semaphore_mem>>) src(%dma_wait3A_812 : memref<100000x128xf32, #tpu.memory_space<hbm>>) dst(%dma_wait3A_806 : memref<40x128xf32, #tpu.memory_space<vmem>>)
        %mul3A_813 = arith.constant 79 : i32
        %mul3A_814 = arith.muli %add3A, %mul3A_813 : i32
        %add3A_815 = arith.addi %mul3A_814, %add3A_775 : i32
        %mul3A_816 = arith.constant 40 : i32
        %mul3A_817 = arith.muli %add3A_815, %mul3A_816 : i32
        %add3A_818 = arith.constant 100000 : i32
        %add3A_819 = arith.addi %add3A_818, %mul3A_817 : i32
        %dma_start3A_820 = arith.constant 7 : i32
        %dma_start3A_821 = arith.constant 0 : i32
        %dma_start3A_822 = arith.constant 0 : i32
        %dma_start3A_823 = tpu.memref_slice %arg7[%dma_start3A_820, %dma_start3A_821, %dma_start3A_822] : memref<8x40x128xf32, #tpu.memory_space<vmem>> -> memref<1x40x128xf32, #tpu.memory_space<vmem>>
        %dma_start3A_824 = tpu.memref_squeeze %dma_start3A_823 : memref<1x40x128xf32, #tpu.memory_space<vmem>> -> memref<40x128xf32, #tpu.memory_space<vmem>>
        %dma_start3A_825 = arith.constant 0 : i32
        %dma_start3A_826 = tpu.memref_slice %arg5[%add3A_819, %dma_start3A_825] : memref<200000x128xf32, #tpu.memory_space<hbm>> -> memref<40x128xf32, #tpu.memory_space<hbm>>
        %dma_start3A_827 = arith.constant 0 : i32
        %dma_start3A_828 = tpu.memref_slice %arg5[%add3A_819, %dma_start3A_827] : memref<200000x128xf32, #tpu.memory_space<hbm>> -> memref<40x128xf32, #tpu.memory_space<hbm>>
        %dma_start3A_829 = arith.constant 0 : i32
        %dma_start3A_830 = arith.constant 0 : i32
        %dma_start3A_831 = tpu.memref_slice %arg7[%dma_start3A_820, %dma_start3A_829, %dma_start3A_830] : memref<8x40x128xf32, #tpu.memory_space<vmem>> -> memref<1x40x128xf32, #tpu.memory_space<vmem>>
        %dma_start3A_832 = tpu.memref_squeeze %dma_start3A_831 : memref<1x40x128xf32, #tpu.memory_space<vmem>> -> memref<40x128xf32, #tpu.memory_space<vmem>>
        tpu.enqueue_dma source(%dma_start3A_832 : memref<40x128xf32, #tpu.memory_space<vmem>>) target(%dma_start3A_828 : memref<40x128xf32, #tpu.memory_space<hbm>>) target_semaphore(%arg32 : memref<!tpu.dma_semaphore, #tpu.memory_space<semaphore_mem>>)
      } else {
      }
    }
    %scan3A_60 = arith.constant 5 : i32
    %sub3A_61 = arith.constant 2 : i32
    %sub3A_62 = arith.subi %min3A_4, %sub3A_61 : i32
    %rem3A = arith.constant 8 : i32
    %rem3A_63 = arith.remsi %sub3A_62, %rem3A : i32
    %sub3A_64 = arith.constant 1 : i32
    %sub3A_65 = arith.subi %min3A_4, %sub3A_64 : i32
    %rem3A_66 = arith.constant 8 : i32
    %rem3A_67 = arith.remsi %sub3A_65, %rem3A_66 : i32
    %eq3A = arith.constant 0 : i32
    %eq3A_68 = arith.cmpi eq, %rem3A_63, %eq3A : i32
    %convert_element_type3A_69 = arith.extui %eq3A_68 : i1 to i32
    %cond3A_70 = arith.constant 0 : i32
    %cond3A_71 = arith.cmpi ne, %convert_element_type3A_69, %cond3A_70 : i32
    scf.if %cond3A_71 {
      %sub3A_181 = arith.constant 2 : i32
      %sub3A_182 = arith.subi %min3A_4, %sub3A_181 : i32
      %mul3A_183 = arith.constant 79 : i32
      %mul3A_184 = arith.muli %add3A, %mul3A_183 : i32
      %add3A_185 = arith.addi %mul3A_184, %sub3A_182 : i32
      %mul3A_186 = arith.constant 40 : i32
      %mul3A_187 = arith.muli %add3A_185, %mul3A_186 : i32
      %add3A_188 = arith.constant 100000 : i32
      %add3A_189 = arith.addi %add3A_188, %mul3A_187 : i32
      %dma_wait3A_190 = arith.constant 0 : i32
      %dma_wait3A_191 = arith.constant 0 : i32
      %dma_wait3A_192 = arith.constant 0 : i32
      %dma_wait3A_193 = tpu.memref_slice %arg7[%dma_wait3A_190, %dma_wait3A_191, %dma_wait3A_192] : memref<8x40x128xf32, #tpu.memory_space<vmem>> -> memref<1x40x128xf32, #tpu.memory_space<vmem>>
      %dma_wait3A_194 = tpu.memref_squeeze %dma_wait3A_193 : memref<1x40x128xf32, #tpu.memory_space<vmem>> -> memref<40x128xf32, #tpu.memory_space<vmem>>
      %dma_wait3A_195 = arith.constant 0 : i32
      %dma_wait3A_196 = tpu.memref_slice %arg5[%add3A_189, %dma_wait3A_195] : memref<200000x128xf32, #tpu.memory_space<hbm>> -> memref<40x128xf32, #tpu.memory_space<hbm>>
      %dma_wait3A_197 = arith.constant 0 : i32
      %dma_wait3A_198 = tpu.memref_slice %arg5[%add3A_189, %dma_wait3A_197] : memref<200000x128xf32, #tpu.memory_space<hbm>> -> memref<40x128xf32, #tpu.memory_space<hbm>>
      %dma_wait3A_199 = arith.constant 0 : i32
      %dma_wait3A_200 = arith.constant 0 : i32
      %dma_wait3A_201 = tpu.memref_slice %arg7[%dma_wait3A_190, %dma_wait3A_199, %dma_wait3A_200] : memref<8x40x128xf32, #tpu.memory_space<vmem>> -> memref<1x40x128xf32, #tpu.memory_space<vmem>>
      %dma_wait3A_202 = tpu.memref_squeeze %dma_wait3A_201 : memref<1x40x128xf32, #tpu.memory_space<vmem>> -> memref<40x128xf32, #tpu.memory_space<vmem>>
      tpu.wait_dma2 semaphore(%arg25 : memref<!tpu.dma_semaphore, #tpu.memory_space<semaphore_mem>>) src(%dma_wait3A_202 : memref<40x128xf32, #tpu.memory_space<vmem>>) dst(%dma_wait3A_198 : memref<40x128xf32, #tpu.memory_space<hbm>>)
    } else {
    }
    %eq3A_72 = arith.constant 1 : i32
    %eq3A_73 = arith.cmpi eq, %rem3A_63, %eq3A_72 : i32
    %convert_element_type3A_74 = arith.extui %eq3A_73 : i1 to i32
    %cond3A_75 = arith.constant 0 : i32
    %cond3A_76 = arith.cmpi ne, %convert_element_type3A_74, %cond3A_75 : i32
    scf.if %cond3A_76 {
      %sub3A_181 = arith.constant 2 : i32
      %sub3A_182 = arith.subi %min3A_4, %sub3A_181 : i32
      %mul3A_183 = arith.constant 79 : i32
      %mul3A_184 = arith.muli %add3A, %mul3A_183 : i32
      %add3A_185 = arith.addi %mul3A_184, %sub3A_182 : i32
      %mul3A_186 = arith.constant 40 : i32
      %mul3A_187 = arith.muli %add3A_185, %mul3A_186 : i32
      %add3A_188 = arith.constant 100000 : i32
      %add3A_189 = arith.addi %add3A_188, %mul3A_187 : i32
      %dma_wait3A_190 = arith.constant 1 : i32
      %dma_wait3A_191 = arith.constant 0 : i32
      %dma_wait3A_192 = arith.constant 0 : i32
      %dma_wait3A_193 = tpu.memref_slice %arg7[%dma_wait3A_190, %dma_wait3A_191, %dma_wait3A_192] : memref<8x40x128xf32, #tpu.memory_space<vmem>> -> memref<1x40x128xf32, #tpu.memory_space<vmem>>
      %dma_wait3A_194 = tpu.memref_squeeze %dma_wait3A_193 : memref<1x40x128xf32, #tpu.memory_space<vmem>> -> memref<40x128xf32, #tpu.memory_space<vmem>>
      %dma_wait3A_195 = arith.constant 0 : i32
      %dma_wait3A_196 = tpu.memref_slice %arg5[%add3A_189, %dma_wait3A_195] : memref<200000x128xf32, #tpu.memory_space<hbm>> -> memref<40x128xf32, #tpu.memory_space<hbm>>
      %dma_wait3A_197 = arith.constant 0 : i32
      %dma_wait3A_198 = tpu.memref_slice %arg5[%add3A_189, %dma_wait3A_197] : memref<200000x128xf32, #tpu.memory_space<hbm>> -> memref<40x128xf32, #tpu.memory_space<hbm>>
      %dma_wait3A_199 = arith.constant 0 : i32
      %dma_wait3A_200 = arith.constant 0 : i32
      %dma_wait3A_201 = tpu.memref_slice %arg7[%dma_wait3A_190, %dma_wait3A_199, %dma_wait3A_200] : memref<8x40x128xf32, #tpu.memory_space<vmem>> -> memref<1x40x128xf32, #tpu.memory_space<vmem>>
      %dma_wait3A_202 = tpu.memref_squeeze %dma_wait3A_201 : memref<1x40x128xf32, #tpu.memory_space<vmem>> -> memref<40x128xf32, #tpu.memory_space<vmem>>
      tpu.wait_dma2 semaphore(%arg26 : memref<!tpu.dma_semaphore, #tpu.memory_space<semaphore_mem>>) src(%dma_wait3A_202 : memref<40x128xf32, #tpu.memory_space<vmem>>) dst(%dma_wait3A_198 : memref<40x128xf32, #tpu.memory_space<hbm>>)
    } else {
    }
    %eq3A_77 = arith.constant 2 : i32
    %eq3A_78 = arith.cmpi eq, %rem3A_63, %eq3A_77 : i32
    %convert_element_type3A_79 = arith.extui %eq3A_78 : i1 to i32
    %cond3A_80 = arith.constant 0 : i32
    %cond3A_81 = arith.cmpi ne, %convert_element_type3A_79, %cond3A_80 : i32
    scf.if %cond3A_81 {
      %sub3A_181 = arith.constant 2 : i32
      %sub3A_182 = arith.subi %min3A_4, %sub3A_181 : i32
      %mul3A_183 = arith.constant 79 : i32
      %mul3A_184 = arith.muli %add3A, %mul3A_183 : i32
      %add3A_185 = arith.addi %mul3A_184, %sub3A_182 : i32
      %mul3A_186 = arith.constant 40 : i32
      %mul3A_187 = arith.muli %add3A_185, %mul3A_186 : i32
      %add3A_188 = arith.constant 100000 : i32
      %add3A_189 = arith.addi %add3A_188, %mul3A_187 : i32
      %dma_wait3A_190 = arith.constant 2 : i32
      %dma_wait3A_191 = arith.constant 0 : i32
      %dma_wait3A_192 = arith.constant 0 : i32
      %dma_wait3A_193 = tpu.memref_slice %arg7[%dma_wait3A_190, %dma_wait3A_191, %dma_wait3A_192] : memref<8x40x128xf32, #tpu.memory_space<vmem>> -> memref<1x40x128xf32, #tpu.memory_space<vmem>>
      %dma_wait3A_194 = tpu.memref_squeeze %dma_wait3A_193 : memref<1x40x128xf32, #tpu.memory_space<vmem>> -> memref<40x128xf32, #tpu.memory_space<vmem>>
      %dma_wait3A_195 = arith.constant 0 : i32
      %dma_wait3A_196 = tpu.memref_slice %arg5[%add3A_189, %dma_wait3A_195] : memref<200000x128xf32, #tpu.memory_space<hbm>> -> memref<40x128xf32, #tpu.memory_space<hbm>>
      %dma_wait3A_197 = arith.constant 0 : i32
      %dma_wait3A_198 = tpu.memref_slice %arg5[%add3A_189, %dma_wait3A_197] : memref<200000x128xf32, #tpu.memory_space<hbm>> -> memref<40x128xf32, #tpu.memory_space<hbm>>
      %dma_wait3A_199 = arith.constant 0 : i32
      %dma_wait3A_200 = arith.constant 0 : i32
      %dma_wait3A_201 = tpu.memref_slice %arg7[%dma_wait3A_190, %dma_wait3A_199, %dma_wait3A_200] : memref<8x40x128xf32, #tpu.memory_space<vmem>> -> memref<1x40x128xf32, #tpu.memory_space<vmem>>
      %dma_wait3A_202 = tpu.memref_squeeze %dma_wait3A_201 : memref<1x40x128xf32, #tpu.memory_space<vmem>> -> memref<40x128xf32, #tpu.memory_space<vmem>>
      tpu.wait_dma2 semaphore(%arg27 : memref<!tpu.dma_semaphore, #tpu.memory_space<semaphore_mem>>) src(%dma_wait3A_202 : memref<40x128xf32, #tpu.memory_space<vmem>>) dst(%dma_wait3A_198 : memref<40x128xf32, #tpu.memory_space<hbm>>)
    } else {
    }
    %eq3A_82 = arith.constant 3 : i32
    %eq3A_83 = arith.cmpi eq, %rem3A_63, %eq3A_82 : i32
    %convert_element_type3A_84 = arith.extui %eq3A_83 : i1 to i32
    %cond3A_85 = arith.constant 0 : i32
    %cond3A_86 = arith.cmpi ne, %convert_element_type3A_84, %cond3A_85 : i32
    scf.if %cond3A_86 {
      %sub3A_181 = arith.constant 2 : i32
      %sub3A_182 = arith.subi %min3A_4, %sub3A_181 : i32
      %mul3A_183 = arith.constant 79 : i32
      %mul3A_184 = arith.muli %add3A, %mul3A_183 : i32
      %add3A_185 = arith.addi %mul3A_184, %sub3A_182 : i32
      %mul3A_186 = arith.constant 40 : i32
      %mul3A_187 = arith.muli %add3A_185, %mul3A_186 : i32
      %add3A_188 = arith.constant 100000 : i32
      %add3A_189 = arith.addi %add3A_188, %mul3A_187 : i32
      %dma_wait3A_190 = arith.constant 3 : i32
      %dma_wait3A_191 = arith.constant 0 : i32
      %dma_wait3A_192 = arith.constant 0 : i32
      %dma_wait3A_193 = tpu.memref_slice %arg7[%dma_wait3A_190, %dma_wait3A_191, %dma_wait3A_192] : memref<8x40x128xf32, #tpu.memory_space<vmem>> -> memref<1x40x128xf32, #tpu.memory_space<vmem>>
      %dma_wait3A_194 = tpu.memref_squeeze %dma_wait3A_193 : memref<1x40x128xf32, #tpu.memory_space<vmem>> -> memref<40x128xf32, #tpu.memory_space<vmem>>
      %dma_wait3A_195 = arith.constant 0 : i32
      %dma_wait3A_196 = tpu.memref_slice %arg5[%add3A_189, %dma_wait3A_195] : memref<200000x128xf32, #tpu.memory_space<hbm>> -> memref<40x128xf32, #tpu.memory_space<hbm>>
      %dma_wait3A_197 = arith.constant 0 : i32
      %dma_wait3A_198 = tpu.memref_slice %arg5[%add3A_189, %dma_wait3A_197] : memref<200000x128xf32, #tpu.memory_space<hbm>> -> memref<40x128xf32, #tpu.memory_space<hbm>>
      %dma_wait3A_199 = arith.constant 0 : i32
      %dma_wait3A_200 = arith.constant 0 : i32
      %dma_wait3A_201 = tpu.memref_slice %arg7[%dma_wait3A_190, %dma_wait3A_199, %dma_wait3A_200] : memref<8x40x128xf32, #tpu.memory_space<vmem>> -> memref<1x40x128xf32, #tpu.memory_space<vmem>>
      %dma_wait3A_202 = tpu.memref_squeeze %dma_wait3A_201 : memref<1x40x128xf32, #tpu.memory_space<vmem>> -> memref<40x128xf32, #tpu.memory_space<vmem>>
      tpu.wait_dma2 semaphore(%arg28 : memref<!tpu.dma_semaphore, #tpu.memory_space<semaphore_mem>>) src(%dma_wait3A_202 : memref<40x128xf32, #tpu.memory_space<vmem>>) dst(%dma_wait3A_198 : memref<40x128xf32, #tpu.memory_space<hbm>>)
    } else {
    }
    %eq3A_87 = arith.constant 4 : i32
    %eq3A_88 = arith.cmpi eq, %rem3A_63, %eq3A_87 : i32
    %convert_element_type3A_89 = arith.extui %eq3A_88 : i1 to i32
    %cond3A_90 = arith.constant 0 : i32
    %cond3A_91 = arith.cmpi ne, %convert_element_type3A_89, %cond3A_90 : i32
    scf.if %cond3A_91 {
      %sub3A_181 = arith.constant 2 : i32
      %sub3A_182 = arith.subi %min3A_4, %sub3A_181 : i32
      %mul3A_183 = arith.constant 79 : i32
      %mul3A_184 = arith.muli %add3A, %mul3A_183 : i32
      %add3A_185 = arith.addi %mul3A_184, %sub3A_182 : i32
      %mul3A_186 = arith.constant 40 : i32
      %mul3A_187 = arith.muli %add3A_185, %mul3A_186 : i32
      %add3A_188 = arith.constant 100000 : i32
      %add3A_189 = arith.addi %add3A_188, %mul3A_187 : i32
      %dma_wait3A_190 = arith.constant 4 : i32
      %dma_wait3A_191 = arith.constant 0 : i32
      %dma_wait3A_192 = arith.constant 0 : i32
      %dma_wait3A_193 = tpu.memref_slice %arg7[%dma_wait3A_190, %dma_wait3A_191, %dma_wait3A_192] : memref<8x40x128xf32, #tpu.memory_space<vmem>> -> memref<1x40x128xf32, #tpu.memory_space<vmem>>
      %dma_wait3A_194 = tpu.memref_squeeze %dma_wait3A_193 : memref<1x40x128xf32, #tpu.memory_space<vmem>> -> memref<40x128xf32, #tpu.memory_space<vmem>>
      %dma_wait3A_195 = arith.constant 0 : i32
      %dma_wait3A_196 = tpu.memref_slice %arg5[%add3A_189, %dma_wait3A_195] : memref<200000x128xf32, #tpu.memory_space<hbm>> -> memref<40x128xf32, #tpu.memory_space<hbm>>
      %dma_wait3A_197 = arith.constant 0 : i32
      %dma_wait3A_198 = tpu.memref_slice %arg5[%add3A_189, %dma_wait3A_197] : memref<200000x128xf32, #tpu.memory_space<hbm>> -> memref<40x128xf32, #tpu.memory_space<hbm>>
      %dma_wait3A_199 = arith.constant 0 : i32
      %dma_wait3A_200 = arith.constant 0 : i32
      %dma_wait3A_201 = tpu.memref_slice %arg7[%dma_wait3A_190, %dma_wait3A_199, %dma_wait3A_200] : memref<8x40x128xf32, #tpu.memory_space<vmem>> -> memref<1x40x128xf32, #tpu.memory_space<vmem>>
      %dma_wait3A_202 = tpu.memref_squeeze %dma_wait3A_201 : memref<1x40x128xf32, #tpu.memory_space<vmem>> -> memref<40x128xf32, #tpu.memory_space<vmem>>
      tpu.wait_dma2 semaphore(%arg29 : memref<!tpu.dma_semaphore, #tpu.memory_space<semaphore_mem>>) src(%dma_wait3A_202 : memref<40x128xf32, #tpu.memory_space<vmem>>) dst(%dma_wait3A_198 : memref<40x128xf32, #tpu.memory_space<hbm>>)
    } else {
    }
    %eq3A_92 = arith.constant 5 : i32
    %eq3A_93 = arith.cmpi eq, %rem3A_63, %eq3A_92 : i32
    %convert_element_type3A_94 = arith.extui %eq3A_93 : i1 to i32
    %cond3A_95 = arith.constant 0 : i32
    %cond3A_96 = arith.cmpi ne, %convert_element_type3A_94, %cond3A_95 : i32
    scf.if %cond3A_96 {
      %sub3A_181 = arith.constant 2 : i32
      %sub3A_182 = arith.subi %min3A_4, %sub3A_181 : i32
      %mul3A_183 = arith.constant 79 : i32
      %mul3A_184 = arith.muli %add3A, %mul3A_183 : i32
      %add3A_185 = arith.addi %mul3A_184, %sub3A_182 : i32
      %mul3A_186 = arith.constant 40 : i32
      %mul3A_187 = arith.muli %add3A_185, %mul3A_186 : i32
      %add3A_188 = arith.constant 100000 : i32
      %add3A_189 = arith.addi %add3A_188, %mul3A_187 : i32
      %dma_wait3A_190 = arith.constant 5 : i32
      %dma_wait3A_191 = arith.constant 0 : i32
      %dma_wait3A_192 = arith.constant 0 : i32
      %dma_wait3A_193 = tpu.memref_slice %arg7[%dma_wait3A_190, %dma_wait3A_191, %dma_wait3A_192] : memref<8x40x128xf32, #tpu.memory_space<vmem>> -> memref<1x40x128xf32, #tpu.memory_space<vmem>>
      %dma_wait3A_194 = tpu.memref_squeeze %dma_wait3A_193 : memref<1x40x128xf32, #tpu.memory_space<vmem>> -> memref<40x128xf32, #tpu.memory_space<vmem>>
      %dma_wait3A_195 = arith.constant 0 : i32
      %dma_wait3A_196 = tpu.memref_slice %arg5[%add3A_189, %dma_wait3A_195] : memref<200000x128xf32, #tpu.memory_space<hbm>> -> memref<40x128xf32, #tpu.memory_space<hbm>>
      %dma_wait3A_197 = arith.constant 0 : i32
      %dma_wait3A_198 = tpu.memref_slice %arg5[%add3A_189, %dma_wait3A_197] : memref<200000x128xf32, #tpu.memory_space<hbm>> -> memref<40x128xf32, #tpu.memory_space<hbm>>
      %dma_wait3A_199 = arith.constant 0 : i32
      %dma_wait3A_200 = arith.constant 0 : i32
      %dma_wait3A_201 = tpu.memref_slice %arg7[%dma_wait3A_190, %dma_wait3A_199, %dma_wait3A_200] : memref<8x40x128xf32, #tpu.memory_space<vmem>> -> memref<1x40x128xf32, #tpu.memory_space<vmem>>
      %dma_wait3A_202 = tpu.memref_squeeze %dma_wait3A_201 : memref<1x40x128xf32, #tpu.memory_space<vmem>> -> memref<40x128xf32, #tpu.memory_space<vmem>>
      tpu.wait_dma2 semaphore(%arg30 : memref<!tpu.dma_semaphore, #tpu.memory_space<semaphore_mem>>) src(%dma_wait3A_202 : memref<40x128xf32, #tpu.memory_space<vmem>>) dst(%dma_wait3A_198 : memref<40x128xf32, #tpu.memory_space<hbm>>)
    } else {
    }
    %eq3A_97 = arith.constant 6 : i32
    %eq3A_98 = arith.cmpi eq, %rem3A_63, %eq3A_97 : i32
    %convert_element_type3A_99 = arith.extui %eq3A_98 : i1 to i32
    %cond3A_100 = arith.constant 0 : i32
    %cond3A_101 = arith.cmpi ne, %convert_element_type3A_99, %cond3A_100 : i32
    scf.if %cond3A_101 {
      %sub3A_181 = arith.constant 2 : i32
      %sub3A_182 = arith.subi %min3A_4, %sub3A_181 : i32
      %mul3A_183 = arith.constant 79 : i32
      %mul3A_184 = arith.muli %add3A, %mul3A_183 : i32
      %add3A_185 = arith.addi %mul3A_184, %sub3A_182 : i32
      %mul3A_186 = arith.constant 40 : i32
      %mul3A_187 = arith.muli %add3A_185, %mul3A_186 : i32
      %add3A_188 = arith.constant 100000 : i32
      %add3A_189 = arith.addi %add3A_188, %mul3A_187 : i32
      %dma_wait3A_190 = arith.constant 6 : i32
      %dma_wait3A_191 = arith.constant 0 : i32
      %dma_wait3A_192 = arith.constant 0 : i32
      %dma_wait3A_193 = tpu.memref_slice %arg7[%dma_wait3A_190, %dma_wait3A_191, %dma_wait3A_192] : memref<8x40x128xf32, #tpu.memory_space<vmem>> -> memref<1x40x128xf32, #tpu.memory_space<vmem>>
      %dma_wait3A_194 = tpu.memref_squeeze %dma_wait3A_193 : memref<1x40x128xf32, #tpu.memory_space<vmem>> -> memref<40x128xf32, #tpu.memory_space<vmem>>
      %dma_wait3A_195 = arith.constant 0 : i32
      %dma_wait3A_196 = tpu.memref_slice %arg5[%add3A_189, %dma_wait3A_195] : memref<200000x128xf32, #tpu.memory_space<hbm>> -> memref<40x128xf32, #tpu.memory_space<hbm>>
      %dma_wait3A_197 = arith.constant 0 : i32
      %dma_wait3A_198 = tpu.memref_slice %arg5[%add3A_189, %dma_wait3A_197] : memref<200000x128xf32, #tpu.memory_space<hbm>> -> memref<40x128xf32, #tpu.memory_space<hbm>>
      %dma_wait3A_199 = arith.constant 0 : i32
      %dma_wait3A_200 = arith.constant 0 : i32
      %dma_wait3A_201 = tpu.memref_slice %arg7[%dma_wait3A_190, %dma_wait3A_199, %dma_wait3A_200] : memref<8x40x128xf32, #tpu.memory_space<vmem>> -> memref<1x40x128xf32, #tpu.memory_space<vmem>>
      %dma_wait3A_202 = tpu.memref_squeeze %dma_wait3A_201 : memref<1x40x128xf32, #tpu.memory_space<vmem>> -> memref<40x128xf32, #tpu.memory_space<vmem>>
      tpu.wait_dma2 semaphore(%arg31 : memref<!tpu.dma_semaphore, #tpu.memory_space<semaphore_mem>>) src(%dma_wait3A_202 : memref<40x128xf32, #tpu.memory_space<vmem>>) dst(%dma_wait3A_198 : memref<40x128xf32, #tpu.memory_space<hbm>>)
    } else {
    }
    %eq3A_102 = arith.constant 7 : i32
    %eq3A_103 = arith.cmpi eq, %rem3A_63, %eq3A_102 : i32
    %convert_element_type3A_104 = arith.extui %eq3A_103 : i1 to i32
    %cond3A_105 = arith.constant 0 : i32
    %cond3A_106 = arith.cmpi ne, %convert_element_type3A_104, %cond3A_105 : i32
    scf.if %cond3A_106 {
      %sub3A_181 = arith.constant 2 : i32
      %sub3A_182 = arith.subi %min3A_4, %sub3A_181 : i32
      %mul3A_183 = arith.constant 79 : i32
      %mul3A_184 = arith.muli %add3A, %mul3A_183 : i32
      %add3A_185 = arith.addi %mul3A_184, %sub3A_182 : i32
      %mul3A_186 = arith.constant 40 : i32
      %mul3A_187 = arith.muli %add3A_185, %mul3A_186 : i32
      %add3A_188 = arith.constant 100000 : i32
      %add3A_189 = arith.addi %add3A_188, %mul3A_187 : i32
      %dma_wait3A_190 = arith.constant 7 : i32
      %dma_wait3A_191 = arith.constant 0 : i32
      %dma_wait3A_192 = arith.constant 0 : i32
      %dma_wait3A_193 = tpu.memref_slice %arg7[%dma_wait3A_190, %dma_wait3A_191, %dma_wait3A_192] : memref<8x40x128xf32, #tpu.memory_space<vmem>> -> memref<1x40x128xf32, #tpu.memory_space<vmem>>
      %dma_wait3A_194 = tpu.memref_squeeze %dma_wait3A_193 : memref<1x40x128xf32, #tpu.memory_space<vmem>> -> memref<40x128xf32, #tpu.memory_space<vmem>>
      %dma_wait3A_195 = arith.constant 0 : i32
      %dma_wait3A_196 = tpu.memref_slice %arg5[%add3A_189, %dma_wait3A_195] : memref<200000x128xf32, #tpu.memory_space<hbm>> -> memref<40x128xf32, #tpu.memory_space<hbm>>
      %dma_wait3A_197 = arith.constant 0 : i32
      %dma_wait3A_198 = tpu.memref_slice %arg5[%add3A_189, %dma_wait3A_197] : memref<200000x128xf32, #tpu.memory_space<hbm>> -> memref<40x128xf32, #tpu.memory_space<hbm>>
      %dma_wait3A_199 = arith.constant 0 : i32
      %dma_wait3A_200 = arith.constant 0 : i32
      %dma_wait3A_201 = tpu.memref_slice %arg7[%dma_wait3A_190, %dma_wait3A_199, %dma_wait3A_200] : memref<8x40x128xf32, #tpu.memory_space<vmem>> -> memref<1x40x128xf32, #tpu.memory_space<vmem>>
      %dma_wait3A_202 = tpu.memref_squeeze %dma_wait3A_201 : memref<1x40x128xf32, #tpu.memory_space<vmem>> -> memref<40x128xf32, #tpu.memory_space<vmem>>
      tpu.wait_dma2 semaphore(%arg32 : memref<!tpu.dma_semaphore, #tpu.memory_space<semaphore_mem>>) src(%dma_wait3A_202 : memref<40x128xf32, #tpu.memory_space<vmem>>) dst(%dma_wait3A_198 : memref<40x128xf32, #tpu.memory_space<hbm>>)
    } else {
    }
    %eq3A_107 = arith.constant 0 : i32
    %eq3A_108 = arith.cmpi eq, %rem3A_67, %eq3A_107 : i32
    %convert_element_type3A_109 = arith.extui %eq3A_108 : i1 to i32
    %cond3A_110 = arith.constant 0 : i32
    %cond3A_111 = arith.cmpi ne, %convert_element_type3A_109, %cond3A_110 : i32
    scf.if %cond3A_111 {
      %sub3A_181 = arith.constant 1 : i32
      %sub3A_182 = arith.subi %min3A_4, %sub3A_181 : i32
      %mul3A_183 = arith.constant 79 : i32
      %mul3A_184 = arith.muli %add3A, %mul3A_183 : i32
      %add3A_185 = arith.addi %mul3A_184, %sub3A_182 : i32
      %mul3A_186 = arith.constant 40 : i32
      %mul3A_187 = arith.muli %add3A_185, %mul3A_186 : i32
      %add3A_188 = arith.constant 100000 : i32
      %add3A_189 = arith.addi %add3A_188, %mul3A_187 : i32
      %dma_wait3A_190 = arith.constant 0 : i32
      %dma_wait3A_191 = arith.constant 0 : i32
      %dma_wait3A_192 = arith.constant 0 : i32
      %dma_wait3A_193 = tpu.memref_slice %arg7[%dma_wait3A_190, %dma_wait3A_191, %dma_wait3A_192] : memref<8x40x128xf32, #tpu.memory_space<vmem>> -> memref<1x40x128xf32, #tpu.memory_space<vmem>>
      %dma_wait3A_194 = tpu.memref_squeeze %dma_wait3A_193 : memref<1x40x128xf32, #tpu.memory_space<vmem>> -> memref<40x128xf32, #tpu.memory_space<vmem>>
      %dma_wait3A_195 = arith.constant 0 : i32
      %dma_wait3A_196 = tpu.memref_slice %arg5[%add3A_189, %dma_wait3A_195] : memref<200000x128xf32, #tpu.memory_space<hbm>> -> memref<40x128xf32, #tpu.memory_space<hbm>>
      %dma_wait3A_197 = arith.constant 0 : i32
      %dma_wait3A_198 = tpu.memref_slice %arg5[%add3A_189, %dma_wait3A_197] : memref<200000x128xf32, #tpu.memory_space<hbm>> -> memref<40x128xf32, #tpu.memory_space<hbm>>
      %dma_wait3A_199 = arith.constant 0 : i32
      %dma_wait3A_200 = arith.constant 0 : i32
      %dma_wait3A_201 = tpu.memref_slice %arg7[%dma_wait3A_190, %dma_wait3A_199, %dma_wait3A_200] : memref<8x40x128xf32, #tpu.memory_space<vmem>> -> memref<1x40x128xf32, #tpu.memory_space<vmem>>
      %dma_wait3A_202 = tpu.memref_squeeze %dma_wait3A_201 : memref<1x40x128xf32, #tpu.memory_space<vmem>> -> memref<40x128xf32, #tpu.memory_space<vmem>>
      tpu.wait_dma2 semaphore(%arg25 : memref<!tpu.dma_semaphore, #tpu.memory_space<semaphore_mem>>) src(%dma_wait3A_202 : memref<40x128xf32, #tpu.memory_space<vmem>>) dst(%dma_wait3A_198 : memref<40x128xf32, #tpu.memory_space<hbm>>)
    } else {
    }
    %eq3A_112 = arith.constant 1 : i32
    %eq3A_113 = arith.cmpi eq, %rem3A_67, %eq3A_112 : i32
    %convert_element_type3A_114 = arith.extui %eq3A_113 : i1 to i32
    %cond3A_115 = arith.constant 0 : i32
    %cond3A_116 = arith.cmpi ne, %convert_element_type3A_114, %cond3A_115 : i32
    scf.if %cond3A_116 {
      %sub3A_181 = arith.constant 1 : i32
      %sub3A_182 = arith.subi %min3A_4, %sub3A_181 : i32
      %mul3A_183 = arith.constant 79 : i32
      %mul3A_184 = arith.muli %add3A, %mul3A_183 : i32
      %add3A_185 = arith.addi %mul3A_184, %sub3A_182 : i32
      %mul3A_186 = arith.constant 40 : i32
      %mul3A_187 = arith.muli %add3A_185, %mul3A_186 : i32
      %add3A_188 = arith.constant 100000 : i32
      %add3A_189 = arith.addi %add3A_188, %mul3A_187 : i32
      %dma_wait3A_190 = arith.constant 1 : i32
      %dma_wait3A_191 = arith.constant 0 : i32
      %dma_wait3A_192 = arith.constant 0 : i32
      %dma_wait3A_193 = tpu.memref_slice %arg7[%dma_wait3A_190, %dma_wait3A_191, %dma_wait3A_192] : memref<8x40x128xf32, #tpu.memory_space<vmem>> -> memref<1x40x128xf32, #tpu.memory_space<vmem>>
      %dma_wait3A_194 = tpu.memref_squeeze %dma_wait3A_193 : memref<1x40x128xf32, #tpu.memory_space<vmem>> -> memref<40x128xf32, #tpu.memory_space<vmem>>
      %dma_wait3A_195 = arith.constant 0 : i32
      %dma_wait3A_196 = tpu.memref_slice %arg5[%add3A_189, %dma_wait3A_195] : memref<200000x128xf32, #tpu.memory_space<hbm>> -> memref<40x128xf32, #tpu.memory_space<hbm>>
      %dma_wait3A_197 = arith.constant 0 : i32
      %dma_wait3A_198 = tpu.memref_slice %arg5[%add3A_189, %dma_wait3A_197] : memref<200000x128xf32, #tpu.memory_space<hbm>> -> memref<40x128xf32, #tpu.memory_space<hbm>>
      %dma_wait3A_199 = arith.constant 0 : i32
      %dma_wait3A_200 = arith.constant 0 : i32
      %dma_wait3A_201 = tpu.memref_slice %arg7[%dma_wait3A_190, %dma_wait3A_199, %dma_wait3A_200] : memref<8x40x128xf32, #tpu.memory_space<vmem>> -> memref<1x40x128xf32, #tpu.memory_space<vmem>>
      %dma_wait3A_202 = tpu.memref_squeeze %dma_wait3A_201 : memref<1x40x128xf32, #tpu.memory_space<vmem>> -> memref<40x128xf32, #tpu.memory_space<vmem>>
      tpu.wait_dma2 semaphore(%arg26 : memref<!tpu.dma_semaphore, #tpu.memory_space<semaphore_mem>>) src(%dma_wait3A_202 : memref<40x128xf32, #tpu.memory_space<vmem>>) dst(%dma_wait3A_198 : memref<40x128xf32, #tpu.memory_space<hbm>>)
    } else {
    }
    %eq3A_117 = arith.constant 2 : i32
    %eq3A_118 = arith.cmpi eq, %rem3A_67, %eq3A_117 : i32
    %convert_element_type3A_119 = arith.extui %eq3A_118 : i1 to i32
    %cond3A_120 = arith.constant 0 : i32
    %cond3A_121 = arith.cmpi ne, %convert_element_type3A_119, %cond3A_120 : i32
    scf.if %cond3A_121 {
      %sub3A_181 = arith.constant 1 : i32
      %sub3A_182 = arith.subi %min3A_4, %sub3A_181 : i32
      %mul3A_183 = arith.constant 79 : i32
      %mul3A_184 = arith.muli %add3A, %mul3A_183 : i32
      %add3A_185 = arith.addi %mul3A_184, %sub3A_182 : i32
      %mul3A_186 = arith.constant 40 : i32
      %mul3A_187 = arith.muli %add3A_185, %mul3A_186 : i32
      %add3A_188 = arith.constant 100000 : i32
      %add3A_189 = arith.addi %add3A_188, %mul3A_187 : i32
      %dma_wait3A_190 = arith.constant 2 : i32
      %dma_wait3A_191 = arith.constant 0 : i32
      %dma_wait3A_192 = arith.constant 0 : i32
      %dma_wait3A_193 = tpu.memref_slice %arg7[%dma_wait3A_190, %dma_wait3A_191, %dma_wait3A_192] : memref<8x40x128xf32, #tpu.memory_space<vmem>> -> memref<1x40x128xf32, #tpu.memory_space<vmem>>
      %dma_wait3A_194 = tpu.memref_squeeze %dma_wait3A_193 : memref<1x40x128xf32, #tpu.memory_space<vmem>> -> memref<40x128xf32, #tpu.memory_space<vmem>>
      %dma_wait3A_195 = arith.constant 0 : i32
      %dma_wait3A_196 = tpu.memref_slice %arg5[%add3A_189, %dma_wait3A_195] : memref<200000x128xf32, #tpu.memory_space<hbm>> -> memref<40x128xf32, #tpu.memory_space<hbm>>
      %dma_wait3A_197 = arith.constant 0 : i32
      %dma_wait3A_198 = tpu.memref_slice %arg5[%add3A_189, %dma_wait3A_197] : memref<200000x128xf32, #tpu.memory_space<hbm>> -> memref<40x128xf32, #tpu.memory_space<hbm>>
      %dma_wait3A_199 = arith.constant 0 : i32
      %dma_wait3A_200 = arith.constant 0 : i32
      %dma_wait3A_201 = tpu.memref_slice %arg7[%dma_wait3A_190, %dma_wait3A_199, %dma_wait3A_200] : memref<8x40x128xf32, #tpu.memory_space<vmem>> -> memref<1x40x128xf32, #tpu.memory_space<vmem>>
      %dma_wait3A_202 = tpu.memref_squeeze %dma_wait3A_201 : memref<1x40x128xf32, #tpu.memory_space<vmem>> -> memref<40x128xf32, #tpu.memory_space<vmem>>
      tpu.wait_dma2 semaphore(%arg27 : memref<!tpu.dma_semaphore, #tpu.memory_space<semaphore_mem>>) src(%dma_wait3A_202 : memref<40x128xf32, #tpu.memory_space<vmem>>) dst(%dma_wait3A_198 : memref<40x128xf32, #tpu.memory_space<hbm>>)
    } else {
    }
    %eq3A_122 = arith.constant 3 : i32
    %eq3A_123 = arith.cmpi eq, %rem3A_67, %eq3A_122 : i32
    %convert_element_type3A_124 = arith.extui %eq3A_123 : i1 to i32
    %cond3A_125 = arith.constant 0 : i32
    %cond3A_126 = arith.cmpi ne, %convert_element_type3A_124, %cond3A_125 : i32
    scf.if %cond3A_126 {
      %sub3A_181 = arith.constant 1 : i32
      %sub3A_182 = arith.subi %min3A_4, %sub3A_181 : i32
      %mul3A_183 = arith.constant 79 : i32
      %mul3A_184 = arith.muli %add3A, %mul3A_183 : i32
      %add3A_185 = arith.addi %mul3A_184, %sub3A_182 : i32
      %mul3A_186 = arith.constant 40 : i32
      %mul3A_187 = arith.muli %add3A_185, %mul3A_186 : i32
      %add3A_188 = arith.constant 100000 : i32
      %add3A_189 = arith.addi %add3A_188, %mul3A_187 : i32
      %dma_wait3A_190 = arith.constant 3 : i32
      %dma_wait3A_191 = arith.constant 0 : i32
      %dma_wait3A_192 = arith.constant 0 : i32
      %dma_wait3A_193 = tpu.memref_slice %arg7[%dma_wait3A_190, %dma_wait3A_191, %dma_wait3A_192] : memref<8x40x128xf32, #tpu.memory_space<vmem>> -> memref<1x40x128xf32, #tpu.memory_space<vmem>>
      %dma_wait3A_194 = tpu.memref_squeeze %dma_wait3A_193 : memref<1x40x128xf32, #tpu.memory_space<vmem>> -> memref<40x128xf32, #tpu.memory_space<vmem>>
      %dma_wait3A_195 = arith.constant 0 : i32
      %dma_wait3A_196 = tpu.memref_slice %arg5[%add3A_189, %dma_wait3A_195] : memref<200000x128xf32, #tpu.memory_space<hbm>> -> memref<40x128xf32, #tpu.memory_space<hbm>>
      %dma_wait3A_197 = arith.constant 0 : i32
      %dma_wait3A_198 = tpu.memref_slice %arg5[%add3A_189, %dma_wait3A_197] : memref<200000x128xf32, #tpu.memory_space<hbm>> -> memref<40x128xf32, #tpu.memory_space<hbm>>
      %dma_wait3A_199 = arith.constant 0 : i32
      %dma_wait3A_200 = arith.constant 0 : i32
      %dma_wait3A_201 = tpu.memref_slice %arg7[%dma_wait3A_190, %dma_wait3A_199, %dma_wait3A_200] : memref<8x40x128xf32, #tpu.memory_space<vmem>> -> memref<1x40x128xf32, #tpu.memory_space<vmem>>
      %dma_wait3A_202 = tpu.memref_squeeze %dma_wait3A_201 : memref<1x40x128xf32, #tpu.memory_space<vmem>> -> memref<40x128xf32, #tpu.memory_space<vmem>>
      tpu.wait_dma2 semaphore(%arg28 : memref<!tpu.dma_semaphore, #tpu.memory_space<semaphore_mem>>) src(%dma_wait3A_202 : memref<40x128xf32, #tpu.memory_space<vmem>>) dst(%dma_wait3A_198 : memref<40x128xf32, #tpu.memory_space<hbm>>)
    } else {
    }
    %eq3A_127 = arith.constant 4 : i32
    %eq3A_128 = arith.cmpi eq, %rem3A_67, %eq3A_127 : i32
    %convert_element_type3A_129 = arith.extui %eq3A_128 : i1 to i32
    %cond3A_130 = arith.constant 0 : i32
    %cond3A_131 = arith.cmpi ne, %convert_element_type3A_129, %cond3A_130 : i32
    scf.if %cond3A_131 {
      %sub3A_181 = arith.constant 1 : i32
      %sub3A_182 = arith.subi %min3A_4, %sub3A_181 : i32
      %mul3A_183 = arith.constant 79 : i32
      %mul3A_184 = arith.muli %add3A, %mul3A_183 : i32
      %add3A_185 = arith.addi %mul3A_184, %sub3A_182 : i32
      %mul3A_186 = arith.constant 40 : i32
      %mul3A_187 = arith.muli %add3A_185, %mul3A_186 : i32
      %add3A_188 = arith.constant 100000 : i32
      %add3A_189 = arith.addi %add3A_188, %mul3A_187 : i32
      %dma_wait3A_190 = arith.constant 4 : i32
      %dma_wait3A_191 = arith.constant 0 : i32
      %dma_wait3A_192 = arith.constant 0 : i32
      %dma_wait3A_193 = tpu.memref_slice %arg7[%dma_wait3A_190, %dma_wait3A_191, %dma_wait3A_192] : memref<8x40x128xf32, #tpu.memory_space<vmem>> -> memref<1x40x128xf32, #tpu.memory_space<vmem>>
      %dma_wait3A_194 = tpu.memref_squeeze %dma_wait3A_193 : memref<1x40x128xf32, #tpu.memory_space<vmem>> -> memref<40x128xf32, #tpu.memory_space<vmem>>
      %dma_wait3A_195 = arith.constant 0 : i32
      %dma_wait3A_196 = tpu.memref_slice %arg5[%add3A_189, %dma_wait3A_195] : memref<200000x128xf32, #tpu.memory_space<hbm>> -> memref<40x128xf32, #tpu.memory_space<hbm>>
      %dma_wait3A_197 = arith.constant 0 : i32
      %dma_wait3A_198 = tpu.memref_slice %arg5[%add3A_189, %dma_wait3A_197] : memref<200000x128xf32, #tpu.memory_space<hbm>> -> memref<40x128xf32, #tpu.memory_space<hbm>>
      %dma_wait3A_199 = arith.constant 0 : i32
      %dma_wait3A_200 = arith.constant 0 : i32
      %dma_wait3A_201 = tpu.memref_slice %arg7[%dma_wait3A_190, %dma_wait3A_199, %dma_wait3A_200] : memref<8x40x128xf32, #tpu.memory_space<vmem>> -> memref<1x40x128xf32, #tpu.memory_space<vmem>>
      %dma_wait3A_202 = tpu.memref_squeeze %dma_wait3A_201 : memref<1x40x128xf32, #tpu.memory_space<vmem>> -> memref<40x128xf32, #tpu.memory_space<vmem>>
      tpu.wait_dma2 semaphore(%arg29 : memref<!tpu.dma_semaphore, #tpu.memory_space<semaphore_mem>>) src(%dma_wait3A_202 : memref<40x128xf32, #tpu.memory_space<vmem>>) dst(%dma_wait3A_198 : memref<40x128xf32, #tpu.memory_space<hbm>>)
    } else {
    }
    %eq3A_132 = arith.constant 5 : i32
    %eq3A_133 = arith.cmpi eq, %rem3A_67, %eq3A_132 : i32
    %convert_element_type3A_134 = arith.extui %eq3A_133 : i1 to i32
    %cond3A_135 = arith.constant 0 : i32
    %cond3A_136 = arith.cmpi ne, %convert_element_type3A_134, %cond3A_135 : i32
    scf.if %cond3A_136 {
      %sub3A_181 = arith.constant 1 : i32
      %sub3A_182 = arith.subi %min3A_4, %sub3A_181 : i32
      %mul3A_183 = arith.constant 79 : i32
      %mul3A_184 = arith.muli %add3A, %mul3A_183 : i32
      %add3A_185 = arith.addi %mul3A_184, %sub3A_182 : i32
      %mul3A_186 = arith.constant 40 : i32
      %mul3A_187 = arith.muli %add3A_185, %mul3A_186 : i32
      %add3A_188 = arith.constant 100000 : i32
      %add3A_189 = arith.addi %add3A_188, %mul3A_187 : i32
      %dma_wait3A_190 = arith.constant 5 : i32
      %dma_wait3A_191 = arith.constant 0 : i32
      %dma_wait3A_192 = arith.constant 0 : i32
      %dma_wait3A_193 = tpu.memref_slice %arg7[%dma_wait3A_190, %dma_wait3A_191, %dma_wait3A_192] : memref<8x40x128xf32, #tpu.memory_space<vmem>> -> memref<1x40x128xf32, #tpu.memory_space<vmem>>
      %dma_wait3A_194 = tpu.memref_squeeze %dma_wait3A_193 : memref<1x40x128xf32, #tpu.memory_space<vmem>> -> memref<40x128xf32, #tpu.memory_space<vmem>>
      %dma_wait3A_195 = arith.constant 0 : i32
      %dma_wait3A_196 = tpu.memref_slice %arg5[%add3A_189, %dma_wait3A_195] : memref<200000x128xf32, #tpu.memory_space<hbm>> -> memref<40x128xf32, #tpu.memory_space<hbm>>
      %dma_wait3A_197 = arith.constant 0 : i32
      %dma_wait3A_198 = tpu.memref_slice %arg5[%add3A_189, %dma_wait3A_197] : memref<200000x128xf32, #tpu.memory_space<hbm>> -> memref<40x128xf32, #tpu.memory_space<hbm>>
      %dma_wait3A_199 = arith.constant 0 : i32
      %dma_wait3A_200 = arith.constant 0 : i32
      %dma_wait3A_201 = tpu.memref_slice %arg7[%dma_wait3A_190, %dma_wait3A_199, %dma_wait3A_200] : memref<8x40x128xf32, #tpu.memory_space<vmem>> -> memref<1x40x128xf32, #tpu.memory_space<vmem>>
      %dma_wait3A_202 = tpu.memref_squeeze %dma_wait3A_201 : memref<1x40x128xf32, #tpu.memory_space<vmem>> -> memref<40x128xf32, #tpu.memory_space<vmem>>
      tpu.wait_dma2 semaphore(%arg30 : memref<!tpu.dma_semaphore, #tpu.memory_space<semaphore_mem>>) src(%dma_wait3A_202 : memref<40x128xf32, #tpu.memory_space<vmem>>) dst(%dma_wait3A_198 : memref<40x128xf32, #tpu.memory_space<hbm>>)
    } else {
    }
    %eq3A_137 = arith.constant 6 : i32
    %eq3A_138 = arith.cmpi eq, %rem3A_67, %eq3A_137 : i32
    %convert_element_type3A_139 = arith.extui %eq3A_138 : i1 to i32
    %cond3A_140 = arith.constant 0 : i32
    %cond3A_141 = arith.cmpi ne, %convert_element_type3A_139, %cond3A_140 : i32
    scf.if %cond3A_141 {
      %sub3A_181 = arith.constant 1 : i32
      %sub3A_182 = arith.subi %min3A_4, %sub3A_181 : i32
      %mul3A_183 = arith.constant 79 : i32
      %mul3A_184 = arith.muli %add3A, %mul3A_183 : i32
      %add3A_185 = arith.addi %mul3A_184, %sub3A_182 : i32
      %mul3A_186 = arith.constant 40 : i32
      %mul3A_187 = arith.muli %add3A_185, %mul3A_186 : i32
      %add3A_188 = arith.constant 100000 : i32
      %add3A_189 = arith.addi %add3A_188, %mul3A_187 : i32
      %dma_wait3A_190 = arith.constant 6 : i32
      %dma_wait3A_191 = arith.constant 0 : i32
      %dma_wait3A_192 = arith.constant 0 : i32
      %dma_wait3A_193 = tpu.memref_slice %arg7[%dma_wait3A_190, %dma_wait3A_191, %dma_wait3A_192] : memref<8x40x128xf32, #tpu.memory_space<vmem>> -> memref<1x40x128xf32, #tpu.memory_space<vmem>>
      %dma_wait3A_194 = tpu.memref_squeeze %dma_wait3A_193 : memref<1x40x128xf32, #tpu.memory_space<vmem>> -> memref<40x128xf32, #tpu.memory_space<vmem>>
      %dma_wait3A_195 = arith.constant 0 : i32
      %dma_wait3A_196 = tpu.memref_slice %arg5[%add3A_189, %dma_wait3A_195] : memref<200000x128xf32, #tpu.memory_space<hbm>> -> memref<40x128xf32, #tpu.memory_space<hbm>>
      %dma_wait3A_197 = arith.constant 0 : i32
      %dma_wait3A_198 = tpu.memref_slice %arg5[%add3A_189, %dma_wait3A_197] : memref<200000x128xf32, #tpu.memory_space<hbm>> -> memref<40x128xf32, #tpu.memory_space<hbm>>
      %dma_wait3A_199 = arith.constant 0 : i32
      %dma_wait3A_200 = arith.constant 0 : i32
      %dma_wait3A_201 = tpu.memref_slice %arg7[%dma_wait3A_190, %dma_wait3A_199, %dma_wait3A_200] : memref<8x40x128xf32, #tpu.memory_space<vmem>> -> memref<1x40x128xf32, #tpu.memory_space<vmem>>
      %dma_wait3A_202 = tpu.memref_squeeze %dma_wait3A_201 : memref<1x40x128xf32, #tpu.memory_space<vmem>> -> memref<40x128xf32, #tpu.memory_space<vmem>>
      tpu.wait_dma2 semaphore(%arg31 : memref<!tpu.dma_semaphore, #tpu.memory_space<semaphore_mem>>) src(%dma_wait3A_202 : memref<40x128xf32, #tpu.memory_space<vmem>>) dst(%dma_wait3A_198 : memref<40x128xf32, #tpu.memory_space<hbm>>)
    } else {
    }
    %eq3A_142 = arith.constant 7 : i32
    %eq3A_143 = arith.cmpi eq, %rem3A_67, %eq3A_142 : i32
    %convert_element_type3A_144 = arith.extui %eq3A_143 : i1 to i32
    %cond3A_145 = arith.constant 0 : i32
    %cond3A_146 = arith.cmpi ne, %convert_element_type3A_144, %cond3A_145 : i32
    scf.if %cond3A_146 {
      %sub3A_181 = arith.constant 1 : i32
      %sub3A_182 = arith.subi %min3A_4, %sub3A_181 : i32
      %mul3A_183 = arith.constant 79 : i32
      %mul3A_184 = arith.muli %add3A, %mul3A_183 : i32
      %add3A_185 = arith.addi %mul3A_184, %sub3A_182 : i32
      %mul3A_186 = arith.constant 40 : i32
      %mul3A_187 = arith.muli %add3A_185, %mul3A_186 : i32
      %add3A_188 = arith.constant 100000 : i32
      %add3A_189 = arith.addi %add3A_188, %mul3A_187 : i32
      %dma_wait3A_190 = arith.constant 7 : i32
      %dma_wait3A_191 = arith.constant 0 : i32
      %dma_wait3A_192 = arith.constant 0 : i32
      %dma_wait3A_193 = tpu.memref_slice %arg7[%dma_wait3A_190, %dma_wait3A_191, %dma_wait3A_192] : memref<8x40x128xf32, #tpu.memory_space<vmem>> -> memref<1x40x128xf32, #tpu.memory_space<vmem>>
      %dma_wait3A_194 = tpu.memref_squeeze %dma_wait3A_193 : memref<1x40x128xf32, #tpu.memory_space<vmem>> -> memref<40x128xf32, #tpu.memory_space<vmem>>
      %dma_wait3A_195 = arith.constant 0 : i32
      %dma_wait3A_196 = tpu.memref_slice %arg5[%add3A_189, %dma_wait3A_195] : memref<200000x128xf32, #tpu.memory_space<hbm>> -> memref<40x128xf32, #tpu.memory_space<hbm>>
      %dma_wait3A_197 = arith.constant 0 : i32
      %dma_wait3A_198 = tpu.memref_slice %arg5[%add3A_189, %dma_wait3A_197] : memref<200000x128xf32, #tpu.memory_space<hbm>> -> memref<40x128xf32, #tpu.memory_space<hbm>>
      %dma_wait3A_199 = arith.constant 0 : i32
      %dma_wait3A_200 = arith.constant 0 : i32
      %dma_wait3A_201 = tpu.memref_slice %arg7[%dma_wait3A_190, %dma_wait3A_199, %dma_wait3A_200] : memref<8x40x128xf32, #tpu.memory_space<vmem>> -> memref<1x40x128xf32, #tpu.memory_space<vmem>>
      %dma_wait3A_202 = tpu.memref_squeeze %dma_wait3A_201 : memref<1x40x128xf32, #tpu.memory_space<vmem>> -> memref<40x128xf32, #tpu.memory_space<vmem>>
      tpu.wait_dma2 semaphore(%arg32 : memref<!tpu.dma_semaphore, #tpu.memory_space<semaphore_mem>>) src(%dma_wait3A_202 : memref<40x128xf32, #tpu.memory_space<vmem>>) dst(%dma_wait3A_198 : memref<40x128xf32, #tpu.memory_space<hbm>>)
    } else {
    }
    %add3A_147 = arith.constant 576 : i32
    %add3A_148 = arith.addi %add3A, %add3A_147 : i32
    %lt3A = arith.constant 500 : i32
    %lt3A_149 = arith.cmpi slt, %add3A_148, %lt3A : i32
    %and3A = arith.constant true
    %and3A_150 = arith.andi %and3A, %lt3A_149 : i1
    %convert_element_type3A_151 = arith.extui %and3A_150 : i1 to i32
    %cond3A_152 = arith.constant 0 : i32
    %cond3A_153 = arith.cmpi ne, %convert_element_type3A_151, %cond3A_152 : i32
    scf.if %cond3A_153 {
      %add3A_181 = arith.constant 576 : i32
      %add3A_182 = arith.addi %add3A, %add3A_181 : i32
      %mul3A_183 = arith.constant 200 : i32
      %mul3A_184 = arith.muli %add3A_182, %mul3A_183 : i32
      %dma_wait3A_185 = arith.constant 0 : i32
      %dma_wait3A_186 = arith.constant 0 : i32
      %dma_wait3A_187 = tpu.memref_slice %arg5[%mul3A_184, %dma_wait3A_186] : memref<200000x128xf32, #tpu.memory_space<hbm>> -> memref<200x128xf32, #tpu.memory_space<hbm>>
      %dma_wait3A_188 = arith.constant 0 : i32
      %dma_wait3A_189 = arith.constant 0 : i32
      %dma_wait3A_190 = tpu.memref_slice %arg8[%arg1, %dma_wait3A_185, %dma_wait3A_188, %dma_wait3A_189] : memref<16x2x200x128xf32, #tpu.memory_space<vmem_shared>> -> memref<1x1x200x128xf32, #tpu.memory_space<vmem_shared>>
      %dma_wait3A_191 = tpu.memref_squeeze %dma_wait3A_190 : memref<1x1x200x128xf32, #tpu.memory_space<vmem_shared>> -> memref<200x128xf32, #tpu.memory_space<vmem_shared>>
      tpu.wait_dma2 semaphore(%arg35 : memref<!tpu.dma_semaphore, #tpu.memory_space<semaphore_mem>>) src(%dma_wait3A_191 : memref<200x128xf32, #tpu.memory_space<vmem_shared>>) dst(%dma_wait3A_187 : memref<200x128xf32, #tpu.memory_space<hbm>>)
    } else {
    }
    %add3A_154 = arith.constant 608 : i32
    %add3A_155 = arith.addi %add3A, %add3A_154 : i32
    %lt3A_156 = arith.constant 500 : i32
    %lt3A_157 = arith.cmpi slt, %add3A_155, %lt3A_156 : i32
    %and3A_158 = arith.constant true
    %and3A_159 = arith.andi %and3A_158, %lt3A_157 : i1
    %convert_element_type3A_160 = arith.extui %and3A_159 : i1 to i32
    %cond3A_161 = arith.constant 0 : i32
    %cond3A_162 = arith.cmpi ne, %convert_element_type3A_160, %cond3A_161 : i32
    scf.if %cond3A_162 {
      %add3A_181 = arith.constant 608 : i32
      %add3A_182 = arith.addi %add3A, %add3A_181 : i32
      %mul3A_183 = arith.constant 200 : i32
      %mul3A_184 = arith.muli %add3A_182, %mul3A_183 : i32
      %dma_wait3A_185 = arith.constant 1 : i32
      %dma_wait3A_186 = arith.constant 0 : i32
      %dma_wait3A_187 = arith.constant 0 : i32
      %dma_wait3A_188 = tpu.memref_slice %arg8[%arg1, %dma_wait3A_185, %dma_wait3A_186, %dma_wait3A_187] : memref<16x2x200x128xf32, #tpu.memory_space<vmem_shared>> -> memref<1x1x200x128xf32, #tpu.memory_space<vmem_shared>>
      %dma_wait3A_189 = tpu.memref_squeeze %dma_wait3A_188 : memref<1x1x200x128xf32, #tpu.memory_space<vmem_shared>> -> memref<200x128xf32, #tpu.memory_space<vmem_shared>>
      %dma_wait3A_190 = arith.constant 0 : i32
      %dma_wait3A_191 = tpu.memref_slice %arg2[%mul3A_184, %dma_wait3A_190] : memref<100000x128xf32, #tpu.memory_space<hbm>> -> memref<200x128xf32, #tpu.memory_space<hbm>>
      tpu.wait_dma2 semaphore(%arg34 : memref<!tpu.dma_semaphore, #tpu.memory_space<semaphore_mem>>) src(%dma_wait3A_191 : memref<200x128xf32, #tpu.memory_space<hbm>>) dst(%dma_wait3A_189 : memref<200x128xf32, #tpu.memory_space<vmem_shared>>)
      %add3A_192 = arith.constant 608 : i32
      %add3A_193 = arith.addi %add3A, %add3A_192 : i32
      %mul3A_194 = arith.constant 200 : i32
      %mul3A_195 = arith.muli %add3A_193, %mul3A_194 : i32
      %dma_start3A_196 = arith.constant 1 : i32
      %dma_start3A_197 = arith.constant 0 : i32
      %dma_start3A_198 = tpu.memref_slice %arg5[%mul3A_195, %dma_start3A_197] : memref<200000x128xf32, #tpu.memory_space<hbm>> -> memref<200x128xf32, #tpu.memory_space<hbm>>
      %dma_start3A_199 = arith.constant 0 : i32
      %dma_start3A_200 = arith.constant 0 : i32
      %dma_start3A_201 = tpu.memref_slice %arg8[%arg1, %dma_start3A_196, %dma_start3A_199, %dma_start3A_200] : memref<16x2x200x128xf32, #tpu.memory_space<vmem_shared>> -> memref<1x1x200x128xf32, #tpu.memory_space<vmem_shared>>
      %dma_start3A_202 = tpu.memref_squeeze %dma_start3A_201 : memref<1x1x200x128xf32, #tpu.memory_space<vmem_shared>> -> memref<200x128xf32, #tpu.memory_space<vmem_shared>>
      tpu.enqueue_dma source(%dma_start3A_202 : memref<200x128xf32, #tpu.memory_space<vmem_shared>>) target(%dma_start3A_198 : memref<200x128xf32, #tpu.memory_space<hbm>>) target_semaphore(%arg36 : memref<!tpu.dma_semaphore, #tpu.memory_space<semaphore_mem>>)
    } else {
    }
    %add3A_163 = arith.constant 608 : i32
    %add3A_164 = arith.addi %add3A, %add3A_163 : i32
    %lt3A_165 = arith.constant 500 : i32
    %lt3A_166 = arith.cmpi slt, %add3A_164, %lt3A_165 : i32
    %and3A_167 = arith.constant true
    %and3A_168 = arith.andi %and3A_167, %lt3A_166 : i1
    %convert_element_type3A_169 = arith.extui %and3A_168 : i1 to i32
    %cond3A_170 = arith.constant 0 : i32
    %cond3A_171 = arith.cmpi ne, %convert_element_type3A_169, %cond3A_170 : i32
    scf.if %cond3A_171 {
      %add3A_181 = arith.constant 608 : i32
      %add3A_182 = arith.addi %add3A, %add3A_181 : i32
      %mul3A_183 = arith.constant 200 : i32
      %mul3A_184 = arith.muli %add3A_182, %mul3A_183 : i32
      %dma_wait3A_185 = arith.constant 1 : i32
      %dma_wait3A_186 = arith.constant 0 : i32
      %dma_wait3A_187 = tpu.memref_slice %arg5[%mul3A_184, %dma_wait3A_186] : memref<200000x128xf32, #tpu.memory_space<hbm>> -> memref<200x128xf32, #tpu.memory_space<hbm>>
      %dma_wait3A_188 = arith.constant 0 : i32
      %dma_wait3A_189 = arith.constant 0 : i32
      %dma_wait3A_190 = tpu.memref_slice %arg8[%arg1, %dma_wait3A_185, %dma_wait3A_188, %dma_wait3A_189] : memref<16x2x200x128xf32, #tpu.memory_space<vmem_shared>> -> memref<1x1x200x128xf32, #tpu.memory_space<vmem_shared>>
      %dma_wait3A_191 = tpu.memref_squeeze %dma_wait3A_190 : memref<1x1x200x128xf32, #tpu.memory_space<vmem_shared>> -> memref<200x128xf32, #tpu.memory_space<vmem_shared>>
      tpu.wait_dma2 semaphore(%arg36 : memref<!tpu.dma_semaphore, #tpu.memory_space<semaphore_mem>>) src(%dma_wait3A_191 : memref<200x128xf32, #tpu.memory_space<vmem_shared>>) dst(%dma_wait3A_187 : memref<200x128xf32, #tpu.memory_space<hbm>>)
    } else {
    }
    %add3A_172 = arith.constant 640 : i32
    %add3A_173 = arith.addi %add3A, %add3A_172 : i32
    %lt3A_174 = arith.constant 500 : i32
    %lt3A_175 = arith.cmpi slt, %add3A_173, %lt3A_174 : i32
    %and3A_176 = arith.constant true
    %and3A_177 = arith.andi %and3A_176, %lt3A_175 : i1
    %convert_element_type3A_178 = arith.extui %and3A_177 : i1 to i32
    %cond3A_179 = arith.constant 0 : i32
    %cond3A_180 = arith.cmpi ne, %convert_element_type3A_178, %cond3A_179 : i32
    scf.if %cond3A_180 {
      %add3A_181 = arith.constant 640 : i32
      %add3A_182 = arith.addi %add3A, %add3A_181 : i32
      %mul3A_183 = arith.constant 200 : i32
      %mul3A_184 = arith.muli %add3A_182, %mul3A_183 : i32
      %dma_wait3A_185 = arith.constant 0 : i32
      %dma_wait3A_186 = arith.constant 0 : i32
      %dma_wait3A_187 = arith.constant 0 : i32
      %dma_wait3A_188 = tpu.memref_slice %arg8[%arg1, %dma_wait3A_185, %dma_wait3A_186, %dma_wait3A_187] : memref<16x2x200x128xf32, #tpu.memory_space<vmem_shared>> -> memref<1x1x200x128xf32, #tpu.memory_space<vmem_shared>>
      %dma_wait3A_189 = tpu.memref_squeeze %dma_wait3A_188 : memref<1x1x200x128xf32, #tpu.memory_space<vmem_shared>> -> memref<200x128xf32, #tpu.memory_space<vmem_shared>>
      %dma_wait3A_190 = arith.constant 0 : i32
      %dma_wait3A_191 = tpu.memref_slice %arg2[%mul3A_184, %dma_wait3A_190] : memref<100000x128xf32, #tpu.memory_space<hbm>> -> memref<200x128xf32, #tpu.memory_space<hbm>>
      tpu.wait_dma2 semaphore(%arg33 : memref<!tpu.dma_semaphore, #tpu.memory_space<semaphore_mem>>) src(%dma_wait3A_191 : memref<200x128xf32, #tpu.memory_space<hbm>>) dst(%dma_wait3A_189 : memref<200x128xf32, #tpu.memory_space<vmem_shared>>)
      %add3A_192 = arith.constant 640 : i32
      %add3A_193 = arith.addi %add3A, %add3A_192 : i32
      %mul3A_194 = arith.constant 200 : i32
      %mul3A_195 = arith.muli %add3A_193, %mul3A_194 : i32
      %dma_start3A_196 = arith.constant 0 : i32
      %dma_start3A_197 = arith.constant 0 : i32
      %dma_start3A_198 = tpu.memref_slice %arg5[%mul3A_195, %dma_start3A_197] : memref<200000x128xf32, #tpu.memory_space<hbm>> -> memref<200x128xf32, #tpu.memory_space<hbm>>
      %dma_start3A_199 = arith.constant 0 : i32
      %dma_start3A_200 = arith.constant 0 : i32
      %dma_start3A_201 = tpu.memref_slice %arg8[%arg1, %dma_start3A_196, %dma_start3A_199, %dma_start3A_200] : memref<16x2x200x128xf32, #tpu.memory_space<vmem_shared>> -> memref<1x1x200x128xf32, #tpu.memory_space<vmem_shared>>
      %dma_start3A_202 = tpu.memref_squeeze %dma_start3A_201 : memref<1x1x200x128xf32, #tpu.memory_space<vmem_shared>> -> memref<200x128xf32, #tpu.memory_space<vmem_shared>>
      tpu.enqueue_dma source(%dma_start3A_202 : memref<200x128xf32, #tpu.memory_space<vmem_shared>>) target(%dma_start3A_198 : memref<200x128xf32, #tpu.memory_space<hbm>>) target_semaphore(%arg35 : memref<!tpu.dma_semaphore, #tpu.memory_space<semaphore_mem>>)
    } else {
    }
    return
  }
}

</mosaic_0001>

<sc_bundles>
// kernel: kernel.3.cloned.1.call-start
scs
__scs_entry_jumppad:
0x0: {  	(pc) =	sbr.rel $0x88, $3  }
0x1: {  	(tag) =	ssettag $0x0;
	lr =	simm.s32 $0x1  }
0x2: {  	[smem:$0x3F9F] =	sst lr;
	_ =	strace $0xD0000000  }
0x3: {  	_ = 	snop  }
0x4: {  	_ = 	snop  }
0x5: {  	_ = 	snop  }
0x6: {  	_ = 	snop  }
0x7: {  	_ = 	snop  }
__scs_overlays_trampoline_lowered:
0x8: {  	[smem:$0x3FAE] =	sst s0  }
0x9: {  	[smem:$0x3FAF] =	sst s1  }
0xa: {  	[smem:$0x3FB0] =	sst s2  }
0xb: {  	[smem:$0x3FB1] =	sst s3  }
0xc: {  	[smem:$0x3FB2] =	sst s4  }
0xd: {  	[smem:$0x3FB3] =	sst s5  }
0xe: {  	[smem:$0x3FB4] =	sst s6  }
0xf: {  	[smem:$0x3FB5] =	sst s7  }
0x10: {  	[smem:$0x3FB6] =	sst s8  }
0x11: {  	[smem:$0x3FB7] =	sst s9;
	s0 =	simm.s32 @!p0 $0x0  }
0x12: {  	s1 =	sld [smem:$0x3F9D];
	s0 =	simm.s32 @p0 $0x1  }
0x13: {  	[smem:$0x3FB8] =	sst s0;
	s0 =	simm.s32 @!p1 $0x0  }
0x14: {  	s2 =	sld [smem:$0x3F9C];
	s0 =	simm.s32 @p1 $0x1  }
0x15: {  	[smem:$0x3FB9] =	sst s0;
	s0 =	simm.s32 @!p2 $0x0  }
0x16: {  	s3 =	sld [smem:$0x3FDB];
	s0 =	simm.s32 @p2 $0x1  }
0x17: {  	s4 =	simm.s32 $0x1BF5;
	[smem:$0x3FBB] =	sst s0  }
0x18: {  	s0 =	sld [smem:$0x3F9E];
	_ =	swait.ge [sflag:s4], $0x0  }
0x19: {  	s7 =	sld [smem:$0x3F9F]  }
0x1a: {  	s8 =	sadd.s32 $0xFFFFE003, lr  }
0x1b: {  	s9 =	sadd.s32 $0xFFFFFEF7, lr;
	s5 =	simm.s32 $0xFFFFFFFF;
	p2 =	slt.u32 s8, $0xFFFFF086  }
0x1c: {  	p1 =	slt.u32 s9, $0xF7A;
	s5 =	simm.s32 @!p2 $0x0  }
0x1d: {  	s5 =	simm.s32 @p1 $0x1;
	p0 =	seq.s32 s7, s2  }
0x1e: {  	s7 =	smul.u32 @!p0 $0xF7A, s2;
	p2 =	seq.s32 @!p0 s5, $0x0  }
0x1f: {  	s9 =	smul.u32 $0xF7A, s1;
	s8 =	simm.s32 @!p0 $0x1BF5;
	p2 =	por !p2, p0  }
0x20: {  	[sflag:s8] =	ssyncset.s32 @!p0 $0xFFFFF086;
	s6 =	sadd.s32 @!p0 s3, s7;
	s7 =	simm.s32 @!p0 $0x108  }
0x21: {  	s3 =	sadd.s32 s3, s9;
	s6 =	sadd.s32 @!p0 $0x88, s6;
	s7 =	simm.s32 @p2 $0x1082  }
0x22: {  	[simem:s7], [sflag:s8] =	dma.local @!p0 [hbm:s6], $0xF7A  }
0x23: {  	s9 =	sor.u32 $0xD0000000, s2;
	s6 =	simm.s32 $0x108;
	_ =	swait.ge @!p0 [sflag:s8], $0x0  }
0x24: {  	s3 =	sadd.s32 $0x88, s3;
	s6 =	simm.s32 @!p1 $0x1082;
	[sflag:s4] =	ssyncset.s32 $0xFFFFF086  }
0x25: {  	[simem:s6], [sflag:s4] =	dma.local [hbm:s3], $0xF7A  }
0x26: {  	[smem:$0x3F9F] =	sst s1;
	(tag) =	ssettag s2;
	_ =	strace s9  }
0x27: {  	s1 =	sld [smem:$0x3FAF]  }
0x28: {  	s2 =	sld [smem:$0x3FB0]  }
0x29: {  	s4 =	sld [smem:$0x3FB2]  }
0x2a: {  	p0 =	seq.s32 s5, $0x0;
	s5 =	sld [smem:$0x3FB3]  }
0x2b: {  	s6 =	sld [smem:$0x3FB4]  }
0x2c: {  	s7 =	sld [smem:$0x3FB5]  }
0x2d: {  	s3 =	simm.s32 $0x108;
	s8 =	sld [smem:$0x3FB6]  }
0x2e: {  	s3 =	simm.s32 @!p0 $0x1082;
	s9 =	sld [smem:$0x3FB7]  }
0x2f: {  	lr =	sadd.s32 s0, s3;
	s0 =	sld [smem:$0x3FAE]  }
0x30: {  	s3 =	sld [smem:$0x3FB1]  }
0x31: {  	[smem:$0x3FBA] =	sst s10  }
0x32: {  	s10 =	sld [smem:$0x3FB8];
	_ =	sdelay $0x3  }
0x33: {  	p0 =	seq.s32 s10, $0x1;
	s10 =	sld [smem:$0x3FBA];
	_ =	sdelay $0x3  }
0x34: {  	[smem:$0x3FBA] =	sst s10  }
0x35: {  	s10 =	sld [smem:$0x3FB9];
	_ =	sdelay $0x3  }
0x36: {  	p1 =	seq.s32 s10, $0x1;
	s10 =	sld [smem:$0x3FBA];
	_ =	sdelay $0x3  }
0x37: {  	[smem:$0x3FBA] =	sst s10  }
0x38: {  	s10 =	sld [smem:$0x3FBB]  }
0x39: {  	_ = 	snop;
	(pc) =	sbr.ind lr, $3  }
0x3a: {  	_ = 	snop  }
0x3b: {  	_ = 	snop  }
0x3c: {  	p2 =	seq.s32 s10, $0x1;
	s10 =	sld [smem:$0x3FBA]  }
0x3d: {  	_ =	shalt  }
0x3e: {  	_ =	shalt  }
0x3f: {  	_ =	shalt  }
0x40: {  	_ =	shalt  }
0x41: {  	_ =	shalt  }
0x42: {  	_ =	shalt  }
0x43: {  	_ =	shalt  }
0x44: {  	_ =	shalt  }
0x45: {  	_ =	shalt  }
0x46: {  	_ =	shalt  }
0x47: {  	_ =	shalt  }
0x48: {  	_ =	shalt  }
0x49: {  	_ =	shalt  }
0x4a: {  	_ =	shalt  }
0x4b: {  	_ =	shalt  }
0x4c: {  	_ =	shalt  }
0x4d: {  	_ =	shalt  }
0x4e: {  	_ =	shalt  }
0x4f: {  	_ =	shalt  }
0x50: {  	_ =	shalt  }
0x51: {  	_ =	shalt  }
0x52: {  	_ =	shalt  }
0x53: {  	_ =	shalt  }
0x54: {  	_ =	shalt  }
0x55: {  	_ =	shalt  }
0x56: {  	_ =	shalt  }
0x57: {  	_ =	shalt  }
0x58: {  	_ =	shalt  }
0x59: {  	_ =	shalt  }
0x5a: {  	_ =	shalt  }
0x5b: {  	_ =	shalt  }
0x5c: {  	_ =	shalt  }
0x5d: {  	_ =	shalt  }
0x5e: {  	_ =	shalt  }
0x5f: {  	_ =	shalt  }
0x60: {  	_ =	shalt  }
0x61: {  	_ =	shalt  }
0x62: {  	_ =	shalt  }
0x63: {  	_ =	shalt  }
0x64: {  	_ =	shalt  }
0x65: {  	_ =	shalt  }
0x66: {  	_ =	shalt  }
0x67: {  	_ =	shalt  }
0x68: {  	_ =	shalt  }
0x69: {  	_ =	shalt  }
0x6a: {  	_ =	shalt  }
0x6b: {  	_ =	shalt  }
0x6c: {  	_ =	shalt  }
0x6d: {  	_ =	shalt  }
0x6e: {  	_ =	shalt  }
0x6f: {  	_ =	shalt  }
0x70: {  	_ =	shalt  }
0x71: {  	_ =	shalt  }
0x72: {  	_ =	shalt  }
0x73: {  	_ =	shalt  }
0x74: {  	_ =	shalt  }
0x75: {  	_ =	shalt  }
0x76: {  	_ =	shalt  }
0x77: {  	_ =	shalt  }
0x78: {  	_ =	shalt  }
0x79: {  	_ =	shalt  }
0x7a: {  	_ =	shalt  }
0x7b: {  	_ =	shalt  }
0x7c: {  	_ =	shalt  }
0x7d: {  	_ =	shalt  }
0x7e: {  	_ =	shalt  }
0x7f: {  	_ =	shalt  }
0x80: {  	_ =	shalt  }
0x81: {  	_ =	shalt  }
0x82: {  	_ =	shalt  }
0x83: {  	_ =	shalt  }
0x84: {  	_ =	shalt  }
0x85: {  	_ =	shalt  }
0x86: {  	_ =	shalt  }
0x87: {  	_ =	shalt  }
.Lfunc_end0:
.L_simem_size_0:
called_computation_lowered:
.L_overlay_start_0:
0x88: {  	s2 =	sld [smem:$0x3FD9]  }
0x89: {  	s3 =	sld [smem:$0x3FFE];
	_ =	sdelay $0x1  }
0x8a: {  	s1 =	srdreg.scid  }
0x8b: {  	s0 =	sand.u32 $0x1, s1  }
0x8c: {  	s17 =	sshll.u32 s0, $0xA;
	s2 =	sadd.s32 s3, s2  }
0x8d: {  	s2 =	sadd.s32 s2, s17  }
0x8e: {  	[smem:$0x3FC6] =	sst s2  }
0x8f: {  	_ = 	snop  }
0x90: {  	s2 =	sld [smem:$0x3FC9]  }
0x91: {  	s18 =	sld [smem:$0x3FD0];
	(tm) =	ssettm $0x1  }
0x92: {  	s4 =	sld [smem:$0x3FFB];
	_ =	sdelay $0x3  }
0x93: {  	_ =	strace s4  }
0x94: {  	s4 =	sld [smem:$0x3FFC];
	_ =	sdelay $0x3  }
0x95: {  	_ =	strace s4  }
0x96: {  	s4 =	sld [smem:$0x3FFD];
	_ =	sdelay $0x3  }
0x97: {  	_ =	strace s4  }
0x98: {  	_ =	strace $0x8FFFFFFF  }
0x99: {  	s19 =	sld [smem:$0x3FDB];
	_ =	sdelay $0x1  }
0x9a: {  	s5 =	simm.s32 $_scs_section_size  }
0x9b: {  	s6 =	simm.s32 $_size__tile_overlayer_lowered;
	s7 =	simm.s32 $_tile_overlayer_lowered  }
0x9c: {  	s22 =	simm.s32 $0x1BFF;
	s21 =	sshll.u32 s7, $0x1;
	s4 =	sadd.s32 s5, s19  }
0x9d: {  	s8 =	simm.s32 $0x0;
	s20 =	sshll.u32 s6, $0x1;
	s6 =	sadd.s32 s21, s4  }
0x9e: {  	[timem:s8], [sflag:s22] =	dma.local [hbm:s6], s20  }
0x9f: {  	_ =	swait.ge [sflag:s22], s20  }
0xa0: {  	s5 =	ssub.s32 $0x0, s20;
	[sflag:s22] =	ssyncset.done $0x0  }
0xa1: {  	[sflag:s22] =	ssyncadd.s32 s5;
	_ =	sdelay $0x1  }
0xa2: {  	s23 =	simm.s32 $0x1B8B  }
0xa3: {  	_ =	swait.ge [sflag:s23], $0x1  }
0xa4: {  	[sflag:s23] =	ssyncset.done $0x0  }
0xa5: {  	s25 =	simm.s32 $0x1B8E;
	s24 =	sld [smem:$0x3FFE];
	[sflag:s23] =	ssyncadd.s32 $0xFFFFFFFF  }
0xa6: {  	s26 =	simm.s32 $execute0_lowered;
	[smem:$0x3FD2] =	sst s25  }
0xa7: {  	s6 =	sshll.u32 s26, $0x1;
	_ =	strace $0x80000046;
	[dreg:$0x1] =	wrdreg $0xFFFFFFFF  }
0xa8: {  	s28 =	simm.s32 $_size_execute0_lowered;
	s4 =	sadd.s32 s4, s6;
	[dreg:$0x0] =	wrdreg $0x0  }
0xa9: {  	s6 =	sshll.u32 s28, $0x1;
	[dreg:$0x2] =	wrdreg s4  }
0xaa: {  	[dreg:$0x3] =	wrdreg s6  }
0xab: {  	[dreg:$0x4] =	wrdreg $0xC0  }
0xac: {  	_ =	task [dreg:s8], $0x5FFFF  }
0xad: {  	[dreg:$0x1] =	wrdreg $0xFFFFFFFF  }
0xae: {  	[dreg:$0x0] =	wrdreg $0x60  }
0xaf: {  	[dreg:$0x2] =	wrdreg s2  }
0xb0: {  	[dreg:$0x3] =	wrdreg s24  }
0xb1: {  	[dreg:$0x4] =	wrdreg s18  }
0xb2: {  	[dreg:$0x5] =	wrdreg $0xEF000  }
0xb3: {  	[dreg:$0x6] =	wrdreg $0x9  }
0xb4: {  	_ =	task.clear_ibuf [dreg:s8], $0x7FFFF;
	_ =	strace $0x90000046  }
0xb5: {  	s29 =	simm.s32 $0x9;
	_ =	strace $0x80000048  }
0xb6: {  	_ =	swait.ge [sflag:s29], $0x1  }
0xb7: {  	[sflag:s29] =	ssyncadd.s32 $0xFFFFFFFF  }
0xb8: {  	_ =	strace $0x90000048  }
0xb9: {  	_ =	sfence  }
0xba: {  	s30 =	sld [smem:$0x0];
	_ =	sdelay $0x2  }
0xbb: {  	s31 =	sshll.u32 s1, $0xD;
	s1 =	sshrl.u32 s1, $0x2  }
0xbc: {  	s3 =	sand.u32 $0x4000, s31;
	s1 =	sadd.s32 s1, s30  }
0xbd: {  	s0 =	sor.u32 s3, s0;
	s1 =	sshll.u32 s1, $0x11  }
0xbe: {  	s0 =	sor.u32 s1, s0  }
0xbf: {  	s0 =	sadd.s32 $0x8F2B, s0  }
0xc0: {  	[sflag:s0] =	ssyncadd.remote.s32 $0x1  }
0xc1: {  	_ =	sfence.sel $0xFFFF  }
0xc2: {  	[dreg:$0x0] =	wrdreg $0xFFFFFFFF;
	(pc) =	sbr.abs _section_cstart, $3  }
0xc3: {  	[dreg:$0x1] =	wrdreg $0xFFFFFFFF  }
0xc4: {  	_ =	task.clear_ibuf [dreg:s8], $0x2FFFF;
	_ =	strace $0x9FFFFFFF  }
0xc5: {  	(tm) =	ssettm $0x7FFFFFFF  }
tec
execute0_lowered:
.L_overlay_start_1:
0x0: {  	(tag) =	ssettag $0x1  }
0x1: {  	s0 =	rddreg [dreg:$0x1]  }
0x2: {  	s3 =	rddreg [dreg:$0x2]  }
0x3: {  	s1 =	rddreg [dreg:$0x3]  }
0x4: {  	s2 =	srdreg.scid;
	s26 =	stileid.u32  }
0x5: {  	s4 =	simm.s32 $0x0;
	s2 =	sand.u32 $0x1, s2;
	s18 =	smul.u32 $0x32000, s26  }
0x6: {  	s9 =	sshll.u32 s26, $0x1;
	[smem:$0x7FF] =	sst s4;
	s20 =	smul.u32 $0xC5800, s26  }
0x7: {  	s7 =	sadd.s32 $0x14000, s0;
	s11 =	smul.u32 $0x1900, s26;
	s16 =	sor.u32 s2, s9  }
0x8: {  	_ =	strace $0x80000047;
	s5 =	ssub.s32 $0x2, s2;
	s10 =	smul.u32 $0x62C00, s2  }
0x9: {  	[dreg:$0x6] =	wrdreg s9;
	s21 =	ssub.s32 $0x1F4, s9;
	s2 =	smul.u32 $0xC80, s2  }
0xa: {  	s15 =	smul.u32 $0x9E0, s16;
	s6 =	sshrl.u32 s5, $0x1;
	[dreg:$0x5] =	wrdreg s21  }
0xb: {  	s8 =	smul.u32 $0x4F, s16;
	[dreg:$0x7] =	wrdreg s16;
	s17 =	ssub.s32 s5, s6  }
0xc: {  	s5 =	sshrl.u32 s18, $0x2;
	s13 =	sadd.s32 s2, s11;
	s0 =	sadd.s32 s15, s0  }
0xd: {  	s19 =	ssub.s32 $0x9C4, s8;
	s8 =	sadd.s32 s5, s1;
	s5 =	sadd.s32 s10, s20  }
0xe: {  	s25 =	smax.u32 s17, $0x1;
	[dreg:$0x15] =	wrdreg s13;
	s0 =	sadd.s32 $0x400, s0  }
0xf: {  	s9 =	smin.u32 s19, $0x4F;
	[dreg:$0xc] =	wrdreg s25;
	s30 =	sadd.s32 $0xC42C00, s5  }
0x10: {  	s10 =	sadd.s32 $0xC40400, s5;
	s31 =	smov.u32 s8;
	[dreg:$0x8] =	wrdreg s0  }
0x11: {  	s15 =	sadd.s32 $0xC3B400, s5;
	s1 =	sshrl.u32 s30, $0x3;
	[dreg:$0x9] =	wrdreg s31  }
0x12: {  	s20 =	sadd.s32 $0xC37800, s5;
	s17 =	sshrl.u32 s15, $0x3;
	[dreg:$0x10] =	wrdreg s1  }
0x13: {  	s0 =	sadd.s32 $0x6, s9;
	s21 =	sshrl.u32 s20, $0x3;
	[dreg:$0x17] =	wrdreg s17  }
0x14: {  	s22 =	sadd.s32 $0xFFFFFFFF, s9;
	s0 =	sand.u32 $0x7, s0;
	[dreg:$0x1a] =	wrdreg s21  }
0x15: {  	s25 =	smul.u32 $0x6400, s16;
	s23 =	sand.u32 $0x7, s22;
	[dreg:$0xa] =	wrdreg s0  }
0x16: {  	s1 =	sshrl.u32 s10, $0x3;
	[dreg:$0xb] =	wrdreg s23  }
0x17: {  	s24 =	sadd.s32 $0xC3F000, s5;
	s30 =	sadd.s32 $0xFFF38000, s25;
	[dreg:$0x13] =	wrdreg s1  }
0x18: {  	s28 =	sadd.s32 $0xC45400, s5;
	s0 =	sshrl.u32 s24, $0x3;
	[dreg:$0x1e] =	wrdreg s30  }
0x19: {  	s23 =	sadd.s32 $0xC36400, s5;
	[dreg:$0xd] =	wrdreg s0;
	s0 =	sshrl.u32 s28, $0x3  }
0x1a: {  	s29 =	sadd.s32 $0xC44000, s5;
	s28 =	sshrl.u32 s23, $0x3;
	[dreg:$0xe] =	wrdreg s0  }
0x1b: {  	s24 =	sadd.s32 $0xC3C800, s5;
	s0 =	sshrl.u32 s29, $0x3;
	[dreg:$0x1c] =	wrdreg s28  }
0x1c: {  	s4 =	sadd.s32 $0xC41800, s5;
	s29 =	sshrl.u32 s24, $0x3;
	[dreg:$0xf] =	wrdreg s0  }
0x1d: {  	s6 =	sadd.s32 $0xC47C00, s5;
	s0 =	sshrl.u32 s4, $0x3;
	[dreg:$0x1d] =	wrdreg s29  }
0x1e: {  	s4 =	sshrl.u32 s6, $0x3;
	[dreg:$0x11] =	wrdreg s0  }
0x1f: {  	s12 =	sadd.s32 $0xC46800, s5;
	s6 =	sadd.s32 $0x6400, s8;
	[dreg:$0x12] =	wrdreg s4  }
0x20: {  	s14 =	sadd.s32 $0xC35000, s5;
	s0 =	sshrl.u32 s12, $0x3;
	[dreg:$0x1f] =	wrdreg s6  }
0x21: {  	s18 =	sadd.s32 $0xC3A000, s5;
	[dreg:$0x14] =	wrdreg s0;
	s0 =	sshrl.u32 s14, $0x3  }
0x22: {  	s19 =	sadd.s32 $0xC38C00, s5;
	[dreg:$0x16] =	wrdreg s0;
	s0 =	sshrl.u32 s18, $0x3  }
0x23: {  	s22 =	sadd.s32 $0xC3DC00, s5;
	[dreg:$0x18] =	wrdreg s0;
	s0 =	sshrl.u32 s19, $0x3  }
0x24: {  	[dreg:$0x19] =	wrdreg s0;
	s0 =	sshrl.u32 s22, $0x3  }
0x25: {  	s8 =	simm.s32 $0x0;
	[dreg:$0x1b] =	wrdreg s0  }
.LBB2_1:
0x26: {  	[smem:$0x7FB] =	sst s8  }
0x27: {  	s0 =	simm.s32 $0x0;
	s1 =	rddreg [dreg:$0x8];
	s23 =	simm.s32 $0x1D  }
0x28: {  	[tilespmem:s0], [sflag:$0x1D] =	stream.linear.gather [hbm4b:s1+s0], $0x4F00, $0x38;
	[tilespmem:$0x1B700] =	vst v63  }
0x29: {  	_ =	swait.ge [sflag:s23], $0x4F00  }
0x2a: {  	[sflag:s23] =	ssyncset.done $0x0  }
0x2b: {  	s24 =	simm.s32 $0x28;
	s2 =	simm.s32 $0x4F00;
	[sflag:s23] =	ssyncadd.s32 $0xFFFFB100  }
0x2c: {  	[tilespmem:s2], [sflag:$0x1] =	stream.indirect.gather [hbm4b:s7+s24], $0x80, s0, s24, $0xb8;
	[tilespmem:$0x1B700] =	vst v63  }
0x2d: {  	s25 =	simm.s32 $0x100;
	s4 =	simm.s32 $0x6300  }
0x2e: {  	[tilespmem:s4], [sflag:$0x2] =	stream.indirect.gather [hbm4b:s7+s24], $0x80, s25, s24, $0xb8;
	[tilespmem:$0x1B700] =	vst v63  }
0x2f: {  	s5 =	simm.s32 $0x200;
	s8 =	simm.s32 $0x7700  }
0x30: {  	[tilespmem:s8], [sflag:$0x3] =	stream.indirect.gather [hbm4b:s7+s24], $0x80, s5, s24, $0xb8;
	[tilespmem:$0x1B700] =	vst v63  }
0x31: {  	s10 =	simm.s32 $0x300;
	s11 =	simm.s32 $0x8B00  }
0x32: {  	[tilespmem:s11], [sflag:$0x4] =	stream.indirect.gather [hbm4b:s7+s24], $0x80, s10, s24, $0xb8;
	[tilespmem:$0x1B700] =	vst v63  }
0x33: {  	s12 =	simm.s32 $0x400;
	s13 =	simm.s32 $0x9F00  }
0x34: {  	[tilespmem:s13], [sflag:$0x5] =	stream.indirect.gather [hbm4b:s7+s24], $0x80, s12, s24, $0xb8;
	[tilespmem:$0x1B700] =	vst v63  }
0x35: {  	s14 =	simm.s32 $0x500;
	s15 =	simm.s32 $0xB300;
	s16 =	simm.s32 $0x1  }
0x36: {  	[tilespmem:s15], [sflag:$0x6] =	stream.indirect.gather [hbm4b:s7+s24], $0x80, s14, s24, $0xb8;
	[tilespmem:$0x1B700] =	vst v63  }
0x37: {  	_ =	swait.ge [sflag:s16], $0x1400  }
0x38: {  	s5 =	rddreg [dreg:$0x1e]  }
0x39: {  	s25 =	rddreg [dreg:$0x1d]  }
0x3a: {  	s29 =	rddreg [dreg:$0x1c]  }
0x3b: {  	s28 =	rddreg [dreg:$0x1b]  }
0x3c: {  	s10 =	rddreg [dreg:$0x1a]  }
0x3d: {  	s21 =	rddreg [dreg:$0x18]  }
0x3e: {  	s20 =	rddreg [dreg:$0x17]  }
0x3f: {  	s30 =	rddreg [dreg:$0x16]  }
0x40: {  	s23 =	rddreg [dreg:$0x15]  }
0x41: {  	s18 =	rddreg [dreg:$0x14]  }
0x42: {  	s19 =	rddreg [dreg:$0x13]  }
0x43: {  	s4 =	rddreg [dreg:$0x12]  }
0x44: {  	s14 =	rddreg [dreg:$0x11]  }
0x45: {  	s8 =	rddreg [dreg:$0x10]  }
0x46: {  	s15 =	rddreg [dreg:$0xf]  }
0x47: {  	s13 =	rddreg [dreg:$0xe]  }
0x48: {  	s11 =	rddreg [dreg:$0xd]  }
0x49: {  	s17 =	simm.s32 $0x80;
	[sflag:s16] =	ssyncset.done $0x0;
	[smem:$0x7FC] =	sst s18  }
0x4a: {  	s22 =	simm.s32 $0x0;
	[sflag:s16] =	ssyncadd.s32 $0xFFFFEC00;
	[smem:$0x7FD] =	sst s19  }
0x4b: {  	[tilespmem:s2], [sflag:$0x9] =	stream.indirect.gather.add.f32 [hbm:s7], $0x80, s17, s24, $0xb8;
	[tilespmem:$0x1B700] =	vst v63  }
0x4c: {  	s12 =	simm.s32 $0x0;
	s17 =	simm.s32 $0x15;
	s24 =	rddreg [dreg:$0x19]  }
.LBB2_2:
0x4d: {  	[smem:$0x7F3] =	sst s14  }
0x4e: {  	[smem:$0x7F7] =	sst s4  }
0x4f: {  	[smem:$0x7F6] =	sst s29;
	p0 =	seq.s32 s12, $0x0  }
0x50: {  	[smem:$0x7F8] =	sst s5;
	s0 =	simm.s32 @!p0 $0x1B  }
0x51: {  	_ =	swait.ge @!p0 [sflag:s0], $0xC80  }
0x52: {  	s1 =	rddreg [dreg:$0x7]  }
0x53: {  	[sflag:s0] =	ssyncset.done @!p0 $0x0;
	s16 =	sadd.s32 s22, s1  }
0x54: {  	[sflag:s0] =	ssyncadd.s32 @!p0 $0xFFFFF380;
	p1 =	sgt.u32 s16, $0x1F3  }
0x55: {  	s4 =	smov.u32 s31;
	s31 =	rddreg [dreg:$0x0];
	s0 =	sshll.u32 @!p1 s26, $0x6  }
0x56: {  	s1 =	sadd.s32 @!p1 s23, s31;
	s4 =	sshrl.u32 @!p1 s4, $0x3;
	s2 =	sor.u32 @!p1 $0x1C19, s0  }
0x57: {  	[spmem:s4], [sflag:s2] =	dma.local @!p1 [hbm:s1], $0xC80  }
0x58: {  	s1 =	sadd.s32 $0xFFFFFFE0, s16  }
0x59: {  	p2 =	sgt.s32 @!p0 s1, $0x1F3  }
0x5a: {  	p2 =	por p2, p0  }
0x5b: {  	s1 =	simm.s32 @!p2 $0x1A  }
0x5c: {  	_ =	swait.ge @!p2 [sflag:s1], $0xC80  }
0x5d: {  	[sflag:s1] =	ssyncset.done @!p2 $0x0  }
0x5e: {  	s2 =	sshll.u32 @!p2 s26, $0x6;
	[sflag:s1] =	ssyncadd.s32 @!p2 $0xFFFFF380;
	s1 =	sshrl.u32 @!p2 s5, $0x3  }
0x5f: {  	s2 =	sor.u32 @!p2 $0x1C1C, s2;
	s5 =	sshrl.u32 @!p2 s6, $0x3;
	s1 =	sadd.s32 @!p2 s3, s1  }
0x60: {  	[hbm:s1], [sflag:s2] =	dma.local @!p2 [spmem:s5], $0xC80  }
0x61: {  	s1 =	simm.s32 @!p2 $0x1C  }
0x62: {  	s18 =	sadd.s32 $0x20, s16;
	_ =	swait.ge @!p2 [sflag:s1], $0xC80  }
0x63: {  	p3 =	sgt.u32 s18, $0x1F3;
	[sflag:s1] =	ssyncset.done @!p2 $0x0  }
0x64: {  	s2 =	sshll.u32 @!p3 s26, $0x6;
	[sflag:s1] =	ssyncadd.s32 @!p2 $0xFFFFF380;
	s1 =	sadd.s32 @!p3 s23, s31  }
0x65: {  	s5 =	sshrl.u32 @!p3 s6, $0x3;
	s2 =	sor.u32 @!p3 $0x1C1A, s2;
	s1 =	sadd.s32 @!p3 $0x19000, s1  }
0x66: {  	[spmem:s5], [sflag:s2] =	dma.local @!p3 [hbm:s1], $0xC80  }
0x67: {  	s1 =	simm.s32 @!p1 $0x19  }
0x68: {  	_ =	swait.ge @!p1 [sflag:s1], $0xC80  }
0x69: {  	[sflag:s1] =	ssyncset.done @!p1 $0x0  }
0x6a: {  	s0 =	sor.u32 @!p1 $0x1C1B, s0;
	[sflag:s1] =	ssyncadd.s32 @!p1 $0xFFFFF380;
	s1 =	sadd.s32 @!p1 s23, s3  }
0x6b: {  	[hbm:s1], [sflag:s0] =	dma.local @!p1 [spmem:s4], $0xC80  }
0x6c: {  	s0 =	sadd.s32 $0xFFFFFFEB, s17  }
0x6d: {  	p1 =	sge.u32 @!p0 s0, s9  }
0x6e: {  	p1 =	por p1, p0  }
0x6f: {  	s19 =	sadd.s32 $0xFFFFFFF1, s17;
	s1 =	simm.s32 @!p1 $0x17  }
0x70: {  	p5 =	sge.u32 s19, s9;
	_ =	swait.ge @!p1 [sflag:s1], $0x1400  }
0x71: {  	s19 =	simm.s32 @!p5 $0xC700;
	s6 =	sshra.s32 @!p5 s12, $0x2;
	[sflag:s1] =	ssyncset.done @!p1 $0x0  }
0x72: {  	s2 =	simm.s32 @!p5 $0x28;
	[sflag:s1] =	ssyncadd.s32 @!p1 $0xFFFFEC00;
	s1 =	sadd.s32 @!p5 $0x600, s6  }
0x73: {  	[tilespmem:s19], [sflag:$0x7] =	stream.indirect.gather @!p5 [hbm4b:s7+s2], $0x80, s1, s2, $0xb8;
	[tilespmem:$0x1B700] =	vst v63  }
0x74: {  	s1 =	sadd.s32 $0xFFFFFFEC, s17  }
0x75: {  	p1 =	sge.u32 s1, s9  }
0x76: {  	s2 =	simm.s32 @!p1 $0x2  }
0x77: {  	_ =	swait.ge @!p1 [sflag:s2], $0x1400  }
0x78: {  	p2 =	sge.u32 s0, s9;
	[sflag:s2] =	ssyncset.done @!p1 $0x0  }
0x79: {  	s0 =	simm.s32 @!p2 $0x9;
	[sflag:s2] =	ssyncadd.s32 @!p1 $0xFFFFEC00;
	s2 =	sshra.s32 @!p1 s12, $0x2  }
0x7a: {  	s4 =	simm.s32 @!p1 $0x28;
	s5 =	simm.s32 @!p1 $0x6300;
	s2 =	sadd.s32 @!p1 $0x180, s2  }
0x7b: {  	[tilespmem:s5], [sflag:$0xA] =	stream.indirect.gather.add.f32 @!p1 [hbm:s7], $0x80, s2, s4, $0xb8;
	[tilespmem:$0x1B700] =	vst v63  }
0x7c: {  	_ =	swait.ge @!p2 [sflag:s0], $0x1400  }
0x7d: {  	s2 =	simm.s32 @!p2 $0x0;
	[sflag:s0] =	ssyncset.done @!p2 $0x0  }
0x7e: {  	s4 =	simm.s32 @!p2 $0x4F00;
	[sflag:s0] =	ssyncadd.s32 @!p2 $0xFFFFEC00;
	s0 =	sadd.s32 @!p2 s30, s3  }
0x7f: {  	[hbm4b:s0+s2] =	stream.linear.scatter @!p2 [tilespmem:s4], [sflag:$0x11], $0x1400, $0x38;
	[tilespmem:$0x1B700] =	vst v63  }
0x80: {  	p2 =	sge.u32 @!p0 s1, s9  }
0x81: {  	p0 =	por p2, p0  }
0x82: {  	s26 =	sadd.s32 $0xFFFFFFF2, s17;
	[smem:$0x7F9] =	sst s30;
	s0 =	simm.s32 @!p0 $0x18  }
0x83: {  	p6 =	sge.u32 s26, s9;
	_ =	swait.ge @!p0 [sflag:s0], $0x1400  }
0x84: {  	s4 =	sshra.s32 @!p6 s12, $0x2;
	s2 =	simm.s32 @!p6 $0x28;
	[sflag:s0] =	ssyncset.done @!p0 $0x0  }
0x85: {  	s1 =	simm.s32 @!p6 $0xDB00;
	[sflag:s0] =	ssyncadd.s32 @!p0 $0xFFFFEC00;
	s0 =	sadd.s32 @!p6 $0x700, s4  }
0x86: {  	[tilespmem:s1], [sflag:$0x8] =	stream.indirect.gather @!p6 [hbm4b:s7+s2], $0x80, s0, s2, $0xb8;
	[tilespmem:$0x1B700] =	vst v63  }
0x87: {  	s1 =	sadd.s32 $0xFFFFFFED, s17  }
0x88: {  	p2 =	sge.u32 s1, s9  }
0x89: {  	s0 =	simm.s32 @!p2 $0x3  }
0x8a: {  	_ =	swait.ge @!p2 [sflag:s0], $0x1400  }
0x8b: {  	[sflag:s0] =	ssyncset.done @!p2 $0x0  }
0x8c: {  	s26 =	smov.u32 s31;
	[sflag:s0] =	ssyncadd.s32 @!p2 $0xFFFFEC00;
	s0 =	sshra.s32 @!p2 s12, $0x2  }
0x8d: {  	s1 =	simm.s32 @!p2 $0x28;
	s31 =	simm.s32 @!p2 $0x7700;
	s0 =	sadd.s32 @!p2 $0x280, s0  }
0x8e: {  	[tilespmem:s31], [sflag:$0xB] =	stream.indirect.gather.add.f32 @!p2 [hbm:s7], $0x80, s0, s1, $0xb8;
	[tilespmem:$0x1B700] =	vst v63  }
0x8f: {  	s0 =	simm.s32 @!p1 $0xA  }
0x90: {  	_ =	swait.ge @!p1 [sflag:s0], $0x1400  }
0x91: {  	[sflag:s0] =	ssyncset.done @!p1 $0x0  }
0x92: {  	s1 =	simm.s32 @!p1 $0x0;
	[sflag:s0] =	ssyncadd.s32 @!p1 $0xFFFFEC00;
	s0 =	sadd.s32 @!p1 s29, s3  }
0x93: {  	[hbm4b:s0+s1] =	stream.linear.scatter @!p1 [tilespmem:s5], [sflag:$0x12], $0x1400, $0x38;
	[tilespmem:$0x1B700] =	vst v63  }
0x94: {  	s2 =	sadd.s32 $0xFFFFFFF3, s17;
	s0 =	simm.s32 @!p2 $0x11  }
0x95: {  	p1 =	sge.u32 s2, s9;
	_ =	swait.ge @!p2 [sflag:s0], $0x1400  }
0x96: {  	s2 =	sshra.s32 @!p1 s12, $0x2;
	s5 =	simm.s32 @!p1 $0x28;
	[sflag:s0] =	ssyncset.done @!p2 $0x0  }
0x97: {  	s1 =	simm.s32 @!p1 $0x4F00;
	[sflag:s0] =	ssyncadd.s32 @!p2 $0xFFFFEC00;
	s0 =	sadd.s32 @!p1 $0x800, s2  }
0x98: {  	[tilespmem:s1], [sflag:$0x1] =	stream.indirect.gather @!p1 [hbm4b:s7+s5], $0x80, s0, s5, $0xb8;
	[tilespmem:$0x1B700] =	vst v63  }
0x99: {  	s5 =	sadd.s32 $0xFFFFFFEE, s17  }
0x9a: {  	s0 =	simm.s32 @!p1 $0x28;
	p3 =	sge.u32 s5, s9  }
0x9b: {  	[smem:$0x7EF] =	sst s0;
	s0 =	simm.s32 @!p3 $0x4  }
0x9c: {  	_ =	swait.ge @!p3 [sflag:s0], $0x1400  }
0x9d: {  	[sflag:s0] =	ssyncset.done @!p3 $0x0  }
0x9e: {  	[sflag:s0] =	ssyncadd.s32 @!p3 $0xFFFFEC00;
	s0 =	sshra.s32 @!p3 s12, $0x2  }
0x9f: {  	s1 =	simm.s32 @!p3 $0x28;
	s5 =	simm.s32 @!p3 $0x8B00;
	s0 =	sadd.s32 @!p3 $0x380, s0  }
0xa0: {  	[tilespmem:s5], [sflag:$0xC] =	stream.indirect.gather.add.f32 @!p3 [hbm:s7], $0x80, s0, s1, $0xb8;
	[tilespmem:$0x1B700] =	vst v63  }
0xa1: {  	s0 =	simm.s32 @!p2 $0xB  }
0xa2: {  	_ =	swait.ge @!p2 [sflag:s0], $0x1400  }
0xa3: {  	[sflag:s0] =	ssyncset.done @!p2 $0x0  }
0xa4: {  	s1 =	simm.s32 @!p2 $0x0;
	[sflag:s0] =	ssyncadd.s32 @!p2 $0xFFFFEC00;
	s0 =	sadd.s32 @!p2 s10, s3  }
0xa5: {  	[hbm4b:s0+s1] =	stream.linear.scatter @!p2 [tilespmem:s31], [sflag:$0x13], $0x1400, $0x38;
	[tilespmem:$0x1B700] =	vst v63  }
0xa6: {  	s18 =	sadd.s32 $0xFFFFFFF4, s17;
	[smem:$0x7FA] =	sst s10;
	s0 =	simm.s32 @!p3 $0x12  }
0xa7: {  	p0 =	sge.u32 s18, s9;
	_ =	swait.ge @!p3 [sflag:s0], $0x1400  }
0xa8: {  	s18 =	simm.s32 @!p0 $0x28;
	s1 =	simm.s32 @!p0 $0x0;
	[sflag:s0] =	ssyncset.done @!p3 $0x0  }
0xa9: {  	s1 =	simm.s32 @p0 $0x1;
	[sflag:s0] =	ssyncadd.s32 @!p3 $0xFFFFEC00;
	s0 =	sshra.s32 @!p0 s12, $0x2  }
0xaa: {  	s10 =	simm.s32 @!p0 $0x6300;
	[smem:$0x7F0] =	sst s1;
	s1 =	sadd.s32 @!p0 $0x900, s0  }
0xab: {  	[tilespmem:s10], [sflag:$0x2] =	stream.indirect.gather @!p0 [hbm4b:s7+s18], $0x80, s1, s18, $0xb8;
	[tilespmem:$0x1B700] =	vst v63  }
0xac: {  	s1 =	simm.s32 @!p0 $0x28;
	s10 =	sadd.s32 $0xFFFFFFEF, s17  }
0xad: {  	[smem:$0x7F2] =	sst s1;
	s1 =	simm.s32 @!p0 $0x6300;
	p4 =	sge.u32 s10, s9  }
0xae: {  	[smem:$0x7F1] =	sst s1;
	s1 =	simm.s32 @!p4 $0x5  }
0xaf: {  	_ =	swait.ge @!p4 [sflag:s1], $0x1400  }
0xb0: {  	[sflag:s1] =	ssyncset.done @!p4 $0x0  }
0xb1: {  	[sflag:s1] =	ssyncadd.s32 @!p4 $0xFFFFEC00;
	s1 =	sshra.s32 @!p4 s12, $0x2  }
0xb2: {  	s31 =	simm.s32 @!p4 $0x28;
	s30 =	simm.s32 @!p4 $0x9F00;
	s1 =	sadd.s32 @!p4 $0x480, s1  }
0xb3: {  	[tilespmem:s30], [sflag:$0xD] =	stream.indirect.gather.add.f32 @!p4 [hbm:s7], $0x80, s1, s31, $0xb8;
	[tilespmem:$0x1B700] =	vst v63  }
0xb4: {  	s1 =	simm.s32 @!p3 $0xC  }
0xb5: {  	s18 =	sadd.s32 $0xFFFFFFF5, s17;
	_ =	swait.ge @!p3 [sflag:s1], $0x1400  }
0xb6: {  	p0 =	sge.u32 s18, s9;
	[sflag:s1] =	ssyncset.done @!p3 $0x0  }
0xb7: {  	s31 =	simm.s32 @!p3 $0x0;
	[sflag:s1] =	ssyncadd.s32 @!p3 $0xFFFFEC00;
	s1 =	sadd.s32 @!p3 s24, s3  }
0xb8: {  	[hbm4b:s1+s31] =	stream.linear.scatter @!p3 [tilespmem:s5], [sflag:$0x14], $0x1400, $0x38;
	[tilespmem:$0x1B700] =	vst v63  }
0xb9: {  	s1 =	simm.s32 @!p4 $0x13;
	s5 =	simm.s32 @!p0 $0x0  }
0xba: {  	s18 =	simm.s32 @!p0 $0x28;
	_ =	swait.ge @!p4 [sflag:s1], $0x1400;
	s5 =	simm.s32 @p0 $0x1  }
0xbb: {  	[sflag:s1] =	ssyncset.done @!p4 $0x0;
	[smem:$0x7F4] =	sst s5;
	s5 =	sshra.s32 @!p0 s12, $0x2  }
0xbc: {  	s10 =	simm.s32 @!p0 $0x7700;
	[sflag:s1] =	ssyncadd.s32 @!p4 $0xFFFFEC00;
	s1 =	sadd.s32 @!p0 $0xA00, s5  }
0xbd: {  	[tilespmem:s10], [sflag:$0x3] =	stream.indirect.gather @!p0 [hbm4b:s7+s18], $0x80, s1, s18, $0xb8;
	[tilespmem:$0x1B700] =	vst v63  }
0xbe: {  	s10 =	sadd.s32 $0xFFFFFFF0, s17  }
0xbf: {  	s1 =	simm.s32 @!p0 $0x28;
	s18 =	simm.s32 @!p0 $0x7700;
	p0 =	sge.u32 s10, s9  }
0xc0: {  	[smem:$0x7F5] =	sst s1;
	s1 =	simm.s32 @!p0 $0x6  }
0xc1: {  	_ =	swait.ge @!p0 [sflag:s1], $0x1400  }
0xc2: {  	[sflag:s1] =	ssyncset.done @!p0 $0x0  }
0xc3: {  	[sflag:s1] =	ssyncadd.s32 @!p0 $0xFFFFEC00;
	s1 =	sshra.s32 @!p0 s12, $0x2  }
0xc4: {  	s31 =	simm.s32 @!p0 $0x28;
	s29 =	simm.s32 @!p0 $0xB300;
	s1 =	sadd.s32 @!p0 $0x580, s1  }
0xc5: {  	[tilespmem:s29], [sflag:$0xE] =	stream.indirect.gather.add.f32 @!p0 [hbm:s7], $0x80, s1, s31, $0xb8;
	[tilespmem:$0x1B700] =	vst v63  }
0xc6: {  	s1 =	simm.s32 @!p4 $0xD  }
0xc7: {  	_ =	swait.ge @!p4 [sflag:s1], $0x1400  }
0xc8: {  	[sflag:s1] =	ssyncset.done @!p4 $0x0  }
0xc9: {  	s31 =	simm.s32 @!p4 $0x0;
	[sflag:s1] =	ssyncadd.s32 @!p4 $0xFFFFEC00;
	s1 =	sadd.s32 @!p4 s21, s3  }
0xca: {  	[hbm4b:s1+s31] =	stream.linear.scatter @!p4 [tilespmem:s30], [sflag:$0x15], $0x1400, $0x38;
	[tilespmem:$0x1B700] =	vst v63  }
0xcb: {  	s1 =	simm.s32 @!p0 $0x14  }
0xcc: {  	s30 =	sadd.s32 $0xFFFFFFF6, s17;
	_ =	swait.ge @!p0 [sflag:s1], $0x1400  }
0xcd: {  	p3 =	sge.u32 s30, s9;
	[sflag:s1] =	ssyncset.done @!p0 $0x0  }
0xce: {  	[sflag:s1] =	ssyncadd.s32 @!p0 $0xFFFFEC00;
	s1 =	sshra.s32 @!p3 s12, $0x2  }
0xcf: {  	s31 =	simm.s32 @!p3 $0x28;
	s10 =	simm.s32 @!p3 $0x8B00;
	s30 =	sadd.s32 @!p3 $0xB00, s1  }
0xd0: {  	[tilespmem:s10], [sflag:$0x4] =	stream.indirect.gather @!p3 [hbm4b:s7+s31], $0x80, s30, s31, $0xb8;
	[tilespmem:$0x1B700] =	vst v63  }
0xd1: {  	s30 =	simm.s32 @!p5 $0x7  }
0xd2: {  	_ =	swait.ge @!p5 [sflag:s30], $0x1400  }
0xd3: {  	[sflag:s30] =	ssyncset.done @!p5 $0x0  }
0xd4: {  	s6 =	sadd.s32 @!p5 $0x680, s6;
	s10 =	simm.s32 @!p5 $0x28;
	[sflag:s30] =	ssyncadd.s32 @!p5 $0xFFFFEC00  }
0xd5: {  	[tilespmem:s19], [sflag:$0xF] =	stream.indirect.gather.add.f32 @!p5 [hbm:s7], $0x80, s6, s10, $0xb8;
	[tilespmem:$0x1B700] =	vst v63  }
0xd6: {  	s6 =	simm.s32 @!p0 $0xE  }
0xd7: {  	_ =	swait.ge @!p0 [sflag:s6], $0x1400  }
0xd8: {  	[sflag:s6] =	ssyncset.done @!p0 $0x0  }
0xd9: {  	s30 =	simm.s32 @!p0 $0x0;
	[sflag:s6] =	ssyncadd.s32 @!p0 $0xFFFFEC00;
	s6 =	sadd.s32 @!p0 s20, s3  }
0xda: {  	[hbm4b:s6+s30] =	stream.linear.scatter @!p0 [tilespmem:s29], [sflag:$0x16], $0x1400, $0x38;
	[tilespmem:$0x1B700] =	vst v63  }
0xdb: {  	s6 =	simm.s32 @!p5 $0x15  }
0xdc: {  	s29 =	sadd.s32 $0xFFFFFFF7, s17;
	_ =	swait.ge @!p5 [sflag:s6], $0x1400  }
0xdd: {  	p4 =	sge.u32 s29, s9;
	[sflag:s6] =	ssyncset.done @!p5 $0x0  }
0xde: {  	[sflag:s6] =	ssyncadd.s32 @!p5 $0xFFFFEC00;
	s6 =	sshra.s32 @!p4 s12, $0x2  }
0xdf: {  	s30 =	simm.s32 @!p4 $0x28;
	s10 =	simm.s32 @!p4 $0x9F00;
	s29 =	sadd.s32 @!p4 $0xC00, s6  }
0xe0: {  	[tilespmem:s10], [sflag:$0x5] =	stream.indirect.gather @!p4 [hbm4b:s7+s30], $0x80, s29, s30, $0xb8;
	[tilespmem:$0x1B700] =	vst v63  }
0xe1: {  	s29 =	simm.s32 @!p6 $0x8  }
0xe2: {  	_ =	swait.ge @!p6 [sflag:s29], $0x1400  }
0xe3: {  	s4 =	sadd.s32 @!p6 $0x780, s4;
	[sflag:s29] =	ssyncset.done @!p6 $0x0  }
0xe4: {  	s30 =	simm.s32 @!p6 $0xDB00;
	s10 =	simm.s32 @!p6 $0x28;
	[sflag:s29] =	ssyncadd.s32 @!p6 $0xFFFFEC00  }
0xe5: {  	[tilespmem:s30], [sflag:$0x10] =	stream.indirect.gather.add.f32 @!p6 [hbm:s7], $0x80, s4, s10, $0xb8;
	[tilespmem:$0x1B700] =	vst v63  }
0xe6: {  	s4 =	simm.s32 @!p5 $0xF  }
0xe7: {  	_ =	swait.ge @!p5 [sflag:s4], $0x1400  }
0xe8: {  	[sflag:s4] =	ssyncset.done @!p5 $0x0  }
0xe9: {  	s29 =	simm.s32 @!p5 $0x0;
	[sflag:s4] =	ssyncadd.s32 @!p5 $0xFFFFEC00;
	s4 =	sadd.s32 @!p5 s25, s3  }
0xea: {  	[hbm4b:s4+s29] =	stream.linear.scatter @!p5 [tilespmem:s19], [sflag:$0x17], $0x1400, $0x38;
	[tilespmem:$0x1B700] =	vst v63  }
0xeb: {  	s4 =	simm.s32 @!p6 $0x16;
	s19 =	sadd.s32 $0xFFFFFFF8, s17  }
0xec: {  	_ =	swait.ge @!p6 [sflag:s4], $0x1400;
	p5 =	sge.u32 s19, s9  }
0xed: {  	[sflag:s4] =	ssyncset.done @!p6 $0x0;
	s10 =	sshra.s32 @!p5 s12, $0x2;
	s29 =	simm.s32 @!p5 $0x28  }
0xee: {  	s19 =	simm.s32 @!p5 $0xB300;
	[sflag:s4] =	ssyncadd.s32 @!p6 $0xFFFFEC00;
	s4 =	sadd.s32 @!p5 $0xD00, s10  }
0xef: {  	[tilespmem:s19], [sflag:$0x6] =	stream.indirect.gather @!p5 [hbm4b:s7+s29], $0x80, s4, s29, $0xb8;
	[tilespmem:$0x1B700] =	vst v63  }
0xf0: {  	s4 =	simm.s32 @!p1 $0x1  }
0xf1: {  	_ =	swait.ge @!p1 [sflag:s4], $0x1400  }
0xf2: {  	[sflag:s4] =	ssyncset.done @!p1 $0x0  }
0xf3: {  	[sflag:s4] =	ssyncadd.s32 @!p1 $0xFFFFEC00;
	s4 =	sld [smem:$0x7EF];
	_ =	sdelay $0x1  }
0xf4: {  	s14 =	simm.s32 @!p1 $0x4F00;
	s2 =	sadd.s32 @!p1 $0x880, s2  }
0xf5: {  	[tilespmem:s14], [sflag:$0x9] =	stream.indirect.gather.add.f32 @!p1 [hbm:s7], $0x80, s2, s4, $0xb8;
	[tilespmem:$0x1B700] =	vst v63  }
0xf6: {  	s2 =	simm.s32 @!p6 $0x10  }
0xf7: {  	_ =	swait.ge @!p6 [sflag:s2], $0x1400  }
0xf8: {  	[sflag:s2] =	ssyncset.done @!p6 $0x0  }
0xf9: {  	s4 =	simm.s32 @!p6 $0x0;
	[sflag:s2] =	ssyncadd.s32 @!p6 $0xFFFFEC00;
	s2 =	sadd.s32 @!p6 s28, s3  }
0xfa: {  	[hbm4b:s2+s4] =	stream.linear.scatter @!p6 [tilespmem:s30], [sflag:$0x18], $0x1400, $0x38;
	[tilespmem:$0x1B700] =	vst v63  }
0xfb: {  	s4 =	rddreg [dreg:$0x6]  }
0xfc: {  	s2 =	sadd.s32 s22, s4  }
0xfd: {  	p0 =	sgt.u32 s2, $0x1F3  }
0xfe: {  	s4 =	sadd.s32 $0x40, s16;
	s2 =	simm.s32 @!p0 $0x1B  }
0xff: {  	p6 =	sgt.u32 s4, $0x1F3;
	s4 =	stileid.u32;
	_ =	swait.ge @!p0 [sflag:s2], $0xC80  }
0x100: {  	s4 =	sshll.u32 @!p6 s4, $0x6;
	[sflag:s2] =	ssyncset.done @!p0 $0x0  }
0x101: {  	s30 =	rddreg [dreg:$0x9];
	[sflag:s2] =	ssyncadd.s32 @!p0 $0xFFFFF380;
	s2 =	sadd.s32 @!p6 s23, s26  }
0x102: {  	s29 =	sor.u32 @!p6 $0x1C19, s4;
	s30 =	sshrl.u32 @!p6 s30, $0x3;
	s2 =	sadd.s32 @!p6 $0x32000, s2  }
0x103: {  	[spmem:s30], [sflag:s29] =	dma.local @!p6 [hbm:s2], $0xC80  }
0x104: {  	s2 =	sadd.s32 $0x20, s22;
	s29 =	rddreg [dreg:$0x7]  }
0x105: {  	s29 =	sadd.s32 s29, s2  }
0x106: {  	p0 =	sgt.u32 s29, $0x1F3  }
0x107: {  	s29 =	simm.s32 @!p0 $0x1A  }
0x108: {  	s19 =	smov.u32 s28;
	s28 =	stileid.u32;
	_ =	swait.ge @!p0 [sflag:s29], $0xC80  }
0x109: {  	s31 =	sshll.u32 @!p0 s28, $0x6;
	[sflag:s29] =	ssyncset.done @!p0 $0x0  }
0x10a: {  	s28 =	rddreg [dreg:$0x1f];
	[sflag:s29] =	ssyncadd.s32 @!p0 $0xFFFFF380;
	s29 =	sadd.s32 @!p0 s23, s3  }
0x10b: {  	s31 =	sor.u32 @!p0 $0x1C1C, s31;
	s28 =	sshrl.u32 @!p0 s28, $0x3;
	s29 =	sadd.s32 @!p0 $0x19000, s29  }
0x10c: {  	[hbm:s29], [sflag:s31] =	dma.local @!p0 [spmem:s28], $0xC80  }
0x10d: {  	s28 =	rddreg [dreg:$0x5]  }
0x10e: {  	p2 =	por p1, p1;
	p1 =	sge.u32 s2, s28  }
0x10f: {  	s16 =	sadd.s32 $0x60, s16;
	s29 =	smov.u32 s26;
	s2 =	simm.s32 @!p1 $0x1C  }
0x110: {  	s26 =	stileid.u32;
	p0 =	sgt.u32 s16, $0x1F3;
	_ =	swait.ge @!p1 [sflag:s2], $0xC80  }
0x111: {  	s16 =	sshll.u32 @!p0 s26, $0x6;
	[sflag:s2] =	ssyncset.done @!p1 $0x0  }
0x112: {  	s28 =	rddreg [dreg:$0x1f];
	[sflag:s2] =	ssyncadd.s32 @!p1 $0xFFFFF380;
	s2 =	sadd.s32 @!p0 s23, s29  }
0x113: {  	s16 =	sor.u32 @!p0 $0x1C1A, s16;
	s28 =	sshrl.u32 @!p0 s28, $0x3;
	s2 =	sadd.s32 @!p0 $0x4B000, s2  }
0x114: {  	[spmem:s28], [sflag:s16] =	dma.local @!p0 [hbm:s2], $0xC80  }
0x115: {  	s2 =	simm.s32 @!p6 $0x19  }
0x116: {  	_ =	swait.ge @!p6 [sflag:s2], $0xC80  }
0x117: {  	s16 =	sadd.s32 @!p6 s23, s3;
	[sflag:s2] =	ssyncset.done @!p6 $0x0  }
0x118: {  	s4 =	sor.u32 @!p6 $0x1C1B, s4;
	[sflag:s2] =	ssyncadd.s32 @!p6 $0xFFFFF380;
	s2 =	sadd.s32 @!p6 $0x32000, s16  }
0x119: {  	[hbm:s2], [sflag:s4] =	dma.local @!p6 [spmem:s30], $0xC80  }
0x11a: {  	s2 =	simm.s32 @!p2 $0x17  }
0x11b: {  	s16 =	sadd.s32 $0xFFFFFFF9, s17;
	_ =	swait.ge @!p2 [sflag:s2], $0x1400  }
0x11c: {  	p6 =	sge.u32 s16, s9;
	[sflag:s2] =	ssyncset.done @!p2 $0x0  }
0x11d: {  	[sflag:s2] =	ssyncadd.s32 @!p2 $0xFFFFEC00;
	s2 =	sshra.s32 @!p6 s12, $0x2  }
0x11e: {  	s28 =	simm.s32 @!p6 $0x28;
	s4 =	simm.s32 @!p6 $0xC700;
	s16 =	sadd.s32 @!p6 $0xE00, s2  }
0x11f: {  	[tilespmem:s4], [sflag:$0x7] =	stream.indirect.gather @!p6 [hbm4b:s7+s28], $0x80, s16, s28, $0xb8;
	[tilespmem:$0x1B700] =	vst v63  }
0x120: {  	s16 =	sld [smem:$0x7F0];
	_ =	sdelay $0x2  }
0x121: {  	p1 =	seq.s32 s16, $0x1  }
0x122: {  	s16 =	simm.s32 @!p1 $0x2  }
0x123: {  	_ =	swait.ge @!p1 [sflag:s16], $0x1400  }
0x124: {  	[sflag:s16] =	ssyncset.done @!p1 $0x0;
	s29 =	sld [smem:$0x7F1]  }
0x125: {  	[sflag:s16] =	ssyncadd.s32 @!p1 $0xFFFFEC00;
	s16 =	sld [smem:$0x7F2];
	_ =	sdelay $0x1  }
0x126: {  	s0 =	sadd.s32 @!p1 $0x980, s0  }
0x127: {  	[tilespmem:s29], [sflag:$0xA] =	stream.indirect.gather.add.f32 @!p1 [hbm:s7], $0x80, s0, s16, $0xb8;
	[tilespmem:$0x1B700] =	vst v63  }
0x128: {  	s0 =	simm.s32 @!p2 $0x9  }
0x129: {  	_ =	swait.ge @!p2 [sflag:s0], $0x1400  }
0x12a: {  	[sflag:s0] =	ssyncset.done @!p2 $0x0  }
0x12b: {  	s16 =	simm.s32 @!p2 $0x0;
	[sflag:s0] =	ssyncadd.s32 @!p2 $0xFFFFEC00;
	s0 =	sadd.s32 @!p2 s11, s3  }
0x12c: {  	[hbm4b:s0+s16] =	stream.linear.scatter @!p2 [tilespmem:s14], [sflag:$0x11], $0x1400, $0x38;
	[tilespmem:$0x1B700] =	vst v63  }
0x12d: {  	s0 =	simm.s32 @!p1 $0x18;
	s16 =	sadd.s32 $0xFFFFFFFA, s17  }
0x12e: {  	s14 =	sld [smem:$0x7F3];
	_ =	swait.ge @!p1 [sflag:s0], $0x1400;
	p0 =	sge.u32 s16, s9  }
0x12f: {  	[sflag:s0] =	ssyncset.done @!p1 $0x0;
	s16 =	sshra.s32 @!p0 s12, $0x2;
	s30 =	simm.s32 @!p0 $0x28  }
0x130: {  	[sflag:s0] =	ssyncadd.s32 @!p1 $0xFFFFEC00;
	s28 =	sadd.s32 @!p0 $0xF00, s16;
	s0 =	simm.s32 @!p0 $0xDB00  }
0x131: {  	[tilespmem:s0], [sflag:$0x8] =	stream.indirect.gather @!p0 [hbm4b:s7+s30], $0x80, s28, s30, $0xb8;
	[tilespmem:$0x1B700] =	vst v63  }
0x132: {  	s0 =	sld [smem:$0x7F4];
	_ =	sdelay $0x2  }
0x133: {  	p2 =	seq.s32 s0, $0x1  }
0x134: {  	s28 =	simm.s32 @!p2 $0x3  }
0x135: {  	_ =	swait.ge @!p2 [sflag:s28], $0x1400  }
0x136: {  	s0 =	sld [smem:$0x7F5]  }
0x137: {  	[sflag:s28] =	ssyncset.done @!p2 $0x0  }
0x138: {  	s5 =	sadd.s32 @!p2 $0xA80, s5;
	[sflag:s28] =	ssyncadd.s32 @!p2 $0xFFFFEC00  }
0x139: {  	[tilespmem:s18], [sflag:$0xB] =	stream.indirect.gather.add.f32 @!p2 [hbm:s7], $0x80, s5, s0, $0xb8;
	[tilespmem:$0x1B700] =	vst v63  }
0x13a: {  	s5 =	simm.s32 @!p1 $0xA  }
0x13b: {  	_ =	swait.ge @!p1 [sflag:s5], $0x1400  }
0x13c: {  	s30 =	sld [smem:$0x7FD];
	_ =	sdelay $0x1  }
0x13d: {  	[sflag:s5] =	ssyncset.done @!p1 $0x0  }
0x13e: {  	s28 =	simm.s32 @!p1 $0x0;
	[sflag:s5] =	ssyncadd.s32 @!p1 $0xFFFFEC00;
	s5 =	sadd.s32 @!p1 s30, s3  }
0x13f: {  	[hbm4b:s5+s28] =	stream.linear.scatter @!p1 [tilespmem:s29], [sflag:$0x12], $0x1400, $0x38;
	[tilespmem:$0x1B700] =	vst v63  }
0x140: {  	s5 =	simm.s32 @!p2 $0x11  }
0x141: {  	s28 =	sadd.s32 $0xFFFFFFFB, s17;
	_ =	swait.ge @!p2 [sflag:s5], $0x1400  }
0x142: {  	p1 =	sge.u32 s28, s9;
	[sflag:s5] =	ssyncset.done @!p2 $0x0  }
0x143: {  	[sflag:s5] =	ssyncadd.s32 @!p2 $0xFFFFEC00;
	s5 =	sshra.s32 @!p1 s12, $0x2  }
0x144: {  	s0 =	simm.s32 @!p1 $0x28;
	s29 =	simm.s32 @!p1 $0x4F00;
	s28 =	sadd.s32 @!p1 $0x1000, s5  }
0x145: {  	[tilespmem:s29], [sflag:$0x1] =	stream.indirect.gather @!p1 [hbm4b:s7+s0], $0x80, s28, s0, $0xb8;
	[tilespmem:$0x1B700] =	vst v63  }
0x146: {  	s28 =	simm.s32 @!p3 $0x4  }
0x147: {  	_ =	swait.ge @!p3 [sflag:s28], $0x1400  }
0x148: {  	s1 =	sadd.s32 @!p3 $0xB80, s1;
	[sflag:s28] =	ssyncset.done @!p3 $0x0  }
0x149: {  	s31 =	simm.s32 @!p3 $0x8B00;
	s0 =	simm.s32 @!p3 $0x28;
	[sflag:s28] =	ssyncadd.s32 @!p3 $0xFFFFEC00  }
0x14a: {  	[tilespmem:s31], [sflag:$0xC] =	stream.indirect.gather.add.f32 @!p3 [hbm:s7], $0x80, s1, s0, $0xb8;
	[tilespmem:$0x1B700] =	vst v63  }
0x14b: {  	s1 =	simm.s32 @!p2 $0xB  }
0x14c: {  	_ =	swait.ge @!p2 [sflag:s1], $0x1400  }
0x14d: {  	[sflag:s1] =	ssyncset.done @!p2 $0x0  }
0x14e: {  	s28 =	simm.s32 @!p2 $0x0;
	[sflag:s1] =	ssyncadd.s32 @!p2 $0xFFFFEC00;
	s1 =	sadd.s32 @!p2 s14, s3  }
0x14f: {  	[hbm4b:s1+s28] =	stream.linear.scatter @!p2 [tilespmem:s18], [sflag:$0x13], $0x1400, $0x38;
	[tilespmem:$0x1B700] =	vst v63  }
0x150: {  	s1 =	simm.s32 @!p3 $0x12  }
0x151: {  	s28 =	sadd.s32 $0xFFFFFFFC, s17;
	_ =	swait.ge @!p3 [sflag:s1], $0x1400  }
0x152: {  	p2 =	sge.u32 s28, s9;
	[sflag:s1] =	ssyncset.done @!p3 $0x0  }
0x153: {  	[sflag:s1] =	ssyncadd.s32 @!p3 $0xFFFFEC00;
	s1 =	sshra.s32 @!p2 s12, $0x2  }
0x154: {  	s28 =	simm.s32 @!p2 $0x28;
	s29 =	simm.s32 @!p2 $0x6300;
	s1 =	sadd.s32 @!p2 $0x1100, s1  }
0x155: {  	[tilespmem:s29], [sflag:$0x2] =	stream.indirect.gather @!p2 [hbm4b:s7+s28], $0x80, s1, s28, $0xb8;
	[tilespmem:$0x1B700] =	vst v63  }
0x156: {  	s1 =	simm.s32 @!p4 $0x5  }
0x157: {  	s29 =	sld [smem:$0x7F6];
	_ =	swait.ge @!p4 [sflag:s1], $0x1400  }
0x158: {  	s0 =	simm.s32 @!p4 $0x9F00;
	[sflag:s1] =	ssyncset.done @!p4 $0x0  }
0x159: {  	[sflag:s1] =	ssyncadd.s32 @!p4 $0xFFFFEC00;
	s1 =	sadd.s32 @!p4 $0xC80, s6;
	s6 =	simm.s32 @!p4 $0x28  }
0x15a: {  	[tilespmem:s0], [sflag:$0xD] =	stream.indirect.gather.add.f32 @!p4 [hbm:s7], $0x80, s1, s6, $0xb8;
	[tilespmem:$0x1B700] =	vst v63  }
0x15b: {  	s1 =	simm.s32 @!p3 $0xC  }
0x15c: {  	_ =	swait.ge @!p3 [sflag:s1], $0x1400  }
0x15d: {  	[sflag:s1] =	ssyncset.done @!p3 $0x0  }
0x15e: {  	s6 =	simm.s32 @!p3 $0x0;
	[sflag:s1] =	ssyncadd.s32 @!p3 $0xFFFFEC00;
	s1 =	sadd.s32 @!p3 s8, s3  }
0x15f: {  	[hbm4b:s1+s6] =	stream.linear.scatter @!p3 [tilespmem:s31], [sflag:$0x14], $0x1400, $0x38;
	[tilespmem:$0x1B700] =	vst v63  }
0x160: {  	s1 =	simm.s32 @!p4 $0x13  }
0x161: {  	s18 =	sadd.s32 $0xFFFFFFFD, s17;
	_ =	swait.ge @!p4 [sflag:s1], $0x1400  }
0x162: {  	p2 =	sge.u32 s18, s9;
	[sflag:s1] =	ssyncset.done @!p4 $0x0  }
0x163: {  	[sflag:s1] =	ssyncadd.s32 @!p4 $0xFFFFEC00;
	s1 =	sshra.s32 @!p2 s12, $0x2  }
0x164: {  	s28 =	simm.s32 @!p2 $0x7700;
	s6 =	simm.s32 @!p2 $0x28;
	s1 =	sadd.s32 @!p2 $0x1200, s1  }
0x165: {  	[tilespmem:s28], [sflag:$0x3] =	stream.indirect.gather @!p2 [hbm4b:s7+s6], $0x80, s1, s6, $0xb8;
	[tilespmem:$0x1B700] =	vst v63  }
0x166: {  	s1 =	simm.s32 @!p5 $0x6  }
0x167: {  	s31 =	rddreg [dreg:$0x9];
	_ =	swait.ge @!p5 [sflag:s1], $0x1400  }
0x168: {  	s18 =	simm.s32 @!p5 $0xB300;
	[sflag:s1] =	ssyncset.done @!p5 $0x0  }
0x169: {  	s6 =	simm.s32 @!p5 $0x28;
	[sflag:s1] =	ssyncadd.s32 @!p5 $0xFFFFEC00;
	s1 =	sadd.s32 @!p5 $0xD80, s10  }
0x16a: {  	[tilespmem:s18], [sflag:$0xE] =	stream.indirect.gather.add.f32 @!p5 [hbm:s7], $0x80, s1, s6, $0xb8;
	[tilespmem:$0x1B700] =	vst v63  }
0x16b: {  	s1 =	simm.s32 @!p4 $0xD  }
0x16c: {  	_ =	swait.ge @!p4 [sflag:s1], $0x1400  }
0x16d: {  	[sflag:s1] =	ssyncset.done @!p4 $0x0  }
0x16e: {  	s6 =	simm.s32 @!p4 $0x0;
	[sflag:s1] =	ssyncadd.s32 @!p4 $0xFFFFEC00;
	s1 =	sadd.s32 @!p4 s15, s3  }
0x16f: {  	[hbm4b:s1+s6] =	stream.linear.scatter @!p4 [tilespmem:s0], [sflag:$0x15], $0x1400, $0x38;
	[tilespmem:$0x1B700] =	vst v63  }
0x170: {  	s1 =	simm.s32 @!p5 $0x14  }
0x171: {  	s0 =	sadd.s32 $0xFFFFFFFE, s17;
	_ =	swait.ge @!p5 [sflag:s1], $0x1400  }
0x172: {  	p2 =	sge.u32 s0, s9;
	[sflag:s1] =	ssyncset.done @!p5 $0x0  }
0x173: {  	[sflag:s1] =	ssyncadd.s32 @!p5 $0xFFFFEC00;
	s1 =	sshra.s32 @!p2 s12, $0x2  }
0x174: {  	s6 =	simm.s32 @!p2 $0x28;
	s10 =	simm.s32 @!p2 $0x8B00;
	s1 =	sadd.s32 @!p2 $0x1300, s1  }
0x175: {  	[tilespmem:s10], [sflag:$0x4] =	stream.indirect.gather @!p2 [hbm4b:s7+s6], $0x80, s1, s6, $0xb8;
	[tilespmem:$0x1B700] =	vst v63  }
0x176: {  	s1 =	simm.s32 @!p6 $0x7  }
0x177: {  	_ =	swait.ge @!p6 [sflag:s1], $0x1400  }
0x178: {  	[sflag:s1] =	ssyncset.done @!p6 $0x0  }
0x179: {  	s0 =	simm.s32 @!p6 $0x28;
	[sflag:s1] =	ssyncadd.s32 @!p6 $0xFFFFEC00;
	s1 =	sadd.s32 @!p6 $0xE80, s2  }
0x17a: {  	[tilespmem:s4], [sflag:$0xF] =	stream.indirect.gather.add.f32 @!p6 [hbm:s7], $0x80, s1, s0, $0xb8;
	[tilespmem:$0x1B700] =	vst v63  }
0x17b: {  	s1 =	simm.s32 @!p5 $0xE  }
0x17c: {  	_ =	swait.ge @!p5 [sflag:s1], $0x1400  }
0x17d: {  	[sflag:s1] =	ssyncset.done @!p5 $0x0  }
0x17e: {  	s2 =	simm.s32 @!p5 $0x0;
	[sflag:s1] =	ssyncadd.s32 @!p5 $0xFFFFEC00;
	s1 =	sadd.s32 @!p5 s13, s3  }
0x17f: {  	[hbm4b:s1+s2] =	stream.linear.scatter @!p5 [tilespmem:s18], [sflag:$0x16], $0x1400, $0x38;
	[tilespmem:$0x1B700] =	vst v63  }
0x180: {  	s1 =	simm.s32 @!p6 $0x15  }
0x181: {  	s10 =	sadd.s32 $0xFFFFFFFF, s17;
	_ =	swait.ge @!p6 [sflag:s1], $0x1400  }
0x182: {  	p2 =	sge.u32 s10, s9;
	[sflag:s1] =	ssyncset.done @!p6 $0x0  }
0x183: {  	[sflag:s1] =	ssyncadd.s32 @!p6 $0xFFFFEC00;
	s1 =	sshra.s32 @!p2 s12, $0x2  }
0x184: {  	s6 =	simm.s32 @!p2 $0x9F00;
	s2 =	simm.s32 @!p2 $0x28;
	s1 =	sadd.s32 @!p2 $0x1400, s1  }
0x185: {  	[tilespmem:s6], [sflag:$0x5] =	stream.indirect.gather @!p2 [hbm4b:s7+s2], $0x80, s1, s2, $0xb8;
	[tilespmem:$0x1B700] =	vst v63  }
0x186: {  	s1 =	simm.s32 @!p0 $0x8  }
0x187: {  	s6 =	rddreg [dreg:$0x1f];
	_ =	swait.ge @!p0 [sflag:s1], $0x1400  }
0x188: {  	s0 =	simm.s32 @!p0 $0xDB00;
	[sflag:s1] =	ssyncset.done @!p0 $0x0  }
0x189: {  	s2 =	simm.s32 @!p0 $0x28;
	[sflag:s1] =	ssyncadd.s32 @!p0 $0xFFFFEC00;
	s1 =	sadd.s32 @!p0 $0xF80, s16  }
0x18a: {  	[tilespmem:s0], [sflag:$0x10] =	stream.indirect.gather.add.f32 @!p0 [hbm:s7], $0x80, s1, s2, $0xb8;
	[tilespmem:$0x1B700] =	vst v63  }
0x18b: {  	s1 =	simm.s32 @!p6 $0xF  }
0x18c: {  	_ =	swait.ge @!p6 [sflag:s1], $0x1400  }
0x18d: {  	s10 =	sld [smem:$0x7FC];
	_ =	sdelay $0x1  }
0x18e: {  	[sflag:s1] =	ssyncset.done @!p6 $0x0  }
0x18f: {  	s2 =	simm.s32 @!p6 $0x0;
	[sflag:s1] =	ssyncadd.s32 @!p6 $0xFFFFEC00;
	s1 =	sadd.s32 @!p6 s10, s3  }
0x190: {  	[hbm4b:s1+s2] =	stream.linear.scatter @!p6 [tilespmem:s4], [sflag:$0x17], $0x1400, $0x38;
	[tilespmem:$0x1B700] =	vst v63  }
0x191: {  	s1 =	simm.s32 @!p0 $0x16  }
0x192: {  	_ =	swait.ge @!p0 [sflag:s1], $0x1400  }
0x193: {  	p2 =	sge.u32 s17, s9;
	[sflag:s1] =	ssyncset.done @!p0 $0x0  }
0x194: {  	[sflag:s1] =	ssyncadd.s32 @!p0 $0xFFFFEC00;
	s1 =	sshra.s32 @!p2 s12, $0x2  }
0x195: {  	s2 =	simm.s32 @!p2 $0x28;
	s4 =	simm.s32 @!p2 $0xB300;
	s1 =	sadd.s32 @!p2 $0x1500, s1  }
0x196: {  	[tilespmem:s4], [sflag:$0x6] =	stream.indirect.gather @!p2 [hbm4b:s7+s2], $0x80, s1, s2, $0xb8;
	[tilespmem:$0x1B700] =	vst v63  }
0x197: {  	s24 =	sadd.s32 $0x2800, s24;
	s21 =	sadd.s32 $0x2800, s21;
	s1 =	simm.s32 @!p1 $0x1  }
0x198: {  	s20 =	sadd.s32 $0x2800, s20;
	s4 =	sld [smem:$0x7F7];
	_ =	swait.ge @!p1 [sflag:s1], $0x1400  }
0x199: {  	s25 =	sadd.s32 $0x2800, s25;
	s18 =	simm.s32 @!p1 $0x28;
	[sflag:s1] =	ssyncset.done @!p1 $0x0  }
0x19a: {  	s2 =	simm.s32 @!p1 $0x4F00;
	[sflag:s1] =	ssyncadd.s32 @!p1 $0xFFFFEC00;
	s1 =	sadd.s32 @!p1 $0x1080, s5  }
0x19b: {  	[tilespmem:s2], [sflag:$0x9] =	stream.indirect.gather.add.f32 @!p1 [hbm:s7], $0x80, s1, s18, $0xb8;
	[tilespmem:$0x1B700] =	vst v63  }
0x19c: {  	s22 =	sadd.s32 $0x80, s22;
	s23 =	sadd.s32 $0x64000, s23;
	s1 =	simm.s32 @!p0 $0x10  }
0x19d: {  	s11 =	sadd.s32 $0x2800, s11;
	s16 =	sld [smem:$0x7F8];
	_ =	swait.ge @!p0 [sflag:s1], $0x1400  }
0x19e: {  	s30 =	sadd.s32 $0x2800, s30;
	s12 =	sadd.s32 $0x4000, s12;
	[sflag:s1] =	ssyncset.done @!p0 $0x0  }
0x19f: {  	s2 =	simm.s32 @!p0 $0x0;
	[sflag:s1] =	ssyncadd.s32 @!p0 $0xFFFFEC00;
	s1 =	sadd.s32 @!p0 s4, s3  }
0x1a0: {  	[hbm4b:s1+s2] =	stream.linear.scatter @!p0 [tilespmem:s0], [sflag:$0x18], $0x1400, $0x38;
	[tilespmem:$0x1B700] =	vst v63  }
0x1a1: {  	s14 =	sadd.s32 $0x2800, s14;
	[smem:$0x7FD] =	sst s30;
	p0 =	sne.s32 s12, $0x14000  }
.Ltmp0:
0x1a2: {  	s29 =	sadd.s32 $0x2800, s29;
	s30 =	sld [smem:$0x7F9];
	(pc) =	sbr.rel @p0 .LBB2_2-.Ltmp0, $4  }
0x1a3: {  	s8 =	sadd.s32 $0x2800, s8;
	s28 =	sadd.s32 $0x2800, s19;
	s18 =	sld [smem:$0x7FA]  }
0x1a4: {  	s15 =	sadd.s32 $0x2800, s15;
	s13 =	sadd.s32 $0x2800, s13;
	s10 =	sadd.s32 $0x2800, s10  }
0x1a5: {  	s17 =	sadd.s32 $0x10, s17;
	s5 =	sadd.s32 $0x320000, s16;
	[smem:$0x7FC] =	sst s10  }
0x1a6: {  	s4 =	sadd.s32 $0x2800, s4;
	s30 =	sadd.s32 $0x2800, s30;
	s10 =	sadd.s32 $0x2800, s18  }
0x1a7: {  	s0 =	rddreg [dreg:$0xa]  }
0x1a8: {  	p0 =	sgt.s32 s0, $0x3  }
0x1a9: {  	p4 =	sgt.s32 @p0 s0, $0x5  }
0x1aa: {  	p1 =	por !p4, !p0  }
0x1ab: {  	s1 =	simm.s32 @!p1 $0x0;
	p2 =	seq.s32 @!p1 s0, $0x6  }
0x1ac: {  	s1 =	simm.s32 @p1 $0x1;
	p3 =	por @p0 p2, !p4  }
0x1ad: {  	p2 =	por @p0 !p2, !p4;
	[smem:$0x7EE] =	sst s1;
	p3 =	por p3, !p0  }
0x1ae: {  	p2 =	por !p2, !p0;
	s1 =	simm.s32 @!p3 $0x18;
	p3 =	por p4, !p0  }
0x1af: {  	s5 =	sld [smem:$0x7EE];
	p5 =	seq.s32 @!p3 s0, $0x4;
	p3 =	sgt.s32 @!p0 s0, $0x1  }
0x1b0: {  	s1 =	simm.s32 @p2 $0x17;
	p6 =	por @p0 p5, p4;
	p2 =	por !p3, p0  }
0x1b1: {  	p4 =	por @p0 !p5, p4;
	p5 =	por p6, !p0;
	p6 =	seq.s32 @!p2 s0, $0x2  }
0x1b2: {  	p1 =	por p3, p0;
	s2 =	simm.s32 @!p5 $0x16;
	p5 =	por @!p0 p6, !p3  }
0x1b3: {  	p4 =	por !p4, !p0;
	p1 =	seq.s32 @!p1 s0, $0x0;
	p5 =	por p5, p0  }
0x1b4: {  	s2 =	simm.s32 @p4 $0x15;
	p4 =	por @!p0 p1, p3;
	p1 =	por @!p0 !p1, p3  }
0x1b5: {  	s0 =	simm.s32 @!p5 $0x14;
	p5 =	por @!p0 !p6, !p3;
	p3 =	por p4, p0  }
0x1b6: {  	p1 =	por !p1, p0;
	s4 =	simm.s32 @!p3 $0x12;
	p3 =	por !p5, p0  }
0x1b7: {  	s0 =	simm.s32 @p3 $0x13;
	s4 =	simm.s32 @p1 $0x11;
	p1 =	seq.s32 s5, $0x1  }
0x1b8: {  	s1 =	smov.u32 @p1 s2;
	s0 =	smov.u32 @p2 s4;
	s4 =	rddreg [dreg:$0xb]  }
0x1b9: {  	s0 =	smov.u32 @p0 s1;
	p0 =	sgt.s32 s4, $0x3  }
0x1ba: {  	p4 =	sgt.s32 @p0 s4, $0x5  }
0x1bb: {  	p1 =	por !p4, !p0  }
0x1bc: {  	s8 =	sld [smem:$0x7FB];
	s1 =	simm.s32 @!p1 $0x0;
	p2 =	seq.s32 @!p1 s4, $0x6  }
0x1bd: {  	s1 =	simm.s32 @p1 $0x1;
	p3 =	por @p0 p2, !p4;
	p2 =	por @p0 !p2, !p4  }
0x1be: {  	[smem:$0x7ED] =	sst s1;
	p3 =	por p3, !p0;
	p2 =	por !p2, !p0  }
0x1bf: {  	s1 =	simm.s32 @!p3 $0x18;
	p3 =	por p4, !p0;
	_ =	swait.ge [sflag:s0], $0x1400  }
0x1c0: {  	p5 =	seq.s32 @!p3 s4, $0x4;
	p3 =	sgt.s32 @!p0 s4, $0x1;
	s1 =	simm.s32 @p2 $0x17  }
0x1c1: {  	s10 =	sld [smem:$0x7ED];
	p6 =	por @p0 p5, p4;
	p2 =	por !p3, p0  }
0x1c2: {  	p4 =	por @p0 !p5, p4;
	p5 =	por p6, !p0;
	p6 =	seq.s32 @!p2 s4, $0x2  }
0x1c3: {  	p1 =	por p3, p0;
	s2 =	simm.s32 @!p5 $0x16;
	p5 =	por @!p0 p6, !p3  }
0x1c4: {  	p4 =	por !p4, !p0;
	p1 =	seq.s32 @!p1 s4, $0x0;
	p5 =	por p5, p0  }
0x1c5: {  	s2 =	simm.s32 @p4 $0x15;
	p4 =	por @!p0 p1, p3;
	p1 =	por @!p0 !p1, p3  }
0x1c6: {  	s4 =	simm.s32 @!p5 $0x14;
	p5 =	por @!p0 !p6, !p3;
	p3 =	por p4, p0  }
0x1c7: {  	p1 =	por !p1, p0;
	s5 =	simm.s32 @!p3 $0x12;
	p3 =	por !p5, p0  }
0x1c8: {  	s4 =	simm.s32 @p3 $0x13;
	s5 =	simm.s32 @p1 $0x11;
	p1 =	seq.s32 s10, $0x1  }
0x1c9: {  	[sflag:s0] =	ssyncset.done $0x0;
	s1 =	smov.u32 @p1 s2;
	s4 =	smov.u32 @p2 s5  }
0x1ca: {  	[sflag:s0] =	ssyncadd.s32 $0xFFFFEC00;
	s4 =	smov.u32 @p0 s1  }
0x1cb: {  	_ =	swait.ge [sflag:s4], $0x1400  }
0x1cc: {  	s8 =	sadd.s32 $0x1, s8;
	s30 =	rddreg [dreg:$0xc]  }
0x1cd: {  	p0 =	sne.s32 s8, s30  }
.Ltmp1:
0x1ce: {  	_ = 	snop;
	(pc) =	sbr.rel @p0 .LBB2_1-.Ltmp1, $3  }
0x1cf: {  	_ =	sdelay $0x1  }
0x1d0: {  	[sflag:s4] =	ssyncset.done $0x0  }
0x1d1: {  	[sflag:s4] =	ssyncadd.s32 $0xFFFFEC00  }
0x1d2: {  	_ =	sfence.sel $0x180000  }
0x1d3: {  	[bflag:$0x0] =	sbarrier.arrive $0xFFFF  }
0x1d4: {  	_ =	strace $0x90000047  }
0x1d5: {  	[bflag:$0x2] =	sbarrier.arrive $0xFFFF  }
0x1d6: {  	p0 =	sne.s32 s26, $0x0;
	s0 =	rddreg [dreg:$0x4]  }
0x1d7: {  	s0 =	sadd.s32 @!p0 $0x100000, s0  }
0x1d8: {  	[sflag:s0] =	ssyncadd.tile.s32 @!p0 $0x1;
	_ =	shalt  }
.Lfunc_end2:
_tile_overlayer_lowered:
.L_overlay_start_2:
0x1d9: {  	(tag) =	ssettag $0x2  }
0x1da: {  	s0 =	rddreg [dreg:$0x0];
	s2 =	stileid.u32  }
0x1db: {  	s1 =	rddreg [dreg:$0x1];
	p0 =	sne.s32 s2, $0x0  }
0x1dc: {  	s3 =	rddreg [dreg:$0x2];
	[bflag:$0x3] =	sbarrier.arrive $0xFFFF;
	s2 =	simm.s32 @!p0 $0x1C1D  }
0x1dd: {  	[timem:s3], [sflag:s2] =	dma.local @!p0 [hbm:s0], s1  }
0x1de: {  	s0 =	simm.s32 @!p0 $0x1D  }
0x1df: {  	_ =	swait.ge @!p0 [sflag:s0], s1  }
0x1e0: {  	s1 =	ssub.s32 @!p0 $0x0, s1;
	[sflag:s0] =	ssyncset.done @!p0 $0x0  }
0x1e1: {  	[sflag:s0] =	ssyncadd.s32 @!p0 s1  }
0x1e2: {  	[bflag:$0x3] =	sbarrier.arrive $0xFFFF  }
0x1e3: {  	_ =	shalt  }

</sc_bundles>
